<compile_context>
chip_gen: v7x
topology: tpu7x:2x2x1
jax: 0.10.2.dev20260603
libtpu: 0.0.44.dev20260713+nightly
codegen_flags: <defaults>
</compile_context>

<pallas_src>
import functools
import math

import jax
import jax.numpy as jnp
from jax import lax
from jax.experimental import pallas as pl
from jax.experimental.pallas import tpu as pltpu
from jax.experimental.pallas import tpu_sc as plsc

S = 2048
H = 1024
NUM_HEADS = 16
HEAD_DIM = 64
NUM_EXPERTS = 64
TOP_K = 8
D_FF = 512
CAPACITY = 320
NTOT = NUM_EXPERTS * CAPACITY
TOKPAD = NTOT + 8

SC_CORES = 2
SC_SUBCORES = 16
SC_WORKERS = SC_CORES * SC_SUBCORES
TOK_PER_WORKER = S // SC_WORKERS

ROW_BLK = 256
NUM_ROW_BLKS = S // ROW_BLK

NEG_BIG = jnp.finfo(jnp.float32).min



def _ln_qkv_body(x_ref, w_ref, lw_ref, lb_ref, o_ref):
    x = x_ref[...]
    mu = jnp.mean(x, axis=1, keepdims=True)
    var = jnp.mean((x - mu) ** 2, axis=1, keepdims=True)
    ln = (x - mu) / jnp.sqrt(var + 1e-5) * lw_ref[...] + lb_ref[...]
    o = lax.dot_general(ln.astype(jnp.bfloat16), w_ref[...],
                        (((1,), (1,)), ((), ())),
                        preferred_element_type=jnp.float32)
    o_ref[...] = o.astype(jnp.bfloat16)


def _ln_qkv(x, qkv_w_b, lw, lb, interpret=False):
    return pl.pallas_call(
        _ln_qkv_body,
        grid=(NUM_ROW_BLKS,),
        in_specs=[
            pl.BlockSpec((ROW_BLK, H), lambda i: (i, 0)),
            pl.BlockSpec((3 * H, H), lambda i: (0, 0)),
            pl.BlockSpec((1, H), lambda i: (0, 0)),
            pl.BlockSpec((1, H), lambda i: (0, 0)),
        ],
        out_specs=pl.BlockSpec((ROW_BLK, 3 * H), lambda i: (i, 0)),
        out_shape=jax.ShapeDtypeStruct((S, 3 * H), jnp.bfloat16),
        interpret=interpret,
    )(x, qkv_w_b, lw, lb)



QBLK = 1024
KBLK = 512


EXP_SHIFT = 8.0


def _attn_step(q, kj, vj, carry, mask=None):
    acc, l = carry
    s = lax.dot_general(q, kj, (((1,), (1,)), ((), ())),
                        preferred_element_type=jnp.float32)
    s = s * (1.0 / math.sqrt(HEAD_DIM)) - EXP_SHIFT
    if mask is not None:
        s = jnp.where(mask, NEG_BIG, s)
    p = jnp.exp(s)
    l = l + jnp.sum(p, axis=1, keepdims=True)
    acc = acc + lax.dot_general(
        p.astype(jnp.bfloat16), vj, (((1,), (0,)), ((), ())),
        preferred_element_type=jnp.float32)
    return acc, l


def _attn_body(qkv_q_ref, qkv_kv_ref, o_ref):
    qb = pl.program_id(1)
    rib = lax.broadcasted_iota(jnp.int32, (QBLK, KBLK), 0)
    cib = lax.broadcasted_iota(jnp.int32, (QBLK, KBLK), 1)
    per_q = QBLK // KBLK
    hd = HEAD_DIM
    for hh in range(2):
        q = qkv_q_ref[:, hh * 3 * hd:hh * 3 * hd + hd]

        def body(j, carry):
            kj = qkv_kv_ref[pl.ds(j * KBLK, KBLK),
                            hh * 3 * hd + hd:hh * 3 * hd + 2 * hd]
            vj = qkv_kv_ref[pl.ds(j * KBLK, KBLK),
                            hh * 3 * hd + 2 * hd:hh * 3 * hd + 3 * hd]
            return _attn_step(q, kj, vj, carry)

        acc = jnp.zeros((QBLK, HEAD_DIM), jnp.float32)
        l0 = jnp.zeros((QBLK, 1), jnp.float32)
        carry = lax.fori_loop(0, per_q * qb, body, (acc, l0))
        for d in range(per_q):
            kb = per_q * qb + d
            kj = qkv_kv_ref[pl.ds(kb * KBLK, KBLK),
                            hh * 3 * hd + hd:hh * 3 * hd + 2 * hd]
            vj = qkv_kv_ref[pl.ds(kb * KBLK, KBLK),
                            hh * 3 * hd + 2 * hd:hh * 3 * hd + 3 * hd]
            carry = _attn_step(q, kj, vj, carry, mask=(cib + d * KBLK) > rib)
        acc, l = carry
        o_ref[:, hh * hd:(hh + 1) * hd] = (acc / l).astype(jnp.bfloat16)


def _flash_attn(qkv, interpret=False):
    h2cols = 6 * HEAD_DIM
    return pl.pallas_call(
        _attn_body,
        grid=(NUM_HEADS // 2, S // QBLK),
        in_specs=[
            pl.BlockSpec((QBLK, h2cols), lambda h2, i: (i, h2)),
            pl.BlockSpec((S, h2cols), lambda h2, i: (0, h2)),
        ],
        out_specs=pl.BlockSpec((QBLK, 2 * HEAD_DIM), lambda h2, i: (i, h2)),
        out_shape=jax.ShapeDtypeStruct((S, H), jnp.bfloat16),
        interpret=interpret,
    )(qkv, qkv)



def _route_body(attn_ref, hid_ref, pw_ref, rw_ref, lw_ref, lb_ref,
                ha_ref, ln2_ref, g_ref, dst_ref, scat_ref, carry_ref):
    blk = pl.program_id(0)

    @pl.when(blk == 0)
    def _():
        carry_ref[...] = jnp.zeros_like(carry_ref)

    proj = lax.dot_general(attn_ref[...], pw_ref[...], (((1,), (1,)), ((), ())),
                           preferred_element_type=jnp.float32)
    proj = proj.astype(jnp.float32)
    ha = hid_ref[...] + proj
    ha_ref[...] = ha
    mu = jnp.mean(ha, axis=1, keepdims=True)
    var = jnp.mean((ha - mu) ** 2, axis=1, keepdims=True)
    ln2 = (ha - mu) / jnp.sqrt(var + 1e-5) * lw_ref[...] + lb_ref[...]
    ln2_ref[...] = ln2

    logits = lax.dot_general(ln2, rw_ref[...], (((1,), (0,)), ((), ())),
                             preferred_element_type=jnp.float32)
    lmax = jnp.max(logits, axis=1, keepdims=True)
    ex = jnp.exp(logits - lmax)
    probs = ex / jnp.sum(ex, axis=1, keepdims=True)

    eiota = lax.broadcasted_iota(jnp.int32, (ROW_BLK, NUM_EXPERTS), 1)
    work = probs
    idxs = []
    vals = []
    for _ in range(TOP_K):
        m = jnp.max(work, axis=1, keepdims=True)
        is_m = work == m
        idxk = jnp.min(jnp.where(is_m, eiota, NUM_EXPERTS), axis=1,
                       keepdims=True)
        idxs.append(idxk)
        vals.append(m)
        work = jnp.where(eiota == idxk, -1.0, work)

    norm = vals[0]
    for k in range(1, TOP_K):
        norm = norm + vals[k]

    hist = jnp.zeros((ROW_BLK, NUM_EXPERTS), jnp.float32)
    for k in range(TOP_K):
        hist = hist + (eiota == idxs[k]).astype(jnp.float32)
    r2 = lax.broadcasted_iota(jnp.int32, (ROW_BLK, ROW_BLK), 0)
    c2 = lax.broadcasted_iota(jnp.int32, (ROW_BLK, ROW_BLK), 1)
    stril = (c2 < r2).astype(jnp.float32)
    excl = lax.dot_general(stril, hist, (((1,), (0,)), ((), ())),
                           preferred_element_type=jnp.float32)
    excl = excl + carry_ref[...]
    carry_ref[...] = carry_ref[...] + jnp.sum(hist, axis=0, keepdims=True)

    g_cols = []
    dst_cols = []
    scat_cols = []
    for k in range(TOP_K):
        sel = eiota == idxs[k]
        within = jnp.sum(jnp.where(sel, excl, 0.0), axis=1,
                         keepdims=True).astype(jnp.int32)
        keep = within < CAPACITY
        d = idxs[k] * CAPACITY + within
        dst_cols.append(jnp.where(keep, d, NTOT - 1))
        scat_cols.append(jnp.where(keep, d, NTOT))
        g_cols.append(jnp.where(keep, vals[k] / norm, 0.0))
    g_ref[...] = jnp.concatenate(g_cols, axis=1)
    dst_ref[...] = jnp.concatenate(dst_cols, axis=1)
    scat_ref[...] = jnp.concatenate(scat_cols, axis=1)


def _route(attn, hid, proj_w, router_w, lw, lb, interpret=False):
    return pl.pallas_call(
        _route_body,
        grid=(NUM_ROW_BLKS,),
        in_specs=[
            pl.BlockSpec((ROW_BLK, H), lambda i: (i, 0)),
            pl.BlockSpec((ROW_BLK, H), lambda i: (i, 0)),
            pl.BlockSpec((H, H), lambda i: (0, 0)),
            pl.BlockSpec((H, NUM_EXPERTS), lambda i: (0, 0)),
            pl.BlockSpec((1, H), lambda i: (0, 0)),
            pl.BlockSpec((1, H), lambda i: (0, 0)),
        ],
        out_specs=[
            pl.BlockSpec((ROW_BLK, H), lambda i: (i, 0)),
            pl.BlockSpec((ROW_BLK, H), lambda i: (i, 0)),
            pl.BlockSpec((ROW_BLK, TOP_K), lambda i: (i, 0)),
            pl.BlockSpec((ROW_BLK, TOP_K), lambda i: (i, 0)),
            pl.BlockSpec((ROW_BLK, TOP_K), lambda i: (i, 0)),
        ],
        out_shape=[
            jax.ShapeDtypeStruct((S, H), jnp.float32),
            jax.ShapeDtypeStruct((S, H), jnp.float32),
            jax.ShapeDtypeStruct((S, TOP_K), jnp.float32),
            jax.ShapeDtypeStruct((S, TOP_K), jnp.int32),
            jax.ShapeDtypeStruct((S, TOP_K), jnp.int32),
        ],
        scratch_shapes=[pltpu.VMEM((1, NUM_EXPERTS), jnp.float32)],
        interpret=interpret,
    )(attn, hid, proj_w, router_w, lw, lb)



def _sc_dispatch(ln2, scat_p):
    mesh = plsc.VectorSubcoreMesh(core_axis_name="c", subcore_axis_name="s")

    @functools.partial(
        pl.kernel,
        out_type=jax.ShapeDtypeStruct((TOKPAD, H), jnp.float32),
        mesh=mesh,
        scratch_types=[
            pltpu.VMEM((TOK_PER_WORKER, H), jnp.float32),
            pltpu.VMEM((TOP_K, 128), jnp.int32),
            pltpu.SemaphoreType.DMA,
        ],
    )
    def dispatch(ln2_hbm, scat_hbm, tok_hbm, rows_v, idx_v, sem):
        wid = lax.axis_index("s") * SC_CORES + lax.axis_index("c")
        base = wid * TOK_PER_WORKER
        pltpu.sync_copy(ln2_hbm.at[pl.ds(base, TOK_PER_WORKER)], rows_v)
        pltpu.sync_copy(scat_hbm.at[wid], idx_v)
        copies = []
        for k in range(TOP_K):
            for j4 in range(TOK_PER_WORKER // 16):
                idx16 = idx_v[k, pl.ds(j4 * 16, 16)]
                copies.append(pltpu.async_copy(
                    rows_v.at[pl.ds(j4 * 16, 16)], tok_hbm.at[idx16], sem))
        for c in copies:
            c.wait()

    return dispatch(ln2, scat_p)



def _expert_body(tok_ref, w1_ref, w2_ref, o_ref):
    tok = tok_ref[...].astype(jnp.bfloat16)
    w1 = w1_ref[0].astype(jnp.bfloat16)
    h = lax.dot_general(tok, w1, (((1,), (1,)), ((), ())),
                        preferred_element_type=jnp.float32)
    h = jax.nn.gelu(h).astype(jnp.bfloat16)
    w2 = w2_ref[0].astype(jnp.bfloat16)
    o_ref[...] = lax.dot_general(h, w2, (((1,), (1,)), ((), ())),
                                 preferred_element_type=jnp.float32)


def _expert_ffn(tok_pad, w1, w2, interpret=False):
    return pl.pallas_call(
        _expert_body,
        grid=(NUM_EXPERTS,),
        in_specs=[
            pl.BlockSpec((CAPACITY, H), lambda e: (e, 0)),
            pl.BlockSpec((1, D_FF, H), lambda e: (e, 0, 0)),
            pl.BlockSpec((1, H, D_FF), lambda e: (e, 0, 0)),
        ],
        out_specs=pl.BlockSpec((CAPACITY, H), lambda e: (e, 0)),
        out_shape=jax.ShapeDtypeStruct((NTOT, H), jnp.float32),
        interpret=interpret,
    )(tok_pad, w1, w2)



def _sc_gather(out_e, dst_p):
    mesh = plsc.VectorSubcoreMesh(core_axis_name="c", subcore_axis_name="s")

    @functools.partial(
        pl.kernel,
        out_type=jax.ShapeDtypeStruct((TOP_K, S, H), jnp.float32),
        mesh=mesh,
        scratch_types=[
            pltpu.VMEM((2, 32, H), jnp.float32),
            pltpu.VMEM((TOP_K, 128), jnp.int32),
            pltpu.SemaphoreType.DMA,
            pltpu.SemaphoreType.DMA,
        ],
    )
    def gather(oute_hbm, dst_hbm, gath_hbm, bufs_v, idx_v, semg, semw):
        wid = lax.axis_index("s") * SC_CORES + lax.axis_index("c")
        base = wid * TOK_PER_WORKER
        pltpu.sync_copy(dst_hbm.at[wid], idx_v)
        writes = [None, None]
        p = 0
        for k in range(TOP_K):
            for h2 in range(TOK_PER_WORKER // 32):
                if writes[p] is not None:
                    writes[p].wait()
                c1 = pltpu.async_copy(
                    oute_hbm.at[idx_v[k, pl.ds(h2 * 32, 16)]],
                    bufs_v.at[p, pl.ds(0, 16)], semg)
                c2 = pltpu.async_copy(
                    oute_hbm.at[idx_v[k, pl.ds(h2 * 32 + 16, 16)]],
                    bufs_v.at[p, pl.ds(16, 16)], semg)
                c1.wait()
                c2.wait()
                writes[p] = pltpu.async_copy(
                    bufs_v.at[p],
                    gath_hbm.at[k, pl.ds(base + h2 * 32, 32)], semw)
                p ^= 1
        writes[0].wait()
        writes[1].wait()

    return gather(out_e, dst_p)



def _comb_body(gath_ref, g_ref, ha_ref, o_ref):
    acc = ha_ref[...]
    for k in range(TOP_K):
        gk = g_ref[:, k:k + 1]
        acc = acc + jnp.where(gk == 0.0, 0.0, gath_ref[k] * gk)
    o_ref[...] = acc


def _comb(gath, g, ha, interpret=False):
    return pl.pallas_call(
        _comb_body,
        grid=(NUM_ROW_BLKS,),
        in_specs=[
            pl.BlockSpec((TOP_K, ROW_BLK, H), lambda i: (0, i, 0)),
            pl.BlockSpec((ROW_BLK, TOP_K), lambda i: (i, 0)),
            pl.BlockSpec((ROW_BLK, H), lambda i: (i, 0)),
        ],
        out_specs=pl.BlockSpec((ROW_BLK, H), lambda i: (i, 0)),
        out_shape=jax.ShapeDtypeStruct((S, H), jnp.float32),
        interpret=interpret,
    )(gath, g, ha)



def kernel(hidden_states, ln1_weight, ln1_bias, ln2_weight, ln2_bias,
           qkv_weight, proj_weight, router_weight, moe_w1, moe_w2):
    x = hidden_states.reshape(S, H)
    l1w = ln1_weight.reshape(1, H)
    l1b = ln1_bias.reshape(1, H)
    l2w = ln2_weight.reshape(1, H)
    l2b = ln2_bias.reshape(1, H)

    qkv = _ln_qkv(x, qkv_weight.astype(jnp.bfloat16), l1w, l1b)
    attn = _flash_attn(qkv)
    ha, ln2f, g, dst, scat = _route(attn, x,
                                    proj_weight.astype(jnp.bfloat16),
                                    router_weight, l2w, l2b)
    def _pack(a, pad_val):
        a3 = a.reshape(SC_WORKERS, TOK_PER_WORKER, TOP_K).transpose(0, 2, 1)
        return jnp.pad(a3, ((0, 0), (0, 0), (0, 128 - TOK_PER_WORKER)),
                       constant_values=pad_val)

    scat_p = _pack(scat, NTOT)
    dst_p = _pack(dst, 0)
    tok_pad = _sc_dispatch(ln2f, scat_p)
    out_e = _expert_ffn(tok_pad, moe_w1, moe_w2)
    gath = _sc_gather(out_e, dst_p)
    final = _comb(gath, g, ha)
    return final.reshape(S, 1, H)

# --- scband reference (transcript-rebuilt; emitter-appended) ---
"""Pipeline reference for scband-baseline-transformer-layer-89000312308365 (READ-ONLY COPY).

The authoritative reference and input builder live on the scoring server;
editing this copy changes nothing except your own understanding.
"""

import jax, jax.numpy as jnp
import numpy as np
import math

S, B, H = 2048, 1, 1024
NUM_HEADS = 16
NUM_KV_HEADS = 16
NUM_EXPERTS = 64
TOP_K = 8
D_FF = 512
CAP_FACTOR = 1.25

def _layer_norm(x, w, b, eps=1e-5):
    mu = jnp.mean(x, axis=-1, keepdims=True)
    var = jnp.mean((x - mu) ** 2, axis=-1, keepdims=True)
    return (x - mu) / jnp.sqrt(var + eps) * w + b

def setup_inputs(seed: int = 0) -> dict:
    key = jax.random.key(seed)
    ks = jax.random.split(key, 8)
    return {
        'hidden_states': jax.random.normal(ks[0], (S, B, H), jnp.float32),
        'ln1_weight': jnp.ones((H,), jnp.float32),
        'ln1_bias': jnp.zeros((H,), jnp.float32),
        'ln2_weight': jnp.ones((H,), jnp.float32),
        'ln2_bias': jnp.zeros((H,), jnp.float32),
        'qkv_weight': jax.random.normal(ks[1], (3 * H, H), jnp.float32) * 0.02,
        'proj_weight': jax.random.normal(ks[2], (H, H), jnp.float32) * 0.02,
        'router_weight': jax.random.normal(ks[3], (H, NUM_EXPERTS), jnp.float32) * 0.02,
        'moe_w1': jax.random.normal(ks[4], (NUM_EXPERTS, D_FF, H), jnp.float32) * 0.02,
        'moe_w2': jax.random.normal(ks[5], (NUM_EXPERTS, H, D_FF), jnp.float32) * 0.02,
    }

def _forward(hidden_states, ln1_weight, ln1_bias, ln2_weight, ln2_bias, qkv_weight, proj_weight, router_weight, moe_w1, moe_w2):
    seq_len, batch, hidden = hidden_states.shape
    head_dim = hidden // NUM_HEADS
    # ---- attention block (cp_size == 1, all-to-alls are identity) ----
    ln1 = _layer_norm(hidden_states, ln1_weight, ln1_bias)
    qkv = ln1 @ qkv_weight.T
    qkv = qkv.reshape(seq_len, batch, NUM_KV_HEADS, 3 * head_dim)  # q_per_kv == 1
    q = qkv[..., :head_dim]
    k = qkv[..., head_dim:2 * head_dim]
    v = qkv[..., 2 * head_dim:]
    q_bf = q.transpose(1, 2, 0, 3)
    k_bf = k.transpose(1, 2, 0, 3)
    v_bf = v.transpose(1, 2, 0, 3)
    scale = 1.0 / math.sqrt(head_dim)
    logits = jnp.einsum('bhqd,bhkd->bhqk', q_bf, k_bf) * scale
    causal = jnp.tril(jnp.ones((seq_len, seq_len), bool))
    logits = jnp.where(causal[None, None], logits, jnp.finfo(jnp.float32).min)
    p = jax.nn.softmax(logits, axis=-1)
    attn_bf = jnp.einsum('bhqk,bhkd->bhqd', p, v_bf)
    attn_out = attn_bf.transpose(2, 0, 1, 3).reshape(seq_len, batch, hidden)
    proj_out = attn_out @ proj_weight.T
    hidden_after_attn = hidden_states + proj_out
    # ---- MoE block (ep_size == 1, all experts local) ----
    ln2 = _layer_norm(hidden_after_attn, ln2_weight, ln2_bias)
    flat = ln2.reshape(-1, hidden)
    num_tokens = flat.shape[0]
    router_logits = flat.astype(jnp.float32) @ router_weight
    router_probs = jax.nn.softmax(router_logits, axis=-1)
    top_probs, top_idx = jax.lax.top_k(router_probs, TOP_K)
    top_probs = top_probs / jnp.sum(top_probs, axis=-1, keepdims=True)
    expanded = jnp.broadcast_to(flat[:, None, :], (num_tokens, TOP_K, hidden)).reshape(-1, hidden)
    exp_probs = top_probs.reshape(-1)
    exp_experts = top_idx.reshape(-1)
    order = jnp.argsort(exp_experts)  # stable sort by expert id
    perm_tokens = expanded[order]
    perm_probs = exp_probs[order]
    sorted_experts = exp_experts[order]
    tpe = jnp.bincount(exp_experts, length=NUM_EXPERTS)
    capacity = int(math.ceil(num_tokens * TOP_K / NUM_EXPERTS * CAP_FACTOR))
    cum = jnp.concatenate([jnp.zeros((1,), tpe.dtype), jnp.cumsum(tpe)])
    row_ids = jnp.arange(perm_tokens.shape[0])
    within = row_ids - cum[sorted_experts]
    keep = within < capacity  # capacity overflow tokens are dropped
    dst = jnp.clip(sorted_experts * capacity + within, 0, NUM_EXPERTS * capacity - 1)
    scatter_idx = jnp.where(keep, dst, NUM_EXPERTS * capacity)
    padded = jnp.zeros((NUM_EXPERTS * capacity, hidden), flat.dtype)
    padded = padded.at[scatter_idx].set(perm_tokens, mode='drop')
    tok_e = padded.reshape(NUM_EXPERTS, capacity, hidden)
    h = jax.nn.gelu(jnp.einsum('ech,efh->ecf', tok_e, moe_w1))
    out_e = jnp.einsum('ecf,ehf->ech', h, moe_w2).reshape(NUM_EXPERTS * capacity, hidden)
    gathered = jnp.where(keep[:, None], out_e[dst], 0.0) * perm_probs[:, None]
    expanded_out = jnp.zeros((num_tokens * TOP_K, hidden), flat.dtype).at[order].set(gathered)
    moe_out = expanded_out.reshape(num_tokens, TOP_K, hidden).sum(axis=1)
    return hidden_after_attn + moe_out.reshape(seq_len, batch, hidden)

def reference(hidden_states, ln1_weight, ln1_bias, ln2_weight, ln2_bias, qkv_weight, proj_weight, router_weight, moe_w1, moe_w2):
    return _forward(hidden_states, ln1_weight, ln1_bias, ln2_weight, ln2_bias, qkv_weight, proj_weight, router_weight, moe_w1, moe_w2)

if __name__ == "__main__":
    import jax
    _d = setup_inputs()
    print(jax.jit(kernel)(*tuple(_d.values())))

</pallas_src>

<mosaic_0001>
#map = affine_map<(d0, d1) -> (0, 0)>
#map1 = affine_map<(d0, d1) -> (0, 0, 0)>
module attributes {stable_mosaic.version = 14 : i64} {
  func.func @gather(%arg0: i32, %arg1: i32, %arg2: memref<20480x1024xf32, #tpu.memory_space<hbm>>, %arg3: memref<32x8x128xi32, #tpu.memory_space<hbm>>, %arg4: memref<8x2048x1024xf32, #tpu.memory_space<hbm>>, %arg5: memref<2x32x1024xf32, #tpu.memory_space<vmem>>, %arg6: memref<8x128xi32, #tpu.memory_space<vmem>>, %arg7: memref<!tpu.dma_semaphore, #tpu.memory_space<semaphore_mem>>, %arg8: memref<!tpu.dma_semaphore, #tpu.memory_space<semaphore_mem>>) attributes {dimension_semantics = [#tpu.dimension_semantics<core_parallel>, #tpu.dimension_semantics<subcore_parallel>], iteration_bounds = array<i64: 2, 16>, scalar_prefetch = 0 : i64, scratch_operands = 4 : i64, tpu.core_type = #tpu.core_type<sc_vector_subcore>, window_params = [{transform_indices = #map}, {transform_indices = #map1}, {transform_indices = #map1}]} {
    %mul3A = arith.constant 2 : i32
    %mul3A_0 = arith.muli %arg1, %mul3A : i32
    %add3A = arith.addi %mul3A_0, %arg0 : i32
    %mul3A_1 = arith.constant 64 : i32
    %mul3A_2 = arith.muli %add3A, %mul3A_1 : i32
    "tpu.region"() ({
      %run_scoped3A = tpu.sem_alloc : memref<!tpu.dma_semaphore, #tpu.memory_space<semaphore_mem>>
      %dma_start3A_1216 = arith.constant 0 : i32
      %dma_start3A_1217 = arith.constant 0 : i32
      %dma_start3A_1218 = tpu.memref_slice %arg3[%add3A, %dma_start3A_1216, %dma_start3A_1217] : memref<32x8x128xi32, #tpu.memory_space<hbm>> -> memref<1x8x128xi32, #tpu.memory_space<hbm>>
      %dma_start3A_1219 = tpu.memref_squeeze %dma_start3A_1218 : memref<1x8x128xi32, #tpu.memory_space<hbm>> -> memref<8x128xi32, #tpu.memory_space<hbm>>
      %dma_start3A_1220 = arith.constant 0 : i32
      %dma_start3A_1221 = arith.constant 0 : i32
      %dma_start3A_1222 = tpu.memref_slice %arg3[%add3A, %dma_start3A_1220, %dma_start3A_1221] : memref<32x8x128xi32, #tpu.memory_space<hbm>> -> memref<1x8x128xi32, #tpu.memory_space<hbm>>
      %dma_start3A_1223 = tpu.memref_squeeze %dma_start3A_1222 : memref<1x8x128xi32, #tpu.memory_space<hbm>> -> memref<8x128xi32, #tpu.memory_space<hbm>>
      tpu.enqueue_dma source(%dma_start3A_1223 : memref<8x128xi32, #tpu.memory_space<hbm>>) target(%arg6 : memref<8x128xi32, #tpu.memory_space<vmem>>) target_semaphore(%run_scoped3A : memref<!tpu.dma_semaphore, #tpu.memory_space<semaphore_mem>>)
      %dma_wait3A_1224 = arith.constant 0 : i32
      %dma_wait3A_1225 = arith.constant 0 : i32
      %dma_wait3A_1226 = tpu.memref_slice %arg3[%add3A, %dma_wait3A_1224, %dma_wait3A_1225] : memref<32x8x128xi32, #tpu.memory_space<hbm>> -> memref<1x8x128xi32, #tpu.memory_space<hbm>>
      %dma_wait3A_1227 = tpu.memref_squeeze %dma_wait3A_1226 : memref<1x8x128xi32, #tpu.memory_space<hbm>> -> memref<8x128xi32, #tpu.memory_space<hbm>>
      %dma_wait3A_1228 = arith.constant 0 : i32
      %dma_wait3A_1229 = arith.constant 0 : i32
      %dma_wait3A_1230 = tpu.memref_slice %arg3[%add3A, %dma_wait3A_1228, %dma_wait3A_1229] : memref<32x8x128xi32, #tpu.memory_space<hbm>> -> memref<1x8x128xi32, #tpu.memory_space<hbm>>
      %dma_wait3A_1231 = tpu.memref_squeeze %dma_wait3A_1230 : memref<1x8x128xi32, #tpu.memory_space<hbm>> -> memref<8x128xi32, #tpu.memory_space<hbm>>
      tpu.wait_dma2 semaphore(%run_scoped3A : memref<!tpu.dma_semaphore, #tpu.memory_space<semaphore_mem>>) src(%dma_wait3A_1231 : memref<8x128xi32, #tpu.memory_space<hbm>>) dst(%arg6 : memref<8x128xi32, #tpu.memory_space<vmem>>)
      tpu.yield
    }) : () -> ()
    %get3A = arith.constant 0 : i32
    %get3A_3 = arith.index_cast %get3A : i32 to index
    %get3A_4 = arith.constant 0 : index
    %get3A_5 = tpu.vector_load %arg6[%get3A_3, %get3A_4] {strides = array<i32>} : memref<8x128xi32, #tpu.memory_space<vmem>>, vector<1x16xi32>,
    %get3A_6 = vector.shape_cast %get3A_5 : vector<1x16xi32> to vector<16xi32>
    %dma_start3A = arith.constant 0 : i32
    %dma_start3A_7 = arith.constant 0 : i32
    %dma_start3A_8 = arith.constant 0 : i32
    %dma_start3A_9 = tpu.memref_slice %arg5[%dma_start3A, %dma_start3A_7, %dma_start3A_8] : memref<2x32x1024xf32, #tpu.memory_space<vmem>> -> memref<1x16x1024xf32, #tpu.memory_space<vmem>>
    %dma_start3A_10 = tpu.memref_squeeze %dma_start3A_9 : memref<1x16x1024xf32, #tpu.memory_space<vmem>> -> memref<16x1024xf32, #tpu.memory_space<vmem>>
    %dma_start3A_11 = arith.constant 0 : i32
    %dma_start3A_12 = arith.constant 0 : i32
    %dma_start3A_13 = tpu.memref_slice %arg2[%dma_start3A_11, %dma_start3A_12] : memref<20480x1024xf32, #tpu.memory_space<hbm>> -> memref<20480x1024xf32, #tpu.memory_space<hbm>>
    tpu.enqueue_indirect_dma source(%dma_start3A_13 : memref<20480x1024xf32, #tpu.memory_space<hbm>>) target(%dma_start3A_10 : memref<16x1024xf32, #tpu.memory_space<vmem>>) offsets(%get3A_6 : vector<16xi32>) semaphore(%arg7 : memref<!tpu.dma_semaphore, #tpu.memory_space<semaphore_mem>>)
    %get3A_14 = arith.constant 0 : i32
    %get3A_15 = arith.index_cast %get3A_14 : i32 to index
    %get3A_16 = arith.constant 16 : index
    %get3A_17 = tpu.vector_load %arg6[%get3A_15, %get3A_16] {strides = array<i32>} : memref<8x128xi32, #tpu.memory_space<vmem>>, vector<1x16xi32>,
    %get3A_18 = vector.shape_cast %get3A_17 : vector<1x16xi32> to vector<16xi32>
    %dma_start3A_19 = arith.constant 0 : i32
    %dma_start3A_20 = arith.constant 16 : i32
    %dma_start3A_21 = arith.constant 0 : i32
    %dma_start3A_22 = tpu.memref_slice %arg5[%dma_start3A_19, %dma_start3A_20, %dma_start3A_21] : memref<2x32x1024xf32, #tpu.memory_space<vmem>> -> memref<1x16x1024xf32, #tpu.memory_space<vmem>>
    %dma_start3A_23 = tpu.memref_squeeze %dma_start3A_22 : memref<1x16x1024xf32, #tpu.memory_space<vmem>> -> memref<16x1024xf32, #tpu.memory_space<vmem>>
    %dma_start3A_24 = arith.constant 0 : i32
    %dma_start3A_25 = arith.constant 0 : i32
    %dma_start3A_26 = tpu.memref_slice %arg2[%dma_start3A_24, %dma_start3A_25] : memref<20480x1024xf32, #tpu.memory_space<hbm>> -> memref<20480x1024xf32, #tpu.memory_space<hbm>>
    tpu.enqueue_indirect_dma source(%dma_start3A_26 : memref<20480x1024xf32, #tpu.memory_space<hbm>>) target(%dma_start3A_23 : memref<16x1024xf32, #tpu.memory_space<vmem>>) offsets(%get3A_18 : vector<16xi32>) semaphore(%arg7 : memref<!tpu.dma_semaphore, #tpu.memory_space<semaphore_mem>>)
    %dma_wait3A = arith.constant 0 : i32
    %dma_wait3A_27 = arith.constant 0 : i32
    %dma_wait3A_28 = arith.constant 0 : i32
    %dma_wait3A_29 = tpu.memref_slice %arg5[%dma_wait3A, %dma_wait3A_27, %dma_wait3A_28] : memref<2x32x1024xf32, #tpu.memory_space<vmem>> -> memref<1x16x1024xf32, #tpu.memory_space<vmem>>
    %dma_wait3A_30 = tpu.memref_squeeze %dma_wait3A_29 : memref<1x16x1024xf32, #tpu.memory_space<vmem>> -> memref<16x1024xf32, #tpu.memory_space<vmem>>
    %dma_wait3A_31 = arith.constant 0 : i32
    %dma_wait3A_32 = arith.constant 0 : i32
    %dma_wait3A_33 = tpu.memref_slice %arg2[%dma_wait3A_31, %dma_wait3A_32] : memref<20480x1024xf32, #tpu.memory_space<hbm>> -> memref<20480x1024xf32, #tpu.memory_space<hbm>>
    tpu.wait_indirect_dma semaphore(%arg7 : memref<!tpu.dma_semaphore, #tpu.memory_space<semaphore_mem>>) src(%dma_wait3A_33 : memref<20480x1024xf32, #tpu.memory_space<hbm>>) dst(%dma_wait3A_30 : memref<16x1024xf32, #tpu.memory_space<vmem>>)
    %dma_wait3A_34 = arith.constant 0 : i32
    %dma_wait3A_35 = arith.constant 16 : i32
    %dma_wait3A_36 = arith.constant 0 : i32
    %dma_wait3A_37 = tpu.memref_slice %arg5[%dma_wait3A_34, %dma_wait3A_35, %dma_wait3A_36] : memref<2x32x1024xf32, #tpu.memory_space<vmem>> -> memref<1x16x1024xf32, #tpu.memory_space<vmem>>
    %dma_wait3A_38 = tpu.memref_squeeze %dma_wait3A_37 : memref<1x16x1024xf32, #tpu.memory_space<vmem>> -> memref<16x1024xf32, #tpu.memory_space<vmem>>
    %dma_wait3A_39 = arith.constant 0 : i32
    %dma_wait3A_40 = arith.constant 0 : i32
    %dma_wait3A_41 = tpu.memref_slice %arg2[%dma_wait3A_39, %dma_wait3A_40] : memref<20480x1024xf32, #tpu.memory_space<hbm>> -> memref<20480x1024xf32, #tpu.memory_space<hbm>>
    tpu.wait_indirect_dma semaphore(%arg7 : memref<!tpu.dma_semaphore, #tpu.memory_space<semaphore_mem>>) src(%dma_wait3A_41 : memref<20480x1024xf32, #tpu.memory_space<hbm>>) dst(%dma_wait3A_38 : memref<16x1024xf32, #tpu.memory_space<vmem>>)
    %add3A_42 = arith.constant 0 : i32
    %add3A_43 = arith.addi %mul3A_2, %add3A_42 : i32
    %dma_start3A_44 = arith.constant 0 : i32
    %dma_start3A_45 = arith.constant 0 : i32
    %dma_start3A_46 = arith.constant 0 : i32
    %dma_start3A_47 = arith.constant 0 : i32
    %dma_start3A_48 = tpu.memref_slice %arg5[%dma_start3A_44, %dma_start3A_46, %dma_start3A_47] : memref<2x32x1024xf32, #tpu.memory_space<vmem>> -> memref<1x32x1024xf32, #tpu.memory_space<vmem>>
    %dma_start3A_49 = tpu.memref_squeeze %dma_start3A_48 : memref<1x32x1024xf32, #tpu.memory_space<vmem>> -> memref<32x1024xf32, #tpu.memory_space<vmem>>
    %dma_start3A_50 = arith.constant 0 : i32
    %dma_start3A_51 = tpu.memref_slice %arg4[%dma_start3A_45, %add3A_43, %dma_start3A_50] : memref<8x2048x1024xf32, #tpu.memory_space<hbm>> -> memref<1x32x1024xf32, #tpu.memory_space<hbm>>
    %dma_start3A_52 = tpu.memref_squeeze %dma_start3A_51 : memref<1x32x1024xf32, #tpu.memory_space<hbm>> -> memref<32x1024xf32, #tpu.memory_space<hbm>>
    %dma_start3A_53 = arith.constant 0 : i32
    %dma_start3A_54 = tpu.memref_slice %arg4[%dma_start3A_45, %add3A_43, %dma_start3A_53] : memref<8x2048x1024xf32, #tpu.memory_space<hbm>> -> memref<1x32x1024xf32, #tpu.memory_space<hbm>>
    %dma_start3A_55 = tpu.memref_squeeze %dma_start3A_54 : memref<1x32x1024xf32, #tpu.memory_space<hbm>> -> memref<32x1024xf32, #tpu.memory_space<hbm>>
    %dma_start3A_56 = arith.constant 0 : i32
    %dma_start3A_57 = arith.constant 0 : i32
    %dma_start3A_58 = tpu.memref_slice %arg5[%dma_start3A_44, %dma_start3A_56, %dma_start3A_57] : memref<2x32x1024xf32, #tpu.memory_space<vmem>> -> memref<1x32x1024xf32, #tpu.memory_space<vmem>>
    %dma_start3A_59 = tpu.memref_squeeze %dma_start3A_58 : memref<1x32x1024xf32, #tpu.memory_space<vmem>> -> memref<32x1024xf32, #tpu.memory_space<vmem>>
    tpu.enqueue_dma source(%dma_start3A_59 : memref<32x1024xf32, #tpu.memory_space<vmem>>) target(%dma_start3A_55 : memref<32x1024xf32, #tpu.memory_space<hbm>>) target_semaphore(%arg8 : memref<!tpu.dma_semaphore, #tpu.memory_space<semaphore_mem>>)
    %get3A_60 = arith.constant 0 : i32
    %get3A_61 = arith.index_cast %get3A_60 : i32 to index
    %get3A_62 = arith.constant 32 : index
    %get3A_63 = tpu.vector_load %arg6[%get3A_61, %get3A_62] {strides = array<i32>} : memref<8x128xi32, #tpu.memory_space<vmem>>, vector<1x16xi32>,
    %get3A_64 = vector.shape_cast %get3A_63 : vector<1x16xi32> to vector<16xi32>
    %dma_start3A_65 = arith.constant 1 : i32
    %dma_start3A_66 = arith.constant 0 : i32
    %dma_start3A_67 = arith.constant 0 : i32
    %dma_start3A_68 = tpu.memref_slice %arg5[%dma_start3A_65, %dma_start3A_66, %dma_start3A_67] : memref<2x32x1024xf32, #tpu.memory_space<vmem>> -> memref<1x16x1024xf32, #tpu.memory_space<vmem>>
    %dma_start3A_69 = tpu.memref_squeeze %dma_start3A_68 : memref<1x16x1024xf32, #tpu.memory_space<vmem>> -> memref<16x1024xf32, #tpu.memory_space<vmem>>
    %dma_start3A_70 = arith.constant 0 : i32
    %dma_start3A_71 = arith.constant 0 : i32
    %dma_start3A_72 = tpu.memref_slice %arg2[%dma_start3A_70, %dma_start3A_71] : memref<20480x1024xf32, #tpu.memory_space<hbm>> -> memref<20480x1024xf32, #tpu.memory_space<hbm>>
    tpu.enqueue_indirect_dma source(%dma_start3A_72 : memref<20480x1024xf32, #tpu.memory_space<hbm>>) target(%dma_start3A_69 : memref<16x1024xf32, #tpu.memory_space<vmem>>) offsets(%get3A_64 : vector<16xi32>) semaphore(%arg7 : memref<!tpu.dma_semaphore, #tpu.memory_space<semaphore_mem>>)
    %get3A_73 = arith.constant 0 : i32
    %get3A_74 = arith.index_cast %get3A_73 : i32 to index
    %get3A_75 = arith.constant 48 : index
    %get3A_76 = tpu.vector_load %arg6[%get3A_74, %get3A_75] {strides = array<i32>} : memref<8x128xi32, #tpu.memory_space<vmem>>, vector<1x16xi32>,
    %get3A_77 = vector.shape_cast %get3A_76 : vector<1x16xi32> to vector<16xi32>
    %dma_start3A_78 = arith.constant 1 : i32
    %dma_start3A_79 = arith.constant 16 : i32
    %dma_start3A_80 = arith.constant 0 : i32
    %dma_start3A_81 = tpu.memref_slice %arg5[%dma_start3A_78, %dma_start3A_79, %dma_start3A_80] : memref<2x32x1024xf32, #tpu.memory_space<vmem>> -> memref<1x16x1024xf32, #tpu.memory_space<vmem>>
    %dma_start3A_82 = tpu.memref_squeeze %dma_start3A_81 : memref<1x16x1024xf32, #tpu.memory_space<vmem>> -> memref<16x1024xf32, #tpu.memory_space<vmem>>
    %dma_start3A_83 = arith.constant 0 : i32
    %dma_start3A_84 = arith.constant 0 : i32
    %dma_start3A_85 = tpu.memref_slice %arg2[%dma_start3A_83, %dma_start3A_84] : memref<20480x1024xf32, #tpu.memory_space<hbm>> -> memref<20480x1024xf32, #tpu.memory_space<hbm>>
    tpu.enqueue_indirect_dma source(%dma_start3A_85 : memref<20480x1024xf32, #tpu.memory_space<hbm>>) target(%dma_start3A_82 : memref<16x1024xf32, #tpu.memory_space<vmem>>) offsets(%get3A_77 : vector<16xi32>) semaphore(%arg7 : memref<!tpu.dma_semaphore, #tpu.memory_space<semaphore_mem>>)
    %dma_wait3A_86 = arith.constant 1 : i32
    %dma_wait3A_87 = arith.constant 0 : i32
    %dma_wait3A_88 = arith.constant 0 : i32
    %dma_wait3A_89 = tpu.memref_slice %arg5[%dma_wait3A_86, %dma_wait3A_87, %dma_wait3A_88] : memref<2x32x1024xf32, #tpu.memory_space<vmem>> -> memref<1x16x1024xf32, #tpu.memory_space<vmem>>
    %dma_wait3A_90 = tpu.memref_squeeze %dma_wait3A_89 : memref<1x16x1024xf32, #tpu.memory_space<vmem>> -> memref<16x1024xf32, #tpu.memory_space<vmem>>
    %dma_wait3A_91 = arith.constant 0 : i32
    %dma_wait3A_92 = arith.constant 0 : i32
    %dma_wait3A_93 = tpu.memref_slice %arg2[%dma_wait3A_91, %dma_wait3A_92] : memref<20480x1024xf32, #tpu.memory_space<hbm>> -> memref<20480x1024xf32, #tpu.memory_space<hbm>>
    tpu.wait_indirect_dma semaphore(%arg7 : memref<!tpu.dma_semaphore, #tpu.memory_space<semaphore_mem>>) src(%dma_wait3A_93 : memref<20480x1024xf32, #tpu.memory_space<hbm>>) dst(%dma_wait3A_90 : memref<16x1024xf32, #tpu.memory_space<vmem>>)
    %dma_wait3A_94 = arith.constant 1 : i32
    %dma_wait3A_95 = arith.constant 16 : i32
    %dma_wait3A_96 = arith.constant 0 : i32
    %dma_wait3A_97 = tpu.memref_slice %arg5[%dma_wait3A_94, %dma_wait3A_95, %dma_wait3A_96] : memref<2x32x1024xf32, #tpu.memory_space<vmem>> -> memref<1x16x1024xf32, #tpu.memory_space<vmem>>
    %dma_wait3A_98 = tpu.memref_squeeze %dma_wait3A_97 : memref<1x16x1024xf32, #tpu.memory_space<vmem>> -> memref<16x1024xf32, #tpu.memory_space<vmem>>
    %dma_wait3A_99 = arith.constant 0 : i32
    %dma_wait3A_100 = arith.constant 0 : i32
    %dma_wait3A_101 = tpu.memref_slice %arg2[%dma_wait3A_99, %dma_wait3A_100] : memref<20480x1024xf32, #tpu.memory_space<hbm>> -> memref<20480x1024xf32, #tpu.memory_space<hbm>>
    tpu.wait_indirect_dma semaphore(%arg7 : memref<!tpu.dma_semaphore, #tpu.memory_space<semaphore_mem>>) src(%dma_wait3A_101 : memref<20480x1024xf32, #tpu.memory_space<hbm>>) dst(%dma_wait3A_98 : memref<16x1024xf32, #tpu.memory_space<vmem>>)
    %add3A_102 = arith.constant 32 : i32
    %add3A_103 = arith.addi %mul3A_2, %add3A_102 : i32
    %dma_start3A_104 = arith.constant 1 : i32
    %dma_start3A_105 = arith.constant 0 : i32
    %dma_start3A_106 = arith.constant 0 : i32
    %dma_start3A_107 = arith.constant 0 : i32
    %dma_start3A_108 = tpu.memref_slice %arg5[%dma_start3A_104, %dma_start3A_106, %dma_start3A_107] : memref<2x32x1024xf32, #tpu.memory_space<vmem>> -> memref<1x32x1024xf32, #tpu.memory_space<vmem>>
    %dma_start3A_109 = tpu.memref_squeeze %dma_start3A_108 : memref<1x32x1024xf32, #tpu.memory_space<vmem>> -> memref<32x1024xf32, #tpu.memory_space<vmem>>
    %dma_start3A_110 = arith.constant 0 : i32
    %dma_start3A_111 = tpu.memref_slice %arg4[%dma_start3A_105, %add3A_103, %dma_start3A_110] : memref<8x2048x1024xf32, #tpu.memory_space<hbm>> -> memref<1x32x1024xf32, #tpu.memory_space<hbm>>
    %dma_start3A_112 = tpu.memref_squeeze %dma_start3A_111 : memref<1x32x1024xf32, #tpu.memory_space<hbm>> -> memref<32x1024xf32, #tpu.memory_space<hbm>>
    %dma_start3A_113 = arith.constant 0 : i32
    %dma_start3A_114 = tpu.memref_slice %arg4[%dma_start3A_105, %add3A_103, %dma_start3A_113] : memref<8x2048x1024xf32, #tpu.memory_space<hbm>> -> memref<1x32x1024xf32, #tpu.memory_space<hbm>>
    %dma_start3A_115 = tpu.memref_squeeze %dma_start3A_114 : memref<1x32x1024xf32, #tpu.memory_space<hbm>> -> memref<32x1024xf32, #tpu.memory_space<hbm>>
    %dma_start3A_116 = arith.constant 0 : i32
    %dma_start3A_117 = arith.constant 0 : i32
    %dma_start3A_118 = tpu.memref_slice %arg5[%dma_start3A_104, %dma_start3A_116, %dma_start3A_117] : memref<2x32x1024xf32, #tpu.memory_space<vmem>> -> memref<1x32x1024xf32, #tpu.memory_space<vmem>>
    %dma_start3A_119 = tpu.memref_squeeze %dma_start3A_118 : memref<1x32x1024xf32, #tpu.memory_space<vmem>> -> memref<32x1024xf32, #tpu.memory_space<vmem>>
    tpu.enqueue_dma source(%dma_start3A_119 : memref<32x1024xf32, #tpu.memory_space<vmem>>) target(%dma_start3A_115 : memref<32x1024xf32, #tpu.memory_space<hbm>>) target_semaphore(%arg8 : memref<!tpu.dma_semaphore, #tpu.memory_space<semaphore_mem>>)
    %dma_wait3A_120 = arith.constant 0 : i32
    %dma_wait3A_121 = arith.constant 0 : i32
    %dma_wait3A_122 = arith.constant 0 : i32
    %dma_wait3A_123 = arith.constant 0 : i32
    %dma_wait3A_124 = tpu.memref_slice %arg5[%dma_wait3A_120, %dma_wait3A_122, %dma_wait3A_123] : memref<2x32x1024xf32, #tpu.memory_space<vmem>> -> memref<1x32x1024xf32, #tpu.memory_space<vmem>>
    %dma_wait3A_125 = tpu.memref_squeeze %dma_wait3A_124 : memref<1x32x1024xf32, #tpu.memory_space<vmem>> -> memref<32x1024xf32, #tpu.memory_space<vmem>>
    %dma_wait3A_126 = arith.constant 0 : i32
    %dma_wait3A_127 = tpu.memref_slice %arg4[%dma_wait3A_121, %add3A_43, %dma_wait3A_126] : memref<8x2048x1024xf32, #tpu.memory_space<hbm>> -> memref<1x32x1024xf32, #tpu.memory_space<hbm>>
    %dma_wait3A_128 = tpu.memref_squeeze %dma_wait3A_127 : memref<1x32x1024xf32, #tpu.memory_space<hbm>> -> memref<32x1024xf32, #tpu.memory_space<hbm>>
    %dma_wait3A_129 = arith.constant 0 : i32
    %dma_wait3A_130 = tpu.memref_slice %arg4[%dma_wait3A_121, %add3A_43, %dma_wait3A_129] : memref<8x2048x1024xf32, #tpu.memory_space<hbm>> -> memref<1x32x1024xf32, #tpu.memory_space<hbm>>
    %dma_wait3A_131 = tpu.memref_squeeze %dma_wait3A_130 : memref<1x32x1024xf32, #tpu.memory_space<hbm>> -> memref<32x1024xf32, #tpu.memory_space<hbm>>
    %dma_wait3A_132 = arith.constant 0 : i32
    %dma_wait3A_133 = arith.constant 0 : i32
    %dma_wait3A_134 = tpu.memref_slice %arg5[%dma_wait3A_120, %dma_wait3A_132, %dma_wait3A_133] : memref<2x32x1024xf32, #tpu.memory_space<vmem>> -> memref<1x32x1024xf32, #tpu.memory_space<vmem>>
    %dma_wait3A_135 = tpu.memref_squeeze %dma_wait3A_134 : memref<1x32x1024xf32, #tpu.memory_space<vmem>> -> memref<32x1024xf32, #tpu.memory_space<vmem>>
    tpu.wait_dma2 semaphore(%arg8 : memref<!tpu.dma_semaphore, #tpu.memory_space<semaphore_mem>>) src(%dma_wait3A_135 : memref<32x1024xf32, #tpu.memory_space<vmem>>) dst(%dma_wait3A_131 : memref<32x1024xf32, #tpu.memory_space<hbm>>)
    %get3A_136 = arith.constant 1 : i32
    %get3A_137 = arith.index_cast %get3A_136 : i32 to index
    %get3A_138 = arith.constant 0 : index
    %get3A_139 = tpu.vector_load %arg6[%get3A_137, %get3A_138] {strides = array<i32>} : memref<8x128xi32, #tpu.memory_space<vmem>>, vector<1x16xi32>,
    %get3A_140 = vector.shape_cast %get3A_139 : vector<1x16xi32> to vector<16xi32>
    %dma_start3A_141 = arith.constant 0 : i32
    %dma_start3A_142 = arith.constant 0 : i32
    %dma_start3A_143 = arith.constant 0 : i32
    %dma_start3A_144 = tpu.memref_slice %arg5[%dma_start3A_141, %dma_start3A_142, %dma_start3A_143] : memref<2x32x1024xf32, #tpu.memory_space<vmem>> -> memref<1x16x1024xf32, #tpu.memory_space<vmem>>
    %dma_start3A_145 = tpu.memref_squeeze %dma_start3A_144 : memref<1x16x1024xf32, #tpu.memory_space<vmem>> -> memref<16x1024xf32, #tpu.memory_space<vmem>>
    %dma_start3A_146 = arith.constant 0 : i32
    %dma_start3A_147 = arith.constant 0 : i32
    %dma_start3A_148 = tpu.memref_slice %arg2[%dma_start3A_146, %dma_start3A_147] : memref<20480x1024xf32, #tpu.memory_space<hbm>> -> memref<20480x1024xf32, #tpu.memory_space<hbm>>
    tpu.enqueue_indirect_dma source(%dma_start3A_148 : memref<20480x1024xf32, #tpu.memory_space<hbm>>) target(%dma_start3A_145 : memref<16x1024xf32, #tpu.memory_space<vmem>>) offsets(%get3A_140 : vector<16xi32>) semaphore(%arg7 : memref<!tpu.dma_semaphore, #tpu.memory_space<semaphore_mem>>)
    %get3A_149 = arith.constant 1 : i32
    %get3A_150 = arith.index_cast %get3A_149 : i32 to index
    %get3A_151 = arith.constant 16 : index
    %get3A_152 = tpu.vector_load %arg6[%get3A_150, %get3A_151] {strides = array<i32>} : memref<8x128xi32, #tpu.memory_space<vmem>>, vector<1x16xi32>,
    %get3A_153 = vector.shape_cast %get3A_152 : vector<1x16xi32> to vector<16xi32>
    %dma_start3A_154 = arith.constant 0 : i32
    %dma_start3A_155 = arith.constant 16 : i32
    %dma_start3A_156 = arith.constant 0 : i32
    %dma_start3A_157 = tpu.memref_slice %arg5[%dma_start3A_154, %dma_start3A_155, %dma_start3A_156] : memref<2x32x1024xf32, #tpu.memory_space<vmem>> -> memref<1x16x1024xf32, #tpu.memory_space<vmem>>
    %dma_start3A_158 = tpu.memref_squeeze %dma_start3A_157 : memref<1x16x1024xf32, #tpu.memory_space<vmem>> -> memref<16x1024xf32, #tpu.memory_space<vmem>>
    %dma_start3A_159 = arith.constant 0 : i32
    %dma_start3A_160 = arith.constant 0 : i32
    %dma_start3A_161 = tpu.memref_slice %arg2[%dma_start3A_159, %dma_start3A_160] : memref<20480x1024xf32, #tpu.memory_space<hbm>> -> memref<20480x1024xf32, #tpu.memory_space<hbm>>
    tpu.enqueue_indirect_dma source(%dma_start3A_161 : memref<20480x1024xf32, #tpu.memory_space<hbm>>) target(%dma_start3A_158 : memref<16x1024xf32, #tpu.memory_space<vmem>>) offsets(%get3A_153 : vector<16xi32>) semaphore(%arg7 : memref<!tpu.dma_semaphore, #tpu.memory_space<semaphore_mem>>)
    %dma_wait3A_162 = arith.constant 0 : i32
    %dma_wait3A_163 = arith.constant 0 : i32
    %dma_wait3A_164 = arith.constant 0 : i32
    %dma_wait3A_165 = tpu.memref_slice %arg5[%dma_wait3A_162, %dma_wait3A_163, %dma_wait3A_164] : memref<2x32x1024xf32, #tpu.memory_space<vmem>> -> memref<1x16x1024xf32, #tpu.memory_space<vmem>>
    %dma_wait3A_166 = tpu.memref_squeeze %dma_wait3A_165 : memref<1x16x1024xf32, #tpu.memory_space<vmem>> -> memref<16x1024xf32, #tpu.memory_space<vmem>>
    %dma_wait3A_167 = arith.constant 0 : i32
    %dma_wait3A_168 = arith.constant 0 : i32
    %dma_wait3A_169 = tpu.memref_slice %arg2[%dma_wait3A_167, %dma_wait3A_168] : memref<20480x1024xf32, #tpu.memory_space<hbm>> -> memref<20480x1024xf32, #tpu.memory_space<hbm>>
    tpu.wait_indirect_dma semaphore(%arg7 : memref<!tpu.dma_semaphore, #tpu.memory_space<semaphore_mem>>) src(%dma_wait3A_169 : memref<20480x1024xf32, #tpu.memory_space<hbm>>) dst(%dma_wait3A_166 : memref<16x1024xf32, #tpu.memory_space<vmem>>)
    %dma_wait3A_170 = arith.constant 0 : i32
    %dma_wait3A_171 = arith.constant 16 : i32
    %dma_wait3A_172 = arith.constant 0 : i32
    %dma_wait3A_173 = tpu.memref_slice %arg5[%dma_wait3A_170, %dma_wait3A_171, %dma_wait3A_172] : memref<2x32x1024xf32, #tpu.memory_space<vmem>> -> memref<1x16x1024xf32, #tpu.memory_space<vmem>>
    %dma_wait3A_174 = tpu.memref_squeeze %dma_wait3A_173 : memref<1x16x1024xf32, #tpu.memory_space<vmem>> -> memref<16x1024xf32, #tpu.memory_space<vmem>>
    %dma_wait3A_175 = arith.constant 0 : i32
    %dma_wait3A_176 = arith.constant 0 : i32
    %dma_wait3A_177 = tpu.memref_slice %arg2[%dma_wait3A_175, %dma_wait3A_176] : memref<20480x1024xf32, #tpu.memory_space<hbm>> -> memref<20480x1024xf32, #tpu.memory_space<hbm>>
    tpu.wait_indirect_dma semaphore(%arg7 : memref<!tpu.dma_semaphore, #tpu.memory_space<semaphore_mem>>) src(%dma_wait3A_177 : memref<20480x1024xf32, #tpu.memory_space<hbm>>) dst(%dma_wait3A_174 : memref<16x1024xf32, #tpu.memory_space<vmem>>)
    %add3A_178 = arith.constant 0 : i32
    %add3A_179 = arith.addi %mul3A_2, %add3A_178 : i32
    %dma_start3A_180 = arith.constant 0 : i32
    %dma_start3A_181 = arith.constant 1 : i32
    %dma_start3A_182 = arith.constant 0 : i32
    %dma_start3A_183 = arith.constant 0 : i32
    %dma_start3A_184 = tpu.memref_slice %arg5[%dma_start3A_180, %dma_start3A_182, %dma_start3A_183] : memref<2x32x1024xf32, #tpu.memory_space<vmem>> -> memref<1x32x1024xf32, #tpu.memory_space<vmem>>
    %dma_start3A_185 = tpu.memref_squeeze %dma_start3A_184 : memref<1x32x1024xf32, #tpu.memory_space<vmem>> -> memref<32x1024xf32, #tpu.memory_space<vmem>>
    %dma_start3A_186 = arith.constant 0 : i32
    %dma_start3A_187 = tpu.memref_slice %arg4[%dma_start3A_181, %add3A_179, %dma_start3A_186] : memref<8x2048x1024xf32, #tpu.memory_space<hbm>> -> memref<1x32x1024xf32, #tpu.memory_space<hbm>>
    %dma_start3A_188 = tpu.memref_squeeze %dma_start3A_187 : memref<1x32x1024xf32, #tpu.memory_space<hbm>> -> memref<32x1024xf32, #tpu.memory_space<hbm>>
    %dma_start3A_189 = arith.constant 0 : i32
    %dma_start3A_190 = tpu.memref_slice %arg4[%dma_start3A_181, %add3A_179, %dma_start3A_189] : memref<8x2048x1024xf32, #tpu.memory_space<hbm>> -> memref<1x32x1024xf32, #tpu.memory_space<hbm>>
    %dma_start3A_191 = tpu.memref_squeeze %dma_start3A_190 : memref<1x32x1024xf32, #tpu.memory_space<hbm>> -> memref<32x1024xf32, #tpu.memory_space<hbm>>
    %dma_start3A_192 = arith.constant 0 : i32
    %dma_start3A_193 = arith.constant 0 : i32
    %dma_start3A_194 = tpu.memref_slice %arg5[%dma_start3A_180, %dma_start3A_192, %dma_start3A_193] : memref<2x32x1024xf32, #tpu.memory_space<vmem>> -> memref<1x32x1024xf32, #tpu.memory_space<vmem>>
    %dma_start3A_195 = tpu.memref_squeeze %dma_start3A_194 : memref<1x32x1024xf32, #tpu.memory_space<vmem>> -> memref<32x1024xf32, #tpu.memory_space<vmem>>
    tpu.enqueue_dma source(%dma_start3A_195 : memref<32x1024xf32, #tpu.memory_space<vmem>>) target(%dma_start3A_191 : memref<32x1024xf32, #tpu.memory_space<hbm>>) target_semaphore(%arg8 : memref<!tpu.dma_semaphore, #tpu.memory_space<semaphore_mem>>)
    %dma_wait3A_196 = arith.constant 1 : i32
    %dma_wait3A_197 = arith.constant 0 : i32
    %dma_wait3A_198 = arith.constant 0 : i32
    %dma_wait3A_199 = arith.constant 0 : i32
    %dma_wait3A_200 = tpu.memref_slice %arg5[%dma_wait3A_196, %dma_wait3A_198, %dma_wait3A_199] : memref<2x32x1024xf32, #tpu.memory_space<vmem>> -> memref<1x32x1024xf32, #tpu.memory_space<vmem>>
    %dma_wait3A_201 = tpu.memref_squeeze %dma_wait3A_200 : memref<1x32x1024xf32, #tpu.memory_space<vmem>> -> memref<32x1024xf32, #tpu.memory_space<vmem>>
    %dma_wait3A_202 = arith.constant 0 : i32
    %dma_wait3A_203 = tpu.memref_slice %arg4[%dma_wait3A_197, %add3A_103, %dma_wait3A_202] : memref<8x2048x1024xf32, #tpu.memory_space<hbm>> -> memref<1x32x1024xf32, #tpu.memory_space<hbm>>
    %dma_wait3A_204 = tpu.memref_squeeze %dma_wait3A_203 : memref<1x32x1024xf32, #tpu.memory_space<hbm>> -> memref<32x1024xf32, #tpu.memory_space<hbm>>
    %dma_wait3A_205 = arith.constant 0 : i32
    %dma_wait3A_206 = tpu.memref_slice %arg4[%dma_wait3A_197, %add3A_103, %dma_wait3A_205] : memref<8x2048x1024xf32, #tpu.memory_space<hbm>> -> memref<1x32x1024xf32, #tpu.memory_space<hbm>>
    %dma_wait3A_207 = tpu.memref_squeeze %dma_wait3A_206 : memref<1x32x1024xf32, #tpu.memory_space<hbm>> -> memref<32x1024xf32, #tpu.memory_space<hbm>>
    %dma_wait3A_208 = arith.constant 0 : i32
    %dma_wait3A_209 = arith.constant 0 : i32
    %dma_wait3A_210 = tpu.memref_slice %arg5[%dma_wait3A_196, %dma_wait3A_208, %dma_wait3A_209] : memref<2x32x1024xf32, #tpu.memory_space<vmem>> -> memref<1x32x1024xf32, #tpu.memory_space<vmem>>
    %dma_wait3A_211 = tpu.memref_squeeze %dma_wait3A_210 : memref<1x32x1024xf32, #tpu.memory_space<vmem>> -> memref<32x1024xf32, #tpu.memory_space<vmem>>
    tpu.wait_dma2 semaphore(%arg8 : memref<!tpu.dma_semaphore, #tpu.memory_space<semaphore_mem>>) src(%dma_wait3A_211 : memref<32x1024xf32, #tpu.memory_space<vmem>>) dst(%dma_wait3A_207 : memref<32x1024xf32, #tpu.memory_space<hbm>>)
    %get3A_212 = arith.constant 1 : i32
    %get3A_213 = arith.index_cast %get3A_212 : i32 to index
    %get3A_214 = arith.constant 32 : index
    %get3A_215 = tpu.vector_load %arg6[%get3A_213, %get3A_214] {strides = array<i32>} : memref<8x128xi32, #tpu.memory_space<vmem>>, vector<1x16xi32>,
    %get3A_216 = vector.shape_cast %get3A_215 : vector<1x16xi32> to vector<16xi32>
    %dma_start3A_217 = arith.constant 1 : i32
    %dma_start3A_218 = arith.constant 0 : i32
    %dma_start3A_219 = arith.constant 0 : i32
    %dma_start3A_220 = tpu.memref_slice %arg5[%dma_start3A_217, %dma_start3A_218, %dma_start3A_219] : memref<2x32x1024xf32, #tpu.memory_space<vmem>> -> memref<1x16x1024xf32, #tpu.memory_space<vmem>>
    %dma_start3A_221 = tpu.memref_squeeze %dma_start3A_220 : memref<1x16x1024xf32, #tpu.memory_space<vmem>> -> memref<16x1024xf32, #tpu.memory_space<vmem>>
    %dma_start3A_222 = arith.constant 0 : i32
    %dma_start3A_223 = arith.constant 0 : i32
    %dma_start3A_224 = tpu.memref_slice %arg2[%dma_start3A_222, %dma_start3A_223] : memref<20480x1024xf32, #tpu.memory_space<hbm>> -> memref<20480x1024xf32, #tpu.memory_space<hbm>>
    tpu.enqueue_indirect_dma source(%dma_start3A_224 : memref<20480x1024xf32, #tpu.memory_space<hbm>>) target(%dma_start3A_221 : memref<16x1024xf32, #tpu.memory_space<vmem>>) offsets(%get3A_216 : vector<16xi32>) semaphore(%arg7 : memref<!tpu.dma_semaphore, #tpu.memory_space<semaphore_mem>>)
    %get3A_225 = arith.constant 1 : i32
    %get3A_226 = arith.index_cast %get3A_225 : i32 to index
    %get3A_227 = arith.constant 48 : index
    %get3A_228 = tpu.vector_load %arg6[%get3A_226, %get3A_227] {strides = array<i32>} : memref<8x128xi32, #tpu.memory_space<vmem>>, vector<1x16xi32>,
    %get3A_229 = vector.shape_cast %get3A_228 : vector<1x16xi32> to vector<16xi32>
    %dma_start3A_230 = arith.constant 1 : i32
    %dma_start3A_231 = arith.constant 16 : i32
    %dma_start3A_232 = arith.constant 0 : i32
    %dma_start3A_233 = tpu.memref_slice %arg5[%dma_start3A_230, %dma_start3A_231, %dma_start3A_232] : memref<2x32x1024xf32, #tpu.memory_space<vmem>> -> memref<1x16x1024xf32, #tpu.memory_space<vmem>>
    %dma_start3A_234 = tpu.memref_squeeze %dma_start3A_233 : memref<1x16x1024xf32, #tpu.memory_space<vmem>> -> memref<16x1024xf32, #tpu.memory_space<vmem>>
    %dma_start3A_235 = arith.constant 0 : i32
    %dma_start3A_236 = arith.constant 0 : i32
    %dma_start3A_237 = tpu.memref_slice %arg2[%dma_start3A_235, %dma_start3A_236] : memref<20480x1024xf32, #tpu.memory_space<hbm>> -> memref<20480x1024xf32, #tpu.memory_space<hbm>>
    tpu.enqueue_indirect_dma source(%dma_start3A_237 : memref<20480x1024xf32, #tpu.memory_space<hbm>>) target(%dma_start3A_234 : memref<16x1024xf32, #tpu.memory_space<vmem>>) offsets(%get3A_229 : vector<16xi32>) semaphore(%arg7 : memref<!tpu.dma_semaphore, #tpu.memory_space<semaphore_mem>>)
    %dma_wait3A_238 = arith.constant 1 : i32
    %dma_wait3A_239 = arith.constant 0 : i32
    %dma_wait3A_240 = arith.constant 0 : i32
    %dma_wait3A_241 = tpu.memref_slice %arg5[%dma_wait3A_238, %dma_wait3A_239, %dma_wait3A_240] : memref<2x32x1024xf32, #tpu.memory_space<vmem>> -> memref<1x16x1024xf32, #tpu.memory_space<vmem>>
    %dma_wait3A_242 = tpu.memref_squeeze %dma_wait3A_241 : memref<1x16x1024xf32, #tpu.memory_space<vmem>> -> memref<16x1024xf32, #tpu.memory_space<vmem>>
    %dma_wait3A_243 = arith.constant 0 : i32
    %dma_wait3A_244 = arith.constant 0 : i32
    %dma_wait3A_245 = tpu.memref_slice %arg2[%dma_wait3A_243, %dma_wait3A_244] : memref<20480x1024xf32, #tpu.memory_space<hbm>> -> memref<20480x1024xf32, #tpu.memory_space<hbm>>
    tpu.wait_indirect_dma semaphore(%arg7 : memref<!tpu.dma_semaphore, #tpu.memory_space<semaphore_mem>>) src(%dma_wait3A_245 : memref<20480x1024xf32, #tpu.memory_space<hbm>>) dst(%dma_wait3A_242 : memref<16x1024xf32, #tpu.memory_space<vmem>>)
    %dma_wait3A_246 = arith.constant 1 : i32
    %dma_wait3A_247 = arith.constant 16 : i32
    %dma_wait3A_248 = arith.constant 0 : i32
    %dma_wait3A_249 = tpu.memref_slice %arg5[%dma_wait3A_246, %dma_wait3A_247, %dma_wait3A_248] : memref<2x32x1024xf32, #tpu.memory_space<vmem>> -> memref<1x16x1024xf32, #tpu.memory_space<vmem>>
    %dma_wait3A_250 = tpu.memref_squeeze %dma_wait3A_249 : memref<1x16x1024xf32, #tpu.memory_space<vmem>> -> memref<16x1024xf32, #tpu.memory_space<vmem>>
    %dma_wait3A_251 = arith.constant 0 : i32
    %dma_wait3A_252 = arith.constant 0 : i32
    %dma_wait3A_253 = tpu.memref_slice %arg2[%dma_wait3A_251, %dma_wait3A_252] : memref<20480x1024xf32, #tpu.memory_space<hbm>> -> memref<20480x1024xf32, #tpu.memory_space<hbm>>
    tpu.wait_indirect_dma semaphore(%arg7 : memref<!tpu.dma_semaphore, #tpu.memory_space<semaphore_mem>>) src(%dma_wait3A_253 : memref<20480x1024xf32, #tpu.memory_space<hbm>>) dst(%dma_wait3A_250 : memref<16x1024xf32, #tpu.memory_space<vmem>>)
    %add3A_254 = arith.constant 32 : i32
    %add3A_255 = arith.addi %mul3A_2, %add3A_254 : i32
    %dma_start3A_256 = arith.constant 1 : i32
    %dma_start3A_257 = arith.constant 1 : i32
    %dma_start3A_258 = arith.constant 0 : i32
    %dma_start3A_259 = arith.constant 0 : i32
    %dma_start3A_260 = tpu.memref_slice %arg5[%dma_start3A_256, %dma_start3A_258, %dma_start3A_259] : memref<2x32x1024xf32, #tpu.memory_space<vmem>> -> memref<1x32x1024xf32, #tpu.memory_space<vmem>>
    %dma_start3A_261 = tpu.memref_squeeze %dma_start3A_260 : memref<1x32x1024xf32, #tpu.memory_space<vmem>> -> memref<32x1024xf32, #tpu.memory_space<vmem>>
    %dma_start3A_262 = arith.constant 0 : i32
    %dma_start3A_263 = tpu.memref_slice %arg4[%dma_start3A_257, %add3A_255, %dma_start3A_262] : memref<8x2048x1024xf32, #tpu.memory_space<hbm>> -> memref<1x32x1024xf32, #tpu.memory_space<hbm>>
    %dma_start3A_264 = tpu.memref_squeeze %dma_start3A_263 : memref<1x32x1024xf32, #tpu.memory_space<hbm>> -> memref<32x1024xf32, #tpu.memory_space<hbm>>
    %dma_start3A_265 = arith.constant 0 : i32
    %dma_start3A_266 = tpu.memref_slice %arg4[%dma_start3A_257, %add3A_255, %dma_start3A_265] : memref<8x2048x1024xf32, #tpu.memory_space<hbm>> -> memref<1x32x1024xf32, #tpu.memory_space<hbm>>
    %dma_start3A_267 = tpu.memref_squeeze %dma_start3A_266 : memref<1x32x1024xf32, #tpu.memory_space<hbm>> -> memref<32x1024xf32, #tpu.memory_space<hbm>>
    %dma_start3A_268 = arith.constant 0 : i32
    %dma_start3A_269 = arith.constant 0 : i32
    %dma_start3A_270 = tpu.memref_slice %arg5[%dma_start3A_256, %dma_start3A_268, %dma_start3A_269] : memref<2x32x1024xf32, #tpu.memory_space<vmem>> -> memref<1x32x1024xf32, #tpu.memory_space<vmem>>
    %dma_start3A_271 = tpu.memref_squeeze %dma_start3A_270 : memref<1x32x1024xf32, #tpu.memory_space<vmem>> -> memref<32x1024xf32, #tpu.memory_space<vmem>>
    tpu.enqueue_dma source(%dma_start3A_271 : memref<32x1024xf32, #tpu.memory_space<vmem>>) target(%dma_start3A_267 : memref<32x1024xf32, #tpu.memory_space<hbm>>) target_semaphore(%arg8 : memref<!tpu.dma_semaphore, #tpu.memory_space<semaphore_mem>>)
    %dma_wait3A_272 = arith.constant 0 : i32
    %dma_wait3A_273 = arith.constant 1 : i32
    %dma_wait3A_274 = arith.constant 0 : i32
    %dma_wait3A_275 = arith.constant 0 : i32
    %dma_wait3A_276 = tpu.memref_slice %arg5[%dma_wait3A_272, %dma_wait3A_274, %dma_wait3A_275] : memref<2x32x1024xf32, #tpu.memory_space<vmem>> -> memref<1x32x1024xf32, #tpu.memory_space<vmem>>
    %dma_wait3A_277 = tpu.memref_squeeze %dma_wait3A_276 : memref<1x32x1024xf32, #tpu.memory_space<vmem>> -> memref<32x1024xf32, #tpu.memory_space<vmem>>
    %dma_wait3A_278 = arith.constant 0 : i32
    %dma_wait3A_279 = tpu.memref_slice %arg4[%dma_wait3A_273, %add3A_179, %dma_wait3A_278] : memref<8x2048x1024xf32, #tpu.memory_space<hbm>> -> memref<1x32x1024xf32, #tpu.memory_space<hbm>>
    %dma_wait3A_280 = tpu.memref_squeeze %dma_wait3A_279 : memref<1x32x1024xf32, #tpu.memory_space<hbm>> -> memref<32x1024xf32, #tpu.memory_space<hbm>>
    %dma_wait3A_281 = arith.constant 0 : i32
    %dma_wait3A_282 = tpu.memref_slice %arg4[%dma_wait3A_273, %add3A_179, %dma_wait3A_281] : memref<8x2048x1024xf32, #tpu.memory_space<hbm>> -> memref<1x32x1024xf32, #tpu.memory_space<hbm>>
    %dma_wait3A_283 = tpu.memref_squeeze %dma_wait3A_282 : memref<1x32x1024xf32, #tpu.memory_space<hbm>> -> memref<32x1024xf32, #tpu.memory_space<hbm>>
    %dma_wait3A_284 = arith.constant 0 : i32
    %dma_wait3A_285 = arith.constant 0 : i32
    %dma_wait3A_286 = tpu.memref_slice %arg5[%dma_wait3A_272, %dma_wait3A_284, %dma_wait3A_285] : memref<2x32x1024xf32, #tpu.memory_space<vmem>> -> memref<1x32x1024xf32, #tpu.memory_space<vmem>>
    %dma_wait3A_287 = tpu.memref_squeeze %dma_wait3A_286 : memref<1x32x1024xf32, #tpu.memory_space<vmem>> -> memref<32x1024xf32, #tpu.memory_space<vmem>>
    tpu.wait_dma2 semaphore(%arg8 : memref<!tpu.dma_semaphore, #tpu.memory_space<semaphore_mem>>) src(%dma_wait3A_287 : memref<32x1024xf32, #tpu.memory_space<vmem>>) dst(%dma_wait3A_283 : memref<32x1024xf32, #tpu.memory_space<hbm>>)
    %get3A_288 = arith.constant 2 : i32
    %get3A_289 = arith.index_cast %get3A_288 : i32 to index
    %get3A_290 = arith.constant 0 : index
    %get3A_291 = tpu.vector_load %arg6[%get3A_289, %get3A_290] {strides = array<i32>} : memref<8x128xi32, #tpu.memory_space<vmem>>, vector<1x16xi32>,
    %get3A_292 = vector.shape_cast %get3A_291 : vector<1x16xi32> to vector<16xi32>
    %dma_start3A_293 = arith.constant 0 : i32
    %dma_start3A_294 = arith.constant 0 : i32
    %dma_start3A_295 = arith.constant 0 : i32
    %dma_start3A_296 = tpu.memref_slice %arg5[%dma_start3A_293, %dma_start3A_294, %dma_start3A_295] : memref<2x32x1024xf32, #tpu.memory_space<vmem>> -> memref<1x16x1024xf32, #tpu.memory_space<vmem>>
    %dma_start3A_297 = tpu.memref_squeeze %dma_start3A_296 : memref<1x16x1024xf32, #tpu.memory_space<vmem>> -> memref<16x1024xf32, #tpu.memory_space<vmem>>
    %dma_start3A_298 = arith.constant 0 : i32
    %dma_start3A_299 = arith.constant 0 : i32
    %dma_start3A_300 = tpu.memref_slice %arg2[%dma_start3A_298, %dma_start3A_299] : memref<20480x1024xf32, #tpu.memory_space<hbm>> -> memref<20480x1024xf32, #tpu.memory_space<hbm>>
    tpu.enqueue_indirect_dma source(%dma_start3A_300 : memref<20480x1024xf32, #tpu.memory_space<hbm>>) target(%dma_start3A_297 : memref<16x1024xf32, #tpu.memory_space<vmem>>) offsets(%get3A_292 : vector<16xi32>) semaphore(%arg7 : memref<!tpu.dma_semaphore, #tpu.memory_space<semaphore_mem>>)
    %get3A_301 = arith.constant 2 : i32
    %get3A_302 = arith.index_cast %get3A_301 : i32 to index
    %get3A_303 = arith.constant 16 : index
    %get3A_304 = tpu.vector_load %arg6[%get3A_302, %get3A_303] {strides = array<i32>} : memref<8x128xi32, #tpu.memory_space<vmem>>, vector<1x16xi32>,
    %get3A_305 = vector.shape_cast %get3A_304 : vector<1x16xi32> to vector<16xi32>
    %dma_start3A_306 = arith.constant 0 : i32
    %dma_start3A_307 = arith.constant 16 : i32
    %dma_start3A_308 = arith.constant 0 : i32
    %dma_start3A_309 = tpu.memref_slice %arg5[%dma_start3A_306, %dma_start3A_307, %dma_start3A_308] : memref<2x32x1024xf32, #tpu.memory_space<vmem>> -> memref<1x16x1024xf32, #tpu.memory_space<vmem>>
    %dma_start3A_310 = tpu.memref_squeeze %dma_start3A_309 : memref<1x16x1024xf32, #tpu.memory_space<vmem>> -> memref<16x1024xf32, #tpu.memory_space<vmem>>
    %dma_start3A_311 = arith.constant 0 : i32
    %dma_start3A_312 = arith.constant 0 : i32
    %dma_start3A_313 = tpu.memref_slice %arg2[%dma_start3A_311, %dma_start3A_312] : memref<20480x1024xf32, #tpu.memory_space<hbm>> -> memref<20480x1024xf32, #tpu.memory_space<hbm>>
    tpu.enqueue_indirect_dma source(%dma_start3A_313 : memref<20480x1024xf32, #tpu.memory_space<hbm>>) target(%dma_start3A_310 : memref<16x1024xf32, #tpu.memory_space<vmem>>) offsets(%get3A_305 : vector<16xi32>) semaphore(%arg7 : memref<!tpu.dma_semaphore, #tpu.memory_space<semaphore_mem>>)
    %dma_wait3A_314 = arith.constant 0 : i32
    %dma_wait3A_315 = arith.constant 0 : i32
    %dma_wait3A_316 = arith.constant 0 : i32
    %dma_wait3A_317 = tpu.memref_slice %arg5[%dma_wait3A_314, %dma_wait3A_315, %dma_wait3A_316] : memref<2x32x1024xf32, #tpu.memory_space<vmem>> -> memref<1x16x1024xf32, #tpu.memory_space<vmem>>
    %dma_wait3A_318 = tpu.memref_squeeze %dma_wait3A_317 : memref<1x16x1024xf32, #tpu.memory_space<vmem>> -> memref<16x1024xf32, #tpu.memory_space<vmem>>
    %dma_wait3A_319 = arith.constant 0 : i32
    %dma_wait3A_320 = arith.constant 0 : i32
    %dma_wait3A_321 = tpu.memref_slice %arg2[%dma_wait3A_319, %dma_wait3A_320] : memref<20480x1024xf32, #tpu.memory_space<hbm>> -> memref<20480x1024xf32, #tpu.memory_space<hbm>>
    tpu.wait_indirect_dma semaphore(%arg7 : memref<!tpu.dma_semaphore, #tpu.memory_space<semaphore_mem>>) src(%dma_wait3A_321 : memref<20480x1024xf32, #tpu.memory_space<hbm>>) dst(%dma_wait3A_318 : memref<16x1024xf32, #tpu.memory_space<vmem>>)
    %dma_wait3A_322 = arith.constant 0 : i32
    %dma_wait3A_323 = arith.constant 16 : i32
    %dma_wait3A_324 = arith.constant 0 : i32
    %dma_wait3A_325 = tpu.memref_slice %arg5[%dma_wait3A_322, %dma_wait3A_323, %dma_wait3A_324] : memref<2x32x1024xf32, #tpu.memory_space<vmem>> -> memref<1x16x1024xf32, #tpu.memory_space<vmem>>
    %dma_wait3A_326 = tpu.memref_squeeze %dma_wait3A_325 : memref<1x16x1024xf32, #tpu.memory_space<vmem>> -> memref<16x1024xf32, #tpu.memory_space<vmem>>
    %dma_wait3A_327 = arith.constant 0 : i32
    %dma_wait3A_328 = arith.constant 0 : i32
    %dma_wait3A_329 = tpu.memref_slice %arg2[%dma_wait3A_327, %dma_wait3A_328] : memref<20480x1024xf32, #tpu.memory_space<hbm>> -> memref<20480x1024xf32, #tpu.memory_space<hbm>>
    tpu.wait_indirect_dma semaphore(%arg7 : memref<!tpu.dma_semaphore, #tpu.memory_space<semaphore_mem>>) src(%dma_wait3A_329 : memref<20480x1024xf32, #tpu.memory_space<hbm>>) dst(%dma_wait3A_326 : memref<16x1024xf32, #tpu.memory_space<vmem>>)
    %add3A_330 = arith.constant 0 : i32
    %add3A_331 = arith.addi %mul3A_2, %add3A_330 : i32
    %dma_start3A_332 = arith.constant 0 : i32
    %dma_start3A_333 = arith.constant 2 : i32
    %dma_start3A_334 = arith.constant 0 : i32
    %dma_start3A_335 = arith.constant 0 : i32
    %dma_start3A_336 = tpu.memref_slice %arg5[%dma_start3A_332, %dma_start3A_334, %dma_start3A_335] : memref<2x32x1024xf32, #tpu.memory_space<vmem>> -> memref<1x32x1024xf32, #tpu.memory_space<vmem>>
    %dma_start3A_337 = tpu.memref_squeeze %dma_start3A_336 : memref<1x32x1024xf32, #tpu.memory_space<vmem>> -> memref<32x1024xf32, #tpu.memory_space<vmem>>
    %dma_start3A_338 = arith.constant 0 : i32
    %dma_start3A_339 = tpu.memref_slice %arg4[%dma_start3A_333, %add3A_331, %dma_start3A_338] : memref<8x2048x1024xf32, #tpu.memory_space<hbm>> -> memref<1x32x1024xf32, #tpu.memory_space<hbm>>
    %dma_start3A_340 = tpu.memref_squeeze %dma_start3A_339 : memref<1x32x1024xf32, #tpu.memory_space<hbm>> -> memref<32x1024xf32, #tpu.memory_space<hbm>>
    %dma_start3A_341 = arith.constant 0 : i32
    %dma_start3A_342 = tpu.memref_slice %arg4[%dma_start3A_333, %add3A_331, %dma_start3A_341] : memref<8x2048x1024xf32, #tpu.memory_space<hbm>> -> memref<1x32x1024xf32, #tpu.memory_space<hbm>>
    %dma_start3A_343 = tpu.memref_squeeze %dma_start3A_342 : memref<1x32x1024xf32, #tpu.memory_space<hbm>> -> memref<32x1024xf32, #tpu.memory_space<hbm>>
    %dma_start3A_344 = arith.constant 0 : i32
    %dma_start3A_345 = arith.constant 0 : i32
    %dma_start3A_346 = tpu.memref_slice %arg5[%dma_start3A_332, %dma_start3A_344, %dma_start3A_345] : memref<2x32x1024xf32, #tpu.memory_space<vmem>> -> memref<1x32x1024xf32, #tpu.memory_space<vmem>>
    %dma_start3A_347 = tpu.memref_squeeze %dma_start3A_346 : memref<1x32x1024xf32, #tpu.memory_space<vmem>> -> memref<32x1024xf32, #tpu.memory_space<vmem>>
    tpu.enqueue_dma source(%dma_start3A_347 : memref<32x1024xf32, #tpu.memory_space<vmem>>) target(%dma_start3A_343 : memref<32x1024xf32, #tpu.memory_space<hbm>>) target_semaphore(%arg8 : memref<!tpu.dma_semaphore, #tpu.memory_space<semaphore_mem>>)
    %dma_wait3A_348 = arith.constant 1 : i32
    %dma_wait3A_349 = arith.constant 1 : i32
    %dma_wait3A_350 = arith.constant 0 : i32
    %dma_wait3A_351 = arith.constant 0 : i32
    %dma_wait3A_352 = tpu.memref_slice %arg5[%dma_wait3A_348, %dma_wait3A_350, %dma_wait3A_351] : memref<2x32x1024xf32, #tpu.memory_space<vmem>> -> memref<1x32x1024xf32, #tpu.memory_space<vmem>>
    %dma_wait3A_353 = tpu.memref_squeeze %dma_wait3A_352 : memref<1x32x1024xf32, #tpu.memory_space<vmem>> -> memref<32x1024xf32, #tpu.memory_space<vmem>>
    %dma_wait3A_354 = arith.constant 0 : i32
    %dma_wait3A_355 = tpu.memref_slice %arg4[%dma_wait3A_349, %add3A_255, %dma_wait3A_354] : memref<8x2048x1024xf32, #tpu.memory_space<hbm>> -> memref<1x32x1024xf32, #tpu.memory_space<hbm>>
    %dma_wait3A_356 = tpu.memref_squeeze %dma_wait3A_355 : memref<1x32x1024xf32, #tpu.memory_space<hbm>> -> memref<32x1024xf32, #tpu.memory_space<hbm>>
    %dma_wait3A_357 = arith.constant 0 : i32
    %dma_wait3A_358 = tpu.memref_slice %arg4[%dma_wait3A_349, %add3A_255, %dma_wait3A_357] : memref<8x2048x1024xf32, #tpu.memory_space<hbm>> -> memref<1x32x1024xf32, #tpu.memory_space<hbm>>
    %dma_wait3A_359 = tpu.memref_squeeze %dma_wait3A_358 : memref<1x32x1024xf32, #tpu.memory_space<hbm>> -> memref<32x1024xf32, #tpu.memory_space<hbm>>
    %dma_wait3A_360 = arith.constant 0 : i32
    %dma_wait3A_361 = arith.constant 0 : i32
    %dma_wait3A_362 = tpu.memref_slice %arg5[%dma_wait3A_348, %dma_wait3A_360, %dma_wait3A_361] : memref<2x32x1024xf32, #tpu.memory_space<vmem>> -> memref<1x32x1024xf32, #tpu.memory_space<vmem>>
    %dma_wait3A_363 = tpu.memref_squeeze %dma_wait3A_362 : memref<1x32x1024xf32, #tpu.memory_space<vmem>> -> memref<32x1024xf32, #tpu.memory_space<vmem>>
    tpu.wait_dma2 semaphore(%arg8 : memref<!tpu.dma_semaphore, #tpu.memory_space<semaphore_mem>>) src(%dma_wait3A_363 : memref<32x1024xf32, #tpu.memory_space<vmem>>) dst(%dma_wait3A_359 : memref<32x1024xf32, #tpu.memory_space<hbm>>)
    %get3A_364 = arith.constant 2 : i32
    %get3A_365 = arith.index_cast %get3A_364 : i32 to index
    %get3A_366 = arith.constant 32 : index
    %get3A_367 = tpu.vector_load %arg6[%get3A_365, %get3A_366] {strides = array<i32>} : memref<8x128xi32, #tpu.memory_space<vmem>>, vector<1x16xi32>,
    %get3A_368 = vector.shape_cast %get3A_367 : vector<1x16xi32> to vector<16xi32>
    %dma_start3A_369 = arith.constant 1 : i32
    %dma_start3A_370 = arith.constant 0 : i32
    %dma_start3A_371 = arith.constant 0 : i32
    %dma_start3A_372 = tpu.memref_slice %arg5[%dma_start3A_369, %dma_start3A_370, %dma_start3A_371] : memref<2x32x1024xf32, #tpu.memory_space<vmem>> -> memref<1x16x1024xf32, #tpu.memory_space<vmem>>
    %dma_start3A_373 = tpu.memref_squeeze %dma_start3A_372 : memref<1x16x1024xf32, #tpu.memory_space<vmem>> -> memref<16x1024xf32, #tpu.memory_space<vmem>>
    %dma_start3A_374 = arith.constant 0 : i32
    %dma_start3A_375 = arith.constant 0 : i32
    %dma_start3A_376 = tpu.memref_slice %arg2[%dma_start3A_374, %dma_start3A_375] : memref<20480x1024xf32, #tpu.memory_space<hbm>> -> memref<20480x1024xf32, #tpu.memory_space<hbm>>
    tpu.enqueue_indirect_dma source(%dma_start3A_376 : memref<20480x1024xf32, #tpu.memory_space<hbm>>) target(%dma_start3A_373 : memref<16x1024xf32, #tpu.memory_space<vmem>>) offsets(%get3A_368 : vector<16xi32>) semaphore(%arg7 : memref<!tpu.dma_semaphore, #tpu.memory_space<semaphore_mem>>)
    %get3A_377 = arith.constant 2 : i32
    %get3A_378 = arith.index_cast %get3A_377 : i32 to index
    %get3A_379 = arith.constant 48 : index
    %get3A_380 = tpu.vector_load %arg6[%get3A_378, %get3A_379] {strides = array<i32>} : memref<8x128xi32, #tpu.memory_space<vmem>>, vector<1x16xi32>,
    %get3A_381 = vector.shape_cast %get3A_380 : vector<1x16xi32> to vector<16xi32>
    %dma_start3A_382 = arith.constant 1 : i32
    %dma_start3A_383 = arith.constant 16 : i32
    %dma_start3A_384 = arith.constant 0 : i32
    %dma_start3A_385 = tpu.memref_slice %arg5[%dma_start3A_382, %dma_start3A_383, %dma_start3A_384] : memref<2x32x1024xf32, #tpu.memory_space<vmem>> -> memref<1x16x1024xf32, #tpu.memory_space<vmem>>
    %dma_start3A_386 = tpu.memref_squeeze %dma_start3A_385 : memref<1x16x1024xf32, #tpu.memory_space<vmem>> -> memref<16x1024xf32, #tpu.memory_space<vmem>>
    %dma_start3A_387 = arith.constant 0 : i32
    %dma_start3A_388 = arith.constant 0 : i32
    %dma_start3A_389 = tpu.memref_slice %arg2[%dma_start3A_387, %dma_start3A_388] : memref<20480x1024xf32, #tpu.memory_space<hbm>> -> memref<20480x1024xf32, #tpu.memory_space<hbm>>
    tpu.enqueue_indirect_dma source(%dma_start3A_389 : memref<20480x1024xf32, #tpu.memory_space<hbm>>) target(%dma_start3A_386 : memref<16x1024xf32, #tpu.memory_space<vmem>>) offsets(%get3A_381 : vector<16xi32>) semaphore(%arg7 : memref<!tpu.dma_semaphore, #tpu.memory_space<semaphore_mem>>)
    %dma_wait3A_390 = arith.constant 1 : i32
    %dma_wait3A_391 = arith.constant 0 : i32
    %dma_wait3A_392 = arith.constant 0 : i32
    %dma_wait3A_393 = tpu.memref_slice %arg5[%dma_wait3A_390, %dma_wait3A_391, %dma_wait3A_392] : memref<2x32x1024xf32, #tpu.memory_space<vmem>> -> memref<1x16x1024xf32, #tpu.memory_space<vmem>>
    %dma_wait3A_394 = tpu.memref_squeeze %dma_wait3A_393 : memref<1x16x1024xf32, #tpu.memory_space<vmem>> -> memref<16x1024xf32, #tpu.memory_space<vmem>>
    %dma_wait3A_395 = arith.constant 0 : i32
    %dma_wait3A_396 = arith.constant 0 : i32
    %dma_wait3A_397 = tpu.memref_slice %arg2[%dma_wait3A_395, %dma_wait3A_396] : memref<20480x1024xf32, #tpu.memory_space<hbm>> -> memref<20480x1024xf32, #tpu.memory_space<hbm>>
    tpu.wait_indirect_dma semaphore(%arg7 : memref<!tpu.dma_semaphore, #tpu.memory_space<semaphore_mem>>) src(%dma_wait3A_397 : memref<20480x1024xf32, #tpu.memory_space<hbm>>) dst(%dma_wait3A_394 : memref<16x1024xf32, #tpu.memory_space<vmem>>)
    %dma_wait3A_398 = arith.constant 1 : i32
    %dma_wait3A_399 = arith.constant 16 : i32
    %dma_wait3A_400 = arith.constant 0 : i32
    %dma_wait3A_401 = tpu.memref_slice %arg5[%dma_wait3A_398, %dma_wait3A_399, %dma_wait3A_400] : memref<2x32x1024xf32, #tpu.memory_space<vmem>> -> memref<1x16x1024xf32, #tpu.memory_space<vmem>>
    %dma_wait3A_402 = tpu.memref_squeeze %dma_wait3A_401 : memref<1x16x1024xf32, #tpu.memory_space<vmem>> -> memref<16x1024xf32, #tpu.memory_space<vmem>>
    %dma_wait3A_403 = arith.constant 0 : i32
    %dma_wait3A_404 = arith.constant 0 : i32
    %dma_wait3A_405 = tpu.memref_slice %arg2[%dma_wait3A_403, %dma_wait3A_404] : memref<20480x1024xf32, #tpu.memory_space<hbm>> -> memref<20480x1024xf32, #tpu.memory_space<hbm>>
    tpu.wait_indirect_dma semaphore(%arg7 : memref<!tpu.dma_semaphore, #tpu.memory_space<semaphore_mem>>) src(%dma_wait3A_405 : memref<20480x1024xf32, #tpu.memory_space<hbm>>) dst(%dma_wait3A_402 : memref<16x1024xf32, #tpu.memory_space<vmem>>)
    %add3A_406 = arith.constant 32 : i32
    %add3A_407 = arith.addi %mul3A_2, %add3A_406 : i32
    %dma_start3A_408 = arith.constant 1 : i32
    %dma_start3A_409 = arith.constant 2 : i32
    %dma_start3A_410 = arith.constant 0 : i32
    %dma_start3A_411 = arith.constant 0 : i32
    %dma_start3A_412 = tpu.memref_slice %arg5[%dma_start3A_408, %dma_start3A_410, %dma_start3A_411] : memref<2x32x1024xf32, #tpu.memory_space<vmem>> -> memref<1x32x1024xf32, #tpu.memory_space<vmem>>
    %dma_start3A_413 = tpu.memref_squeeze %dma_start3A_412 : memref<1x32x1024xf32, #tpu.memory_space<vmem>> -> memref<32x1024xf32, #tpu.memory_space<vmem>>
    %dma_start3A_414 = arith.constant 0 : i32
    %dma_start3A_415 = tpu.memref_slice %arg4[%dma_start3A_409, %add3A_407, %dma_start3A_414] : memref<8x2048x1024xf32, #tpu.memory_space<hbm>> -> memref<1x32x1024xf32, #tpu.memory_space<hbm>>
    %dma_start3A_416 = tpu.memref_squeeze %dma_start3A_415 : memref<1x32x1024xf32, #tpu.memory_space<hbm>> -> memref<32x1024xf32, #tpu.memory_space<hbm>>
    %dma_start3A_417 = arith.constant 0 : i32
    %dma_start3A_418 = tpu.memref_slice %arg4[%dma_start3A_409, %add3A_407, %dma_start3A_417] : memref<8x2048x1024xf32, #tpu.memory_space<hbm>> -> memref<1x32x1024xf32, #tpu.memory_space<hbm>>
    %dma_start3A_419 = tpu.memref_squeeze %dma_start3A_418 : memref<1x32x1024xf32, #tpu.memory_space<hbm>> -> memref<32x1024xf32, #tpu.memory_space<hbm>>
    %dma_start3A_420 = arith.constant 0 : i32
    %dma_start3A_421 = arith.constant 0 : i32
    %dma_start3A_422 = tpu.memref_slice %arg5[%dma_start3A_408, %dma_start3A_420, %dma_start3A_421] : memref<2x32x1024xf32, #tpu.memory_space<vmem>> -> memref<1x32x1024xf32, #tpu.memory_space<vmem>>
    %dma_start3A_423 = tpu.memref_squeeze %dma_start3A_422 : memref<1x32x1024xf32, #tpu.memory_space<vmem>> -> memref<32x1024xf32, #tpu.memory_space<vmem>>
    tpu.enqueue_dma source(%dma_start3A_423 : memref<32x1024xf32, #tpu.memory_space<vmem>>) target(%dma_start3A_419 : memref<32x1024xf32, #tpu.memory_space<hbm>>) target_semaphore(%arg8 : memref<!tpu.dma_semaphore, #tpu.memory_space<semaphore_mem>>)
    %dma_wait3A_424 = arith.constant 0 : i32
    %dma_wait3A_425 = arith.constant 2 : i32
    %dma_wait3A_426 = arith.constant 0 : i32
    %dma_wait3A_427 = arith.constant 0 : i32
    %dma_wait3A_428 = tpu.memref_slice %arg5[%dma_wait3A_424, %dma_wait3A_426, %dma_wait3A_427] : memref<2x32x1024xf32, #tpu.memory_space<vmem>> -> memref<1x32x1024xf32, #tpu.memory_space<vmem>>
    %dma_wait3A_429 = tpu.memref_squeeze %dma_wait3A_428 : memref<1x32x1024xf32, #tpu.memory_space<vmem>> -> memref<32x1024xf32, #tpu.memory_space<vmem>>
    %dma_wait3A_430 = arith.constant 0 : i32
    %dma_wait3A_431 = tpu.memref_slice %arg4[%dma_wait3A_425, %add3A_331, %dma_wait3A_430] : memref<8x2048x1024xf32, #tpu.memory_space<hbm>> -> memref<1x32x1024xf32, #tpu.memory_space<hbm>>
    %dma_wait3A_432 = tpu.memref_squeeze %dma_wait3A_431 : memref<1x32x1024xf32, #tpu.memory_space<hbm>> -> memref<32x1024xf32, #tpu.memory_space<hbm>>
    %dma_wait3A_433 = arith.constant 0 : i32
    %dma_wait3A_434 = tpu.memref_slice %arg4[%dma_wait3A_425, %add3A_331, %dma_wait3A_433] : memref<8x2048x1024xf32, #tpu.memory_space<hbm>> -> memref<1x32x1024xf32, #tpu.memory_space<hbm>>
    %dma_wait3A_435 = tpu.memref_squeeze %dma_wait3A_434 : memref<1x32x1024xf32, #tpu.memory_space<hbm>> -> memref<32x1024xf32, #tpu.memory_space<hbm>>
    %dma_wait3A_436 = arith.constant 0 : i32
    %dma_wait3A_437 = arith.constant 0 : i32
    %dma_wait3A_438 = tpu.memref_slice %arg5[%dma_wait3A_424, %dma_wait3A_436, %dma_wait3A_437] : memref<2x32x1024xf32, #tpu.memory_space<vmem>> -> memref<1x32x1024xf32, #tpu.memory_space<vmem>>
    %dma_wait3A_439 = tpu.memref_squeeze %dma_wait3A_438 : memref<1x32x1024xf32, #tpu.memory_space<vmem>> -> memref<32x1024xf32, #tpu.memory_space<vmem>>
    tpu.wait_dma2 semaphore(%arg8 : memref<!tpu.dma_semaphore, #tpu.memory_space<semaphore_mem>>) src(%dma_wait3A_439 : memref<32x1024xf32, #tpu.memory_space<vmem>>) dst(%dma_wait3A_435 : memref<32x1024xf32, #tpu.memory_space<hbm>>)
    %get3A_440 = arith.constant 3 : i32
    %get3A_441 = arith.index_cast %get3A_440 : i32 to index
    %get3A_442 = arith.constant 0 : index
    %get3A_443 = tpu.vector_load %arg6[%get3A_441, %get3A_442] {strides = array<i32>} : memref<8x128xi32, #tpu.memory_space<vmem>>, vector<1x16xi32>,
    %get3A_444 = vector.shape_cast %get3A_443 : vector<1x16xi32> to vector<16xi32>
    %dma_start3A_445 = arith.constant 0 : i32
    %dma_start3A_446 = arith.constant 0 : i32
    %dma_start3A_447 = arith.constant 0 : i32
    %dma_start3A_448 = tpu.memref_slice %arg5[%dma_start3A_445, %dma_start3A_446, %dma_start3A_447] : memref<2x32x1024xf32, #tpu.memory_space<vmem>> -> memref<1x16x1024xf32, #tpu.memory_space<vmem>>
    %dma_start3A_449 = tpu.memref_squeeze %dma_start3A_448 : memref<1x16x1024xf32, #tpu.memory_space<vmem>> -> memref<16x1024xf32, #tpu.memory_space<vmem>>
    %dma_start3A_450 = arith.constant 0 : i32
    %dma_start3A_451 = arith.constant 0 : i32
    %dma_start3A_452 = tpu.memref_slice %arg2[%dma_start3A_450, %dma_start3A_451] : memref<20480x1024xf32, #tpu.memory_space<hbm>> -> memref<20480x1024xf32, #tpu.memory_space<hbm>>
    tpu.enqueue_indirect_dma source(%dma_start3A_452 : memref<20480x1024xf32, #tpu.memory_space<hbm>>) target(%dma_start3A_449 : memref<16x1024xf32, #tpu.memory_space<vmem>>) offsets(%get3A_444 : vector<16xi32>) semaphore(%arg7 : memref<!tpu.dma_semaphore, #tpu.memory_space<semaphore_mem>>)
    %get3A_453 = arith.constant 3 : i32
    %get3A_454 = arith.index_cast %get3A_453 : i32 to index
    %get3A_455 = arith.constant 16 : index
    %get3A_456 = tpu.vector_load %arg6[%get3A_454, %get3A_455] {strides = array<i32>} : memref<8x128xi32, #tpu.memory_space<vmem>>, vector<1x16xi32>,
    %get3A_457 = vector.shape_cast %get3A_456 : vector<1x16xi32> to vector<16xi32>
    %dma_start3A_458 = arith.constant 0 : i32
    %dma_start3A_459 = arith.constant 16 : i32
    %dma_start3A_460 = arith.constant 0 : i32
    %dma_start3A_461 = tpu.memref_slice %arg5[%dma_start3A_458, %dma_start3A_459, %dma_start3A_460] : memref<2x32x1024xf32, #tpu.memory_space<vmem>> -> memref<1x16x1024xf32, #tpu.memory_space<vmem>>
    %dma_start3A_462 = tpu.memref_squeeze %dma_start3A_461 : memref<1x16x1024xf32, #tpu.memory_space<vmem>> -> memref<16x1024xf32, #tpu.memory_space<vmem>>
    %dma_start3A_463 = arith.constant 0 : i32
    %dma_start3A_464 = arith.constant 0 : i32
    %dma_start3A_465 = tpu.memref_slice %arg2[%dma_start3A_463, %dma_start3A_464] : memref<20480x1024xf32, #tpu.memory_space<hbm>> -> memref<20480x1024xf32, #tpu.memory_space<hbm>>
    tpu.enqueue_indirect_dma source(%dma_start3A_465 : memref<20480x1024xf32, #tpu.memory_space<hbm>>) target(%dma_start3A_462 : memref<16x1024xf32, #tpu.memory_space<vmem>>) offsets(%get3A_457 : vector<16xi32>) semaphore(%arg7 : memref<!tpu.dma_semaphore, #tpu.memory_space<semaphore_mem>>)
    %dma_wait3A_466 = arith.constant 0 : i32
    %dma_wait3A_467 = arith.constant 0 : i32
    %dma_wait3A_468 = arith.constant 0 : i32
    %dma_wait3A_469 = tpu.memref_slice %arg5[%dma_wait3A_466, %dma_wait3A_467, %dma_wait3A_468] : memref<2x32x1024xf32, #tpu.memory_space<vmem>> -> memref<1x16x1024xf32, #tpu.memory_space<vmem>>
    %dma_wait3A_470 = tpu.memref_squeeze %dma_wait3A_469 : memref<1x16x1024xf32, #tpu.memory_space<vmem>> -> memref<16x1024xf32, #tpu.memory_space<vmem>>
    %dma_wait3A_471 = arith.constant 0 : i32
    %dma_wait3A_472 = arith.constant 0 : i32
    %dma_wait3A_473 = tpu.memref_slice %arg2[%dma_wait3A_471, %dma_wait3A_472] : memref<20480x1024xf32, #tpu.memory_space<hbm>> -> memref<20480x1024xf32, #tpu.memory_space<hbm>>
    tpu.wait_indirect_dma semaphore(%arg7 : memref<!tpu.dma_semaphore, #tpu.memory_space<semaphore_mem>>) src(%dma_wait3A_473 : memref<20480x1024xf32, #tpu.memory_space<hbm>>) dst(%dma_wait3A_470 : memref<16x1024xf32, #tpu.memory_space<vmem>>)
    %dma_wait3A_474 = arith.constant 0 : i32
    %dma_wait3A_475 = arith.constant 16 : i32
    %dma_wait3A_476 = arith.constant 0 : i32
    %dma_wait3A_477 = tpu.memref_slice %arg5[%dma_wait3A_474, %dma_wait3A_475, %dma_wait3A_476] : memref<2x32x1024xf32, #tpu.memory_space<vmem>> -> memref<1x16x1024xf32, #tpu.memory_space<vmem>>
    %dma_wait3A_478 = tpu.memref_squeeze %dma_wait3A_477 : memref<1x16x1024xf32, #tpu.memory_space<vmem>> -> memref<16x1024xf32, #tpu.memory_space<vmem>>
    %dma_wait3A_479 = arith.constant 0 : i32
    %dma_wait3A_480 = arith.constant 0 : i32
    %dma_wait3A_481 = tpu.memref_slice %arg2[%dma_wait3A_479, %dma_wait3A_480] : memref<20480x1024xf32, #tpu.memory_space<hbm>> -> memref<20480x1024xf32, #tpu.memory_space<hbm>>
    tpu.wait_indirect_dma semaphore(%arg7 : memref<!tpu.dma_semaphore, #tpu.memory_space<semaphore_mem>>) src(%dma_wait3A_481 : memref<20480x1024xf32, #tpu.memory_space<hbm>>) dst(%dma_wait3A_478 : memref<16x1024xf32, #tpu.memory_space<vmem>>)
    %add3A_482 = arith.constant 0 : i32
    %add3A_483 = arith.addi %mul3A_2, %add3A_482 : i32
    %dma_start3A_484 = arith.constant 0 : i32
    %dma_start3A_485 = arith.constant 3 : i32
    %dma_start3A_486 = arith.constant 0 : i32
    %dma_start3A_487 = arith.constant 0 : i32
    %dma_start3A_488 = tpu.memref_slice %arg5[%dma_start3A_484, %dma_start3A_486, %dma_start3A_487] : memref<2x32x1024xf32, #tpu.memory_space<vmem>> -> memref<1x32x1024xf32, #tpu.memory_space<vmem>>
    %dma_start3A_489 = tpu.memref_squeeze %dma_start3A_488 : memref<1x32x1024xf32, #tpu.memory_space<vmem>> -> memref<32x1024xf32, #tpu.memory_space<vmem>>
    %dma_start3A_490 = arith.constant 0 : i32
    %dma_start3A_491 = tpu.memref_slice %arg4[%dma_start3A_485, %add3A_483, %dma_start3A_490] : memref<8x2048x1024xf32, #tpu.memory_space<hbm>> -> memref<1x32x1024xf32, #tpu.memory_space<hbm>>
    %dma_start3A_492 = tpu.memref_squeeze %dma_start3A_491 : memref<1x32x1024xf32, #tpu.memory_space<hbm>> -> memref<32x1024xf32, #tpu.memory_space<hbm>>
    %dma_start3A_493 = arith.constant 0 : i32
    %dma_start3A_494 = tpu.memref_slice %arg4[%dma_start3A_485, %add3A_483, %dma_start3A_493] : memref<8x2048x1024xf32, #tpu.memory_space<hbm>> -> memref<1x32x1024xf32, #tpu.memory_space<hbm>>
    %dma_start3A_495 = tpu.memref_squeeze %dma_start3A_494 : memref<1x32x1024xf32, #tpu.memory_space<hbm>> -> memref<32x1024xf32, #tpu.memory_space<hbm>>
    %dma_start3A_496 = arith.constant 0 : i32
    %dma_start3A_497 = arith.constant 0 : i32
    %dma_start3A_498 = tpu.memref_slice %arg5[%dma_start3A_484, %dma_start3A_496, %dma_start3A_497] : memref<2x32x1024xf32, #tpu.memory_space<vmem>> -> memref<1x32x1024xf32, #tpu.memory_space<vmem>>
    %dma_start3A_499 = tpu.memref_squeeze %dma_start3A_498 : memref<1x32x1024xf32, #tpu.memory_space<vmem>> -> memref<32x1024xf32, #tpu.memory_space<vmem>>
    tpu.enqueue_dma source(%dma_start3A_499 : memref<32x1024xf32, #tpu.memory_space<vmem>>) target(%dma_start3A_495 : memref<32x1024xf32, #tpu.memory_space<hbm>>) target_semaphore(%arg8 : memref<!tpu.dma_semaphore, #tpu.memory_space<semaphore_mem>>)
    %dma_wait3A_500 = arith.constant 1 : i32
    %dma_wait3A_501 = arith.constant 2 : i32
    %dma_wait3A_502 = arith.constant 0 : i32
    %dma_wait3A_503 = arith.constant 0 : i32
    %dma_wait3A_504 = tpu.memref_slice %arg5[%dma_wait3A_500, %dma_wait3A_502, %dma_wait3A_503] : memref<2x32x1024xf32, #tpu.memory_space<vmem>> -> memref<1x32x1024xf32, #tpu.memory_space<vmem>>
    %dma_wait3A_505 = tpu.memref_squeeze %dma_wait3A_504 : memref<1x32x1024xf32, #tpu.memory_space<vmem>> -> memref<32x1024xf32, #tpu.memory_space<vmem>>
    %dma_wait3A_506 = arith.constant 0 : i32
    %dma_wait3A_507 = tpu.memref_slice %arg4[%dma_wait3A_501, %add3A_407, %dma_wait3A_506] : memref<8x2048x1024xf32, #tpu.memory_space<hbm>> -> memref<1x32x1024xf32, #tpu.memory_space<hbm>>
    %dma_wait3A_508 = tpu.memref_squeeze %dma_wait3A_507 : memref<1x32x1024xf32, #tpu.memory_space<hbm>> -> memref<32x1024xf32, #tpu.memory_space<hbm>>
    %dma_wait3A_509 = arith.constant 0 : i32
    %dma_wait3A_510 = tpu.memref_slice %arg4[%dma_wait3A_501, %add3A_407, %dma_wait3A_509] : memref<8x2048x1024xf32, #tpu.memory_space<hbm>> -> memref<1x32x1024xf32, #tpu.memory_space<hbm>>
    %dma_wait3A_511 = tpu.memref_squeeze %dma_wait3A_510 : memref<1x32x1024xf32, #tpu.memory_space<hbm>> -> memref<32x1024xf32, #tpu.memory_space<hbm>>
    %dma_wait3A_512 = arith.constant 0 : i32
    %dma_wait3A_513 = arith.constant 0 : i32
    %dma_wait3A_514 = tpu.memref_slice %arg5[%dma_wait3A_500, %dma_wait3A_512, %dma_wait3A_513] : memref<2x32x1024xf32, #tpu.memory_space<vmem>> -> memref<1x32x1024xf32, #tpu.memory_space<vmem>>
    %dma_wait3A_515 = tpu.memref_squeeze %dma_wait3A_514 : memref<1x32x1024xf32, #tpu.memory_space<vmem>> -> memref<32x1024xf32, #tpu.memory_space<vmem>>
    tpu.wait_dma2 semaphore(%arg8 : memref<!tpu.dma_semaphore, #tpu.memory_space<semaphore_mem>>) src(%dma_wait3A_515 : memref<32x1024xf32, #tpu.memory_space<vmem>>) dst(%dma_wait3A_511 : memref<32x1024xf32, #tpu.memory_space<hbm>>)
    %get3A_516 = arith.constant 3 : i32
    %get3A_517 = arith.index_cast %get3A_516 : i32 to index
    %get3A_518 = arith.constant 32 : index
    %get3A_519 = tpu.vector_load %arg6[%get3A_517, %get3A_518] {strides = array<i32>} : memref<8x128xi32, #tpu.memory_space<vmem>>, vector<1x16xi32>,
    %get3A_520 = vector.shape_cast %get3A_519 : vector<1x16xi32> to vector<16xi32>
    %dma_start3A_521 = arith.constant 1 : i32
    %dma_start3A_522 = arith.constant 0 : i32
    %dma_start3A_523 = arith.constant 0 : i32
    %dma_start3A_524 = tpu.memref_slice %arg5[%dma_start3A_521, %dma_start3A_522, %dma_start3A_523] : memref<2x32x1024xf32, #tpu.memory_space<vmem>> -> memref<1x16x1024xf32, #tpu.memory_space<vmem>>
    %dma_start3A_525 = tpu.memref_squeeze %dma_start3A_524 : memref<1x16x1024xf32, #tpu.memory_space<vmem>> -> memref<16x1024xf32, #tpu.memory_space<vmem>>
    %dma_start3A_526 = arith.constant 0 : i32
    %dma_start3A_527 = arith.constant 0 : i32
    %dma_start3A_528 = tpu.memref_slice %arg2[%dma_start3A_526, %dma_start3A_527] : memref<20480x1024xf32, #tpu.memory_space<hbm>> -> memref<20480x1024xf32, #tpu.memory_space<hbm>>
    tpu.enqueue_indirect_dma source(%dma_start3A_528 : memref<20480x1024xf32, #tpu.memory_space<hbm>>) target(%dma_start3A_525 : memref<16x1024xf32, #tpu.memory_space<vmem>>) offsets(%get3A_520 : vector<16xi32>) semaphore(%arg7 : memref<!tpu.dma_semaphore, #tpu.memory_space<semaphore_mem>>)
    %get3A_529 = arith.constant 3 : i32
    %get3A_530 = arith.index_cast %get3A_529 : i32 to index
    %get3A_531 = arith.constant 48 : index
    %get3A_532 = tpu.vector_load %arg6[%get3A_530, %get3A_531] {strides = array<i32>} : memref<8x128xi32, #tpu.memory_space<vmem>>, vector<1x16xi32>,
    %get3A_533 = vector.shape_cast %get3A_532 : vector<1x16xi32> to vector<16xi32>
    %dma_start3A_534 = arith.constant 1 : i32
    %dma_start3A_535 = arith.constant 16 : i32
    %dma_start3A_536 = arith.constant 0 : i32
    %dma_start3A_537 = tpu.memref_slice %arg5[%dma_start3A_534, %dma_start3A_535, %dma_start3A_536] : memref<2x32x1024xf32, #tpu.memory_space<vmem>> -> memref<1x16x1024xf32, #tpu.memory_space<vmem>>
    %dma_start3A_538 = tpu.memref_squeeze %dma_start3A_537 : memref<1x16x1024xf32, #tpu.memory_space<vmem>> -> memref<16x1024xf32, #tpu.memory_space<vmem>>
    %dma_start3A_539 = arith.constant 0 : i32
    %dma_start3A_540 = arith.constant 0 : i32
    %dma_start3A_541 = tpu.memref_slice %arg2[%dma_start3A_539, %dma_start3A_540] : memref<20480x1024xf32, #tpu.memory_space<hbm>> -> memref<20480x1024xf32, #tpu.memory_space<hbm>>
    tpu.enqueue_indirect_dma source(%dma_start3A_541 : memref<20480x1024xf32, #tpu.memory_space<hbm>>) target(%dma_start3A_538 : memref<16x1024xf32, #tpu.memory_space<vmem>>) offsets(%get3A_533 : vector<16xi32>) semaphore(%arg7 : memref<!tpu.dma_semaphore, #tpu.memory_space<semaphore_mem>>)
    %dma_wait3A_542 = arith.constant 1 : i32
    %dma_wait3A_543 = arith.constant 0 : i32
    %dma_wait3A_544 = arith.constant 0 : i32
    %dma_wait3A_545 = tpu.memref_slice %arg5[%dma_wait3A_542, %dma_wait3A_543, %dma_wait3A_544] : memref<2x32x1024xf32, #tpu.memory_space<vmem>> -> memref<1x16x1024xf32, #tpu.memory_space<vmem>>
    %dma_wait3A_546 = tpu.memref_squeeze %dma_wait3A_545 : memref<1x16x1024xf32, #tpu.memory_space<vmem>> -> memref<16x1024xf32, #tpu.memory_space<vmem>>
    %dma_wait3A_547 = arith.constant 0 : i32
    %dma_wait3A_548 = arith.constant 0 : i32
    %dma_wait3A_549 = tpu.memref_slice %arg2[%dma_wait3A_547, %dma_wait3A_548] : memref<20480x1024xf32, #tpu.memory_space<hbm>> -> memref<20480x1024xf32, #tpu.memory_space<hbm>>
    tpu.wait_indirect_dma semaphore(%arg7 : memref<!tpu.dma_semaphore, #tpu.memory_space<semaphore_mem>>) src(%dma_wait3A_549 : memref<20480x1024xf32, #tpu.memory_space<hbm>>) dst(%dma_wait3A_546 : memref<16x1024xf32, #tpu.memory_space<vmem>>)
    %dma_wait3A_550 = arith.constant 1 : i32
    %dma_wait3A_551 = arith.constant 16 : i32
    %dma_wait3A_552 = arith.constant 0 : i32
    %dma_wait3A_553 = tpu.memref_slice %arg5[%dma_wait3A_550, %dma_wait3A_551, %dma_wait3A_552] : memref<2x32x1024xf32, #tpu.memory_space<vmem>> -> memref<1x16x1024xf32, #tpu.memory_space<vmem>>
    %dma_wait3A_554 = tpu.memref_squeeze %dma_wait3A_553 : memref<1x16x1024xf32, #tpu.memory_space<vmem>> -> memref<16x1024xf32, #tpu.memory_space<vmem>>
    %dma_wait3A_555 = arith.constant 0 : i32
    %dma_wait3A_556 = arith.constant 0 : i32
    %dma_wait3A_557 = tpu.memref_slice %arg2[%dma_wait3A_555, %dma_wait3A_556] : memref<20480x1024xf32, #tpu.memory_space<hbm>> -> memref<20480x1024xf32, #tpu.memory_space<hbm>>
    tpu.wait_indirect_dma semaphore(%arg7 : memref<!tpu.dma_semaphore, #tpu.memory_space<semaphore_mem>>) src(%dma_wait3A_557 : memref<20480x1024xf32, #tpu.memory_space<hbm>>) dst(%dma_wait3A_554 : memref<16x1024xf32, #tpu.memory_space<vmem>>)
    %add3A_558 = arith.constant 32 : i32
    %add3A_559 = arith.addi %mul3A_2, %add3A_558 : i32
    %dma_start3A_560 = arith.constant 1 : i32
    %dma_start3A_561 = arith.constant 3 : i32
    %dma_start3A_562 = arith.constant 0 : i32
    %dma_start3A_563 = arith.constant 0 : i32
    %dma_start3A_564 = tpu.memref_slice %arg5[%dma_start3A_560, %dma_start3A_562, %dma_start3A_563] : memref<2x32x1024xf32, #tpu.memory_space<vmem>> -> memref<1x32x1024xf32, #tpu.memory_space<vmem>>
    %dma_start3A_565 = tpu.memref_squeeze %dma_start3A_564 : memref<1x32x1024xf32, #tpu.memory_space<vmem>> -> memref<32x1024xf32, #tpu.memory_space<vmem>>
    %dma_start3A_566 = arith.constant 0 : i32
    %dma_start3A_567 = tpu.memref_slice %arg4[%dma_start3A_561, %add3A_559, %dma_start3A_566] : memref<8x2048x1024xf32, #tpu.memory_space<hbm>> -> memref<1x32x1024xf32, #tpu.memory_space<hbm>>
    %dma_start3A_568 = tpu.memref_squeeze %dma_start3A_567 : memref<1x32x1024xf32, #tpu.memory_space<hbm>> -> memref<32x1024xf32, #tpu.memory_space<hbm>>
    %dma_start3A_569 = arith.constant 0 : i32
    %dma_start3A_570 = tpu.memref_slice %arg4[%dma_start3A_561, %add3A_559, %dma_start3A_569] : memref<8x2048x1024xf32, #tpu.memory_space<hbm>> -> memref<1x32x1024xf32, #tpu.memory_space<hbm>>
    %dma_start3A_571 = tpu.memref_squeeze %dma_start3A_570 : memref<1x32x1024xf32, #tpu.memory_space<hbm>> -> memref<32x1024xf32, #tpu.memory_space<hbm>>
    %dma_start3A_572 = arith.constant 0 : i32
    %dma_start3A_573 = arith.constant 0 : i32
    %dma_start3A_574 = tpu.memref_slice %arg5[%dma_start3A_560, %dma_start3A_572, %dma_start3A_573] : memref<2x32x1024xf32, #tpu.memory_space<vmem>> -> memref<1x32x1024xf32, #tpu.memory_space<vmem>>
    %dma_start3A_575 = tpu.memref_squeeze %dma_start3A_574 : memref<1x32x1024xf32, #tpu.memory_space<vmem>> -> memref<32x1024xf32, #tpu.memory_space<vmem>>
    tpu.enqueue_dma source(%dma_start3A_575 : memref<32x1024xf32, #tpu.memory_space<vmem>>) target(%dma_start3A_571 : memref<32x1024xf32, #tpu.memory_space<hbm>>) target_semaphore(%arg8 : memref<!tpu.dma_semaphore, #tpu.memory_space<semaphore_mem>>)
    %dma_wait3A_576 = arith.constant 0 : i32
    %dma_wait3A_577 = arith.constant 3 : i32
    %dma_wait3A_578 = arith.constant 0 : i32
    %dma_wait3A_579 = arith.constant 0 : i32
    %dma_wait3A_580 = tpu.memref_slice %arg5[%dma_wait3A_576, %dma_wait3A_578, %dma_wait3A_579] : memref<2x32x1024xf32, #tpu.memory_space<vmem>> -> memref<1x32x1024xf32, #tpu.memory_space<vmem>>
    %dma_wait3A_581 = tpu.memref_squeeze %dma_wait3A_580 : memref<1x32x1024xf32, #tpu.memory_space<vmem>> -> memref<32x1024xf32, #tpu.memory_space<vmem>>
    %dma_wait3A_582 = arith.constant 0 : i32
    %dma_wait3A_583 = tpu.memref_slice %arg4[%dma_wait3A_577, %add3A_483, %dma_wait3A_582] : memref<8x2048x1024xf32, #tpu.memory_space<hbm>> -> memref<1x32x1024xf32, #tpu.memory_space<hbm>>
    %dma_wait3A_584 = tpu.memref_squeeze %dma_wait3A_583 : memref<1x32x1024xf32, #tpu.memory_space<hbm>> -> memref<32x1024xf32, #tpu.memory_space<hbm>>
    %dma_wait3A_585 = arith.constant 0 : i32
    %dma_wait3A_586 = tpu.memref_slice %arg4[%dma_wait3A_577, %add3A_483, %dma_wait3A_585] : memref<8x2048x1024xf32, #tpu.memory_space<hbm>> -> memref<1x32x1024xf32, #tpu.memory_space<hbm>>
    %dma_wait3A_587 = tpu.memref_squeeze %dma_wait3A_586 : memref<1x32x1024xf32, #tpu.memory_space<hbm>> -> memref<32x1024xf32, #tpu.memory_space<hbm>>
    %dma_wait3A_588 = arith.constant 0 : i32
    %dma_wait3A_589 = arith.constant 0 : i32
    %dma_wait3A_590 = tpu.memref_slice %arg5[%dma_wait3A_576, %dma_wait3A_588, %dma_wait3A_589] : memref<2x32x1024xf32, #tpu.memory_space<vmem>> -> memref<1x32x1024xf32, #tpu.memory_space<vmem>>
    %dma_wait3A_591 = tpu.memref_squeeze %dma_wait3A_590 : memref<1x32x1024xf32, #tpu.memory_space<vmem>> -> memref<32x1024xf32, #tpu.memory_space<vmem>>
    tpu.wait_dma2 semaphore(%arg8 : memref<!tpu.dma_semaphore, #tpu.memory_space<semaphore_mem>>) src(%dma_wait3A_591 : memref<32x1024xf32, #tpu.memory_space<vmem>>) dst(%dma_wait3A_587 : memref<32x1024xf32, #tpu.memory_space<hbm>>)
    %get3A_592 = arith.constant 4 : i32
    %get3A_593 = arith.index_cast %get3A_592 : i32 to index
    %get3A_594 = arith.constant 0 : index
    %get3A_595 = tpu.vector_load %arg6[%get3A_593, %get3A_594] {strides = array<i32>} : memref<8x128xi32, #tpu.memory_space<vmem>>, vector<1x16xi32>,
    %get3A_596 = vector.shape_cast %get3A_595 : vector<1x16xi32> to vector<16xi32>
    %dma_start3A_597 = arith.constant 0 : i32
    %dma_start3A_598 = arith.constant 0 : i32
    %dma_start3A_599 = arith.constant 0 : i32
    %dma_start3A_600 = tpu.memref_slice %arg5[%dma_start3A_597, %dma_start3A_598, %dma_start3A_599] : memref<2x32x1024xf32, #tpu.memory_space<vmem>> -> memref<1x16x1024xf32, #tpu.memory_space<vmem>>
    %dma_start3A_601 = tpu.memref_squeeze %dma_start3A_600 : memref<1x16x1024xf32, #tpu.memory_space<vmem>> -> memref<16x1024xf32, #tpu.memory_space<vmem>>
    %dma_start3A_602 = arith.constant 0 : i32
    %dma_start3A_603 = arith.constant 0 : i32
    %dma_start3A_604 = tpu.memref_slice %arg2[%dma_start3A_602, %dma_start3A_603] : memref<20480x1024xf32, #tpu.memory_space<hbm>> -> memref<20480x1024xf32, #tpu.memory_space<hbm>>
    tpu.enqueue_indirect_dma source(%dma_start3A_604 : memref<20480x1024xf32, #tpu.memory_space<hbm>>) target(%dma_start3A_601 : memref<16x1024xf32, #tpu.memory_space<vmem>>) offsets(%get3A_596 : vector<16xi32>) semaphore(%arg7 : memref<!tpu.dma_semaphore, #tpu.memory_space<semaphore_mem>>)
    %get3A_605 = arith.constant 4 : i32
    %get3A_606 = arith.index_cast %get3A_605 : i32 to index
    %get3A_607 = arith.constant 16 : index
    %get3A_608 = tpu.vector_load %arg6[%get3A_606, %get3A_607] {strides = array<i32>} : memref<8x128xi32, #tpu.memory_space<vmem>>, vector<1x16xi32>,
    %get3A_609 = vector.shape_cast %get3A_608 : vector<1x16xi32> to vector<16xi32>
    %dma_start3A_610 = arith.constant 0 : i32
    %dma_start3A_611 = arith.constant 16 : i32
    %dma_start3A_612 = arith.constant 0 : i32
    %dma_start3A_613 = tpu.memref_slice %arg5[%dma_start3A_610, %dma_start3A_611, %dma_start3A_612] : memref<2x32x1024xf32, #tpu.memory_space<vmem>> -> memref<1x16x1024xf32, #tpu.memory_space<vmem>>
    %dma_start3A_614 = tpu.memref_squeeze %dma_start3A_613 : memref<1x16x1024xf32, #tpu.memory_space<vmem>> -> memref<16x1024xf32, #tpu.memory_space<vmem>>
    %dma_start3A_615 = arith.constant 0 : i32
    %dma_start3A_616 = arith.constant 0 : i32
    %dma_start3A_617 = tpu.memref_slice %arg2[%dma_start3A_615, %dma_start3A_616] : memref<20480x1024xf32, #tpu.memory_space<hbm>> -> memref<20480x1024xf32, #tpu.memory_space<hbm>>
    tpu.enqueue_indirect_dma source(%dma_start3A_617 : memref<20480x1024xf32, #tpu.memory_space<hbm>>) target(%dma_start3A_614 : memref<16x1024xf32, #tpu.memory_space<vmem>>) offsets(%get3A_609 : vector<16xi32>) semaphore(%arg7 : memref<!tpu.dma_semaphore, #tpu.memory_space<semaphore_mem>>)
    %dma_wait3A_618 = arith.constant 0 : i32
    %dma_wait3A_619 = arith.constant 0 : i32
    %dma_wait3A_620 = arith.constant 0 : i32
    %dma_wait3A_621 = tpu.memref_slice %arg5[%dma_wait3A_618, %dma_wait3A_619, %dma_wait3A_620] : memref<2x32x1024xf32, #tpu.memory_space<vmem>> -> memref<1x16x1024xf32, #tpu.memory_space<vmem>>
    %dma_wait3A_622 = tpu.memref_squeeze %dma_wait3A_621 : memref<1x16x1024xf32, #tpu.memory_space<vmem>> -> memref<16x1024xf32, #tpu.memory_space<vmem>>
    %dma_wait3A_623 = arith.constant 0 : i32
    %dma_wait3A_624 = arith.constant 0 : i32
    %dma_wait3A_625 = tpu.memref_slice %arg2[%dma_wait3A_623, %dma_wait3A_624] : memref<20480x1024xf32, #tpu.memory_space<hbm>> -> memref<20480x1024xf32, #tpu.memory_space<hbm>>
    tpu.wait_indirect_dma semaphore(%arg7 : memref<!tpu.dma_semaphore, #tpu.memory_space<semaphore_mem>>) src(%dma_wait3A_625 : memref<20480x1024xf32, #tpu.memory_space<hbm>>) dst(%dma_wait3A_622 : memref<16x1024xf32, #tpu.memory_space<vmem>>)
    %dma_wait3A_626 = arith.constant 0 : i32
    %dma_wait3A_627 = arith.constant 16 : i32
    %dma_wait3A_628 = arith.constant 0 : i32
    %dma_wait3A_629 = tpu.memref_slice %arg5[%dma_wait3A_626, %dma_wait3A_627, %dma_wait3A_628] : memref<2x32x1024xf32, #tpu.memory_space<vmem>> -> memref<1x16x1024xf32, #tpu.memory_space<vmem>>
    %dma_wait3A_630 = tpu.memref_squeeze %dma_wait3A_629 : memref<1x16x1024xf32, #tpu.memory_space<vmem>> -> memref<16x1024xf32, #tpu.memory_space<vmem>>
    %dma_wait3A_631 = arith.constant 0 : i32
    %dma_wait3A_632 = arith.constant 0 : i32
    %dma_wait3A_633 = tpu.memref_slice %arg2[%dma_wait3A_631, %dma_wait3A_632] : memref<20480x1024xf32, #tpu.memory_space<hbm>> -> memref<20480x1024xf32, #tpu.memory_space<hbm>>
    tpu.wait_indirect_dma semaphore(%arg7 : memref<!tpu.dma_semaphore, #tpu.memory_space<semaphore_mem>>) src(%dma_wait3A_633 : memref<20480x1024xf32, #tpu.memory_space<hbm>>) dst(%dma_wait3A_630 : memref<16x1024xf32, #tpu.memory_space<vmem>>)
    %add3A_634 = arith.constant 0 : i32
    %add3A_635 = arith.addi %mul3A_2, %add3A_634 : i32
    %dma_start3A_636 = arith.constant 0 : i32
    %dma_start3A_637 = arith.constant 4 : i32
    %dma_start3A_638 = arith.constant 0 : i32
    %dma_start3A_639 = arith.constant 0 : i32
    %dma_start3A_640 = tpu.memref_slice %arg5[%dma_start3A_636, %dma_start3A_638, %dma_start3A_639] : memref<2x32x1024xf32, #tpu.memory_space<vmem>> -> memref<1x32x1024xf32, #tpu.memory_space<vmem>>
    %dma_start3A_641 = tpu.memref_squeeze %dma_start3A_640 : memref<1x32x1024xf32, #tpu.memory_space<vmem>> -> memref<32x1024xf32, #tpu.memory_space<vmem>>
    %dma_start3A_642 = arith.constant 0 : i32
    %dma_start3A_643 = tpu.memref_slice %arg4[%dma_start3A_637, %add3A_635, %dma_start3A_642] : memref<8x2048x1024xf32, #tpu.memory_space<hbm>> -> memref<1x32x1024xf32, #tpu.memory_space<hbm>>
    %dma_start3A_644 = tpu.memref_squeeze %dma_start3A_643 : memref<1x32x1024xf32, #tpu.memory_space<hbm>> -> memref<32x1024xf32, #tpu.memory_space<hbm>>
    %dma_start3A_645 = arith.constant 0 : i32
    %dma_start3A_646 = tpu.memref_slice %arg4[%dma_start3A_637, %add3A_635, %dma_start3A_645] : memref<8x2048x1024xf32, #tpu.memory_space<hbm>> -> memref<1x32x1024xf32, #tpu.memory_space<hbm>>
    %dma_start3A_647 = tpu.memref_squeeze %dma_start3A_646 : memref<1x32x1024xf32, #tpu.memory_space<hbm>> -> memref<32x1024xf32, #tpu.memory_space<hbm>>
    %dma_start3A_648 = arith.constant 0 : i32
    %dma_start3A_649 = arith.constant 0 : i32
    %dma_start3A_650 = tpu.memref_slice %arg5[%dma_start3A_636, %dma_start3A_648, %dma_start3A_649] : memref<2x32x1024xf32, #tpu.memory_space<vmem>> -> memref<1x32x1024xf32, #tpu.memory_space<vmem>>
    %dma_start3A_651 = tpu.memref_squeeze %dma_start3A_650 : memref<1x32x1024xf32, #tpu.memory_space<vmem>> -> memref<32x1024xf32, #tpu.memory_space<vmem>>
    tpu.enqueue_dma source(%dma_start3A_651 : memref<32x1024xf32, #tpu.memory_space<vmem>>) target(%dma_start3A_647 : memref<32x1024xf32, #tpu.memory_space<hbm>>) target_semaphore(%arg8 : memref<!tpu.dma_semaphore, #tpu.memory_space<semaphore_mem>>)
    %dma_wait3A_652 = arith.constant 1 : i32
    %dma_wait3A_653 = arith.constant 3 : i32
    %dma_wait3A_654 = arith.constant 0 : i32
    %dma_wait3A_655 = arith.constant 0 : i32
    %dma_wait3A_656 = tpu.memref_slice %arg5[%dma_wait3A_652, %dma_wait3A_654, %dma_wait3A_655] : memref<2x32x1024xf32, #tpu.memory_space<vmem>> -> memref<1x32x1024xf32, #tpu.memory_space<vmem>>
    %dma_wait3A_657 = tpu.memref_squeeze %dma_wait3A_656 : memref<1x32x1024xf32, #tpu.memory_space<vmem>> -> memref<32x1024xf32, #tpu.memory_space<vmem>>
    %dma_wait3A_658 = arith.constant 0 : i32
    %dma_wait3A_659 = tpu.memref_slice %arg4[%dma_wait3A_653, %add3A_559, %dma_wait3A_658] : memref<8x2048x1024xf32, #tpu.memory_space<hbm>> -> memref<1x32x1024xf32, #tpu.memory_space<hbm>>
    %dma_wait3A_660 = tpu.memref_squeeze %dma_wait3A_659 : memref<1x32x1024xf32, #tpu.memory_space<hbm>> -> memref<32x1024xf32, #tpu.memory_space<hbm>>
    %dma_wait3A_661 = arith.constant 0 : i32
    %dma_wait3A_662 = tpu.memref_slice %arg4[%dma_wait3A_653, %add3A_559, %dma_wait3A_661] : memref<8x2048x1024xf32, #tpu.memory_space<hbm>> -> memref<1x32x1024xf32, #tpu.memory_space<hbm>>
    %dma_wait3A_663 = tpu.memref_squeeze %dma_wait3A_662 : memref<1x32x1024xf32, #tpu.memory_space<hbm>> -> memref<32x1024xf32, #tpu.memory_space<hbm>>
    %dma_wait3A_664 = arith.constant 0 : i32
    %dma_wait3A_665 = arith.constant 0 : i32
    %dma_wait3A_666 = tpu.memref_slice %arg5[%dma_wait3A_652, %dma_wait3A_664, %dma_wait3A_665] : memref<2x32x1024xf32, #tpu.memory_space<vmem>> -> memref<1x32x1024xf32, #tpu.memory_space<vmem>>
    %dma_wait3A_667 = tpu.memref_squeeze %dma_wait3A_666 : memref<1x32x1024xf32, #tpu.memory_space<vmem>> -> memref<32x1024xf32, #tpu.memory_space<vmem>>
    tpu.wait_dma2 semaphore(%arg8 : memref<!tpu.dma_semaphore, #tpu.memory_space<semaphore_mem>>) src(%dma_wait3A_667 : memref<32x1024xf32, #tpu.memory_space<vmem>>) dst(%dma_wait3A_663 : memref<32x1024xf32, #tpu.memory_space<hbm>>)
    %get3A_668 = arith.constant 4 : i32
    %get3A_669 = arith.index_cast %get3A_668 : i32 to index
    %get3A_670 = arith.constant 32 : index
    %get3A_671 = tpu.vector_load %arg6[%get3A_669, %get3A_670] {strides = array<i32>} : memref<8x128xi32, #tpu.memory_space<vmem>>, vector<1x16xi32>,
    %get3A_672 = vector.shape_cast %get3A_671 : vector<1x16xi32> to vector<16xi32>
    %dma_start3A_673 = arith.constant 1 : i32
    %dma_start3A_674 = arith.constant 0 : i32
    %dma_start3A_675 = arith.constant 0 : i32
    %dma_start3A_676 = tpu.memref_slice %arg5[%dma_start3A_673, %dma_start3A_674, %dma_start3A_675] : memref<2x32x1024xf32, #tpu.memory_space<vmem>> -> memref<1x16x1024xf32, #tpu.memory_space<vmem>>
    %dma_start3A_677 = tpu.memref_squeeze %dma_start3A_676 : memref<1x16x1024xf32, #tpu.memory_space<vmem>> -> memref<16x1024xf32, #tpu.memory_space<vmem>>
    %dma_start3A_678 = arith.constant 0 : i32
    %dma_start3A_679 = arith.constant 0 : i32
    %dma_start3A_680 = tpu.memref_slice %arg2[%dma_start3A_678, %dma_start3A_679] : memref<20480x1024xf32, #tpu.memory_space<hbm>> -> memref<20480x1024xf32, #tpu.memory_space<hbm>>
    tpu.enqueue_indirect_dma source(%dma_start3A_680 : memref<20480x1024xf32, #tpu.memory_space<hbm>>) target(%dma_start3A_677 : memref<16x1024xf32, #tpu.memory_space<vmem>>) offsets(%get3A_672 : vector<16xi32>) semaphore(%arg7 : memref<!tpu.dma_semaphore, #tpu.memory_space<semaphore_mem>>)
    %get3A_681 = arith.constant 4 : i32
    %get3A_682 = arith.index_cast %get3A_681 : i32 to index
    %get3A_683 = arith.constant 48 : index
    %get3A_684 = tpu.vector_load %arg6[%get3A_682, %get3A_683] {strides = array<i32>} : memref<8x128xi32, #tpu.memory_space<vmem>>, vector<1x16xi32>,
    %get3A_685 = vector.shape_cast %get3A_684 : vector<1x16xi32> to vector<16xi32>
    %dma_start3A_686 = arith.constant 1 : i32
    %dma_start3A_687 = arith.constant 16 : i32
    %dma_start3A_688 = arith.constant 0 : i32
    %dma_start3A_689 = tpu.memref_slice %arg5[%dma_start3A_686, %dma_start3A_687, %dma_start3A_688] : memref<2x32x1024xf32, #tpu.memory_space<vmem>> -> memref<1x16x1024xf32, #tpu.memory_space<vmem>>
    %dma_start3A_690 = tpu.memref_squeeze %dma_start3A_689 : memref<1x16x1024xf32, #tpu.memory_space<vmem>> -> memref<16x1024xf32, #tpu.memory_space<vmem>>
    %dma_start3A_691 = arith.constant 0 : i32
    %dma_start3A_692 = arith.constant 0 : i32
    %dma_start3A_693 = tpu.memref_slice %arg2[%dma_start3A_691, %dma_start3A_692] : memref<20480x1024xf32, #tpu.memory_space<hbm>> -> memref<20480x1024xf32, #tpu.memory_space<hbm>>
    tpu.enqueue_indirect_dma source(%dma_start3A_693 : memref<20480x1024xf32, #tpu.memory_space<hbm>>) target(%dma_start3A_690 : memref<16x1024xf32, #tpu.memory_space<vmem>>) offsets(%get3A_685 : vector<16xi32>) semaphore(%arg7 : memref<!tpu.dma_semaphore, #tpu.memory_space<semaphore_mem>>)
    %dma_wait3A_694 = arith.constant 1 : i32
    %dma_wait3A_695 = arith.constant 0 : i32
    %dma_wait3A_696 = arith.constant 0 : i32
    %dma_wait3A_697 = tpu.memref_slice %arg5[%dma_wait3A_694, %dma_wait3A_695, %dma_wait3A_696] : memref<2x32x1024xf32, #tpu.memory_space<vmem>> -> memref<1x16x1024xf32, #tpu.memory_space<vmem>>
    %dma_wait3A_698 = tpu.memref_squeeze %dma_wait3A_697 : memref<1x16x1024xf32, #tpu.memory_space<vmem>> -> memref<16x1024xf32, #tpu.memory_space<vmem>>
    %dma_wait3A_699 = arith.constant 0 : i32
    %dma_wait3A_700 = arith.constant 0 : i32
    %dma_wait3A_701 = tpu.memref_slice %arg2[%dma_wait3A_699, %dma_wait3A_700] : memref<20480x1024xf32, #tpu.memory_space<hbm>> -> memref<20480x1024xf32, #tpu.memory_space<hbm>>
    tpu.wait_indirect_dma semaphore(%arg7 : memref<!tpu.dma_semaphore, #tpu.memory_space<semaphore_mem>>) src(%dma_wait3A_701 : memref<20480x1024xf32, #tpu.memory_space<hbm>>) dst(%dma_wait3A_698 : memref<16x1024xf32, #tpu.memory_space<vmem>>)
    %dma_wait3A_702 = arith.constant 1 : i32
    %dma_wait3A_703 = arith.constant 16 : i32
    %dma_wait3A_704 = arith.constant 0 : i32
    %dma_wait3A_705 = tpu.memref_slice %arg5[%dma_wait3A_702, %dma_wait3A_703, %dma_wait3A_704] : memref<2x32x1024xf32, #tpu.memory_space<vmem>> -> memref<1x16x1024xf32, #tpu.memory_space<vmem>>
    %dma_wait3A_706 = tpu.memref_squeeze %dma_wait3A_705 : memref<1x16x1024xf32, #tpu.memory_space<vmem>> -> memref<16x1024xf32, #tpu.memory_space<vmem>>
    %dma_wait3A_707 = arith.constant 0 : i32
    %dma_wait3A_708 = arith.constant 0 : i32
    %dma_wait3A_709 = tpu.memref_slice %arg2[%dma_wait3A_707, %dma_wait3A_708] : memref<20480x1024xf32, #tpu.memory_space<hbm>> -> memref<20480x1024xf32, #tpu.memory_space<hbm>>
    tpu.wait_indirect_dma semaphore(%arg7 : memref<!tpu.dma_semaphore, #tpu.memory_space<semaphore_mem>>) src(%dma_wait3A_709 : memref<20480x1024xf32, #tpu.memory_space<hbm>>) dst(%dma_wait3A_706 : memref<16x1024xf32, #tpu.memory_space<vmem>>)
    %add3A_710 = arith.constant 32 : i32
    %add3A_711 = arith.addi %mul3A_2, %add3A_710 : i32
    %dma_start3A_712 = arith.constant 1 : i32
    %dma_start3A_713 = arith.constant 4 : i32
    %dma_start3A_714 = arith.constant 0 : i32
    %dma_start3A_715 = arith.constant 0 : i32
    %dma_start3A_716 = tpu.memref_slice %arg5[%dma_start3A_712, %dma_start3A_714, %dma_start3A_715] : memref<2x32x1024xf32, #tpu.memory_space<vmem>> -> memref<1x32x1024xf32, #tpu.memory_space<vmem>>
    %dma_start3A_717 = tpu.memref_squeeze %dma_start3A_716 : memref<1x32x1024xf32, #tpu.memory_space<vmem>> -> memref<32x1024xf32, #tpu.memory_space<vmem>>
    %dma_start3A_718 = arith.constant 0 : i32
    %dma_start3A_719 = tpu.memref_slice %arg4[%dma_start3A_713, %add3A_711, %dma_start3A_718] : memref<8x2048x1024xf32, #tpu.memory_space<hbm>> -> memref<1x32x1024xf32, #tpu.memory_space<hbm>>
    %dma_start3A_720 = tpu.memref_squeeze %dma_start3A_719 : memref<1x32x1024xf32, #tpu.memory_space<hbm>> -> memref<32x1024xf32, #tpu.memory_space<hbm>>
    %dma_start3A_721 = arith.constant 0 : i32
    %dma_start3A_722 = tpu.memref_slice %arg4[%dma_start3A_713, %add3A_711, %dma_start3A_721] : memref<8x2048x1024xf32, #tpu.memory_space<hbm>> -> memref<1x32x1024xf32, #tpu.memory_space<hbm>>
    %dma_start3A_723 = tpu.memref_squeeze %dma_start3A_722 : memref<1x32x1024xf32, #tpu.memory_space<hbm>> -> memref<32x1024xf32, #tpu.memory_space<hbm>>
    %dma_start3A_724 = arith.constant 0 : i32
    %dma_start3A_725 = arith.constant 0 : i32
    %dma_start3A_726 = tpu.memref_slice %arg5[%dma_start3A_712, %dma_start3A_724, %dma_start3A_725] : memref<2x32x1024xf32, #tpu.memory_space<vmem>> -> memref<1x32x1024xf32, #tpu.memory_space<vmem>>
    %dma_start3A_727 = tpu.memref_squeeze %dma_start3A_726 : memref<1x32x1024xf32, #tpu.memory_space<vmem>> -> memref<32x1024xf32, #tpu.memory_space<vmem>>
    tpu.enqueue_dma source(%dma_start3A_727 : memref<32x1024xf32, #tpu.memory_space<vmem>>) target(%dma_start3A_723 : memref<32x1024xf32, #tpu.memory_space<hbm>>) target_semaphore(%arg8 : memref<!tpu.dma_semaphore, #tpu.memory_space<semaphore_mem>>)
    %dma_wait3A_728 = arith.constant 0 : i32
    %dma_wait3A_729 = arith.constant 4 : i32
    %dma_wait3A_730 = arith.constant 0 : i32
    %dma_wait3A_731 = arith.constant 0 : i32
    %dma_wait3A_732 = tpu.memref_slice %arg5[%dma_wait3A_728, %dma_wait3A_730, %dma_wait3A_731] : memref<2x32x1024xf32, #tpu.memory_space<vmem>> -> memref<1x32x1024xf32, #tpu.memory_space<vmem>>
    %dma_wait3A_733 = tpu.memref_squeeze %dma_wait3A_732 : memref<1x32x1024xf32, #tpu.memory_space<vmem>> -> memref<32x1024xf32, #tpu.memory_space<vmem>>
    %dma_wait3A_734 = arith.constant 0 : i32
    %dma_wait3A_735 = tpu.memref_slice %arg4[%dma_wait3A_729, %add3A_635, %dma_wait3A_734] : memref<8x2048x1024xf32, #tpu.memory_space<hbm>> -> memref<1x32x1024xf32, #tpu.memory_space<hbm>>
    %dma_wait3A_736 = tpu.memref_squeeze %dma_wait3A_735 : memref<1x32x1024xf32, #tpu.memory_space<hbm>> -> memref<32x1024xf32, #tpu.memory_space<hbm>>
    %dma_wait3A_737 = arith.constant 0 : i32
    %dma_wait3A_738 = tpu.memref_slice %arg4[%dma_wait3A_729, %add3A_635, %dma_wait3A_737] : memref<8x2048x1024xf32, #tpu.memory_space<hbm>> -> memref<1x32x1024xf32, #tpu.memory_space<hbm>>
    %dma_wait3A_739 = tpu.memref_squeeze %dma_wait3A_738 : memref<1x32x1024xf32, #tpu.memory_space<hbm>> -> memref<32x1024xf32, #tpu.memory_space<hbm>>
    %dma_wait3A_740 = arith.constant 0 : i32
    %dma_wait3A_741 = arith.constant 0 : i32
    %dma_wait3A_742 = tpu.memref_slice %arg5[%dma_wait3A_728, %dma_wait3A_740, %dma_wait3A_741] : memref<2x32x1024xf32, #tpu.memory_space<vmem>> -> memref<1x32x1024xf32, #tpu.memory_space<vmem>>
    %dma_wait3A_743 = tpu.memref_squeeze %dma_wait3A_742 : memref<1x32x1024xf32, #tpu.memory_space<vmem>> -> memref<32x1024xf32, #tpu.memory_space<vmem>>
    tpu.wait_dma2 semaphore(%arg8 : memref<!tpu.dma_semaphore, #tpu.memory_space<semaphore_mem>>) src(%dma_wait3A_743 : memref<32x1024xf32, #tpu.memory_space<vmem>>) dst(%dma_wait3A_739 : memref<32x1024xf32, #tpu.memory_space<hbm>>)
    %get3A_744 = arith.constant 5 : i32
    %get3A_745 = arith.index_cast %get3A_744 : i32 to index
    %get3A_746 = arith.constant 0 : index
    %get3A_747 = tpu.vector_load %arg6[%get3A_745, %get3A_746] {strides = array<i32>} : memref<8x128xi32, #tpu.memory_space<vmem>>, vector<1x16xi32>,
    %get3A_748 = vector.shape_cast %get3A_747 : vector<1x16xi32> to vector<16xi32>
    %dma_start3A_749 = arith.constant 0 : i32
    %dma_start3A_750 = arith.constant 0 : i32
    %dma_start3A_751 = arith.constant 0 : i32
    %dma_start3A_752 = tpu.memref_slice %arg5[%dma_start3A_749, %dma_start3A_750, %dma_start3A_751] : memref<2x32x1024xf32, #tpu.memory_space<vmem>> -> memref<1x16x1024xf32, #tpu.memory_space<vmem>>
    %dma_start3A_753 = tpu.memref_squeeze %dma_start3A_752 : memref<1x16x1024xf32, #tpu.memory_space<vmem>> -> memref<16x1024xf32, #tpu.memory_space<vmem>>
    %dma_start3A_754 = arith.constant 0 : i32
    %dma_start3A_755 = arith.constant 0 : i32
    %dma_start3A_756 = tpu.memref_slice %arg2[%dma_start3A_754, %dma_start3A_755] : memref<20480x1024xf32, #tpu.memory_space<hbm>> -> memref<20480x1024xf32, #tpu.memory_space<hbm>>
    tpu.enqueue_indirect_dma source(%dma_start3A_756 : memref<20480x1024xf32, #tpu.memory_space<hbm>>) target(%dma_start3A_753 : memref<16x1024xf32, #tpu.memory_space<vmem>>) offsets(%get3A_748 : vector<16xi32>) semaphore(%arg7 : memref<!tpu.dma_semaphore, #tpu.memory_space<semaphore_mem>>)
    %get3A_757 = arith.constant 5 : i32
    %get3A_758 = arith.index_cast %get3A_757 : i32 to index
    %get3A_759 = arith.constant 16 : index
    %get3A_760 = tpu.vector_load %arg6[%get3A_758, %get3A_759] {strides = array<i32>} : memref<8x128xi32, #tpu.memory_space<vmem>>, vector<1x16xi32>,
    %get3A_761 = vector.shape_cast %get3A_760 : vector<1x16xi32> to vector<16xi32>
    %dma_start3A_762 = arith.constant 0 : i32
    %dma_start3A_763 = arith.constant 16 : i32
    %dma_start3A_764 = arith.constant 0 : i32
    %dma_start3A_765 = tpu.memref_slice %arg5[%dma_start3A_762, %dma_start3A_763, %dma_start3A_764] : memref<2x32x1024xf32, #tpu.memory_space<vmem>> -> memref<1x16x1024xf32, #tpu.memory_space<vmem>>
    %dma_start3A_766 = tpu.memref_squeeze %dma_start3A_765 : memref<1x16x1024xf32, #tpu.memory_space<vmem>> -> memref<16x1024xf32, #tpu.memory_space<vmem>>
    %dma_start3A_767 = arith.constant 0 : i32
    %dma_start3A_768 = arith.constant 0 : i32
    %dma_start3A_769 = tpu.memref_slice %arg2[%dma_start3A_767, %dma_start3A_768] : memref<20480x1024xf32, #tpu.memory_space<hbm>> -> memref<20480x1024xf32, #tpu.memory_space<hbm>>
    tpu.enqueue_indirect_dma source(%dma_start3A_769 : memref<20480x1024xf32, #tpu.memory_space<hbm>>) target(%dma_start3A_766 : memref<16x1024xf32, #tpu.memory_space<vmem>>) offsets(%get3A_761 : vector<16xi32>) semaphore(%arg7 : memref<!tpu.dma_semaphore, #tpu.memory_space<semaphore_mem>>)
    %dma_wait3A_770 = arith.constant 0 : i32
    %dma_wait3A_771 = arith.constant 0 : i32
    %dma_wait3A_772 = arith.constant 0 : i32
    %dma_wait3A_773 = tpu.memref_slice %arg5[%dma_wait3A_770, %dma_wait3A_771, %dma_wait3A_772] : memref<2x32x1024xf32, #tpu.memory_space<vmem>> -> memref<1x16x1024xf32, #tpu.memory_space<vmem>>
    %dma_wait3A_774 = tpu.memref_squeeze %dma_wait3A_773 : memref<1x16x1024xf32, #tpu.memory_space<vmem>> -> memref<16x1024xf32, #tpu.memory_space<vmem>>
    %dma_wait3A_775 = arith.constant 0 : i32
    %dma_wait3A_776 = arith.constant 0 : i32
    %dma_wait3A_777 = tpu.memref_slice %arg2[%dma_wait3A_775, %dma_wait3A_776] : memref<20480x1024xf32, #tpu.memory_space<hbm>> -> memref<20480x1024xf32, #tpu.memory_space<hbm>>
    tpu.wait_indirect_dma semaphore(%arg7 : memref<!tpu.dma_semaphore, #tpu.memory_space<semaphore_mem>>) src(%dma_wait3A_777 : memref<20480x1024xf32, #tpu.memory_space<hbm>>) dst(%dma_wait3A_774 : memref<16x1024xf32, #tpu.memory_space<vmem>>)
    %dma_wait3A_778 = arith.constant 0 : i32
    %dma_wait3A_779 = arith.constant 16 : i32
    %dma_wait3A_780 = arith.constant 0 : i32
    %dma_wait3A_781 = tpu.memref_slice %arg5[%dma_wait3A_778, %dma_wait3A_779, %dma_wait3A_780] : memref<2x32x1024xf32, #tpu.memory_space<vmem>> -> memref<1x16x1024xf32, #tpu.memory_space<vmem>>
    %dma_wait3A_782 = tpu.memref_squeeze %dma_wait3A_781 : memref<1x16x1024xf32, #tpu.memory_space<vmem>> -> memref<16x1024xf32, #tpu.memory_space<vmem>>
    %dma_wait3A_783 = arith.constant 0 : i32
    %dma_wait3A_784 = arith.constant 0 : i32
    %dma_wait3A_785 = tpu.memref_slice %arg2[%dma_wait3A_783, %dma_wait3A_784] : memref<20480x1024xf32, #tpu.memory_space<hbm>> -> memref<20480x1024xf32, #tpu.memory_space<hbm>>
    tpu.wait_indirect_dma semaphore(%arg7 : memref<!tpu.dma_semaphore, #tpu.memory_space<semaphore_mem>>) src(%dma_wait3A_785 : memref<20480x1024xf32, #tpu.memory_space<hbm>>) dst(%dma_wait3A_782 : memref<16x1024xf32, #tpu.memory_space<vmem>>)
    %add3A_786 = arith.constant 0 : i32
    %add3A_787 = arith.addi %mul3A_2, %add3A_786 : i32
    %dma_start3A_788 = arith.constant 0 : i32
    %dma_start3A_789 = arith.constant 5 : i32
    %dma_start3A_790 = arith.constant 0 : i32
    %dma_start3A_791 = arith.constant 0 : i32
    %dma_start3A_792 = tpu.memref_slice %arg5[%dma_start3A_788, %dma_start3A_790, %dma_start3A_791] : memref<2x32x1024xf32, #tpu.memory_space<vmem>> -> memref<1x32x1024xf32, #tpu.memory_space<vmem>>
    %dma_start3A_793 = tpu.memref_squeeze %dma_start3A_792 : memref<1x32x1024xf32, #tpu.memory_space<vmem>> -> memref<32x1024xf32, #tpu.memory_space<vmem>>
    %dma_start3A_794 = arith.constant 0 : i32
    %dma_start3A_795 = tpu.memref_slice %arg4[%dma_start3A_789, %add3A_787, %dma_start3A_794] : memref<8x2048x1024xf32, #tpu.memory_space<hbm>> -> memref<1x32x1024xf32, #tpu.memory_space<hbm>>
    %dma_start3A_796 = tpu.memref_squeeze %dma_start3A_795 : memref<1x32x1024xf32, #tpu.memory_space<hbm>> -> memref<32x1024xf32, #tpu.memory_space<hbm>>
    %dma_start3A_797 = arith.constant 0 : i32
    %dma_start3A_798 = tpu.memref_slice %arg4[%dma_start3A_789, %add3A_787, %dma_start3A_797] : memref<8x2048x1024xf32, #tpu.memory_space<hbm>> -> memref<1x32x1024xf32, #tpu.memory_space<hbm>>
    %dma_start3A_799 = tpu.memref_squeeze %dma_start3A_798 : memref<1x32x1024xf32, #tpu.memory_space<hbm>> -> memref<32x1024xf32, #tpu.memory_space<hbm>>
    %dma_start3A_800 = arith.constant 0 : i32
    %dma_start3A_801 = arith.constant 0 : i32
    %dma_start3A_802 = tpu.memref_slice %arg5[%dma_start3A_788, %dma_start3A_800, %dma_start3A_801] : memref<2x32x1024xf32, #tpu.memory_space<vmem>> -> memref<1x32x1024xf32, #tpu.memory_space<vmem>>
    %dma_start3A_803 = tpu.memref_squeeze %dma_start3A_802 : memref<1x32x1024xf32, #tpu.memory_space<vmem>> -> memref<32x1024xf32, #tpu.memory_space<vmem>>
    tpu.enqueue_dma source(%dma_start3A_803 : memref<32x1024xf32, #tpu.memory_space<vmem>>) target(%dma_start3A_799 : memref<32x1024xf32, #tpu.memory_space<hbm>>) target_semaphore(%arg8 : memref<!tpu.dma_semaphore, #tpu.memory_space<semaphore_mem>>)
    %dma_wait3A_804 = arith.constant 1 : i32
    %dma_wait3A_805 = arith.constant 4 : i32
    %dma_wait3A_806 = arith.constant 0 : i32
    %dma_wait3A_807 = arith.constant 0 : i32
    %dma_wait3A_808 = tpu.memref_slice %arg5[%dma_wait3A_804, %dma_wait3A_806, %dma_wait3A_807] : memref<2x32x1024xf32, #tpu.memory_space<vmem>> -> memref<1x32x1024xf32, #tpu.memory_space<vmem>>
    %dma_wait3A_809 = tpu.memref_squeeze %dma_wait3A_808 : memref<1x32x1024xf32, #tpu.memory_space<vmem>> -> memref<32x1024xf32, #tpu.memory_space<vmem>>
    %dma_wait3A_810 = arith.constant 0 : i32
    %dma_wait3A_811 = tpu.memref_slice %arg4[%dma_wait3A_805, %add3A_711, %dma_wait3A_810] : memref<8x2048x1024xf32, #tpu.memory_space<hbm>> -> memref<1x32x1024xf32, #tpu.memory_space<hbm>>
    %dma_wait3A_812 = tpu.memref_squeeze %dma_wait3A_811 : memref<1x32x1024xf32, #tpu.memory_space<hbm>> -> memref<32x1024xf32, #tpu.memory_space<hbm>>
    %dma_wait3A_813 = arith.constant 0 : i32
    %dma_wait3A_814 = tpu.memref_slice %arg4[%dma_wait3A_805, %add3A_711, %dma_wait3A_813] : memref<8x2048x1024xf32, #tpu.memory_space<hbm>> -> memref<1x32x1024xf32, #tpu.memory_space<hbm>>
    %dma_wait3A_815 = tpu.memref_squeeze %dma_wait3A_814 : memref<1x32x1024xf32, #tpu.memory_space<hbm>> -> memref<32x1024xf32, #tpu.memory_space<hbm>>
    %dma_wait3A_816 = arith.constant 0 : i32
    %dma_wait3A_817 = arith.constant 0 : i32
    %dma_wait3A_818 = tpu.memref_slice %arg5[%dma_wait3A_804, %dma_wait3A_816, %dma_wait3A_817] : memref<2x32x1024xf32, #tpu.memory_space<vmem>> -> memref<1x32x1024xf32, #tpu.memory_space<vmem>>
    %dma_wait3A_819 = tpu.memref_squeeze %dma_wait3A_818 : memref<1x32x1024xf32, #tpu.memory_space<vmem>> -> memref<32x1024xf32, #tpu.memory_space<vmem>>
    tpu.wait_dma2 semaphore(%arg8 : memref<!tpu.dma_semaphore, #tpu.memory_space<semaphore_mem>>) src(%dma_wait3A_819 : memref<32x1024xf32, #tpu.memory_space<vmem>>) dst(%dma_wait3A_815 : memref<32x1024xf32, #tpu.memory_space<hbm>>)
    %get3A_820 = arith.constant 5 : i32
    %get3A_821 = arith.index_cast %get3A_820 : i32 to index
    %get3A_822 = arith.constant 32 : index
    %get3A_823 = tpu.vector_load %arg6[%get3A_821, %get3A_822] {strides = array<i32>} : memref<8x128xi32, #tpu.memory_space<vmem>>, vector<1x16xi32>,
    %get3A_824 = vector.shape_cast %get3A_823 : vector<1x16xi32> to vector<16xi32>
    %dma_start3A_825 = arith.constant 1 : i32
    %dma_start3A_826 = arith.constant 0 : i32
    %dma_start3A_827 = arith.constant 0 : i32
    %dma_start3A_828 = tpu.memref_slice %arg5[%dma_start3A_825, %dma_start3A_826, %dma_start3A_827] : memref<2x32x1024xf32, #tpu.memory_space<vmem>> -> memref<1x16x1024xf32, #tpu.memory_space<vmem>>
    %dma_start3A_829 = tpu.memref_squeeze %dma_start3A_828 : memref<1x16x1024xf32, #tpu.memory_space<vmem>> -> memref<16x1024xf32, #tpu.memory_space<vmem>>
    %dma_start3A_830 = arith.constant 0 : i32
    %dma_start3A_831 = arith.constant 0 : i32
    %dma_start3A_832 = tpu.memref_slice %arg2[%dma_start3A_830, %dma_start3A_831] : memref<20480x1024xf32, #tpu.memory_space<hbm>> -> memref<20480x1024xf32, #tpu.memory_space<hbm>>
    tpu.enqueue_indirect_dma source(%dma_start3A_832 : memref<20480x1024xf32, #tpu.memory_space<hbm>>) target(%dma_start3A_829 : memref<16x1024xf32, #tpu.memory_space<vmem>>) offsets(%get3A_824 : vector<16xi32>) semaphore(%arg7 : memref<!tpu.dma_semaphore, #tpu.memory_space<semaphore_mem>>)
    %get3A_833 = arith.constant 5 : i32
    %get3A_834 = arith.index_cast %get3A_833 : i32 to index
    %get3A_835 = arith.constant 48 : index
    %get3A_836 = tpu.vector_load %arg6[%get3A_834, %get3A_835] {strides = array<i32>} : memref<8x128xi32, #tpu.memory_space<vmem>>, vector<1x16xi32>,
    %get3A_837 = vector.shape_cast %get3A_836 : vector<1x16xi32> to vector<16xi32>
    %dma_start3A_838 = arith.constant 1 : i32
    %dma_start3A_839 = arith.constant 16 : i32
    %dma_start3A_840 = arith.constant 0 : i32
    %dma_start3A_841 = tpu.memref_slice %arg5[%dma_start3A_838, %dma_start3A_839, %dma_start3A_840] : memref<2x32x1024xf32, #tpu.memory_space<vmem>> -> memref<1x16x1024xf32, #tpu.memory_space<vmem>>
    %dma_start3A_842 = tpu.memref_squeeze %dma_start3A_841 : memref<1x16x1024xf32, #tpu.memory_space<vmem>> -> memref<16x1024xf32, #tpu.memory_space<vmem>>
    %dma_start3A_843 = arith.constant 0 : i32
    %dma_start3A_844 = arith.constant 0 : i32
    %dma_start3A_845 = tpu.memref_slice %arg2[%dma_start3A_843, %dma_start3A_844] : memref<20480x1024xf32, #tpu.memory_space<hbm>> -> memref<20480x1024xf32, #tpu.memory_space<hbm>>
    tpu.enqueue_indirect_dma source(%dma_start3A_845 : memref<20480x1024xf32, #tpu.memory_space<hbm>>) target(%dma_start3A_842 : memref<16x1024xf32, #tpu.memory_space<vmem>>) offsets(%get3A_837 : vector<16xi32>) semaphore(%arg7 : memref<!tpu.dma_semaphore, #tpu.memory_space<semaphore_mem>>)
    %dma_wait3A_846 = arith.constant 1 : i32
    %dma_wait3A_847 = arith.constant 0 : i32
    %dma_wait3A_848 = arith.constant 0 : i32
    %dma_wait3A_849 = tpu.memref_slice %arg5[%dma_wait3A_846, %dma_wait3A_847, %dma_wait3A_848] : memref<2x32x1024xf32, #tpu.memory_space<vmem>> -> memref<1x16x1024xf32, #tpu.memory_space<vmem>>
    %dma_wait3A_850 = tpu.memref_squeeze %dma_wait3A_849 : memref<1x16x1024xf32, #tpu.memory_space<vmem>> -> memref<16x1024xf32, #tpu.memory_space<vmem>>
    %dma_wait3A_851 = arith.constant 0 : i32
    %dma_wait3A_852 = arith.constant 0 : i32
    %dma_wait3A_853 = tpu.memref_slice %arg2[%dma_wait3A_851, %dma_wait3A_852] : memref<20480x1024xf32, #tpu.memory_space<hbm>> -> memref<20480x1024xf32, #tpu.memory_space<hbm>>
    tpu.wait_indirect_dma semaphore(%arg7 : memref<!tpu.dma_semaphore, #tpu.memory_space<semaphore_mem>>) src(%dma_wait3A_853 : memref<20480x1024xf32, #tpu.memory_space<hbm>>) dst(%dma_wait3A_850 : memref<16x1024xf32, #tpu.memory_space<vmem>>)
    %dma_wait3A_854 = arith.constant 1 : i32
    %dma_wait3A_855 = arith.constant 16 : i32
    %dma_wait3A_856 = arith.constant 0 : i32
    %dma_wait3A_857 = tpu.memref_slice %arg5[%dma_wait3A_854, %dma_wait3A_855, %dma_wait3A_856] : memref<2x32x1024xf32, #tpu.memory_space<vmem>> -> memref<1x16x1024xf32, #tpu.memory_space<vmem>>
    %dma_wait3A_858 = tpu.memref_squeeze %dma_wait3A_857 : memref<1x16x1024xf32, #tpu.memory_space<vmem>> -> memref<16x1024xf32, #tpu.memory_space<vmem>>
    %dma_wait3A_859 = arith.constant 0 : i32
    %dma_wait3A_860 = arith.constant 0 : i32
    %dma_wait3A_861 = tpu.memref_slice %arg2[%dma_wait3A_859, %dma_wait3A_860] : memref<20480x1024xf32, #tpu.memory_space<hbm>> -> memref<20480x1024xf32, #tpu.memory_space<hbm>>
    tpu.wait_indirect_dma semaphore(%arg7 : memref<!tpu.dma_semaphore, #tpu.memory_space<semaphore_mem>>) src(%dma_wait3A_861 : memref<20480x1024xf32, #tpu.memory_space<hbm>>) dst(%dma_wait3A_858 : memref<16x1024xf32, #tpu.memory_space<vmem>>)
    %add3A_862 = arith.constant 32 : i32
    %add3A_863 = arith.addi %mul3A_2, %add3A_862 : i32
    %dma_start3A_864 = arith.constant 1 : i32
    %dma_start3A_865 = arith.constant 5 : i32
    %dma_start3A_866 = arith.constant 0 : i32
    %dma_start3A_867 = arith.constant 0 : i32
    %dma_start3A_868 = tpu.memref_slice %arg5[%dma_start3A_864, %dma_start3A_866, %dma_start3A_867] : memref<2x32x1024xf32, #tpu.memory_space<vmem>> -> memref<1x32x1024xf32, #tpu.memory_space<vmem>>
    %dma_start3A_869 = tpu.memref_squeeze %dma_start3A_868 : memref<1x32x1024xf32, #tpu.memory_space<vmem>> -> memref<32x1024xf32, #tpu.memory_space<vmem>>
    %dma_start3A_870 = arith.constant 0 : i32
    %dma_start3A_871 = tpu.memref_slice %arg4[%dma_start3A_865, %add3A_863, %dma_start3A_870] : memref<8x2048x1024xf32, #tpu.memory_space<hbm>> -> memref<1x32x1024xf32, #tpu.memory_space<hbm>>
    %dma_start3A_872 = tpu.memref_squeeze %dma_start3A_871 : memref<1x32x1024xf32, #tpu.memory_space<hbm>> -> memref<32x1024xf32, #tpu.memory_space<hbm>>
    %dma_start3A_873 = arith.constant 0 : i32
    %dma_start3A_874 = tpu.memref_slice %arg4[%dma_start3A_865, %add3A_863, %dma_start3A_873] : memref<8x2048x1024xf32, #tpu.memory_space<hbm>> -> memref<1x32x1024xf32, #tpu.memory_space<hbm>>
    %dma_start3A_875 = tpu.memref_squeeze %dma_start3A_874 : memref<1x32x1024xf32, #tpu.memory_space<hbm>> -> memref<32x1024xf32, #tpu.memory_space<hbm>>
    %dma_start3A_876 = arith.constant 0 : i32
    %dma_start3A_877 = arith.constant 0 : i32
    %dma_start3A_878 = tpu.memref_slice %arg5[%dma_start3A_864, %dma_start3A_876, %dma_start3A_877] : memref<2x32x1024xf32, #tpu.memory_space<vmem>> -> memref<1x32x1024xf32, #tpu.memory_space<vmem>>
    %dma_start3A_879 = tpu.memref_squeeze %dma_start3A_878 : memref<1x32x1024xf32, #tpu.memory_space<vmem>> -> memref<32x1024xf32, #tpu.memory_space<vmem>>
    tpu.enqueue_dma source(%dma_start3A_879 : memref<32x1024xf32, #tpu.memory_space<vmem>>) target(%dma_start3A_875 : memref<32x1024xf32, #tpu.memory_space<hbm>>) target_semaphore(%arg8 : memref<!tpu.dma_semaphore, #tpu.memory_space<semaphore_mem>>)
    %dma_wait3A_880 = arith.constant 0 : i32
    %dma_wait3A_881 = arith.constant 5 : i32
    %dma_wait3A_882 = arith.constant 0 : i32
    %dma_wait3A_883 = arith.constant 0 : i32
    %dma_wait3A_884 = tpu.memref_slice %arg5[%dma_wait3A_880, %dma_wait3A_882, %dma_wait3A_883] : memref<2x32x1024xf32, #tpu.memory_space<vmem>> -> memref<1x32x1024xf32, #tpu.memory_space<vmem>>
    %dma_wait3A_885 = tpu.memref_squeeze %dma_wait3A_884 : memref<1x32x1024xf32, #tpu.memory_space<vmem>> -> memref<32x1024xf32, #tpu.memory_space<vmem>>
    %dma_wait3A_886 = arith.constant 0 : i32
    %dma_wait3A_887 = tpu.memref_slice %arg4[%dma_wait3A_881, %add3A_787, %dma_wait3A_886] : memref<8x2048x1024xf32, #tpu.memory_space<hbm>> -> memref<1x32x1024xf32, #tpu.memory_space<hbm>>
    %dma_wait3A_888 = tpu.memref_squeeze %dma_wait3A_887 : memref<1x32x1024xf32, #tpu.memory_space<hbm>> -> memref<32x1024xf32, #tpu.memory_space<hbm>>
    %dma_wait3A_889 = arith.constant 0 : i32
    %dma_wait3A_890 = tpu.memref_slice %arg4[%dma_wait3A_881, %add3A_787, %dma_wait3A_889] : memref<8x2048x1024xf32, #tpu.memory_space<hbm>> -> memref<1x32x1024xf32, #tpu.memory_space<hbm>>
    %dma_wait3A_891 = tpu.memref_squeeze %dma_wait3A_890 : memref<1x32x1024xf32, #tpu.memory_space<hbm>> -> memref<32x1024xf32, #tpu.memory_space<hbm>>
    %dma_wait3A_892 = arith.constant 0 : i32
    %dma_wait3A_893 = arith.constant 0 : i32
    %dma_wait3A_894 = tpu.memref_slice %arg5[%dma_wait3A_880, %dma_wait3A_892, %dma_wait3A_893] : memref<2x32x1024xf32, #tpu.memory_space<vmem>> -> memref<1x32x1024xf32, #tpu.memory_space<vmem>>
    %dma_wait3A_895 = tpu.memref_squeeze %dma_wait3A_894 : memref<1x32x1024xf32, #tpu.memory_space<vmem>> -> memref<32x1024xf32, #tpu.memory_space<vmem>>
    tpu.wait_dma2 semaphore(%arg8 : memref<!tpu.dma_semaphore, #tpu.memory_space<semaphore_mem>>) src(%dma_wait3A_895 : memref<32x1024xf32, #tpu.memory_space<vmem>>) dst(%dma_wait3A_891 : memref<32x1024xf32, #tpu.memory_space<hbm>>)
    %get3A_896 = arith.constant 6 : i32
    %get3A_897 = arith.index_cast %get3A_896 : i32 to index
    %get3A_898 = arith.constant 0 : index
    %get3A_899 = tpu.vector_load %arg6[%get3A_897, %get3A_898] {strides = array<i32>} : memref<8x128xi32, #tpu.memory_space<vmem>>, vector<1x16xi32>,
    %get3A_900 = vector.shape_cast %get3A_899 : vector<1x16xi32> to vector<16xi32>
    %dma_start3A_901 = arith.constant 0 : i32
    %dma_start3A_902 = arith.constant 0 : i32
    %dma_start3A_903 = arith.constant 0 : i32
    %dma_start3A_904 = tpu.memref_slice %arg5[%dma_start3A_901, %dma_start3A_902, %dma_start3A_903] : memref<2x32x1024xf32, #tpu.memory_space<vmem>> -> memref<1x16x1024xf32, #tpu.memory_space<vmem>>
    %dma_start3A_905 = tpu.memref_squeeze %dma_start3A_904 : memref<1x16x1024xf32, #tpu.memory_space<vmem>> -> memref<16x1024xf32, #tpu.memory_space<vmem>>
    %dma_start3A_906 = arith.constant 0 : i32
    %dma_start3A_907 = arith.constant 0 : i32
    %dma_start3A_908 = tpu.memref_slice %arg2[%dma_start3A_906, %dma_start3A_907] : memref<20480x1024xf32, #tpu.memory_space<hbm>> -> memref<20480x1024xf32, #tpu.memory_space<hbm>>
    tpu.enqueue_indirect_dma source(%dma_start3A_908 : memref<20480x1024xf32, #tpu.memory_space<hbm>>) target(%dma_start3A_905 : memref<16x1024xf32, #tpu.memory_space<vmem>>) offsets(%get3A_900 : vector<16xi32>) semaphore(%arg7 : memref<!tpu.dma_semaphore, #tpu.memory_space<semaphore_mem>>)
    %get3A_909 = arith.constant 6 : i32
    %get3A_910 = arith.index_cast %get3A_909 : i32 to index
    %get3A_911 = arith.constant 16 : index
    %get3A_912 = tpu.vector_load %arg6[%get3A_910, %get3A_911] {strides = array<i32>} : memref<8x128xi32, #tpu.memory_space<vmem>>, vector<1x16xi32>,
    %get3A_913 = vector.shape_cast %get3A_912 : vector<1x16xi32> to vector<16xi32>
    %dma_start3A_914 = arith.constant 0 : i32
    %dma_start3A_915 = arith.constant 16 : i32
    %dma_start3A_916 = arith.constant 0 : i32
    %dma_start3A_917 = tpu.memref_slice %arg5[%dma_start3A_914, %dma_start3A_915, %dma_start3A_916] : memref<2x32x1024xf32, #tpu.memory_space<vmem>> -> memref<1x16x1024xf32, #tpu.memory_space<vmem>>
    %dma_start3A_918 = tpu.memref_squeeze %dma_start3A_917 : memref<1x16x1024xf32, #tpu.memory_space<vmem>> -> memref<16x1024xf32, #tpu.memory_space<vmem>>
    %dma_start3A_919 = arith.constant 0 : i32
    %dma_start3A_920 = arith.constant 0 : i32
    %dma_start3A_921 = tpu.memref_slice %arg2[%dma_start3A_919, %dma_start3A_920] : memref<20480x1024xf32, #tpu.memory_space<hbm>> -> memref<20480x1024xf32, #tpu.memory_space<hbm>>
    tpu.enqueue_indirect_dma source(%dma_start3A_921 : memref<20480x1024xf32, #tpu.memory_space<hbm>>) target(%dma_start3A_918 : memref<16x1024xf32, #tpu.memory_space<vmem>>) offsets(%get3A_913 : vector<16xi32>) semaphore(%arg7 : memref<!tpu.dma_semaphore, #tpu.memory_space<semaphore_mem>>)
    %dma_wait3A_922 = arith.constant 0 : i32
    %dma_wait3A_923 = arith.constant 0 : i32
    %dma_wait3A_924 = arith.constant 0 : i32
    %dma_wait3A_925 = tpu.memref_slice %arg5[%dma_wait3A_922, %dma_wait3A_923, %dma_wait3A_924] : memref<2x32x1024xf32, #tpu.memory_space<vmem>> -> memref<1x16x1024xf32, #tpu.memory_space<vmem>>
    %dma_wait3A_926 = tpu.memref_squeeze %dma_wait3A_925 : memref<1x16x1024xf32, #tpu.memory_space<vmem>> -> memref<16x1024xf32, #tpu.memory_space<vmem>>
    %dma_wait3A_927 = arith.constant 0 : i32
    %dma_wait3A_928 = arith.constant 0 : i32
    %dma_wait3A_929 = tpu.memref_slice %arg2[%dma_wait3A_927, %dma_wait3A_928] : memref<20480x1024xf32, #tpu.memory_space<hbm>> -> memref<20480x1024xf32, #tpu.memory_space<hbm>>
    tpu.wait_indirect_dma semaphore(%arg7 : memref<!tpu.dma_semaphore, #tpu.memory_space<semaphore_mem>>) src(%dma_wait3A_929 : memref<20480x1024xf32, #tpu.memory_space<hbm>>) dst(%dma_wait3A_926 : memref<16x1024xf32, #tpu.memory_space<vmem>>)
    %dma_wait3A_930 = arith.constant 0 : i32
    %dma_wait3A_931 = arith.constant 16 : i32
    %dma_wait3A_932 = arith.constant 0 : i32
    %dma_wait3A_933 = tpu.memref_slice %arg5[%dma_wait3A_930, %dma_wait3A_931, %dma_wait3A_932] : memref<2x32x1024xf32, #tpu.memory_space<vmem>> -> memref<1x16x1024xf32, #tpu.memory_space<vmem>>
    %dma_wait3A_934 = tpu.memref_squeeze %dma_wait3A_933 : memref<1x16x1024xf32, #tpu.memory_space<vmem>> -> memref<16x1024xf32, #tpu.memory_space<vmem>>
    %dma_wait3A_935 = arith.constant 0 : i32
    %dma_wait3A_936 = arith.constant 0 : i32
    %dma_wait3A_937 = tpu.memref_slice %arg2[%dma_wait3A_935, %dma_wait3A_936] : memref<20480x1024xf32, #tpu.memory_space<hbm>> -> memref<20480x1024xf32, #tpu.memory_space<hbm>>
    tpu.wait_indirect_dma semaphore(%arg7 : memref<!tpu.dma_semaphore, #tpu.memory_space<semaphore_mem>>) src(%dma_wait3A_937 : memref<20480x1024xf32, #tpu.memory_space<hbm>>) dst(%dma_wait3A_934 : memref<16x1024xf32, #tpu.memory_space<vmem>>)
    %add3A_938 = arith.constant 0 : i32
    %add3A_939 = arith.addi %mul3A_2, %add3A_938 : i32
    %dma_start3A_940 = arith.constant 0 : i32
    %dma_start3A_941 = arith.constant 6 : i32
    %dma_start3A_942 = arith.constant 0 : i32
    %dma_start3A_943 = arith.constant 0 : i32
    %dma_start3A_944 = tpu.memref_slice %arg5[%dma_start3A_940, %dma_start3A_942, %dma_start3A_943] : memref<2x32x1024xf32, #tpu.memory_space<vmem>> -> memref<1x32x1024xf32, #tpu.memory_space<vmem>>
    %dma_start3A_945 = tpu.memref_squeeze %dma_start3A_944 : memref<1x32x1024xf32, #tpu.memory_space<vmem>> -> memref<32x1024xf32, #tpu.memory_space<vmem>>
    %dma_start3A_946 = arith.constant 0 : i32
    %dma_start3A_947 = tpu.memref_slice %arg4[%dma_start3A_941, %add3A_939, %dma_start3A_946] : memref<8x2048x1024xf32, #tpu.memory_space<hbm>> -> memref<1x32x1024xf32, #tpu.memory_space<hbm>>
    %dma_start3A_948 = tpu.memref_squeeze %dma_start3A_947 : memref<1x32x1024xf32, #tpu.memory_space<hbm>> -> memref<32x1024xf32, #tpu.memory_space<hbm>>
    %dma_start3A_949 = arith.constant 0 : i32
    %dma_start3A_950 = tpu.memref_slice %arg4[%dma_start3A_941, %add3A_939, %dma_start3A_949] : memref<8x2048x1024xf32, #tpu.memory_space<hbm>> -> memref<1x32x1024xf32, #tpu.memory_space<hbm>>
    %dma_start3A_951 = tpu.memref_squeeze %dma_start3A_950 : memref<1x32x1024xf32, #tpu.memory_space<hbm>> -> memref<32x1024xf32, #tpu.memory_space<hbm>>
    %dma_start3A_952 = arith.constant 0 : i32
    %dma_start3A_953 = arith.constant 0 : i32
    %dma_start3A_954 = tpu.memref_slice %arg5[%dma_start3A_940, %dma_start3A_952, %dma_start3A_953] : memref<2x32x1024xf32, #tpu.memory_space<vmem>> -> memref<1x32x1024xf32, #tpu.memory_space<vmem>>
    %dma_start3A_955 = tpu.memref_squeeze %dma_start3A_954 : memref<1x32x1024xf32, #tpu.memory_space<vmem>> -> memref<32x1024xf32, #tpu.memory_space<vmem>>
    tpu.enqueue_dma source(%dma_start3A_955 : memref<32x1024xf32, #tpu.memory_space<vmem>>) target(%dma_start3A_951 : memref<32x1024xf32, #tpu.memory_space<hbm>>) target_semaphore(%arg8 : memref<!tpu.dma_semaphore, #tpu.memory_space<semaphore_mem>>)
    %dma_wait3A_956 = arith.constant 1 : i32
    %dma_wait3A_957 = arith.constant 5 : i32
    %dma_wait3A_958 = arith.constant 0 : i32
    %dma_wait3A_959 = arith.constant 0 : i32
    %dma_wait3A_960 = tpu.memref_slice %arg5[%dma_wait3A_956, %dma_wait3A_958, %dma_wait3A_959] : memref<2x32x1024xf32, #tpu.memory_space<vmem>> -> memref<1x32x1024xf32, #tpu.memory_space<vmem>>
    %dma_wait3A_961 = tpu.memref_squeeze %dma_wait3A_960 : memref<1x32x1024xf32, #tpu.memory_space<vmem>> -> memref<32x1024xf32, #tpu.memory_space<vmem>>
    %dma_wait3A_962 = arith.constant 0 : i32
    %dma_wait3A_963 = tpu.memref_slice %arg4[%dma_wait3A_957, %add3A_863, %dma_wait3A_962] : memref<8x2048x1024xf32, #tpu.memory_space<hbm>> -> memref<1x32x1024xf32, #tpu.memory_space<hbm>>
    %dma_wait3A_964 = tpu.memref_squeeze %dma_wait3A_963 : memref<1x32x1024xf32, #tpu.memory_space<hbm>> -> memref<32x1024xf32, #tpu.memory_space<hbm>>
    %dma_wait3A_965 = arith.constant 0 : i32
    %dma_wait3A_966 = tpu.memref_slice %arg4[%dma_wait3A_957, %add3A_863, %dma_wait3A_965] : memref<8x2048x1024xf32, #tpu.memory_space<hbm>> -> memref<1x32x1024xf32, #tpu.memory_space<hbm>>
    %dma_wait3A_967 = tpu.memref_squeeze %dma_wait3A_966 : memref<1x32x1024xf32, #tpu.memory_space<hbm>> -> memref<32x1024xf32, #tpu.memory_space<hbm>>
    %dma_wait3A_968 = arith.constant 0 : i32
    %dma_wait3A_969 = arith.constant 0 : i32
    %dma_wait3A_970 = tpu.memref_slice %arg5[%dma_wait3A_956, %dma_wait3A_968, %dma_wait3A_969] : memref<2x32x1024xf32, #tpu.memory_space<vmem>> -> memref<1x32x1024xf32, #tpu.memory_space<vmem>>
    %dma_wait3A_971 = tpu.memref_squeeze %dma_wait3A_970 : memref<1x32x1024xf32, #tpu.memory_space<vmem>> -> memref<32x1024xf32, #tpu.memory_space<vmem>>
    tpu.wait_dma2 semaphore(%arg8 : memref<!tpu.dma_semaphore, #tpu.memory_space<semaphore_mem>>) src(%dma_wait3A_971 : memref<32x1024xf32, #tpu.memory_space<vmem>>) dst(%dma_wait3A_967 : memref<32x1024xf32, #tpu.memory_space<hbm>>)
    %get3A_972 = arith.constant 6 : i32
    %get3A_973 = arith.index_cast %get3A_972 : i32 to index
    %get3A_974 = arith.constant 32 : index
    %get3A_975 = tpu.vector_load %arg6[%get3A_973, %get3A_974] {strides = array<i32>} : memref<8x128xi32, #tpu.memory_space<vmem>>, vector<1x16xi32>,
    %get3A_976 = vector.shape_cast %get3A_975 : vector<1x16xi32> to vector<16xi32>
    %dma_start3A_977 = arith.constant 1 : i32
    %dma_start3A_978 = arith.constant 0 : i32
    %dma_start3A_979 = arith.constant 0 : i32
    %dma_start3A_980 = tpu.memref_slice %arg5[%dma_start3A_977, %dma_start3A_978, %dma_start3A_979] : memref<2x32x1024xf32, #tpu.memory_space<vmem>> -> memref<1x16x1024xf32, #tpu.memory_space<vmem>>
    %dma_start3A_981 = tpu.memref_squeeze %dma_start3A_980 : memref<1x16x1024xf32, #tpu.memory_space<vmem>> -> memref<16x1024xf32, #tpu.memory_space<vmem>>
    %dma_start3A_982 = arith.constant 0 : i32
    %dma_start3A_983 = arith.constant 0 : i32
    %dma_start3A_984 = tpu.memref_slice %arg2[%dma_start3A_982, %dma_start3A_983] : memref<20480x1024xf32, #tpu.memory_space<hbm>> -> memref<20480x1024xf32, #tpu.memory_space<hbm>>
    tpu.enqueue_indirect_dma source(%dma_start3A_984 : memref<20480x1024xf32, #tpu.memory_space<hbm>>) target(%dma_start3A_981 : memref<16x1024xf32, #tpu.memory_space<vmem>>) offsets(%get3A_976 : vector<16xi32>) semaphore(%arg7 : memref<!tpu.dma_semaphore, #tpu.memory_space<semaphore_mem>>)
    %get3A_985 = arith.constant 6 : i32
    %get3A_986 = arith.index_cast %get3A_985 : i32 to index
    %get3A_987 = arith.constant 48 : index
    %get3A_988 = tpu.vector_load %arg6[%get3A_986, %get3A_987] {strides = array<i32>} : memref<8x128xi32, #tpu.memory_space<vmem>>, vector<1x16xi32>,
    %get3A_989 = vector.shape_cast %get3A_988 : vector<1x16xi32> to vector<16xi32>
    %dma_start3A_990 = arith.constant 1 : i32
    %dma_start3A_991 = arith.constant 16 : i32
    %dma_start3A_992 = arith.constant 0 : i32
    %dma_start3A_993 = tpu.memref_slice %arg5[%dma_start3A_990, %dma_start3A_991, %dma_start3A_992] : memref<2x32x1024xf32, #tpu.memory_space<vmem>> -> memref<1x16x1024xf32, #tpu.memory_space<vmem>>
    %dma_start3A_994 = tpu.memref_squeeze %dma_start3A_993 : memref<1x16x1024xf32, #tpu.memory_space<vmem>> -> memref<16x1024xf32, #tpu.memory_space<vmem>>
    %dma_start3A_995 = arith.constant 0 : i32
    %dma_start3A_996 = arith.constant 0 : i32
    %dma_start3A_997 = tpu.memref_slice %arg2[%dma_start3A_995, %dma_start3A_996] : memref<20480x1024xf32, #tpu.memory_space<hbm>> -> memref<20480x1024xf32, #tpu.memory_space<hbm>>
    tpu.enqueue_indirect_dma source(%dma_start3A_997 : memref<20480x1024xf32, #tpu.memory_space<hbm>>) target(%dma_start3A_994 : memref<16x1024xf32, #tpu.memory_space<vmem>>) offsets(%get3A_989 : vector<16xi32>) semaphore(%arg7 : memref<!tpu.dma_semaphore, #tpu.memory_space<semaphore_mem>>)
    %dma_wait3A_998 = arith.constant 1 : i32
    %dma_wait3A_999 = arith.constant 0 : i32
    %dma_wait3A_1000 = arith.constant 0 : i32
    %dma_wait3A_1001 = tpu.memref_slice %arg5[%dma_wait3A_998, %dma_wait3A_999, %dma_wait3A_1000] : memref<2x32x1024xf32, #tpu.memory_space<vmem>> -> memref<1x16x1024xf32, #tpu.memory_space<vmem>>
    %dma_wait3A_1002 = tpu.memref_squeeze %dma_wait3A_1001 : memref<1x16x1024xf32, #tpu.memory_space<vmem>> -> memref<16x1024xf32, #tpu.memory_space<vmem>>
    %dma_wait3A_1003 = arith.constant 0 : i32
    %dma_wait3A_1004 = arith.constant 0 : i32
    %dma_wait3A_1005 = tpu.memref_slice %arg2[%dma_wait3A_1003, %dma_wait3A_1004] : memref<20480x1024xf32, #tpu.memory_space<hbm>> -> memref<20480x1024xf32, #tpu.memory_space<hbm>>
    tpu.wait_indirect_dma semaphore(%arg7 : memref<!tpu.dma_semaphore, #tpu.memory_space<semaphore_mem>>) src(%dma_wait3A_1005 : memref<20480x1024xf32, #tpu.memory_space<hbm>>) dst(%dma_wait3A_1002 : memref<16x1024xf32, #tpu.memory_space<vmem>>)
    %dma_wait3A_1006 = arith.constant 1 : i32
    %dma_wait3A_1007 = arith.constant 16 : i32
    %dma_wait3A_1008 = arith.constant 0 : i32
    %dma_wait3A_1009 = tpu.memref_slice %arg5[%dma_wait3A_1006, %dma_wait3A_1007, %dma_wait3A_1008] : memref<2x32x1024xf32, #tpu.memory_space<vmem>> -> memref<1x16x1024xf32, #tpu.memory_space<vmem>>
    %dma_wait3A_1010 = tpu.memref_squeeze %dma_wait3A_1009 : memref<1x16x1024xf32, #tpu.memory_space<vmem>> -> memref<16x1024xf32, #tpu.memory_space<vmem>>
    %dma_wait3A_1011 = arith.constant 0 : i32
    %dma_wait3A_1012 = arith.constant 0 : i32
    %dma_wait3A_1013 = tpu.memref_slice %arg2[%dma_wait3A_1011, %dma_wait3A_1012] : memref<20480x1024xf32, #tpu.memory_space<hbm>> -> memref<20480x1024xf32, #tpu.memory_space<hbm>>
    tpu.wait_indirect_dma semaphore(%arg7 : memref<!tpu.dma_semaphore, #tpu.memory_space<semaphore_mem>>) src(%dma_wait3A_1013 : memref<20480x1024xf32, #tpu.memory_space<hbm>>) dst(%dma_wait3A_1010 : memref<16x1024xf32, #tpu.memory_space<vmem>>)
    %add3A_1014 = arith.constant 32 : i32
    %add3A_1015 = arith.addi %mul3A_2, %add3A_1014 : i32
    %dma_start3A_1016 = arith.constant 1 : i32
    %dma_start3A_1017 = arith.constant 6 : i32
    %dma_start3A_1018 = arith.constant 0 : i32
    %dma_start3A_1019 = arith.constant 0 : i32
    %dma_start3A_1020 = tpu.memref_slice %arg5[%dma_start3A_1016, %dma_start3A_1018, %dma_start3A_1019] : memref<2x32x1024xf32, #tpu.memory_space<vmem>> -> memref<1x32x1024xf32, #tpu.memory_space<vmem>>
    %dma_start3A_1021 = tpu.memref_squeeze %dma_start3A_1020 : memref<1x32x1024xf32, #tpu.memory_space<vmem>> -> memref<32x1024xf32, #tpu.memory_space<vmem>>
    %dma_start3A_1022 = arith.constant 0 : i32
    %dma_start3A_1023 = tpu.memref_slice %arg4[%dma_start3A_1017, %add3A_1015, %dma_start3A_1022] : memref<8x2048x1024xf32, #tpu.memory_space<hbm>> -> memref<1x32x1024xf32, #tpu.memory_space<hbm>>
    %dma_start3A_1024 = tpu.memref_squeeze %dma_start3A_1023 : memref<1x32x1024xf32, #tpu.memory_space<hbm>> -> memref<32x1024xf32, #tpu.memory_space<hbm>>
    %dma_start3A_1025 = arith.constant 0 : i32
    %dma_start3A_1026 = tpu.memref_slice %arg4[%dma_start3A_1017, %add3A_1015, %dma_start3A_1025] : memref<8x2048x1024xf32, #tpu.memory_space<hbm>> -> memref<1x32x1024xf32, #tpu.memory_space<hbm>>
    %dma_start3A_1027 = tpu.memref_squeeze %dma_start3A_1026 : memref<1x32x1024xf32, #tpu.memory_space<hbm>> -> memref<32x1024xf32, #tpu.memory_space<hbm>>
    %dma_start3A_1028 = arith.constant 0 : i32
    %dma_start3A_1029 = arith.constant 0 : i32
    %dma_start3A_1030 = tpu.memref_slice %arg5[%dma_start3A_1016, %dma_start3A_1028, %dma_start3A_1029] : memref<2x32x1024xf32, #tpu.memory_space<vmem>> -> memref<1x32x1024xf32, #tpu.memory_space<vmem>>
    %dma_start3A_1031 = tpu.memref_squeeze %dma_start3A_1030 : memref<1x32x1024xf32, #tpu.memory_space<vmem>> -> memref<32x1024xf32, #tpu.memory_space<vmem>>
    tpu.enqueue_dma source(%dma_start3A_1031 : memref<32x1024xf32, #tpu.memory_space<vmem>>) target(%dma_start3A_1027 : memref<32x1024xf32, #tpu.memory_space<hbm>>) target_semaphore(%arg8 : memref<!tpu.dma_semaphore, #tpu.memory_space<semaphore_mem>>)
    %dma_wait3A_1032 = arith.constant 0 : i32
    %dma_wait3A_1033 = arith.constant 6 : i32
    %dma_wait3A_1034 = arith.constant 0 : i32
    %dma_wait3A_1035 = arith.constant 0 : i32
    %dma_wait3A_1036 = tpu.memref_slice %arg5[%dma_wait3A_1032, %dma_wait3A_1034, %dma_wait3A_1035] : memref<2x32x1024xf32, #tpu.memory_space<vmem>> -> memref<1x32x1024xf32, #tpu.memory_space<vmem>>
    %dma_wait3A_1037 = tpu.memref_squeeze %dma_wait3A_1036 : memref<1x32x1024xf32, #tpu.memory_space<vmem>> -> memref<32x1024xf32, #tpu.memory_space<vmem>>
    %dma_wait3A_1038 = arith.constant 0 : i32
    %dma_wait3A_1039 = tpu.memref_slice %arg4[%dma_wait3A_1033, %add3A_939, %dma_wait3A_1038] : memref<8x2048x1024xf32, #tpu.memory_space<hbm>> -> memref<1x32x1024xf32, #tpu.memory_space<hbm>>
    %dma_wait3A_1040 = tpu.memref_squeeze %dma_wait3A_1039 : memref<1x32x1024xf32, #tpu.memory_space<hbm>> -> memref<32x1024xf32, #tpu.memory_space<hbm>>
    %dma_wait3A_1041 = arith.constant 0 : i32
    %dma_wait3A_1042 = tpu.memref_slice %arg4[%dma_wait3A_1033, %add3A_939, %dma_wait3A_1041] : memref<8x2048x1024xf32, #tpu.memory_space<hbm>> -> memref<1x32x1024xf32, #tpu.memory_space<hbm>>
    %dma_wait3A_1043 = tpu.memref_squeeze %dma_wait3A_1042 : memref<1x32x1024xf32, #tpu.memory_space<hbm>> -> memref<32x1024xf32, #tpu.memory_space<hbm>>
    %dma_wait3A_1044 = arith.constant 0 : i32
    %dma_wait3A_1045 = arith.constant 0 : i32
    %dma_wait3A_1046 = tpu.memref_slice %arg5[%dma_wait3A_1032, %dma_wait3A_1044, %dma_wait3A_1045] : memref<2x32x1024xf32, #tpu.memory_space<vmem>> -> memref<1x32x1024xf32, #tpu.memory_space<vmem>>
    %dma_wait3A_1047 = tpu.memref_squeeze %dma_wait3A_1046 : memref<1x32x1024xf32, #tpu.memory_space<vmem>> -> memref<32x1024xf32, #tpu.memory_space<vmem>>
    tpu.wait_dma2 semaphore(%arg8 : memref<!tpu.dma_semaphore, #tpu.memory_space<semaphore_mem>>) src(%dma_wait3A_1047 : memref<32x1024xf32, #tpu.memory_space<vmem>>) dst(%dma_wait3A_1043 : memref<32x1024xf32, #tpu.memory_space<hbm>>)
    %get3A_1048 = arith.constant 7 : i32
    %get3A_1049 = arith.index_cast %get3A_1048 : i32 to index
    %get3A_1050 = arith.constant 0 : index
    %get3A_1051 = tpu.vector_load %arg6[%get3A_1049, %get3A_1050] {strides = array<i32>} : memref<8x128xi32, #tpu.memory_space<vmem>>, vector<1x16xi32>,
    %get3A_1052 = vector.shape_cast %get3A_1051 : vector<1x16xi32> to vector<16xi32>
    %dma_start3A_1053 = arith.constant 0 : i32
    %dma_start3A_1054 = arith.constant 0 : i32
    %dma_start3A_1055 = arith.constant 0 : i32
    %dma_start3A_1056 = tpu.memref_slice %arg5[%dma_start3A_1053, %dma_start3A_1054, %dma_start3A_1055] : memref<2x32x1024xf32, #tpu.memory_space<vmem>> -> memref<1x16x1024xf32, #tpu.memory_space<vmem>>
    %dma_start3A_1057 = tpu.memref_squeeze %dma_start3A_1056 : memref<1x16x1024xf32, #tpu.memory_space<vmem>> -> memref<16x1024xf32, #tpu.memory_space<vmem>>
    %dma_start3A_1058 = arith.constant 0 : i32
    %dma_start3A_1059 = arith.constant 0 : i32
    %dma_start3A_1060 = tpu.memref_slice %arg2[%dma_start3A_1058, %dma_start3A_1059] : memref<20480x1024xf32, #tpu.memory_space<hbm>> -> memref<20480x1024xf32, #tpu.memory_space<hbm>>
    tpu.enqueue_indirect_dma source(%dma_start3A_1060 : memref<20480x1024xf32, #tpu.memory_space<hbm>>) target(%dma_start3A_1057 : memref<16x1024xf32, #tpu.memory_space<vmem>>) offsets(%get3A_1052 : vector<16xi32>) semaphore(%arg7 : memref<!tpu.dma_semaphore, #tpu.memory_space<semaphore_mem>>)
    %get3A_1061 = arith.constant 7 : i32
    %get3A_1062 = arith.index_cast %get3A_1061 : i32 to index
    %get3A_1063 = arith.constant 16 : index
    %get3A_1064 = tpu.vector_load %arg6[%get3A_1062, %get3A_1063] {strides = array<i32>} : memref<8x128xi32, #tpu.memory_space<vmem>>, vector<1x16xi32>,
    %get3A_1065 = vector.shape_cast %get3A_1064 : vector<1x16xi32> to vector<16xi32>
    %dma_start3A_1066 = arith.constant 0 : i32
    %dma_start3A_1067 = arith.constant 16 : i32
    %dma_start3A_1068 = arith.constant 0 : i32
    %dma_start3A_1069 = tpu.memref_slice %arg5[%dma_start3A_1066, %dma_start3A_1067, %dma_start3A_1068] : memref<2x32x1024xf32, #tpu.memory_space<vmem>> -> memref<1x16x1024xf32, #tpu.memory_space<vmem>>
    %dma_start3A_1070 = tpu.memref_squeeze %dma_start3A_1069 : memref<1x16x1024xf32, #tpu.memory_space<vmem>> -> memref<16x1024xf32, #tpu.memory_space<vmem>>
    %dma_start3A_1071 = arith.constant 0 : i32
    %dma_start3A_1072 = arith.constant 0 : i32
    %dma_start3A_1073 = tpu.memref_slice %arg2[%dma_start3A_1071, %dma_start3A_1072] : memref<20480x1024xf32, #tpu.memory_space<hbm>> -> memref<20480x1024xf32, #tpu.memory_space<hbm>>
    tpu.enqueue_indirect_dma source(%dma_start3A_1073 : memref<20480x1024xf32, #tpu.memory_space<hbm>>) target(%dma_start3A_1070 : memref<16x1024xf32, #tpu.memory_space<vmem>>) offsets(%get3A_1065 : vector<16xi32>) semaphore(%arg7 : memref<!tpu.dma_semaphore, #tpu.memory_space<semaphore_mem>>)
    %dma_wait3A_1074 = arith.constant 0 : i32
    %dma_wait3A_1075 = arith.constant 0 : i32
    %dma_wait3A_1076 = arith.constant 0 : i32
    %dma_wait3A_1077 = tpu.memref_slice %arg5[%dma_wait3A_1074, %dma_wait3A_1075, %dma_wait3A_1076] : memref<2x32x1024xf32, #tpu.memory_space<vmem>> -> memref<1x16x1024xf32, #tpu.memory_space<vmem>>
    %dma_wait3A_1078 = tpu.memref_squeeze %dma_wait3A_1077 : memref<1x16x1024xf32, #tpu.memory_space<vmem>> -> memref<16x1024xf32, #tpu.memory_space<vmem>>
    %dma_wait3A_1079 = arith.constant 0 : i32
    %dma_wait3A_1080 = arith.constant 0 : i32
    %dma_wait3A_1081 = tpu.memref_slice %arg2[%dma_wait3A_1079, %dma_wait3A_1080] : memref<20480x1024xf32, #tpu.memory_space<hbm>> -> memref<20480x1024xf32, #tpu.memory_space<hbm>>
    tpu.wait_indirect_dma semaphore(%arg7 : memref<!tpu.dma_semaphore, #tpu.memory_space<semaphore_mem>>) src(%dma_wait3A_1081 : memref<20480x1024xf32, #tpu.memory_space<hbm>>) dst(%dma_wait3A_1078 : memref<16x1024xf32, #tpu.memory_space<vmem>>)
    %dma_wait3A_1082 = arith.constant 0 : i32
    %dma_wait3A_1083 = arith.constant 16 : i32
    %dma_wait3A_1084 = arith.constant 0 : i32
    %dma_wait3A_1085 = tpu.memref_slice %arg5[%dma_wait3A_1082, %dma_wait3A_1083, %dma_wait3A_1084] : memref<2x32x1024xf32, #tpu.memory_space<vmem>> -> memref<1x16x1024xf32, #tpu.memory_space<vmem>>
    %dma_wait3A_1086 = tpu.memref_squeeze %dma_wait3A_1085 : memref<1x16x1024xf32, #tpu.memory_space<vmem>> -> memref<16x1024xf32, #tpu.memory_space<vmem>>
    %dma_wait3A_1087 = arith.constant 0 : i32
    %dma_wait3A_1088 = arith.constant 0 : i32
    %dma_wait3A_1089 = tpu.memref_slice %arg2[%dma_wait3A_1087, %dma_wait3A_1088] : memref<20480x1024xf32, #tpu.memory_space<hbm>> -> memref<20480x1024xf32, #tpu.memory_space<hbm>>
    tpu.wait_indirect_dma semaphore(%arg7 : memref<!tpu.dma_semaphore, #tpu.memory_space<semaphore_mem>>) src(%dma_wait3A_1089 : memref<20480x1024xf32, #tpu.memory_space<hbm>>) dst(%dma_wait3A_1086 : memref<16x1024xf32, #tpu.memory_space<vmem>>)
    %add3A_1090 = arith.constant 0 : i32
    %add3A_1091 = arith.addi %mul3A_2, %add3A_1090 : i32
    %dma_start3A_1092 = arith.constant 0 : i32
    %dma_start3A_1093 = arith.constant 7 : i32
    %dma_start3A_1094 = arith.constant 0 : i32
    %dma_start3A_1095 = arith.constant 0 : i32
    %dma_start3A_1096 = tpu.memref_slice %arg5[%dma_start3A_1092, %dma_start3A_1094, %dma_start3A_1095] : memref<2x32x1024xf32, #tpu.memory_space<vmem>> -> memref<1x32x1024xf32, #tpu.memory_space<vmem>>
    %dma_start3A_1097 = tpu.memref_squeeze %dma_start3A_1096 : memref<1x32x1024xf32, #tpu.memory_space<vmem>> -> memref<32x1024xf32, #tpu.memory_space<vmem>>
    %dma_start3A_1098 = arith.constant 0 : i32
    %dma_start3A_1099 = tpu.memref_slice %arg4[%dma_start3A_1093, %add3A_1091, %dma_start3A_1098] : memref<8x2048x1024xf32, #tpu.memory_space<hbm>> -> memref<1x32x1024xf32, #tpu.memory_space<hbm>>
    %dma_start3A_1100 = tpu.memref_squeeze %dma_start3A_1099 : memref<1x32x1024xf32, #tpu.memory_space<hbm>> -> memref<32x1024xf32, #tpu.memory_space<hbm>>
    %dma_start3A_1101 = arith.constant 0 : i32
    %dma_start3A_1102 = tpu.memref_slice %arg4[%dma_start3A_1093, %add3A_1091, %dma_start3A_1101] : memref<8x2048x1024xf32, #tpu.memory_space<hbm>> -> memref<1x32x1024xf32, #tpu.memory_space<hbm>>
    %dma_start3A_1103 = tpu.memref_squeeze %dma_start3A_1102 : memref<1x32x1024xf32, #tpu.memory_space<hbm>> -> memref<32x1024xf32, #tpu.memory_space<hbm>>
    %dma_start3A_1104 = arith.constant 0 : i32
    %dma_start3A_1105 = arith.constant 0 : i32
    %dma_start3A_1106 = tpu.memref_slice %arg5[%dma_start3A_1092, %dma_start3A_1104, %dma_start3A_1105] : memref<2x32x1024xf32, #tpu.memory_space<vmem>> -> memref<1x32x1024xf32, #tpu.memory_space<vmem>>
    %dma_start3A_1107 = tpu.memref_squeeze %dma_start3A_1106 : memref<1x32x1024xf32, #tpu.memory_space<vmem>> -> memref<32x1024xf32, #tpu.memory_space<vmem>>
    tpu.enqueue_dma source(%dma_start3A_1107 : memref<32x1024xf32, #tpu.memory_space<vmem>>) target(%dma_start3A_1103 : memref<32x1024xf32, #tpu.memory_space<hbm>>) target_semaphore(%arg8 : memref<!tpu.dma_semaphore, #tpu.memory_space<semaphore_mem>>)
    %dma_wait3A_1108 = arith.constant 1 : i32
    %dma_wait3A_1109 = arith.constant 6 : i32
    %dma_wait3A_1110 = arith.constant 0 : i32
    %dma_wait3A_1111 = arith.constant 0 : i32
    %dma_wait3A_1112 = tpu.memref_slice %arg5[%dma_wait3A_1108, %dma_wait3A_1110, %dma_wait3A_1111] : memref<2x32x1024xf32, #tpu.memory_space<vmem>> -> memref<1x32x1024xf32, #tpu.memory_space<vmem>>
    %dma_wait3A_1113 = tpu.memref_squeeze %dma_wait3A_1112 : memref<1x32x1024xf32, #tpu.memory_space<vmem>> -> memref<32x1024xf32, #tpu.memory_space<vmem>>
    %dma_wait3A_1114 = arith.constant 0 : i32
    %dma_wait3A_1115 = tpu.memref_slice %arg4[%dma_wait3A_1109, %add3A_1015, %dma_wait3A_1114] : memref<8x2048x1024xf32, #tpu.memory_space<hbm>> -> memref<1x32x1024xf32, #tpu.memory_space<hbm>>
    %dma_wait3A_1116 = tpu.memref_squeeze %dma_wait3A_1115 : memref<1x32x1024xf32, #tpu.memory_space<hbm>> -> memref<32x1024xf32, #tpu.memory_space<hbm>>
    %dma_wait3A_1117 = arith.constant 0 : i32
    %dma_wait3A_1118 = tpu.memref_slice %arg4[%dma_wait3A_1109, %add3A_1015, %dma_wait3A_1117] : memref<8x2048x1024xf32, #tpu.memory_space<hbm>> -> memref<1x32x1024xf32, #tpu.memory_space<hbm>>
    %dma_wait3A_1119 = tpu.memref_squeeze %dma_wait3A_1118 : memref<1x32x1024xf32, #tpu.memory_space<hbm>> -> memref<32x1024xf32, #tpu.memory_space<hbm>>
    %dma_wait3A_1120 = arith.constant 0 : i32
    %dma_wait3A_1121 = arith.constant 0 : i32
    %dma_wait3A_1122 = tpu.memref_slice %arg5[%dma_wait3A_1108, %dma_wait3A_1120, %dma_wait3A_1121] : memref<2x32x1024xf32, #tpu.memory_space<vmem>> -> memref<1x32x1024xf32, #tpu.memory_space<vmem>>
    %dma_wait3A_1123 = tpu.memref_squeeze %dma_wait3A_1122 : memref<1x32x1024xf32, #tpu.memory_space<vmem>> -> memref<32x1024xf32, #tpu.memory_space<vmem>>
    tpu.wait_dma2 semaphore(%arg8 : memref<!tpu.dma_semaphore, #tpu.memory_space<semaphore_mem>>) src(%dma_wait3A_1123 : memref<32x1024xf32, #tpu.memory_space<vmem>>) dst(%dma_wait3A_1119 : memref<32x1024xf32, #tpu.memory_space<hbm>>)
    %get3A_1124 = arith.constant 7 : i32
    %get3A_1125 = arith.index_cast %get3A_1124 : i32 to index
    %get3A_1126 = arith.constant 32 : index
    %get3A_1127 = tpu.vector_load %arg6[%get3A_1125, %get3A_1126] {strides = array<i32>} : memref<8x128xi32, #tpu.memory_space<vmem>>, vector<1x16xi32>,
    %get3A_1128 = vector.shape_cast %get3A_1127 : vector<1x16xi32> to vector<16xi32>
    %dma_start3A_1129 = arith.constant 1 : i32
    %dma_start3A_1130 = arith.constant 0 : i32
    %dma_start3A_1131 = arith.constant 0 : i32
    %dma_start3A_1132 = tpu.memref_slice %arg5[%dma_start3A_1129, %dma_start3A_1130, %dma_start3A_1131] : memref<2x32x1024xf32, #tpu.memory_space<vmem>> -> memref<1x16x1024xf32, #tpu.memory_space<vmem>>
    %dma_start3A_1133 = tpu.memref_squeeze %dma_start3A_1132 : memref<1x16x1024xf32, #tpu.memory_space<vmem>> -> memref<16x1024xf32, #tpu.memory_space<vmem>>
    %dma_start3A_1134 = arith.constant 0 : i32
    %dma_start3A_1135 = arith.constant 0 : i32
    %dma_start3A_1136 = tpu.memref_slice %arg2[%dma_start3A_1134, %dma_start3A_1135] : memref<20480x1024xf32, #tpu.memory_space<hbm>> -> memref<20480x1024xf32, #tpu.memory_space<hbm>>
    tpu.enqueue_indirect_dma source(%dma_start3A_1136 : memref<20480x1024xf32, #tpu.memory_space<hbm>>) target(%dma_start3A_1133 : memref<16x1024xf32, #tpu.memory_space<vmem>>) offsets(%get3A_1128 : vector<16xi32>) semaphore(%arg7 : memref<!tpu.dma_semaphore, #tpu.memory_space<semaphore_mem>>)
    %get3A_1137 = arith.constant 7 : i32
    %get3A_1138 = arith.index_cast %get3A_1137 : i32 to index
    %get3A_1139 = arith.constant 48 : index
    %get3A_1140 = tpu.vector_load %arg6[%get3A_1138, %get3A_1139] {strides = array<i32>} : memref<8x128xi32, #tpu.memory_space<vmem>>, vector<1x16xi32>,
    %get3A_1141 = vector.shape_cast %get3A_1140 : vector<1x16xi32> to vector<16xi32>
    %dma_start3A_1142 = arith.constant 1 : i32
    %dma_start3A_1143 = arith.constant 16 : i32
    %dma_start3A_1144 = arith.constant 0 : i32
    %dma_start3A_1145 = tpu.memref_slice %arg5[%dma_start3A_1142, %dma_start3A_1143, %dma_start3A_1144] : memref<2x32x1024xf32, #tpu.memory_space<vmem>> -> memref<1x16x1024xf32, #tpu.memory_space<vmem>>
    %dma_start3A_1146 = tpu.memref_squeeze %dma_start3A_1145 : memref<1x16x1024xf32, #tpu.memory_space<vmem>> -> memref<16x1024xf32, #tpu.memory_space<vmem>>
    %dma_start3A_1147 = arith.constant 0 : i32
    %dma_start3A_1148 = arith.constant 0 : i32
    %dma_start3A_1149 = tpu.memref_slice %arg2[%dma_start3A_1147, %dma_start3A_1148] : memref<20480x1024xf32, #tpu.memory_space<hbm>> -> memref<20480x1024xf32, #tpu.memory_space<hbm>>
    tpu.enqueue_indirect_dma source(%dma_start3A_1149 : memref<20480x1024xf32, #tpu.memory_space<hbm>>) target(%dma_start3A_1146 : memref<16x1024xf32, #tpu.memory_space<vmem>>) offsets(%get3A_1141 : vector<16xi32>) semaphore(%arg7 : memref<!tpu.dma_semaphore, #tpu.memory_space<semaphore_mem>>)
    %dma_wait3A_1150 = arith.constant 1 : i32
    %dma_wait3A_1151 = arith.constant 0 : i32
    %dma_wait3A_1152 = arith.constant 0 : i32
    %dma_wait3A_1153 = tpu.memref_slice %arg5[%dma_wait3A_1150, %dma_wait3A_1151, %dma_wait3A_1152] : memref<2x32x1024xf32, #tpu.memory_space<vmem>> -> memref<1x16x1024xf32, #tpu.memory_space<vmem>>
    %dma_wait3A_1154 = tpu.memref_squeeze %dma_wait3A_1153 : memref<1x16x1024xf32, #tpu.memory_space<vmem>> -> memref<16x1024xf32, #tpu.memory_space<vmem>>
    %dma_wait3A_1155 = arith.constant 0 : i32
    %dma_wait3A_1156 = arith.constant 0 : i32
    %dma_wait3A_1157 = tpu.memref_slice %arg2[%dma_wait3A_1155, %dma_wait3A_1156] : memref<20480x1024xf32, #tpu.memory_space<hbm>> -> memref<20480x1024xf32, #tpu.memory_space<hbm>>
    tpu.wait_indirect_dma semaphore(%arg7 : memref<!tpu.dma_semaphore, #tpu.memory_space<semaphore_mem>>) src(%dma_wait3A_1157 : memref<20480x1024xf32, #tpu.memory_space<hbm>>) dst(%dma_wait3A_1154 : memref<16x1024xf32, #tpu.memory_space<vmem>>)
    %dma_wait3A_1158 = arith.constant 1 : i32
    %dma_wait3A_1159 = arith.constant 16 : i32
    %dma_wait3A_1160 = arith.constant 0 : i32
    %dma_wait3A_1161 = tpu.memref_slice %arg5[%dma_wait3A_1158, %dma_wait3A_1159, %dma_wait3A_1160] : memref<2x32x1024xf32, #tpu.memory_space<vmem>> -> memref<1x16x1024xf32, #tpu.memory_space<vmem>>
    %dma_wait3A_1162 = tpu.memref_squeeze %dma_wait3A_1161 : memref<1x16x1024xf32, #tpu.memory_space<vmem>> -> memref<16x1024xf32, #tpu.memory_space<vmem>>
    %dma_wait3A_1163 = arith.constant 0 : i32
    %dma_wait3A_1164 = arith.constant 0 : i32
    %dma_wait3A_1165 = tpu.memref_slice %arg2[%dma_wait3A_1163, %dma_wait3A_1164] : memref<20480x1024xf32, #tpu.memory_space<hbm>> -> memref<20480x1024xf32, #tpu.memory_space<hbm>>
    tpu.wait_indirect_dma semaphore(%arg7 : memref<!tpu.dma_semaphore, #tpu.memory_space<semaphore_mem>>) src(%dma_wait3A_1165 : memref<20480x1024xf32, #tpu.memory_space<hbm>>) dst(%dma_wait3A_1162 : memref<16x1024xf32, #tpu.memory_space<vmem>>)
    %add3A_1166 = arith.constant 32 : i32
    %add3A_1167 = arith.addi %mul3A_2, %add3A_1166 : i32
    %dma_start3A_1168 = arith.constant 1 : i32
    %dma_start3A_1169 = arith.constant 7 : i32
    %dma_start3A_1170 = arith.constant 0 : i32
    %dma_start3A_1171 = arith.constant 0 : i32
    %dma_start3A_1172 = tpu.memref_slice %arg5[%dma_start3A_1168, %dma_start3A_1170, %dma_start3A_1171] : memref<2x32x1024xf32, #tpu.memory_space<vmem>> -> memref<1x32x1024xf32, #tpu.memory_space<vmem>>
    %dma_start3A_1173 = tpu.memref_squeeze %dma_start3A_1172 : memref<1x32x1024xf32, #tpu.memory_space<vmem>> -> memref<32x1024xf32, #tpu.memory_space<vmem>>
    %dma_start3A_1174 = arith.constant 0 : i32
    %dma_start3A_1175 = tpu.memref_slice %arg4[%dma_start3A_1169, %add3A_1167, %dma_start3A_1174] : memref<8x2048x1024xf32, #tpu.memory_space<hbm>> -> memref<1x32x1024xf32, #tpu.memory_space<hbm>>
    %dma_start3A_1176 = tpu.memref_squeeze %dma_start3A_1175 : memref<1x32x1024xf32, #tpu.memory_space<hbm>> -> memref<32x1024xf32, #tpu.memory_space<hbm>>
    %dma_start3A_1177 = arith.constant 0 : i32
    %dma_start3A_1178 = tpu.memref_slice %arg4[%dma_start3A_1169, %add3A_1167, %dma_start3A_1177] : memref<8x2048x1024xf32, #tpu.memory_space<hbm>> -> memref<1x32x1024xf32, #tpu.memory_space<hbm>>
    %dma_start3A_1179 = tpu.memref_squeeze %dma_start3A_1178 : memref<1x32x1024xf32, #tpu.memory_space<hbm>> -> memref<32x1024xf32, #tpu.memory_space<hbm>>
    %dma_start3A_1180 = arith.constant 0 : i32
    %dma_start3A_1181 = arith.constant 0 : i32
    %dma_start3A_1182 = tpu.memref_slice %arg5[%dma_start3A_1168, %dma_start3A_1180, %dma_start3A_1181] : memref<2x32x1024xf32, #tpu.memory_space<vmem>> -> memref<1x32x1024xf32, #tpu.memory_space<vmem>>
    %dma_start3A_1183 = tpu.memref_squeeze %dma_start3A_1182 : memref<1x32x1024xf32, #tpu.memory_space<vmem>> -> memref<32x1024xf32, #tpu.memory_space<vmem>>
    tpu.enqueue_dma source(%dma_start3A_1183 : memref<32x1024xf32, #tpu.memory_space<vmem>>) target(%dma_start3A_1179 : memref<32x1024xf32, #tpu.memory_space<hbm>>) target_semaphore(%arg8 : memref<!tpu.dma_semaphore, #tpu.memory_space<semaphore_mem>>)
    %dma_wait3A_1184 = arith.constant 0 : i32
    %dma_wait3A_1185 = arith.constant 7 : i32
    %dma_wait3A_1186 = arith.constant 0 : i32
    %dma_wait3A_1187 = arith.constant 0 : i32
    %dma_wait3A_1188 = tpu.memref_slice %arg5[%dma_wait3A_1184, %dma_wait3A_1186, %dma_wait3A_1187] : memref<2x32x1024xf32, #tpu.memory_space<vmem>> -> memref<1x32x1024xf32, #tpu.memory_space<vmem>>
    %dma_wait3A_1189 = tpu.memref_squeeze %dma_wait3A_1188 : memref<1x32x1024xf32, #tpu.memory_space<vmem>> -> memref<32x1024xf32, #tpu.memory_space<vmem>>
    %dma_wait3A_1190 = arith.constant 0 : i32
    %dma_wait3A_1191 = tpu.memref_slice %arg4[%dma_wait3A_1185, %add3A_1091, %dma_wait3A_1190] : memref<8x2048x1024xf32, #tpu.memory_space<hbm>> -> memref<1x32x1024xf32, #tpu.memory_space<hbm>>
    %dma_wait3A_1192 = tpu.memref_squeeze %dma_wait3A_1191 : memref<1x32x1024xf32, #tpu.memory_space<hbm>> -> memref<32x1024xf32, #tpu.memory_space<hbm>>
    %dma_wait3A_1193 = arith.constant 0 : i32
    %dma_wait3A_1194 = tpu.memref_slice %arg4[%dma_wait3A_1185, %add3A_1091, %dma_wait3A_1193] : memref<8x2048x1024xf32, #tpu.memory_space<hbm>> -> memref<1x32x1024xf32, #tpu.memory_space<hbm>>
    %dma_wait3A_1195 = tpu.memref_squeeze %dma_wait3A_1194 : memref<1x32x1024xf32, #tpu.memory_space<hbm>> -> memref<32x1024xf32, #tpu.memory_space<hbm>>
    %dma_wait3A_1196 = arith.constant 0 : i32
    %dma_wait3A_1197 = arith.constant 0 : i32
    %dma_wait3A_1198 = tpu.memref_slice %arg5[%dma_wait3A_1184, %dma_wait3A_1196, %dma_wait3A_1197] : memref<2x32x1024xf32, #tpu.memory_space<vmem>> -> memref<1x32x1024xf32, #tpu.memory_space<vmem>>
    %dma_wait3A_1199 = tpu.memref_squeeze %dma_wait3A_1198 : memref<1x32x1024xf32, #tpu.memory_space<vmem>> -> memref<32x1024xf32, #tpu.memory_space<vmem>>
    tpu.wait_dma2 semaphore(%arg8 : memref<!tpu.dma_semaphore, #tpu.memory_space<semaphore_mem>>) src(%dma_wait3A_1199 : memref<32x1024xf32, #tpu.memory_space<vmem>>) dst(%dma_wait3A_1195 : memref<32x1024xf32, #tpu.memory_space<hbm>>)
    %dma_wait3A_1200 = arith.constant 1 : i32
    %dma_wait3A_1201 = arith.constant 7 : i32
    %dma_wait3A_1202 = arith.constant 0 : i32
    %dma_wait3A_1203 = arith.constant 0 : i32
    %dma_wait3A_1204 = tpu.memref_slice %arg5[%dma_wait3A_1200, %dma_wait3A_1202, %dma_wait3A_1203] : memref<2x32x1024xf32, #tpu.memory_space<vmem>> -> memref<1x32x1024xf32, #tpu.memory_space<vmem>>
    %dma_wait3A_1205 = tpu.memref_squeeze %dma_wait3A_1204 : memref<1x32x1024xf32, #tpu.memory_space<vmem>> -> memref<32x1024xf32, #tpu.memory_space<vmem>>
    %dma_wait3A_1206 = arith.constant 0 : i32
    %dma_wait3A_1207 = tpu.memref_slice %arg4[%dma_wait3A_1201, %add3A_1167, %dma_wait3A_1206] : memref<8x2048x1024xf32, #tpu.memory_space<hbm>> -> memref<1x32x1024xf32, #tpu.memory_space<hbm>>
    %dma_wait3A_1208 = tpu.memref_squeeze %dma_wait3A_1207 : memref<1x32x1024xf32, #tpu.memory_space<hbm>> -> memref<32x1024xf32, #tpu.memory_space<hbm>>
    %dma_wait3A_1209 = arith.constant 0 : i32
    %dma_wait3A_1210 = tpu.memref_slice %arg4[%dma_wait3A_1201, %add3A_1167, %dma_wait3A_1209] : memref<8x2048x1024xf32, #tpu.memory_space<hbm>> -> memref<1x32x1024xf32, #tpu.memory_space<hbm>>
    %dma_wait3A_1211 = tpu.memref_squeeze %dma_wait3A_1210 : memref<1x32x1024xf32, #tpu.memory_space<hbm>> -> memref<32x1024xf32, #tpu.memory_space<hbm>>
    %dma_wait3A_1212 = arith.constant 0 : i32
    %dma_wait3A_1213 = arith.constant 0 : i32
    %dma_wait3A_1214 = tpu.memref_slice %arg5[%dma_wait3A_1200, %dma_wait3A_1212, %dma_wait3A_1213] : memref<2x32x1024xf32, #tpu.memory_space<vmem>> -> memref<1x32x1024xf32, #tpu.memory_space<vmem>>
    %dma_wait3A_1215 = tpu.memref_squeeze %dma_wait3A_1214 : memref<1x32x1024xf32, #tpu.memory_space<vmem>> -> memref<32x1024xf32, #tpu.memory_space<vmem>>
    tpu.wait_dma2 semaphore(%arg8 : memref<!tpu.dma_semaphore, #tpu.memory_space<semaphore_mem>>) src(%dma_wait3A_1215 : memref<32x1024xf32, #tpu.memory_space<vmem>>) dst(%dma_wait3A_1211 : memref<32x1024xf32, #tpu.memory_space<hbm>>)
    return
  }
}

#map = affine_map<(d0, d1) -> (0, 0)>
#map1 = affine_map<(d0, d1) -> (0, 0, 0)>
module attributes {stable_mosaic.version = 14 : i64} {
  func.func @dispatch(%arg0: i32, %arg1: i32, %arg2: memref<2048x1024xf32, #tpu.memory_space<hbm>>, %arg3: memref<32x8x128xi32, #tpu.memory_space<hbm>>, %arg4: memref<20488x1024xf32, #tpu.memory_space<hbm>>, %arg5: memref<64x1024xf32, #tpu.memory_space<vmem>>, %arg6: memref<8x128xi32, #tpu.memory_space<vmem>>, %arg7: memref<!tpu.dma_semaphore, #tpu.memory_space<semaphore_mem>>) attributes {dimension_semantics = [#tpu.dimension_semantics<core_parallel>, #tpu.dimension_semantics<subcore_parallel>], iteration_bounds = array<i64: 2, 16>, scalar_prefetch = 0 : i64, scratch_operands = 3 : i64, tpu.core_type = #tpu.core_type<sc_vector_subcore>, window_params = [{transform_indices = #map}, {transform_indices = #map1}, {transform_indices = #map}]} {
    %mul3A = arith.constant 2 : i32
    %mul3A_0 = arith.muli %arg1, %mul3A : i32
    %add3A = arith.addi %mul3A_0, %arg0 : i32
    %mul3A_1 = arith.constant 64 : i32
    %mul3A_2 = arith.muli %add3A, %mul3A_1 : i32
    "tpu.region"() ({
      %run_scoped3A = tpu.sem_alloc : memref<!tpu.dma_semaphore, #tpu.memory_space<semaphore_mem>>
      %dma_start3A_544 = arith.constant 0 : i32
      %dma_start3A_545 = tpu.memref_slice %arg2[%mul3A_2, %dma_start3A_544] : memref<2048x1024xf32, #tpu.memory_space<hbm>> -> memref<64x1024xf32, #tpu.memory_space<hbm>>
      %dma_start3A_546 = arith.constant 0 : i32
      %dma_start3A_547 = tpu.memref_slice %arg2[%mul3A_2, %dma_start3A_546] : memref<2048x1024xf32, #tpu.memory_space<hbm>> -> memref<64x1024xf32, #tpu.memory_space<hbm>>
      tpu.enqueue_dma source(%dma_start3A_547 : memref<64x1024xf32, #tpu.memory_space<hbm>>) target(%arg5 : memref<64x1024xf32, #tpu.memory_space<vmem>>) target_semaphore(%run_scoped3A : memref<!tpu.dma_semaphore, #tpu.memory_space<semaphore_mem>>)
      %dma_wait3A_548 = arith.constant 0 : i32
      %dma_wait3A_549 = tpu.memref_slice %arg2[%mul3A_2, %dma_wait3A_548] : memref<2048x1024xf32, #tpu.memory_space<hbm>> -> memref<64x1024xf32, #tpu.memory_space<hbm>>
      %dma_wait3A_550 = arith.constant 0 : i32
      %dma_wait3A_551 = tpu.memref_slice %arg2[%mul3A_2, %dma_wait3A_550] : memref<2048x1024xf32, #tpu.memory_space<hbm>> -> memref<64x1024xf32, #tpu.memory_space<hbm>>
      tpu.wait_dma2 semaphore(%run_scoped3A : memref<!tpu.dma_semaphore, #tpu.memory_space<semaphore_mem>>) src(%dma_wait3A_551 : memref<64x1024xf32, #tpu.memory_space<hbm>>) dst(%arg5 : memref<64x1024xf32, #tpu.memory_space<vmem>>)
      tpu.yield
    }) : () -> ()
    "tpu.region"() ({
      %run_scoped3A = tpu.sem_alloc : memref<!tpu.dma_semaphore, #tpu.memory_space<semaphore_mem>>
      %dma_start3A_544 = arith.constant 0 : i32
      %dma_start3A_545 = arith.constant 0 : i32
      %dma_start3A_546 = tpu.memref_slice %arg3[%add3A, %dma_start3A_544, %dma_start3A_545] : memref<32x8x128xi32, #tpu.memory_space<hbm>> -> memref<1x8x128xi32, #tpu.memory_space<hbm>>
      %dma_start3A_547 = tpu.memref_squeeze %dma_start3A_546 : memref<1x8x128xi32, #tpu.memory_space<hbm>> -> memref<8x128xi32, #tpu.memory_space<hbm>>
      %dma_start3A_548 = arith.constant 0 : i32
      %dma_start3A_549 = arith.constant 0 : i32
      %dma_start3A_550 = tpu.memref_slice %arg3[%add3A, %dma_start3A_548, %dma_start3A_549] : memref<32x8x128xi32, #tpu.memory_space<hbm>> -> memref<1x8x128xi32, #tpu.memory_space<hbm>>
      %dma_start3A_551 = tpu.memref_squeeze %dma_start3A_550 : memref<1x8x128xi32, #tpu.memory_space<hbm>> -> memref<8x128xi32, #tpu.memory_space<hbm>>
      tpu.enqueue_dma source(%dma_start3A_551 : memref<8x128xi32, #tpu.memory_space<hbm>>) target(%arg6 : memref<8x128xi32, #tpu.memory_space<vmem>>) target_semaphore(%run_scoped3A : memref<!tpu.dma_semaphore, #tpu.memory_space<semaphore_mem>>)
      %dma_wait3A_552 = arith.constant 0 : i32
      %dma_wait3A_553 = arith.constant 0 : i32
      %dma_wait3A_554 = tpu.memref_slice %arg3[%add3A, %dma_wait3A_552, %dma_wait3A_553] : memref<32x8x128xi32, #tpu.memory_space<hbm>> -> memref<1x8x128xi32, #tpu.memory_space<hbm>>
      %dma_wait3A_555 = tpu.memref_squeeze %dma_wait3A_554 : memref<1x8x128xi32, #tpu.memory_space<hbm>> -> memref<8x128xi32, #tpu.memory_space<hbm>>
      %dma_wait3A_556 = arith.constant 0 : i32
      %dma_wait3A_557 = arith.constant 0 : i32
      %dma_wait3A_558 = tpu.memref_slice %arg3[%add3A, %dma_wait3A_556, %dma_wait3A_557] : memref<32x8x128xi32, #tpu.memory_space<hbm>> -> memref<1x8x128xi32, #tpu.memory_space<hbm>>
      %dma_wait3A_559 = tpu.memref_squeeze %dma_wait3A_558 : memref<1x8x128xi32, #tpu.memory_space<hbm>> -> memref<8x128xi32, #tpu.memory_space<hbm>>
      tpu.wait_dma2 semaphore(%run_scoped3A : memref<!tpu.dma_semaphore, #tpu.memory_space<semaphore_mem>>) src(%dma_wait3A_559 : memref<8x128xi32, #tpu.memory_space<hbm>>) dst(%arg6 : memref<8x128xi32, #tpu.memory_space<vmem>>)
      tpu.yield
    }) : () -> ()
    %get3A = arith.constant 0 : i32
    %get3A_3 = arith.index_cast %get3A : i32 to index
    %get3A_4 = arith.constant 0 : index
    %get3A_5 = tpu.vector_load %arg6[%get3A_3, %get3A_4] {strides = array<i32>} : memref<8x128xi32, #tpu.memory_space<vmem>>, vector<1x16xi32>,
    %get3A_6 = vector.shape_cast %get3A_5 : vector<1x16xi32> to vector<16xi32>
    %dma_start3A = arith.constant 0 : i32
    %dma_start3A_7 = arith.constant 0 : i32
    %dma_start3A_8 = tpu.memref_slice %arg5[%dma_start3A, %dma_start3A_7] : memref<64x1024xf32, #tpu.memory_space<vmem>> -> memref<16x1024xf32, #tpu.memory_space<vmem>>
    %dma_start3A_9 = arith.constant 0 : i32
    %dma_start3A_10 = arith.constant 0 : i32
    %dma_start3A_11 = tpu.memref_slice %arg4[%dma_start3A_9, %dma_start3A_10] : memref<20488x1024xf32, #tpu.memory_space<hbm>> -> memref<20488x1024xf32, #tpu.memory_space<hbm>>
    tpu.enqueue_indirect_dma source(%dma_start3A_8 : memref<16x1024xf32, #tpu.memory_space<vmem>>) target(%dma_start3A_11 : memref<20488x1024xf32, #tpu.memory_space<hbm>>) offsets(%get3A_6 : vector<16xi32>) semaphore(%arg7 : memref<!tpu.dma_semaphore, #tpu.memory_space<semaphore_mem>>)
    %get3A_12 = arith.constant 0 : i32
    %get3A_13 = arith.index_cast %get3A_12 : i32 to index
    %get3A_14 = arith.constant 16 : index
    %get3A_15 = tpu.vector_load %arg6[%get3A_13, %get3A_14] {strides = array<i32>} : memref<8x128xi32, #tpu.memory_space<vmem>>, vector<1x16xi32>,
    %get3A_16 = vector.shape_cast %get3A_15 : vector<1x16xi32> to vector<16xi32>
    %dma_start3A_17 = arith.constant 16 : i32
    %dma_start3A_18 = arith.constant 0 : i32
    %dma_start3A_19 = tpu.memref_slice %arg5[%dma_start3A_17, %dma_start3A_18] : memref<64x1024xf32, #tpu.memory_space<vmem>> -> memref<16x1024xf32, #tpu.memory_space<vmem>>
    %dma_start3A_20 = arith.constant 0 : i32
    %dma_start3A_21 = arith.constant 0 : i32
    %dma_start3A_22 = tpu.memref_slice %arg4[%dma_start3A_20, %dma_start3A_21] : memref<20488x1024xf32, #tpu.memory_space<hbm>> -> memref<20488x1024xf32, #tpu.memory_space<hbm>>
    tpu.enqueue_indirect_dma source(%dma_start3A_19 : memref<16x1024xf32, #tpu.memory_space<vmem>>) target(%dma_start3A_22 : memref<20488x1024xf32, #tpu.memory_space<hbm>>) offsets(%get3A_16 : vector<16xi32>) semaphore(%arg7 : memref<!tpu.dma_semaphore, #tpu.memory_space<semaphore_mem>>)
    %get3A_23 = arith.constant 0 : i32
    %get3A_24 = arith.index_cast %get3A_23 : i32 to index
    %get3A_25 = arith.constant 32 : index
    %get3A_26 = tpu.vector_load %arg6[%get3A_24, %get3A_25] {strides = array<i32>} : memref<8x128xi32, #tpu.memory_space<vmem>>, vector<1x16xi32>,
    %get3A_27 = vector.shape_cast %get3A_26 : vector<1x16xi32> to vector<16xi32>
    %dma_start3A_28 = arith.constant 32 : i32
    %dma_start3A_29 = arith.constant 0 : i32
    %dma_start3A_30 = tpu.memref_slice %arg5[%dma_start3A_28, %dma_start3A_29] : memref<64x1024xf32, #tpu.memory_space<vmem>> -> memref<16x1024xf32, #tpu.memory_space<vmem>>
    %dma_start3A_31 = arith.constant 0 : i32
    %dma_start3A_32 = arith.constant 0 : i32
    %dma_start3A_33 = tpu.memref_slice %arg4[%dma_start3A_31, %dma_start3A_32] : memref<20488x1024xf32, #tpu.memory_space<hbm>> -> memref<20488x1024xf32, #tpu.memory_space<hbm>>
    tpu.enqueue_indirect_dma source(%dma_start3A_30 : memref<16x1024xf32, #tpu.memory_space<vmem>>) target(%dma_start3A_33 : memref<20488x1024xf32, #tpu.memory_space<hbm>>) offsets(%get3A_27 : vector<16xi32>) semaphore(%arg7 : memref<!tpu.dma_semaphore, #tpu.memory_space<semaphore_mem>>)
    %get3A_34 = arith.constant 0 : i32
    %get3A_35 = arith.index_cast %get3A_34 : i32 to index
    %get3A_36 = arith.constant 48 : index
    %get3A_37 = tpu.vector_load %arg6[%get3A_35, %get3A_36] {strides = array<i32>} : memref<8x128xi32, #tpu.memory_space<vmem>>, vector<1x16xi32>,
    %get3A_38 = vector.shape_cast %get3A_37 : vector<1x16xi32> to vector<16xi32>
    %dma_start3A_39 = arith.constant 48 : i32
    %dma_start3A_40 = arith.constant 0 : i32
    %dma_start3A_41 = tpu.memref_slice %arg5[%dma_start3A_39, %dma_start3A_40] : memref<64x1024xf32, #tpu.memory_space<vmem>> -> memref<16x1024xf32, #tpu.memory_space<vmem>>
    %dma_start3A_42 = arith.constant 0 : i32
    %dma_start3A_43 = arith.constant 0 : i32
    %dma_start3A_44 = tpu.memref_slice %arg4[%dma_start3A_42, %dma_start3A_43] : memref<20488x1024xf32, #tpu.memory_space<hbm>> -> memref<20488x1024xf32, #tpu.memory_space<hbm>>
    tpu.enqueue_indirect_dma source(%dma_start3A_41 : memref<16x1024xf32, #tpu.memory_space<vmem>>) target(%dma_start3A_44 : memref<20488x1024xf32, #tpu.memory_space<hbm>>) offsets(%get3A_38 : vector<16xi32>) semaphore(%arg7 : memref<!tpu.dma_semaphore, #tpu.memory_space<semaphore_mem>>)
    %get3A_45 = arith.constant 1 : i32
    %get3A_46 = arith.index_cast %get3A_45 : i32 to index
    %get3A_47 = arith.constant 0 : index
    %get3A_48 = tpu.vector_load %arg6[%get3A_46, %get3A_47] {strides = array<i32>} : memref<8x128xi32, #tpu.memory_space<vmem>>, vector<1x16xi32>,
    %get3A_49 = vector.shape_cast %get3A_48 : vector<1x16xi32> to vector<16xi32>
    %dma_start3A_50 = arith.constant 0 : i32
    %dma_start3A_51 = arith.constant 0 : i32
    %dma_start3A_52 = tpu.memref_slice %arg5[%dma_start3A_50, %dma_start3A_51] : memref<64x1024xf32, #tpu.memory_space<vmem>> -> memref<16x1024xf32, #tpu.memory_space<vmem>>
    %dma_start3A_53 = arith.constant 0 : i32
    %dma_start3A_54 = arith.constant 0 : i32
    %dma_start3A_55 = tpu.memref_slice %arg4[%dma_start3A_53, %dma_start3A_54] : memref<20488x1024xf32, #tpu.memory_space<hbm>> -> memref<20488x1024xf32, #tpu.memory_space<hbm>>
    tpu.enqueue_indirect_dma source(%dma_start3A_52 : memref<16x1024xf32, #tpu.memory_space<vmem>>) target(%dma_start3A_55 : memref<20488x1024xf32, #tpu.memory_space<hbm>>) offsets(%get3A_49 : vector<16xi32>) semaphore(%arg7 : memref<!tpu.dma_semaphore, #tpu.memory_space<semaphore_mem>>)
    %get3A_56 = arith.constant 1 : i32
    %get3A_57 = arith.index_cast %get3A_56 : i32 to index
    %get3A_58 = arith.constant 16 : index
    %get3A_59 = tpu.vector_load %arg6[%get3A_57, %get3A_58] {strides = array<i32>} : memref<8x128xi32, #tpu.memory_space<vmem>>, vector<1x16xi32>,
    %get3A_60 = vector.shape_cast %get3A_59 : vector<1x16xi32> to vector<16xi32>
    %dma_start3A_61 = arith.constant 16 : i32
    %dma_start3A_62 = arith.constant 0 : i32
    %dma_start3A_63 = tpu.memref_slice %arg5[%dma_start3A_61, %dma_start3A_62] : memref<64x1024xf32, #tpu.memory_space<vmem>> -> memref<16x1024xf32, #tpu.memory_space<vmem>>
    %dma_start3A_64 = arith.constant 0 : i32
    %dma_start3A_65 = arith.constant 0 : i32
    %dma_start3A_66 = tpu.memref_slice %arg4[%dma_start3A_64, %dma_start3A_65] : memref<20488x1024xf32, #tpu.memory_space<hbm>> -> memref<20488x1024xf32, #tpu.memory_space<hbm>>
    tpu.enqueue_indirect_dma source(%dma_start3A_63 : memref<16x1024xf32, #tpu.memory_space<vmem>>) target(%dma_start3A_66 : memref<20488x1024xf32, #tpu.memory_space<hbm>>) offsets(%get3A_60 : vector<16xi32>) semaphore(%arg7 : memref<!tpu.dma_semaphore, #tpu.memory_space<semaphore_mem>>)
    %get3A_67 = arith.constant 1 : i32
    %get3A_68 = arith.index_cast %get3A_67 : i32 to index
    %get3A_69 = arith.constant 32 : index
    %get3A_70 = tpu.vector_load %arg6[%get3A_68, %get3A_69] {strides = array<i32>} : memref<8x128xi32, #tpu.memory_space<vmem>>, vector<1x16xi32>,
    %get3A_71 = vector.shape_cast %get3A_70 : vector<1x16xi32> to vector<16xi32>
    %dma_start3A_72 = arith.constant 32 : i32
    %dma_start3A_73 = arith.constant 0 : i32
    %dma_start3A_74 = tpu.memref_slice %arg5[%dma_start3A_72, %dma_start3A_73] : memref<64x1024xf32, #tpu.memory_space<vmem>> -> memref<16x1024xf32, #tpu.memory_space<vmem>>
    %dma_start3A_75 = arith.constant 0 : i32
    %dma_start3A_76 = arith.constant 0 : i32
    %dma_start3A_77 = tpu.memref_slice %arg4[%dma_start3A_75, %dma_start3A_76] : memref<20488x1024xf32, #tpu.memory_space<hbm>> -> memref<20488x1024xf32, #tpu.memory_space<hbm>>
    tpu.enqueue_indirect_dma source(%dma_start3A_74 : memref<16x1024xf32, #tpu.memory_space<vmem>>) target(%dma_start3A_77 : memref<20488x1024xf32, #tpu.memory_space<hbm>>) offsets(%get3A_71 : vector<16xi32>) semaphore(%arg7 : memref<!tpu.dma_semaphore, #tpu.memory_space<semaphore_mem>>)
    %get3A_78 = arith.constant 1 : i32
    %get3A_79 = arith.index_cast %get3A_78 : i32 to index
    %get3A_80 = arith.constant 48 : index
    %get3A_81 = tpu.vector_load %arg6[%get3A_79, %get3A_80] {strides = array<i32>} : memref<8x128xi32, #tpu.memory_space<vmem>>, vector<1x16xi32>,
    %get3A_82 = vector.shape_cast %get3A_81 : vector<1x16xi32> to vector<16xi32>
    %dma_start3A_83 = arith.constant 48 : i32
    %dma_start3A_84 = arith.constant 0 : i32
    %dma_start3A_85 = tpu.memref_slice %arg5[%dma_start3A_83, %dma_start3A_84] : memref<64x1024xf32, #tpu.memory_space<vmem>> -> memref<16x1024xf32, #tpu.memory_space<vmem>>
    %dma_start3A_86 = arith.constant 0 : i32
    %dma_start3A_87 = arith.constant 0 : i32
    %dma_start3A_88 = tpu.memref_slice %arg4[%dma_start3A_86, %dma_start3A_87] : memref<20488x1024xf32, #tpu.memory_space<hbm>> -> memref<20488x1024xf32, #tpu.memory_space<hbm>>
    tpu.enqueue_indirect_dma source(%dma_start3A_85 : memref<16x1024xf32, #tpu.memory_space<vmem>>) target(%dma_start3A_88 : memref<20488x1024xf32, #tpu.memory_space<hbm>>) offsets(%get3A_82 : vector<16xi32>) semaphore(%arg7 : memref<!tpu.dma_semaphore, #tpu.memory_space<semaphore_mem>>)
    %get3A_89 = arith.constant 2 : i32
    %get3A_90 = arith.index_cast %get3A_89 : i32 to index
    %get3A_91 = arith.constant 0 : index
    %get3A_92 = tpu.vector_load %arg6[%get3A_90, %get3A_91] {strides = array<i32>} : memref<8x128xi32, #tpu.memory_space<vmem>>, vector<1x16xi32>,
    %get3A_93 = vector.shape_cast %get3A_92 : vector<1x16xi32> to vector<16xi32>
    %dma_start3A_94 = arith.constant 0 : i32
    %dma_start3A_95 = arith.constant 0 : i32
    %dma_start3A_96 = tpu.memref_slice %arg5[%dma_start3A_94, %dma_start3A_95] : memref<64x1024xf32, #tpu.memory_space<vmem>> -> memref<16x1024xf32, #tpu.memory_space<vmem>>
    %dma_start3A_97 = arith.constant 0 : i32
    %dma_start3A_98 = arith.constant 0 : i32
    %dma_start3A_99 = tpu.memref_slice %arg4[%dma_start3A_97, %dma_start3A_98] : memref<20488x1024xf32, #tpu.memory_space<hbm>> -> memref<20488x1024xf32, #tpu.memory_space<hbm>>
    tpu.enqueue_indirect_dma source(%dma_start3A_96 : memref<16x1024xf32, #tpu.memory_space<vmem>>) target(%dma_start3A_99 : memref<20488x1024xf32, #tpu.memory_space<hbm>>) offsets(%get3A_93 : vector<16xi32>) semaphore(%arg7 : memref<!tpu.dma_semaphore, #tpu.memory_space<semaphore_mem>>)
    %get3A_100 = arith.constant 2 : i32
    %get3A_101 = arith.index_cast %get3A_100 : i32 to index
    %get3A_102 = arith.constant 16 : index
    %get3A_103 = tpu.vector_load %arg6[%get3A_101, %get3A_102] {strides = array<i32>} : memref<8x128xi32, #tpu.memory_space<vmem>>, vector<1x16xi32>,
    %get3A_104 = vector.shape_cast %get3A_103 : vector<1x16xi32> to vector<16xi32>
    %dma_start3A_105 = arith.constant 16 : i32
    %dma_start3A_106 = arith.constant 0 : i32
    %dma_start3A_107 = tpu.memref_slice %arg5[%dma_start3A_105, %dma_start3A_106] : memref<64x1024xf32, #tpu.memory_space<vmem>> -> memref<16x1024xf32, #tpu.memory_space<vmem>>
    %dma_start3A_108 = arith.constant 0 : i32
    %dma_start3A_109 = arith.constant 0 : i32
    %dma_start3A_110 = tpu.memref_slice %arg4[%dma_start3A_108, %dma_start3A_109] : memref<20488x1024xf32, #tpu.memory_space<hbm>> -> memref<20488x1024xf32, #tpu.memory_space<hbm>>
    tpu.enqueue_indirect_dma source(%dma_start3A_107 : memref<16x1024xf32, #tpu.memory_space<vmem>>) target(%dma_start3A_110 : memref<20488x1024xf32, #tpu.memory_space<hbm>>) offsets(%get3A_104 : vector<16xi32>) semaphore(%arg7 : memref<!tpu.dma_semaphore, #tpu.memory_space<semaphore_mem>>)
    %get3A_111 = arith.constant 2 : i32
    %get3A_112 = arith.index_cast %get3A_111 : i32 to index
    %get3A_113 = arith.constant 32 : index
    %get3A_114 = tpu.vector_load %arg6[%get3A_112, %get3A_113] {strides = array<i32>} : memref<8x128xi32, #tpu.memory_space<vmem>>, vector<1x16xi32>,
    %get3A_115 = vector.shape_cast %get3A_114 : vector<1x16xi32> to vector<16xi32>
    %dma_start3A_116 = arith.constant 32 : i32
    %dma_start3A_117 = arith.constant 0 : i32
    %dma_start3A_118 = tpu.memref_slice %arg5[%dma_start3A_116, %dma_start3A_117] : memref<64x1024xf32, #tpu.memory_space<vmem>> -> memref<16x1024xf32, #tpu.memory_space<vmem>>
    %dma_start3A_119 = arith.constant 0 : i32
    %dma_start3A_120 = arith.constant 0 : i32
    %dma_start3A_121 = tpu.memref_slice %arg4[%dma_start3A_119, %dma_start3A_120] : memref<20488x1024xf32, #tpu.memory_space<hbm>> -> memref<20488x1024xf32, #tpu.memory_space<hbm>>
    tpu.enqueue_indirect_dma source(%dma_start3A_118 : memref<16x1024xf32, #tpu.memory_space<vmem>>) target(%dma_start3A_121 : memref<20488x1024xf32, #tpu.memory_space<hbm>>) offsets(%get3A_115 : vector<16xi32>) semaphore(%arg7 : memref<!tpu.dma_semaphore, #tpu.memory_space<semaphore_mem>>)
    %get3A_122 = arith.constant 2 : i32
    %get3A_123 = arith.index_cast %get3A_122 : i32 to index
    %get3A_124 = arith.constant 48 : index
    %get3A_125 = tpu.vector_load %arg6[%get3A_123, %get3A_124] {strides = array<i32>} : memref<8x128xi32, #tpu.memory_space<vmem>>, vector<1x16xi32>,
    %get3A_126 = vector.shape_cast %get3A_125 : vector<1x16xi32> to vector<16xi32>
    %dma_start3A_127 = arith.constant 48 : i32
    %dma_start3A_128 = arith.constant 0 : i32
    %dma_start3A_129 = tpu.memref_slice %arg5[%dma_start3A_127, %dma_start3A_128] : memref<64x1024xf32, #tpu.memory_space<vmem>> -> memref<16x1024xf32, #tpu.memory_space<vmem>>
    %dma_start3A_130 = arith.constant 0 : i32
    %dma_start3A_131 = arith.constant 0 : i32
    %dma_start3A_132 = tpu.memref_slice %arg4[%dma_start3A_130, %dma_start3A_131] : memref<20488x1024xf32, #tpu.memory_space<hbm>> -> memref<20488x1024xf32, #tpu.memory_space<hbm>>
    tpu.enqueue_indirect_dma source(%dma_start3A_129 : memref<16x1024xf32, #tpu.memory_space<vmem>>) target(%dma_start3A_132 : memref<20488x1024xf32, #tpu.memory_space<hbm>>) offsets(%get3A_126 : vector<16xi32>) semaphore(%arg7 : memref<!tpu.dma_semaphore, #tpu.memory_space<semaphore_mem>>)
    %get3A_133 = arith.constant 3 : i32
    %get3A_134 = arith.index_cast %get3A_133 : i32 to index
    %get3A_135 = arith.constant 0 : index
    %get3A_136 = tpu.vector_load %arg6[%get3A_134, %get3A_135] {strides = array<i32>} : memref<8x128xi32, #tpu.memory_space<vmem>>, vector<1x16xi32>,
    %get3A_137 = vector.shape_cast %get3A_136 : vector<1x16xi32> to vector<16xi32>
    %dma_start3A_138 = arith.constant 0 : i32
    %dma_start3A_139 = arith.constant 0 : i32
    %dma_start3A_140 = tpu.memref_slice %arg5[%dma_start3A_138, %dma_start3A_139] : memref<64x1024xf32, #tpu.memory_space<vmem>> -> memref<16x1024xf32, #tpu.memory_space<vmem>>
    %dma_start3A_141 = arith.constant 0 : i32
    %dma_start3A_142 = arith.constant 0 : i32
    %dma_start3A_143 = tpu.memref_slice %arg4[%dma_start3A_141, %dma_start3A_142] : memref<20488x1024xf32, #tpu.memory_space<hbm>> -> memref<20488x1024xf32, #tpu.memory_space<hbm>>
    tpu.enqueue_indirect_dma source(%dma_start3A_140 : memref<16x1024xf32, #tpu.memory_space<vmem>>) target(%dma_start3A_143 : memref<20488x1024xf32, #tpu.memory_space<hbm>>) offsets(%get3A_137 : vector<16xi32>) semaphore(%arg7 : memref<!tpu.dma_semaphore, #tpu.memory_space<semaphore_mem>>)
    %get3A_144 = arith.constant 3 : i32
    %get3A_145 = arith.index_cast %get3A_144 : i32 to index
    %get3A_146 = arith.constant 16 : index
    %get3A_147 = tpu.vector_load %arg6[%get3A_145, %get3A_146] {strides = array<i32>} : memref<8x128xi32, #tpu.memory_space<vmem>>, vector<1x16xi32>,
    %get3A_148 = vector.shape_cast %get3A_147 : vector<1x16xi32> to vector<16xi32>
    %dma_start3A_149 = arith.constant 16 : i32
    %dma_start3A_150 = arith.constant 0 : i32
    %dma_start3A_151 = tpu.memref_slice %arg5[%dma_start3A_149, %dma_start3A_150] : memref<64x1024xf32, #tpu.memory_space<vmem>> -> memref<16x1024xf32, #tpu.memory_space<vmem>>
    %dma_start3A_152 = arith.constant 0 : i32
    %dma_start3A_153 = arith.constant 0 : i32
    %dma_start3A_154 = tpu.memref_slice %arg4[%dma_start3A_152, %dma_start3A_153] : memref<20488x1024xf32, #tpu.memory_space<hbm>> -> memref<20488x1024xf32, #tpu.memory_space<hbm>>
    tpu.enqueue_indirect_dma source(%dma_start3A_151 : memref<16x1024xf32, #tpu.memory_space<vmem>>) target(%dma_start3A_154 : memref<20488x1024xf32, #tpu.memory_space<hbm>>) offsets(%get3A_148 : vector<16xi32>) semaphore(%arg7 : memref<!tpu.dma_semaphore, #tpu.memory_space<semaphore_mem>>)
    %get3A_155 = arith.constant 3 : i32
    %get3A_156 = arith.index_cast %get3A_155 : i32 to index
    %get3A_157 = arith.constant 32 : index
    %get3A_158 = tpu.vector_load %arg6[%get3A_156, %get3A_157] {strides = array<i32>} : memref<8x128xi32, #tpu.memory_space<vmem>>, vector<1x16xi32>,
    %get3A_159 = vector.shape_cast %get3A_158 : vector<1x16xi32> to vector<16xi32>
    %dma_start3A_160 = arith.constant 32 : i32
    %dma_start3A_161 = arith.constant 0 : i32
    %dma_start3A_162 = tpu.memref_slice %arg5[%dma_start3A_160, %dma_start3A_161] : memref<64x1024xf32, #tpu.memory_space<vmem>> -> memref<16x1024xf32, #tpu.memory_space<vmem>>
    %dma_start3A_163 = arith.constant 0 : i32
    %dma_start3A_164 = arith.constant 0 : i32
    %dma_start3A_165 = tpu.memref_slice %arg4[%dma_start3A_163, %dma_start3A_164] : memref<20488x1024xf32, #tpu.memory_space<hbm>> -> memref<20488x1024xf32, #tpu.memory_space<hbm>>
    tpu.enqueue_indirect_dma source(%dma_start3A_162 : memref<16x1024xf32, #tpu.memory_space<vmem>>) target(%dma_start3A_165 : memref<20488x1024xf32, #tpu.memory_space<hbm>>) offsets(%get3A_159 : vector<16xi32>) semaphore(%arg7 : memref<!tpu.dma_semaphore, #tpu.memory_space<semaphore_mem>>)
    %get3A_166 = arith.constant 3 : i32
    %get3A_167 = arith.index_cast %get3A_166 : i32 to index
    %get3A_168 = arith.constant 48 : index
    %get3A_169 = tpu.vector_load %arg6[%get3A_167, %get3A_168] {strides = array<i32>} : memref<8x128xi32, #tpu.memory_space<vmem>>, vector<1x16xi32>,
    %get3A_170 = vector.shape_cast %get3A_169 : vector<1x16xi32> to vector<16xi32>
    %dma_start3A_171 = arith.constant 48 : i32
    %dma_start3A_172 = arith.constant 0 : i32
    %dma_start3A_173 = tpu.memref_slice %arg5[%dma_start3A_171, %dma_start3A_172] : memref<64x1024xf32, #tpu.memory_space<vmem>> -> memref<16x1024xf32, #tpu.memory_space<vmem>>
    %dma_start3A_174 = arith.constant 0 : i32
    %dma_start3A_175 = arith.constant 0 : i32
    %dma_start3A_176 = tpu.memref_slice %arg4[%dma_start3A_174, %dma_start3A_175] : memref<20488x1024xf32, #tpu.memory_space<hbm>> -> memref<20488x1024xf32, #tpu.memory_space<hbm>>
    tpu.enqueue_indirect_dma source(%dma_start3A_173 : memref<16x1024xf32, #tpu.memory_space<vmem>>) target(%dma_start3A_176 : memref<20488x1024xf32, #tpu.memory_space<hbm>>) offsets(%get3A_170 : vector<16xi32>) semaphore(%arg7 : memref<!tpu.dma_semaphore, #tpu.memory_space<semaphore_mem>>)
    %get3A_177 = arith.constant 4 : i32
    %get3A_178 = arith.index_cast %get3A_177 : i32 to index
    %get3A_179 = arith.constant 0 : index
    %get3A_180 = tpu.vector_load %arg6[%get3A_178, %get3A_179] {strides = array<i32>} : memref<8x128xi32, #tpu.memory_space<vmem>>, vector<1x16xi32>,
    %get3A_181 = vector.shape_cast %get3A_180 : vector<1x16xi32> to vector<16xi32>
    %dma_start3A_182 = arith.constant 0 : i32
    %dma_start3A_183 = arith.constant 0 : i32
    %dma_start3A_184 = tpu.memref_slice %arg5[%dma_start3A_182, %dma_start3A_183] : memref<64x1024xf32, #tpu.memory_space<vmem>> -> memref<16x1024xf32, #tpu.memory_space<vmem>>
    %dma_start3A_185 = arith.constant 0 : i32
    %dma_start3A_186 = arith.constant 0 : i32
    %dma_start3A_187 = tpu.memref_slice %arg4[%dma_start3A_185, %dma_start3A_186] : memref<20488x1024xf32, #tpu.memory_space<hbm>> -> memref<20488x1024xf32, #tpu.memory_space<hbm>>
    tpu.enqueue_indirect_dma source(%dma_start3A_184 : memref<16x1024xf32, #tpu.memory_space<vmem>>) target(%dma_start3A_187 : memref<20488x1024xf32, #tpu.memory_space<hbm>>) offsets(%get3A_181 : vector<16xi32>) semaphore(%arg7 : memref<!tpu.dma_semaphore, #tpu.memory_space<semaphore_mem>>)
    %get3A_188 = arith.constant 4 : i32
    %get3A_189 = arith.index_cast %get3A_188 : i32 to index
    %get3A_190 = arith.constant 16 : index
    %get3A_191 = tpu.vector_load %arg6[%get3A_189, %get3A_190] {strides = array<i32>} : memref<8x128xi32, #tpu.memory_space<vmem>>, vector<1x16xi32>,
    %get3A_192 = vector.shape_cast %get3A_191 : vector<1x16xi32> to vector<16xi32>
    %dma_start3A_193 = arith.constant 16 : i32
    %dma_start3A_194 = arith.constant 0 : i32
    %dma_start3A_195 = tpu.memref_slice %arg5[%dma_start3A_193, %dma_start3A_194] : memref<64x1024xf32, #tpu.memory_space<vmem>> -> memref<16x1024xf32, #tpu.memory_space<vmem>>
    %dma_start3A_196 = arith.constant 0 : i32
    %dma_start3A_197 = arith.constant 0 : i32
    %dma_start3A_198 = tpu.memref_slice %arg4[%dma_start3A_196, %dma_start3A_197] : memref<20488x1024xf32, #tpu.memory_space<hbm>> -> memref<20488x1024xf32, #tpu.memory_space<hbm>>
    tpu.enqueue_indirect_dma source(%dma_start3A_195 : memref<16x1024xf32, #tpu.memory_space<vmem>>) target(%dma_start3A_198 : memref<20488x1024xf32, #tpu.memory_space<hbm>>) offsets(%get3A_192 : vector<16xi32>) semaphore(%arg7 : memref<!tpu.dma_semaphore, #tpu.memory_space<semaphore_mem>>)
    %get3A_199 = arith.constant 4 : i32
    %get3A_200 = arith.index_cast %get3A_199 : i32 to index
    %get3A_201 = arith.constant 32 : index
    %get3A_202 = tpu.vector_load %arg6[%get3A_200, %get3A_201] {strides = array<i32>} : memref<8x128xi32, #tpu.memory_space<vmem>>, vector<1x16xi32>,
    %get3A_203 = vector.shape_cast %get3A_202 : vector<1x16xi32> to vector<16xi32>
    %dma_start3A_204 = arith.constant 32 : i32
    %dma_start3A_205 = arith.constant 0 : i32
    %dma_start3A_206 = tpu.memref_slice %arg5[%dma_start3A_204, %dma_start3A_205] : memref<64x1024xf32, #tpu.memory_space<vmem>> -> memref<16x1024xf32, #tpu.memory_space<vmem>>
    %dma_start3A_207 = arith.constant 0 : i32
    %dma_start3A_208 = arith.constant 0 : i32
    %dma_start3A_209 = tpu.memref_slice %arg4[%dma_start3A_207, %dma_start3A_208] : memref<20488x1024xf32, #tpu.memory_space<hbm>> -> memref<20488x1024xf32, #tpu.memory_space<hbm>>
    tpu.enqueue_indirect_dma source(%dma_start3A_206 : memref<16x1024xf32, #tpu.memory_space<vmem>>) target(%dma_start3A_209 : memref<20488x1024xf32, #tpu.memory_space<hbm>>) offsets(%get3A_203 : vector<16xi32>) semaphore(%arg7 : memref<!tpu.dma_semaphore, #tpu.memory_space<semaphore_mem>>)
    %get3A_210 = arith.constant 4 : i32
    %get3A_211 = arith.index_cast %get3A_210 : i32 to index
    %get3A_212 = arith.constant 48 : index
    %get3A_213 = tpu.vector_load %arg6[%get3A_211, %get3A_212] {strides = array<i32>} : memref<8x128xi32, #tpu.memory_space<vmem>>, vector<1x16xi32>,
    %get3A_214 = vector.shape_cast %get3A_213 : vector<1x16xi32> to vector<16xi32>
    %dma_start3A_215 = arith.constant 48 : i32
    %dma_start3A_216 = arith.constant 0 : i32
    %dma_start3A_217 = tpu.memref_slice %arg5[%dma_start3A_215, %dma_start3A_216] : memref<64x1024xf32, #tpu.memory_space<vmem>> -> memref<16x1024xf32, #tpu.memory_space<vmem>>
    %dma_start3A_218 = arith.constant 0 : i32
    %dma_start3A_219 = arith.constant 0 : i32
    %dma_start3A_220 = tpu.memref_slice %arg4[%dma_start3A_218, %dma_start3A_219] : memref<20488x1024xf32, #tpu.memory_space<hbm>> -> memref<20488x1024xf32, #tpu.memory_space<hbm>>
    tpu.enqueue_indirect_dma source(%dma_start3A_217 : memref<16x1024xf32, #tpu.memory_space<vmem>>) target(%dma_start3A_220 : memref<20488x1024xf32, #tpu.memory_space<hbm>>) offsets(%get3A_214 : vector<16xi32>) semaphore(%arg7 : memref<!tpu.dma_semaphore, #tpu.memory_space<semaphore_mem>>)
    %get3A_221 = arith.constant 5 : i32
    %get3A_222 = arith.index_cast %get3A_221 : i32 to index
    %get3A_223 = arith.constant 0 : index
    %get3A_224 = tpu.vector_load %arg6[%get3A_222, %get3A_223] {strides = array<i32>} : memref<8x128xi32, #tpu.memory_space<vmem>>, vector<1x16xi32>,
    %get3A_225 = vector.shape_cast %get3A_224 : vector<1x16xi32> to vector<16xi32>
    %dma_start3A_226 = arith.constant 0 : i32
    %dma_start3A_227 = arith.constant 0 : i32
    %dma_start3A_228 = tpu.memref_slice %arg5[%dma_start3A_226, %dma_start3A_227] : memref<64x1024xf32, #tpu.memory_space<vmem>> -> memref<16x1024xf32, #tpu.memory_space<vmem>>
    %dma_start3A_229 = arith.constant 0 : i32
    %dma_start3A_230 = arith.constant 0 : i32
    %dma_start3A_231 = tpu.memref_slice %arg4[%dma_start3A_229, %dma_start3A_230] : memref<20488x1024xf32, #tpu.memory_space<hbm>> -> memref<20488x1024xf32, #tpu.memory_space<hbm>>
    tpu.enqueue_indirect_dma source(%dma_start3A_228 : memref<16x1024xf32, #tpu.memory_space<vmem>>) target(%dma_start3A_231 : memref<20488x1024xf32, #tpu.memory_space<hbm>>) offsets(%get3A_225 : vector<16xi32>) semaphore(%arg7 : memref<!tpu.dma_semaphore, #tpu.memory_space<semaphore_mem>>)
    %get3A_232 = arith.constant 5 : i32
    %get3A_233 = arith.index_cast %get3A_232 : i32 to index
    %get3A_234 = arith.constant 16 : index
    %get3A_235 = tpu.vector_load %arg6[%get3A_233, %get3A_234] {strides = array<i32>} : memref<8x128xi32, #tpu.memory_space<vmem>>, vector<1x16xi32>,
    %get3A_236 = vector.shape_cast %get3A_235 : vector<1x16xi32> to vector<16xi32>
    %dma_start3A_237 = arith.constant 16 : i32
    %dma_start3A_238 = arith.constant 0 : i32
    %dma_start3A_239 = tpu.memref_slice %arg5[%dma_start3A_237, %dma_start3A_238] : memref<64x1024xf32, #tpu.memory_space<vmem>> -> memref<16x1024xf32, #tpu.memory_space<vmem>>
    %dma_start3A_240 = arith.constant 0 : i32
    %dma_start3A_241 = arith.constant 0 : i32
    %dma_start3A_242 = tpu.memref_slice %arg4[%dma_start3A_240, %dma_start3A_241] : memref<20488x1024xf32, #tpu.memory_space<hbm>> -> memref<20488x1024xf32, #tpu.memory_space<hbm>>
    tpu.enqueue_indirect_dma source(%dma_start3A_239 : memref<16x1024xf32, #tpu.memory_space<vmem>>) target(%dma_start3A_242 : memref<20488x1024xf32, #tpu.memory_space<hbm>>) offsets(%get3A_236 : vector<16xi32>) semaphore(%arg7 : memref<!tpu.dma_semaphore, #tpu.memory_space<semaphore_mem>>)
    %get3A_243 = arith.constant 5 : i32
    %get3A_244 = arith.index_cast %get3A_243 : i32 to index
    %get3A_245 = arith.constant 32 : index
    %get3A_246 = tpu.vector_load %arg6[%get3A_244, %get3A_245] {strides = array<i32>} : memref<8x128xi32, #tpu.memory_space<vmem>>, vector<1x16xi32>,
    %get3A_247 = vector.shape_cast %get3A_246 : vector<1x16xi32> to vector<16xi32>
    %dma_start3A_248 = arith.constant 32 : i32
    %dma_start3A_249 = arith.constant 0 : i32
    %dma_start3A_250 = tpu.memref_slice %arg5[%dma_start3A_248, %dma_start3A_249] : memref<64x1024xf32, #tpu.memory_space<vmem>> -> memref<16x1024xf32, #tpu.memory_space<vmem>>
    %dma_start3A_251 = arith.constant 0 : i32
    %dma_start3A_252 = arith.constant 0 : i32
    %dma_start3A_253 = tpu.memref_slice %arg4[%dma_start3A_251, %dma_start3A_252] : memref<20488x1024xf32, #tpu.memory_space<hbm>> -> memref<20488x1024xf32, #tpu.memory_space<hbm>>
    tpu.enqueue_indirect_dma source(%dma_start3A_250 : memref<16x1024xf32, #tpu.memory_space<vmem>>) target(%dma_start3A_253 : memref<20488x1024xf32, #tpu.memory_space<hbm>>) offsets(%get3A_247 : vector<16xi32>) semaphore(%arg7 : memref<!tpu.dma_semaphore, #tpu.memory_space<semaphore_mem>>)
    %get3A_254 = arith.constant 5 : i32
    %get3A_255 = arith.index_cast %get3A_254 : i32 to index
    %get3A_256 = arith.constant 48 : index
    %get3A_257 = tpu.vector_load %arg6[%get3A_255, %get3A_256] {strides = array<i32>} : memref<8x128xi32, #tpu.memory_space<vmem>>, vector<1x16xi32>,
    %get3A_258 = vector.shape_cast %get3A_257 : vector<1x16xi32> to vector<16xi32>
    %dma_start3A_259 = arith.constant 48 : i32
    %dma_start3A_260 = arith.constant 0 : i32
    %dma_start3A_261 = tpu.memref_slice %arg5[%dma_start3A_259, %dma_start3A_260] : memref<64x1024xf32, #tpu.memory_space<vmem>> -> memref<16x1024xf32, #tpu.memory_space<vmem>>
    %dma_start3A_262 = arith.constant 0 : i32
    %dma_start3A_263 = arith.constant 0 : i32
    %dma_start3A_264 = tpu.memref_slice %arg4[%dma_start3A_262, %dma_start3A_263] : memref<20488x1024xf32, #tpu.memory_space<hbm>> -> memref<20488x1024xf32, #tpu.memory_space<hbm>>
    tpu.enqueue_indirect_dma source(%dma_start3A_261 : memref<16x1024xf32, #tpu.memory_space<vmem>>) target(%dma_start3A_264 : memref<20488x1024xf32, #tpu.memory_space<hbm>>) offsets(%get3A_258 : vector<16xi32>) semaphore(%arg7 : memref<!tpu.dma_semaphore, #tpu.memory_space<semaphore_mem>>)
    %get3A_265 = arith.constant 6 : i32
    %get3A_266 = arith.index_cast %get3A_265 : i32 to index
    %get3A_267 = arith.constant 0 : index
    %get3A_268 = tpu.vector_load %arg6[%get3A_266, %get3A_267] {strides = array<i32>} : memref<8x128xi32, #tpu.memory_space<vmem>>, vector<1x16xi32>,
    %get3A_269 = vector.shape_cast %get3A_268 : vector<1x16xi32> to vector<16xi32>
    %dma_start3A_270 = arith.constant 0 : i32
    %dma_start3A_271 = arith.constant 0 : i32
    %dma_start3A_272 = tpu.memref_slice %arg5[%dma_start3A_270, %dma_start3A_271] : memref<64x1024xf32, #tpu.memory_space<vmem>> -> memref<16x1024xf32, #tpu.memory_space<vmem>>
    %dma_start3A_273 = arith.constant 0 : i32
    %dma_start3A_274 = arith.constant 0 : i32
    %dma_start3A_275 = tpu.memref_slice %arg4[%dma_start3A_273, %dma_start3A_274] : memref<20488x1024xf32, #tpu.memory_space<hbm>> -> memref<20488x1024xf32, #tpu.memory_space<hbm>>
    tpu.enqueue_indirect_dma source(%dma_start3A_272 : memref<16x1024xf32, #tpu.memory_space<vmem>>) target(%dma_start3A_275 : memref<20488x1024xf32, #tpu.memory_space<hbm>>) offsets(%get3A_269 : vector<16xi32>) semaphore(%arg7 : memref<!tpu.dma_semaphore, #tpu.memory_space<semaphore_mem>>)
    %get3A_276 = arith.constant 6 : i32
    %get3A_277 = arith.index_cast %get3A_276 : i32 to index
    %get3A_278 = arith.constant 16 : index
    %get3A_279 = tpu.vector_load %arg6[%get3A_277, %get3A_278] {strides = array<i32>} : memref<8x128xi32, #tpu.memory_space<vmem>>, vector<1x16xi32>,
    %get3A_280 = vector.shape_cast %get3A_279 : vector<1x16xi32> to vector<16xi32>
    %dma_start3A_281 = arith.constant 16 : i32
    %dma_start3A_282 = arith.constant 0 : i32
    %dma_start3A_283 = tpu.memref_slice %arg5[%dma_start3A_281, %dma_start3A_282] : memref<64x1024xf32, #tpu.memory_space<vmem>> -> memref<16x1024xf32, #tpu.memory_space<vmem>>
    %dma_start3A_284 = arith.constant 0 : i32
    %dma_start3A_285 = arith.constant 0 : i32
    %dma_start3A_286 = tpu.memref_slice %arg4[%dma_start3A_284, %dma_start3A_285] : memref<20488x1024xf32, #tpu.memory_space<hbm>> -> memref<20488x1024xf32, #tpu.memory_space<hbm>>
    tpu.enqueue_indirect_dma source(%dma_start3A_283 : memref<16x1024xf32, #tpu.memory_space<vmem>>) target(%dma_start3A_286 : memref<20488x1024xf32, #tpu.memory_space<hbm>>) offsets(%get3A_280 : vector<16xi32>) semaphore(%arg7 : memref<!tpu.dma_semaphore, #tpu.memory_space<semaphore_mem>>)
    %get3A_287 = arith.constant 6 : i32
    %get3A_288 = arith.index_cast %get3A_287 : i32 to index
    %get3A_289 = arith.constant 32 : index
    %get3A_290 = tpu.vector_load %arg6[%get3A_288, %get3A_289] {strides = array<i32>} : memref<8x128xi32, #tpu.memory_space<vmem>>, vector<1x16xi32>,
    %get3A_291 = vector.shape_cast %get3A_290 : vector<1x16xi32> to vector<16xi32>
    %dma_start3A_292 = arith.constant 32 : i32
    %dma_start3A_293 = arith.constant 0 : i32
    %dma_start3A_294 = tpu.memref_slice %arg5[%dma_start3A_292, %dma_start3A_293] : memref<64x1024xf32, #tpu.memory_space<vmem>> -> memref<16x1024xf32, #tpu.memory_space<vmem>>
    %dma_start3A_295 = arith.constant 0 : i32
    %dma_start3A_296 = arith.constant 0 : i32
    %dma_start3A_297 = tpu.memref_slice %arg4[%dma_start3A_295, %dma_start3A_296] : memref<20488x1024xf32, #tpu.memory_space<hbm>> -> memref<20488x1024xf32, #tpu.memory_space<hbm>>
    tpu.enqueue_indirect_dma source(%dma_start3A_294 : memref<16x1024xf32, #tpu.memory_space<vmem>>) target(%dma_start3A_297 : memref<20488x1024xf32, #tpu.memory_space<hbm>>) offsets(%get3A_291 : vector<16xi32>) semaphore(%arg7 : memref<!tpu.dma_semaphore, #tpu.memory_space<semaphore_mem>>)
    %get3A_298 = arith.constant 6 : i32
    %get3A_299 = arith.index_cast %get3A_298 : i32 to index
    %get3A_300 = arith.constant 48 : index
    %get3A_301 = tpu.vector_load %arg6[%get3A_299, %get3A_300] {strides = array<i32>} : memref<8x128xi32, #tpu.memory_space<vmem>>, vector<1x16xi32>,
    %get3A_302 = vector.shape_cast %get3A_301 : vector<1x16xi32> to vector<16xi32>
    %dma_start3A_303 = arith.constant 48 : i32
    %dma_start3A_304 = arith.constant 0 : i32
    %dma_start3A_305 = tpu.memref_slice %arg5[%dma_start3A_303, %dma_start3A_304] : memref<64x1024xf32, #tpu.memory_space<vmem>> -> memref<16x1024xf32, #tpu.memory_space<vmem>>
    %dma_start3A_306 = arith.constant 0 : i32
    %dma_start3A_307 = arith.constant 0 : i32
    %dma_start3A_308 = tpu.memref_slice %arg4[%dma_start3A_306, %dma_start3A_307] : memref<20488x1024xf32, #tpu.memory_space<hbm>> -> memref<20488x1024xf32, #tpu.memory_space<hbm>>
    tpu.enqueue_indirect_dma source(%dma_start3A_305 : memref<16x1024xf32, #tpu.memory_space<vmem>>) target(%dma_start3A_308 : memref<20488x1024xf32, #tpu.memory_space<hbm>>) offsets(%get3A_302 : vector<16xi32>) semaphore(%arg7 : memref<!tpu.dma_semaphore, #tpu.memory_space<semaphore_mem>>)
    %get3A_309 = arith.constant 7 : i32
    %get3A_310 = arith.index_cast %get3A_309 : i32 to index
    %get3A_311 = arith.constant 0 : index
    %get3A_312 = tpu.vector_load %arg6[%get3A_310, %get3A_311] {strides = array<i32>} : memref<8x128xi32, #tpu.memory_space<vmem>>, vector<1x16xi32>,
    %get3A_313 = vector.shape_cast %get3A_312 : vector<1x16xi32> to vector<16xi32>
    %dma_start3A_314 = arith.constant 0 : i32
    %dma_start3A_315 = arith.constant 0 : i32
    %dma_start3A_316 = tpu.memref_slice %arg5[%dma_start3A_314, %dma_start3A_315] : memref<64x1024xf32, #tpu.memory_space<vmem>> -> memref<16x1024xf32, #tpu.memory_space<vmem>>
    %dma_start3A_317 = arith.constant 0 : i32
    %dma_start3A_318 = arith.constant 0 : i32
    %dma_start3A_319 = tpu.memref_slice %arg4[%dma_start3A_317, %dma_start3A_318] : memref<20488x1024xf32, #tpu.memory_space<hbm>> -> memref<20488x1024xf32, #tpu.memory_space<hbm>>
    tpu.enqueue_indirect_dma source(%dma_start3A_316 : memref<16x1024xf32, #tpu.memory_space<vmem>>) target(%dma_start3A_319 : memref<20488x1024xf32, #tpu.memory_space<hbm>>) offsets(%get3A_313 : vector<16xi32>) semaphore(%arg7 : memref<!tpu.dma_semaphore, #tpu.memory_space<semaphore_mem>>)
    %get3A_320 = arith.constant 7 : i32
    %get3A_321 = arith.index_cast %get3A_320 : i32 to index
    %get3A_322 = arith.constant 16 : index
    %get3A_323 = tpu.vector_load %arg6[%get3A_321, %get3A_322] {strides = array<i32>} : memref<8x128xi32, #tpu.memory_space<vmem>>, vector<1x16xi32>,
    %get3A_324 = vector.shape_cast %get3A_323 : vector<1x16xi32> to vector<16xi32>
    %dma_start3A_325 = arith.constant 16 : i32
    %dma_start3A_326 = arith.constant 0 : i32
    %dma_start3A_327 = tpu.memref_slice %arg5[%dma_start3A_325, %dma_start3A_326] : memref<64x1024xf32, #tpu.memory_space<vmem>> -> memref<16x1024xf32, #tpu.memory_space<vmem>>
    %dma_start3A_328 = arith.constant 0 : i32
    %dma_start3A_329 = arith.constant 0 : i32
    %dma_start3A_330 = tpu.memref_slice %arg4[%dma_start3A_328, %dma_start3A_329] : memref<20488x1024xf32, #tpu.memory_space<hbm>> -> memref<20488x1024xf32, #tpu.memory_space<hbm>>
    tpu.enqueue_indirect_dma source(%dma_start3A_327 : memref<16x1024xf32, #tpu.memory_space<vmem>>) target(%dma_start3A_330 : memref<20488x1024xf32, #tpu.memory_space<hbm>>) offsets(%get3A_324 : vector<16xi32>) semaphore(%arg7 : memref<!tpu.dma_semaphore, #tpu.memory_space<semaphore_mem>>)
    %get3A_331 = arith.constant 7 : i32
    %get3A_332 = arith.index_cast %get3A_331 : i32 to index
    %get3A_333 = arith.constant 32 : index
    %get3A_334 = tpu.vector_load %arg6[%get3A_332, %get3A_333] {strides = array<i32>} : memref<8x128xi32, #tpu.memory_space<vmem>>, vector<1x16xi32>,
    %get3A_335 = vector.shape_cast %get3A_334 : vector<1x16xi32> to vector<16xi32>
    %dma_start3A_336 = arith.constant 32 : i32
    %dma_start3A_337 = arith.constant 0 : i32
    %dma_start3A_338 = tpu.memref_slice %arg5[%dma_start3A_336, %dma_start3A_337] : memref<64x1024xf32, #tpu.memory_space<vmem>> -> memref<16x1024xf32, #tpu.memory_space<vmem>>
    %dma_start3A_339 = arith.constant 0 : i32
    %dma_start3A_340 = arith.constant 0 : i32
    %dma_start3A_341 = tpu.memref_slice %arg4[%dma_start3A_339, %dma_start3A_340] : memref<20488x1024xf32, #tpu.memory_space<hbm>> -> memref<20488x1024xf32, #tpu.memory_space<hbm>>
    tpu.enqueue_indirect_dma source(%dma_start3A_338 : memref<16x1024xf32, #tpu.memory_space<vmem>>) target(%dma_start3A_341 : memref<20488x1024xf32, #tpu.memory_space<hbm>>) offsets(%get3A_335 : vector<16xi32>) semaphore(%arg7 : memref<!tpu.dma_semaphore, #tpu.memory_space<semaphore_mem>>)
    %get3A_342 = arith.constant 7 : i32
    %get3A_343 = arith.index_cast %get3A_342 : i32 to index
    %get3A_344 = arith.constant 48 : index
    %get3A_345 = tpu.vector_load %arg6[%get3A_343, %get3A_344] {strides = array<i32>} : memref<8x128xi32, #tpu.memory_space<vmem>>, vector<1x16xi32>,
    %get3A_346 = vector.shape_cast %get3A_345 : vector<1x16xi32> to vector<16xi32>
    %dma_start3A_347 = arith.constant 48 : i32
    %dma_start3A_348 = arith.constant 0 : i32
    %dma_start3A_349 = tpu.memref_slice %arg5[%dma_start3A_347, %dma_start3A_348] : memref<64x1024xf32, #tpu.memory_space<vmem>> -> memref<16x1024xf32, #tpu.memory_space<vmem>>
    %dma_start3A_350 = arith.constant 0 : i32
    %dma_start3A_351 = arith.constant 0 : i32
    %dma_start3A_352 = tpu.memref_slice %arg4[%dma_start3A_350, %dma_start3A_351] : memref<20488x1024xf32, #tpu.memory_space<hbm>> -> memref<20488x1024xf32, #tpu.memory_space<hbm>>
    tpu.enqueue_indirect_dma source(%dma_start3A_349 : memref<16x1024xf32, #tpu.memory_space<vmem>>) target(%dma_start3A_352 : memref<20488x1024xf32, #tpu.memory_space<hbm>>) offsets(%get3A_346 : vector<16xi32>) semaphore(%arg7 : memref<!tpu.dma_semaphore, #tpu.memory_space<semaphore_mem>>)
    %dma_wait3A = arith.constant 0 : i32
    %dma_wait3A_353 = arith.constant 0 : i32
    %dma_wait3A_354 = tpu.memref_slice %arg5[%dma_wait3A, %dma_wait3A_353] : memref<64x1024xf32, #tpu.memory_space<vmem>> -> memref<16x1024xf32, #tpu.memory_space<vmem>>
    %dma_wait3A_355 = arith.constant 0 : i32
    %dma_wait3A_356 = arith.constant 0 : i32
    %dma_wait3A_357 = tpu.memref_slice %arg4[%dma_wait3A_355, %dma_wait3A_356] : memref<20488x1024xf32, #tpu.memory_space<hbm>> -> memref<20488x1024xf32, #tpu.memory_space<hbm>>
    tpu.wait_indirect_dma semaphore(%arg7 : memref<!tpu.dma_semaphore, #tpu.memory_space<semaphore_mem>>) src(%dma_wait3A_354 : memref<16x1024xf32, #tpu.memory_space<vmem>>) dst(%dma_wait3A_357 : memref<20488x1024xf32, #tpu.memory_space<hbm>>)
    %dma_wait3A_358 = arith.constant 16 : i32
    %dma_wait3A_359 = arith.constant 0 : i32
    %dma_wait3A_360 = tpu.memref_slice %arg5[%dma_wait3A_358, %dma_wait3A_359] : memref<64x1024xf32, #tpu.memory_space<vmem>> -> memref<16x1024xf32, #tpu.memory_space<vmem>>
    %dma_wait3A_361 = arith.constant 0 : i32
    %dma_wait3A_362 = arith.constant 0 : i32
    %dma_wait3A_363 = tpu.memref_slice %arg4[%dma_wait3A_361, %dma_wait3A_362] : memref<20488x1024xf32, #tpu.memory_space<hbm>> -> memref<20488x1024xf32, #tpu.memory_space<hbm>>
    tpu.wait_indirect_dma semaphore(%arg7 : memref<!tpu.dma_semaphore, #tpu.memory_space<semaphore_mem>>) src(%dma_wait3A_360 : memref<16x1024xf32, #tpu.memory_space<vmem>>) dst(%dma_wait3A_363 : memref<20488x1024xf32, #tpu.memory_space<hbm>>)
    %dma_wait3A_364 = arith.constant 32 : i32
    %dma_wait3A_365 = arith.constant 0 : i32
    %dma_wait3A_366 = tpu.memref_slice %arg5[%dma_wait3A_364, %dma_wait3A_365] : memref<64x1024xf32, #tpu.memory_space<vmem>> -> memref<16x1024xf32, #tpu.memory_space<vmem>>
    %dma_wait3A_367 = arith.constant 0 : i32
    %dma_wait3A_368 = arith.constant 0 : i32
    %dma_wait3A_369 = tpu.memref_slice %arg4[%dma_wait3A_367, %dma_wait3A_368] : memref<20488x1024xf32, #tpu.memory_space<hbm>> -> memref<20488x1024xf32, #tpu.memory_space<hbm>>
    tpu.wait_indirect_dma semaphore(%arg7 : memref<!tpu.dma_semaphore, #tpu.memory_space<semaphore_mem>>) src(%dma_wait3A_366 : memref<16x1024xf32, #tpu.memory_space<vmem>>) dst(%dma_wait3A_369 : memref<20488x1024xf32, #tpu.memory_space<hbm>>)
    %dma_wait3A_370 = arith.constant 48 : i32
    %dma_wait3A_371 = arith.constant 0 : i32
    %dma_wait3A_372 = tpu.memref_slice %arg5[%dma_wait3A_370, %dma_wait3A_371] : memref<64x1024xf32, #tpu.memory_space<vmem>> -> memref<16x1024xf32, #tpu.memory_space<vmem>>
    %dma_wait3A_373 = arith.constant 0 : i32
    %dma_wait3A_374 = arith.constant 0 : i32
    %dma_wait3A_375 = tpu.memref_slice %arg4[%dma_wait3A_373, %dma_wait3A_374] : memref<20488x1024xf32, #tpu.memory_space<hbm>> -> memref<20488x1024xf32, #tpu.memory_space<hbm>>
    tpu.wait_indirect_dma semaphore(%arg7 : memref<!tpu.dma_semaphore, #tpu.memory_space<semaphore_mem>>) src(%dma_wait3A_372 : memref<16x1024xf32, #tpu.memory_space<vmem>>) dst(%dma_wait3A_375 : memref<20488x1024xf32, #tpu.memory_space<hbm>>)
    %dma_wait3A_376 = arith.constant 0 : i32
    %dma_wait3A_377 = arith.constant 0 : i32
    %dma_wait3A_378 = tpu.memref_slice %arg5[%dma_wait3A_376, %dma_wait3A_377] : memref<64x1024xf32, #tpu.memory_space<vmem>> -> memref<16x1024xf32, #tpu.memory_space<vmem>>
    %dma_wait3A_379 = arith.constant 0 : i32
    %dma_wait3A_380 = arith.constant 0 : i32
    %dma_wait3A_381 = tpu.memref_slice %arg4[%dma_wait3A_379, %dma_wait3A_380] : memref<20488x1024xf32, #tpu.memory_space<hbm>> -> memref<20488x1024xf32, #tpu.memory_space<hbm>>
    tpu.wait_indirect_dma semaphore(%arg7 : memref<!tpu.dma_semaphore, #tpu.memory_space<semaphore_mem>>) src(%dma_wait3A_378 : memref<16x1024xf32, #tpu.memory_space<vmem>>) dst(%dma_wait3A_381 : memref<20488x1024xf32, #tpu.memory_space<hbm>>)
    %dma_wait3A_382 = arith.constant 16 : i32
    %dma_wait3A_383 = arith.constant 0 : i32
    %dma_wait3A_384 = tpu.memref_slice %arg5[%dma_wait3A_382, %dma_wait3A_383] : memref<64x1024xf32, #tpu.memory_space<vmem>> -> memref<16x1024xf32, #tpu.memory_space<vmem>>
    %dma_wait3A_385 = arith.constant 0 : i32
    %dma_wait3A_386 = arith.constant 0 : i32
    %dma_wait3A_387 = tpu.memref_slice %arg4[%dma_wait3A_385, %dma_wait3A_386] : memref<20488x1024xf32, #tpu.memory_space<hbm>> -> memref<20488x1024xf32, #tpu.memory_space<hbm>>
    tpu.wait_indirect_dma semaphore(%arg7 : memref<!tpu.dma_semaphore, #tpu.memory_space<semaphore_mem>>) src(%dma_wait3A_384 : memref<16x1024xf32, #tpu.memory_space<vmem>>) dst(%dma_wait3A_387 : memref<20488x1024xf32, #tpu.memory_space<hbm>>)
    %dma_wait3A_388 = arith.constant 32 : i32
    %dma_wait3A_389 = arith.constant 0 : i32
    %dma_wait3A_390 = tpu.memref_slice %arg5[%dma_wait3A_388, %dma_wait3A_389] : memref<64x1024xf32, #tpu.memory_space<vmem>> -> memref<16x1024xf32, #tpu.memory_space<vmem>>
    %dma_wait3A_391 = arith.constant 0 : i32
    %dma_wait3A_392 = arith.constant 0 : i32
    %dma_wait3A_393 = tpu.memref_slice %arg4[%dma_wait3A_391, %dma_wait3A_392] : memref<20488x1024xf32, #tpu.memory_space<hbm>> -> memref<20488x1024xf32, #tpu.memory_space<hbm>>
    tpu.wait_indirect_dma semaphore(%arg7 : memref<!tpu.dma_semaphore, #tpu.memory_space<semaphore_mem>>) src(%dma_wait3A_390 : memref<16x1024xf32, #tpu.memory_space<vmem>>) dst(%dma_wait3A_393 : memref<20488x1024xf32, #tpu.memory_space<hbm>>)
    %dma_wait3A_394 = arith.constant 48 : i32
    %dma_wait3A_395 = arith.constant 0 : i32
    %dma_wait3A_396 = tpu.memref_slice %arg5[%dma_wait3A_394, %dma_wait3A_395] : memref<64x1024xf32, #tpu.memory_space<vmem>> -> memref<16x1024xf32, #tpu.memory_space<vmem>>
    %dma_wait3A_397 = arith.constant 0 : i32
    %dma_wait3A_398 = arith.constant 0 : i32
    %dma_wait3A_399 = tpu.memref_slice %arg4[%dma_wait3A_397, %dma_wait3A_398] : memref<20488x1024xf32, #tpu.memory_space<hbm>> -> memref<20488x1024xf32, #tpu.memory_space<hbm>>
    tpu.wait_indirect_dma semaphore(%arg7 : memref<!tpu.dma_semaphore, #tpu.memory_space<semaphore_mem>>) src(%dma_wait3A_396 : memref<16x1024xf32, #tpu.memory_space<vmem>>) dst(%dma_wait3A_399 : memref<20488x1024xf32, #tpu.memory_space<hbm>>)
    %dma_wait3A_400 = arith.constant 0 : i32
    %dma_wait3A_401 = arith.constant 0 : i32
    %dma_wait3A_402 = tpu.memref_slice %arg5[%dma_wait3A_400, %dma_wait3A_401] : memref<64x1024xf32, #tpu.memory_space<vmem>> -> memref<16x1024xf32, #tpu.memory_space<vmem>>
    %dma_wait3A_403 = arith.constant 0 : i32
    %dma_wait3A_404 = arith.constant 0 : i32
    %dma_wait3A_405 = tpu.memref_slice %arg4[%dma_wait3A_403, %dma_wait3A_404] : memref<20488x1024xf32, #tpu.memory_space<hbm>> -> memref<20488x1024xf32, #tpu.memory_space<hbm>>
    tpu.wait_indirect_dma semaphore(%arg7 : memref<!tpu.dma_semaphore, #tpu.memory_space<semaphore_mem>>) src(%dma_wait3A_402 : memref<16x1024xf32, #tpu.memory_space<vmem>>) dst(%dma_wait3A_405 : memref<20488x1024xf32, #tpu.memory_space<hbm>>)
    %dma_wait3A_406 = arith.constant 16 : i32
    %dma_wait3A_407 = arith.constant 0 : i32
    %dma_wait3A_408 = tpu.memref_slice %arg5[%dma_wait3A_406, %dma_wait3A_407] : memref<64x1024xf32, #tpu.memory_space<vmem>> -> memref<16x1024xf32, #tpu.memory_space<vmem>>
    %dma_wait3A_409 = arith.constant 0 : i32
    %dma_wait3A_410 = arith.constant 0 : i32
    %dma_wait3A_411 = tpu.memref_slice %arg4[%dma_wait3A_409, %dma_wait3A_410] : memref<20488x1024xf32, #tpu.memory_space<hbm>> -> memref<20488x1024xf32, #tpu.memory_space<hbm>>
    tpu.wait_indirect_dma semaphore(%arg7 : memref<!tpu.dma_semaphore, #tpu.memory_space<semaphore_mem>>) src(%dma_wait3A_408 : memref<16x1024xf32, #tpu.memory_space<vmem>>) dst(%dma_wait3A_411 : memref<20488x1024xf32, #tpu.memory_space<hbm>>)
    %dma_wait3A_412 = arith.constant 32 : i32
    %dma_wait3A_413 = arith.constant 0 : i32
    %dma_wait3A_414 = tpu.memref_slice %arg5[%dma_wait3A_412, %dma_wait3A_413] : memref<64x1024xf32, #tpu.memory_space<vmem>> -> memref<16x1024xf32, #tpu.memory_space<vmem>>
    %dma_wait3A_415 = arith.constant 0 : i32
    %dma_wait3A_416 = arith.constant 0 : i32
    %dma_wait3A_417 = tpu.memref_slice %arg4[%dma_wait3A_415, %dma_wait3A_416] : memref<20488x1024xf32, #tpu.memory_space<hbm>> -> memref<20488x1024xf32, #tpu.memory_space<hbm>>
    tpu.wait_indirect_dma semaphore(%arg7 : memref<!tpu.dma_semaphore, #tpu.memory_space<semaphore_mem>>) src(%dma_wait3A_414 : memref<16x1024xf32, #tpu.memory_space<vmem>>) dst(%dma_wait3A_417 : memref<20488x1024xf32, #tpu.memory_space<hbm>>)
    %dma_wait3A_418 = arith.constant 48 : i32
    %dma_wait3A_419 = arith.constant 0 : i32
    %dma_wait3A_420 = tpu.memref_slice %arg5[%dma_wait3A_418, %dma_wait3A_419] : memref<64x1024xf32, #tpu.memory_space<vmem>> -> memref<16x1024xf32, #tpu.memory_space<vmem>>
    %dma_wait3A_421 = arith.constant 0 : i32
    %dma_wait3A_422 = arith.constant 0 : i32
    %dma_wait3A_423 = tpu.memref_slice %arg4[%dma_wait3A_421, %dma_wait3A_422] : memref<20488x1024xf32, #tpu.memory_space<hbm>> -> memref<20488x1024xf32, #tpu.memory_space<hbm>>
    tpu.wait_indirect_dma semaphore(%arg7 : memref<!tpu.dma_semaphore, #tpu.memory_space<semaphore_mem>>) src(%dma_wait3A_420 : memref<16x1024xf32, #tpu.memory_space<vmem>>) dst(%dma_wait3A_423 : memref<20488x1024xf32, #tpu.memory_space<hbm>>)
    %dma_wait3A_424 = arith.constant 0 : i32
    %dma_wait3A_425 = arith.constant 0 : i32
    %dma_wait3A_426 = tpu.memref_slice %arg5[%dma_wait3A_424, %dma_wait3A_425] : memref<64x1024xf32, #tpu.memory_space<vmem>> -> memref<16x1024xf32, #tpu.memory_space<vmem>>
    %dma_wait3A_427 = arith.constant 0 : i32
    %dma_wait3A_428 = arith.constant 0 : i32
    %dma_wait3A_429 = tpu.memref_slice %arg4[%dma_wait3A_427, %dma_wait3A_428] : memref<20488x1024xf32, #tpu.memory_space<hbm>> -> memref<20488x1024xf32, #tpu.memory_space<hbm>>
    tpu.wait_indirect_dma semaphore(%arg7 : memref<!tpu.dma_semaphore, #tpu.memory_space<semaphore_mem>>) src(%dma_wait3A_426 : memref<16x1024xf32, #tpu.memory_space<vmem>>) dst(%dma_wait3A_429 : memref<20488x1024xf32, #tpu.memory_space<hbm>>)
    %dma_wait3A_430 = arith.constant 16 : i32
    %dma_wait3A_431 = arith.constant 0 : i32
    %dma_wait3A_432 = tpu.memref_slice %arg5[%dma_wait3A_430, %dma_wait3A_431] : memref<64x1024xf32, #tpu.memory_space<vmem>> -> memref<16x1024xf32, #tpu.memory_space<vmem>>
    %dma_wait3A_433 = arith.constant 0 : i32
    %dma_wait3A_434 = arith.constant 0 : i32
    %dma_wait3A_435 = tpu.memref_slice %arg4[%dma_wait3A_433, %dma_wait3A_434] : memref<20488x1024xf32, #tpu.memory_space<hbm>> -> memref<20488x1024xf32, #tpu.memory_space<hbm>>
    tpu.wait_indirect_dma semaphore(%arg7 : memref<!tpu.dma_semaphore, #tpu.memory_space<semaphore_mem>>) src(%dma_wait3A_432 : memref<16x1024xf32, #tpu.memory_space<vmem>>) dst(%dma_wait3A_435 : memref<20488x1024xf32, #tpu.memory_space<hbm>>)
    %dma_wait3A_436 = arith.constant 32 : i32
    %dma_wait3A_437 = arith.constant 0 : i32
    %dma_wait3A_438 = tpu.memref_slice %arg5[%dma_wait3A_436, %dma_wait3A_437] : memref<64x1024xf32, #tpu.memory_space<vmem>> -> memref<16x1024xf32, #tpu.memory_space<vmem>>
    %dma_wait3A_439 = arith.constant 0 : i32
    %dma_wait3A_440 = arith.constant 0 : i32
    %dma_wait3A_441 = tpu.memref_slice %arg4[%dma_wait3A_439, %dma_wait3A_440] : memref<20488x1024xf32, #tpu.memory_space<hbm>> -> memref<20488x1024xf32, #tpu.memory_space<hbm>>
    tpu.wait_indirect_dma semaphore(%arg7 : memref<!tpu.dma_semaphore, #tpu.memory_space<semaphore_mem>>) src(%dma_wait3A_438 : memref<16x1024xf32, #tpu.memory_space<vmem>>) dst(%dma_wait3A_441 : memref<20488x1024xf32, #tpu.memory_space<hbm>>)
    %dma_wait3A_442 = arith.constant 48 : i32
    %dma_wait3A_443 = arith.constant 0 : i32
    %dma_wait3A_444 = tpu.memref_slice %arg5[%dma_wait3A_442, %dma_wait3A_443] : memref<64x1024xf32, #tpu.memory_space<vmem>> -> memref<16x1024xf32, #tpu.memory_space<vmem>>
    %dma_wait3A_445 = arith.constant 0 : i32
    %dma_wait3A_446 = arith.constant 0 : i32
    %dma_wait3A_447 = tpu.memref_slice %arg4[%dma_wait3A_445, %dma_wait3A_446] : memref<20488x1024xf32, #tpu.memory_space<hbm>> -> memref<20488x1024xf32, #tpu.memory_space<hbm>>
    tpu.wait_indirect_dma semaphore(%arg7 : memref<!tpu.dma_semaphore, #tpu.memory_space<semaphore_mem>>) src(%dma_wait3A_444 : memref<16x1024xf32, #tpu.memory_space<vmem>>) dst(%dma_wait3A_447 : memref<20488x1024xf32, #tpu.memory_space<hbm>>)
    %dma_wait3A_448 = arith.constant 0 : i32
    %dma_wait3A_449 = arith.constant 0 : i32
    %dma_wait3A_450 = tpu.memref_slice %arg5[%dma_wait3A_448, %dma_wait3A_449] : memref<64x1024xf32, #tpu.memory_space<vmem>> -> memref<16x1024xf32, #tpu.memory_space<vmem>>
    %dma_wait3A_451 = arith.constant 0 : i32
    %dma_wait3A_452 = arith.constant 0 : i32
    %dma_wait3A_453 = tpu.memref_slice %arg4[%dma_wait3A_451, %dma_wait3A_452] : memref<20488x1024xf32, #tpu.memory_space<hbm>> -> memref<20488x1024xf32, #tpu.memory_space<hbm>>
    tpu.wait_indirect_dma semaphore(%arg7 : memref<!tpu.dma_semaphore, #tpu.memory_space<semaphore_mem>>) src(%dma_wait3A_450 : memref<16x1024xf32, #tpu.memory_space<vmem>>) dst(%dma_wait3A_453 : memref<20488x1024xf32, #tpu.memory_space<hbm>>)
    %dma_wait3A_454 = arith.constant 16 : i32
    %dma_wait3A_455 = arith.constant 0 : i32
    %dma_wait3A_456 = tpu.memref_slice %arg5[%dma_wait3A_454, %dma_wait3A_455] : memref<64x1024xf32, #tpu.memory_space<vmem>> -> memref<16x1024xf32, #tpu.memory_space<vmem>>
    %dma_wait3A_457 = arith.constant 0 : i32
    %dma_wait3A_458 = arith.constant 0 : i32
    %dma_wait3A_459 = tpu.memref_slice %arg4[%dma_wait3A_457, %dma_wait3A_458] : memref<20488x1024xf32, #tpu.memory_space<hbm>> -> memref<20488x1024xf32, #tpu.memory_space<hbm>>
    tpu.wait_indirect_dma semaphore(%arg7 : memref<!tpu.dma_semaphore, #tpu.memory_space<semaphore_mem>>) src(%dma_wait3A_456 : memref<16x1024xf32, #tpu.memory_space<vmem>>) dst(%dma_wait3A_459 : memref<20488x1024xf32, #tpu.memory_space<hbm>>)
    %dma_wait3A_460 = arith.constant 32 : i32
    %dma_wait3A_461 = arith.constant 0 : i32
    %dma_wait3A_462 = tpu.memref_slice %arg5[%dma_wait3A_460, %dma_wait3A_461] : memref<64x1024xf32, #tpu.memory_space<vmem>> -> memref<16x1024xf32, #tpu.memory_space<vmem>>
    %dma_wait3A_463 = arith.constant 0 : i32
    %dma_wait3A_464 = arith.constant 0 : i32
    %dma_wait3A_465 = tpu.memref_slice %arg4[%dma_wait3A_463, %dma_wait3A_464] : memref<20488x1024xf32, #tpu.memory_space<hbm>> -> memref<20488x1024xf32, #tpu.memory_space<hbm>>
    tpu.wait_indirect_dma semaphore(%arg7 : memref<!tpu.dma_semaphore, #tpu.memory_space<semaphore_mem>>) src(%dma_wait3A_462 : memref<16x1024xf32, #tpu.memory_space<vmem>>) dst(%dma_wait3A_465 : memref<20488x1024xf32, #tpu.memory_space<hbm>>)
    %dma_wait3A_466 = arith.constant 48 : i32
    %dma_wait3A_467 = arith.constant 0 : i32
    %dma_wait3A_468 = tpu.memref_slice %arg5[%dma_wait3A_466, %dma_wait3A_467] : memref<64x1024xf32, #tpu.memory_space<vmem>> -> memref<16x1024xf32, #tpu.memory_space<vmem>>
    %dma_wait3A_469 = arith.constant 0 : i32
    %dma_wait3A_470 = arith.constant 0 : i32
    %dma_wait3A_471 = tpu.memref_slice %arg4[%dma_wait3A_469, %dma_wait3A_470] : memref<20488x1024xf32, #tpu.memory_space<hbm>> -> memref<20488x1024xf32, #tpu.memory_space<hbm>>
    tpu.wait_indirect_dma semaphore(%arg7 : memref<!tpu.dma_semaphore, #tpu.memory_space<semaphore_mem>>) src(%dma_wait3A_468 : memref<16x1024xf32, #tpu.memory_space<vmem>>) dst(%dma_wait3A_471 : memref<20488x1024xf32, #tpu.memory_space<hbm>>)
    %dma_wait3A_472 = arith.constant 0 : i32
    %dma_wait3A_473 = arith.constant 0 : i32
    %dma_wait3A_474 = tpu.memref_slice %arg5[%dma_wait3A_472, %dma_wait3A_473] : memref<64x1024xf32, #tpu.memory_space<vmem>> -> memref<16x1024xf32, #tpu.memory_space<vmem>>
    %dma_wait3A_475 = arith.constant 0 : i32
    %dma_wait3A_476 = arith.constant 0 : i32
    %dma_wait3A_477 = tpu.memref_slice %arg4[%dma_wait3A_475, %dma_wait3A_476] : memref<20488x1024xf32, #tpu.memory_space<hbm>> -> memref<20488x1024xf32, #tpu.memory_space<hbm>>
    tpu.wait_indirect_dma semaphore(%arg7 : memref<!tpu.dma_semaphore, #tpu.memory_space<semaphore_mem>>) src(%dma_wait3A_474 : memref<16x1024xf32, #tpu.memory_space<vmem>>) dst(%dma_wait3A_477 : memref<20488x1024xf32, #tpu.memory_space<hbm>>)
    %dma_wait3A_478 = arith.constant 16 : i32
    %dma_wait3A_479 = arith.constant 0 : i32
    %dma_wait3A_480 = tpu.memref_slice %arg5[%dma_wait3A_478, %dma_wait3A_479] : memref<64x1024xf32, #tpu.memory_space<vmem>> -> memref<16x1024xf32, #tpu.memory_space<vmem>>
    %dma_wait3A_481 = arith.constant 0 : i32
    %dma_wait3A_482 = arith.constant 0 : i32
    %dma_wait3A_483 = tpu.memref_slice %arg4[%dma_wait3A_481, %dma_wait3A_482] : memref<20488x1024xf32, #tpu.memory_space<hbm>> -> memref<20488x1024xf32, #tpu.memory_space<hbm>>
    tpu.wait_indirect_dma semaphore(%arg7 : memref<!tpu.dma_semaphore, #tpu.memory_space<semaphore_mem>>) src(%dma_wait3A_480 : memref<16x1024xf32, #tpu.memory_space<vmem>>) dst(%dma_wait3A_483 : memref<20488x1024xf32, #tpu.memory_space<hbm>>)
    %dma_wait3A_484 = arith.constant 32 : i32
    %dma_wait3A_485 = arith.constant 0 : i32
    %dma_wait3A_486 = tpu.memref_slice %arg5[%dma_wait3A_484, %dma_wait3A_485] : memref<64x1024xf32, #tpu.memory_space<vmem>> -> memref<16x1024xf32, #tpu.memory_space<vmem>>
    %dma_wait3A_487 = arith.constant 0 : i32
    %dma_wait3A_488 = arith.constant 0 : i32
    %dma_wait3A_489 = tpu.memref_slice %arg4[%dma_wait3A_487, %dma_wait3A_488] : memref<20488x1024xf32, #tpu.memory_space<hbm>> -> memref<20488x1024xf32, #tpu.memory_space<hbm>>
    tpu.wait_indirect_dma semaphore(%arg7 : memref<!tpu.dma_semaphore, #tpu.memory_space<semaphore_mem>>) src(%dma_wait3A_486 : memref<16x1024xf32, #tpu.memory_space<vmem>>) dst(%dma_wait3A_489 : memref<20488x1024xf32, #tpu.memory_space<hbm>>)
    %dma_wait3A_490 = arith.constant 48 : i32
    %dma_wait3A_491 = arith.constant 0 : i32
    %dma_wait3A_492 = tpu.memref_slice %arg5[%dma_wait3A_490, %dma_wait3A_491] : memref<64x1024xf32, #tpu.memory_space<vmem>> -> memref<16x1024xf32, #tpu.memory_space<vmem>>
    %dma_wait3A_493 = arith.constant 0 : i32
    %dma_wait3A_494 = arith.constant 0 : i32
    %dma_wait3A_495 = tpu.memref_slice %arg4[%dma_wait3A_493, %dma_wait3A_494] : memref<20488x1024xf32, #tpu.memory_space<hbm>> -> memref<20488x1024xf32, #tpu.memory_space<hbm>>
    tpu.wait_indirect_dma semaphore(%arg7 : memref<!tpu.dma_semaphore, #tpu.memory_space<semaphore_mem>>) src(%dma_wait3A_492 : memref<16x1024xf32, #tpu.memory_space<vmem>>) dst(%dma_wait3A_495 : memref<20488x1024xf32, #tpu.memory_space<hbm>>)
    %dma_wait3A_496 = arith.constant 0 : i32
    %dma_wait3A_497 = arith.constant 0 : i32
    %dma_wait3A_498 = tpu.memref_slice %arg5[%dma_wait3A_496, %dma_wait3A_497] : memref<64x1024xf32, #tpu.memory_space<vmem>> -> memref<16x1024xf32, #tpu.memory_space<vmem>>
    %dma_wait3A_499 = arith.constant 0 : i32
    %dma_wait3A_500 = arith.constant 0 : i32
    %dma_wait3A_501 = tpu.memref_slice %arg4[%dma_wait3A_499, %dma_wait3A_500] : memref<20488x1024xf32, #tpu.memory_space<hbm>> -> memref<20488x1024xf32, #tpu.memory_space<hbm>>
    tpu.wait_indirect_dma semaphore(%arg7 : memref<!tpu.dma_semaphore, #tpu.memory_space<semaphore_mem>>) src(%dma_wait3A_498 : memref<16x1024xf32, #tpu.memory_space<vmem>>) dst(%dma_wait3A_501 : memref<20488x1024xf32, #tpu.memory_space<hbm>>)
    %dma_wait3A_502 = arith.constant 16 : i32
    %dma_wait3A_503 = arith.constant 0 : i32
    %dma_wait3A_504 = tpu.memref_slice %arg5[%dma_wait3A_502, %dma_wait3A_503] : memref<64x1024xf32, #tpu.memory_space<vmem>> -> memref<16x1024xf32, #tpu.memory_space<vmem>>
    %dma_wait3A_505 = arith.constant 0 : i32
    %dma_wait3A_506 = arith.constant 0 : i32
    %dma_wait3A_507 = tpu.memref_slice %arg4[%dma_wait3A_505, %dma_wait3A_506] : memref<20488x1024xf32, #tpu.memory_space<hbm>> -> memref<20488x1024xf32, #tpu.memory_space<hbm>>
    tpu.wait_indirect_dma semaphore(%arg7 : memref<!tpu.dma_semaphore, #tpu.memory_space<semaphore_mem>>) src(%dma_wait3A_504 : memref<16x1024xf32, #tpu.memory_space<vmem>>) dst(%dma_wait3A_507 : memref<20488x1024xf32, #tpu.memory_space<hbm>>)
    %dma_wait3A_508 = arith.constant 32 : i32
    %dma_wait3A_509 = arith.constant 0 : i32
    %dma_wait3A_510 = tpu.memref_slice %arg5[%dma_wait3A_508, %dma_wait3A_509] : memref<64x1024xf32, #tpu.memory_space<vmem>> -> memref<16x1024xf32, #tpu.memory_space<vmem>>
    %dma_wait3A_511 = arith.constant 0 : i32
    %dma_wait3A_512 = arith.constant 0 : i32
    %dma_wait3A_513 = tpu.memref_slice %arg4[%dma_wait3A_511, %dma_wait3A_512] : memref<20488x1024xf32, #tpu.memory_space<hbm>> -> memref<20488x1024xf32, #tpu.memory_space<hbm>>
    tpu.wait_indirect_dma semaphore(%arg7 : memref<!tpu.dma_semaphore, #tpu.memory_space<semaphore_mem>>) src(%dma_wait3A_510 : memref<16x1024xf32, #tpu.memory_space<vmem>>) dst(%dma_wait3A_513 : memref<20488x1024xf32, #tpu.memory_space<hbm>>)
    %dma_wait3A_514 = arith.constant 48 : i32
    %dma_wait3A_515 = arith.constant 0 : i32
    %dma_wait3A_516 = tpu.memref_slice %arg5[%dma_wait3A_514, %dma_wait3A_515] : memref<64x1024xf32, #tpu.memory_space<vmem>> -> memref<16x1024xf32, #tpu.memory_space<vmem>>
    %dma_wait3A_517 = arith.constant 0 : i32
    %dma_wait3A_518 = arith.constant 0 : i32
    %dma_wait3A_519 = tpu.memref_slice %arg4[%dma_wait3A_517, %dma_wait3A_518] : memref<20488x1024xf32, #tpu.memory_space<hbm>> -> memref<20488x1024xf32, #tpu.memory_space<hbm>>
    tpu.wait_indirect_dma semaphore(%arg7 : memref<!tpu.dma_semaphore, #tpu.memory_space<semaphore_mem>>) src(%dma_wait3A_516 : memref<16x1024xf32, #tpu.memory_space<vmem>>) dst(%dma_wait3A_519 : memref<20488x1024xf32, #tpu.memory_space<hbm>>)
    %dma_wait3A_520 = arith.constant 0 : i32
    %dma_wait3A_521 = arith.constant 0 : i32
    %dma_wait3A_522 = tpu.memref_slice %arg5[%dma_wait3A_520, %dma_wait3A_521] : memref<64x1024xf32, #tpu.memory_space<vmem>> -> memref<16x1024xf32, #tpu.memory_space<vmem>>
    %dma_wait3A_523 = arith.constant 0 : i32
    %dma_wait3A_524 = arith.constant 0 : i32
    %dma_wait3A_525 = tpu.memref_slice %arg4[%dma_wait3A_523, %dma_wait3A_524] : memref<20488x1024xf32, #tpu.memory_space<hbm>> -> memref<20488x1024xf32, #tpu.memory_space<hbm>>
    tpu.wait_indirect_dma semaphore(%arg7 : memref<!tpu.dma_semaphore, #tpu.memory_space<semaphore_mem>>) src(%dma_wait3A_522 : memref<16x1024xf32, #tpu.memory_space<vmem>>) dst(%dma_wait3A_525 : memref<20488x1024xf32, #tpu.memory_space<hbm>>)
    %dma_wait3A_526 = arith.constant 16 : i32
    %dma_wait3A_527 = arith.constant 0 : i32
    %dma_wait3A_528 = tpu.memref_slice %arg5[%dma_wait3A_526, %dma_wait3A_527] : memref<64x1024xf32, #tpu.memory_space<vmem>> -> memref<16x1024xf32, #tpu.memory_space<vmem>>
    %dma_wait3A_529 = arith.constant 0 : i32
    %dma_wait3A_530 = arith.constant 0 : i32
    %dma_wait3A_531 = tpu.memref_slice %arg4[%dma_wait3A_529, %dma_wait3A_530] : memref<20488x1024xf32, #tpu.memory_space<hbm>> -> memref<20488x1024xf32, #tpu.memory_space<hbm>>
    tpu.wait_indirect_dma semaphore(%arg7 : memref<!tpu.dma_semaphore, #tpu.memory_space<semaphore_mem>>) src(%dma_wait3A_528 : memref<16x1024xf32, #tpu.memory_space<vmem>>) dst(%dma_wait3A_531 : memref<20488x1024xf32, #tpu.memory_space<hbm>>)
    %dma_wait3A_532 = arith.constant 32 : i32
    %dma_wait3A_533 = arith.constant 0 : i32
    %dma_wait3A_534 = tpu.memref_slice %arg5[%dma_wait3A_532, %dma_wait3A_533] : memref<64x1024xf32, #tpu.memory_space<vmem>> -> memref<16x1024xf32, #tpu.memory_space<vmem>>
    %dma_wait3A_535 = arith.constant 0 : i32
    %dma_wait3A_536 = arith.constant 0 : i32
    %dma_wait3A_537 = tpu.memref_slice %arg4[%dma_wait3A_535, %dma_wait3A_536] : memref<20488x1024xf32, #tpu.memory_space<hbm>> -> memref<20488x1024xf32, #tpu.memory_space<hbm>>
    tpu.wait_indirect_dma semaphore(%arg7 : memref<!tpu.dma_semaphore, #tpu.memory_space<semaphore_mem>>) src(%dma_wait3A_534 : memref<16x1024xf32, #tpu.memory_space<vmem>>) dst(%dma_wait3A_537 : memref<20488x1024xf32, #tpu.memory_space<hbm>>)
    %dma_wait3A_538 = arith.constant 48 : i32
    %dma_wait3A_539 = arith.constant 0 : i32
    %dma_wait3A_540 = tpu.memref_slice %arg5[%dma_wait3A_538, %dma_wait3A_539] : memref<64x1024xf32, #tpu.memory_space<vmem>> -> memref<16x1024xf32, #tpu.memory_space<vmem>>
    %dma_wait3A_541 = arith.constant 0 : i32
    %dma_wait3A_542 = arith.constant 0 : i32
    %dma_wait3A_543 = tpu.memref_slice %arg4[%dma_wait3A_541, %dma_wait3A_542] : memref<20488x1024xf32, #tpu.memory_space<hbm>> -> memref<20488x1024xf32, #tpu.memory_space<hbm>>
    tpu.wait_indirect_dma semaphore(%arg7 : memref<!tpu.dma_semaphore, #tpu.memory_space<semaphore_mem>>) src(%dma_wait3A_540 : memref<16x1024xf32, #tpu.memory_space<vmem>>) dst(%dma_wait3A_543 : memref<20488x1024xf32, #tpu.memory_space<hbm>>)
    return
  }
}

module attributes {stable_mosaic.version = 14 : i64} {
  func.func @_ln_qkv_body(%arg0: i32, %arg1: memref<256x1024xf32, #tpu.memory_space<vmem>>, %arg2: memref<3072x1024xbf16, #tpu.memory_space<vmem>>, %arg3: memref<1x1024xf32, #tpu.memory_space<vmem>>, %arg4: memref<1x1024xf32, #tpu.memory_space<vmem>>, %arg5: memref<256x3072xbf16, #tpu.memory_space<vmem>>) attributes {dimension_semantics = [#tpu.dimension_semantics<arbitrary>], iteration_bounds = array<i64: 8>, scalar_prefetch = 0 : i64, scratch_operands = 0 : i64, tpu.core_type = #tpu.core_type<tc>, window_params = [{transform_indices = @transform_0, window_bounds = array<i64: 256, 1024>}, {pipeline_mode = #tpu.pipeline_mode<synchronous>, transform_indices = @transform_1, window_bounds = array<i64: 3072, 1024>}, {pipeline_mode = #tpu.pipeline_mode<synchronous>, transform_indices = @transform_2, window_bounds = array<i64: 1, 1024>}, {pipeline_mode = #tpu.pipeline_mode<synchronous>, transform_indices = @transform_3, window_bounds = array<i64: 1, 1024>}, {transform_indices = @transform_4, window_bounds = array<i64: 256, 3072>}]} {
    %get3A = arith.constant 0 : index
    %get3A_0 = arith.constant 0 : index
    %get3A_1 = vector.load %arg1[%get3A, %get3A_0] : memref<256x1024xf32, #tpu.memory_space<vmem>>, vector<256x1024xf32>
    %reduce_sum3A = arith.constant dense<0.000000e+00> : vector<256xf32>
    %reduce_sum3A_2 = vector.multi_reduction <add>, %get3A_1, %reduce_sum3A [1] : vector<256x1024xf32> to vector<256xf32>
    %broadcast_in_dim3A = vector.shape_cast %reduce_sum3A_2 : vector<256xf32> to vector<256x1xf32>
    %div3A = arith.constant 1.024000e+03 : f32
    %div3A_3 = vector.broadcast %div3A : f32 to vector<256x1xf32>
    %div3A_4 = arith.divf %broadcast_in_dim3A, %div3A_3 : vector<256x1xf32>
    %sub3A = vector.broadcast %div3A_4 : vector<256x1xf32> to vector<256x1024xf32>
    %sub3A_5 = arith.subf %get3A_1, %sub3A : vector<256x1024xf32>
    %integer_pow3A = arith.mulf %sub3A_5, %sub3A_5 : vector<256x1024xf32>
    %reduce_sum3A_6 = arith.constant dense<0.000000e+00> : vector<256xf32>
    %reduce_sum3A_7 = vector.multi_reduction <add>, %integer_pow3A, %reduce_sum3A_6 [1] : vector<256x1024xf32> to vector<256xf32>
    %broadcast_in_dim3A_8 = vector.shape_cast %reduce_sum3A_7 : vector<256xf32> to vector<256x1xf32>
    %div3A_9 = arith.constant 1.024000e+03 : f32
    %div3A_10 = vector.broadcast %div3A_9 : f32 to vector<256x1xf32>
    %div3A_11 = arith.divf %broadcast_in_dim3A_8, %div3A_10 : vector<256x1xf32>
    %sub3A_12 = vector.broadcast %div3A_4 : vector<256x1xf32> to vector<256x1024xf32>
    %sub3A_13 = arith.subf %get3A_1, %sub3A_12 : vector<256x1024xf32>
    %add3A = arith.constant 9.99999974E-6 : f32
    %add3A_14 = vector.broadcast %add3A : f32 to vector<256x1xf32>
    %add3A_15 = arith.addf %div3A_11, %add3A_14 : vector<256x1xf32>
    %sqrt3A = math.sqrt %add3A_15 : vector<256x1xf32>
    %div3A_16 = vector.broadcast %sqrt3A : vector<256x1xf32> to vector<256x1024xf32>
    %div3A_17 = arith.divf %sub3A_13, %div3A_16 : vector<256x1024xf32>
    %get3A_18 = arith.constant 0 : index
    %get3A_19 = arith.constant 0 : index
    %get3A_20 = vector.load %arg3[%get3A_18, %get3A_19] : memref<1x1024xf32, #tpu.memory_space<vmem>>, vector<1x1024xf32>
    %mul3A = vector.broadcast %get3A_20 : vector<1x1024xf32> to vector<256x1024xf32>
    %mul3A_21 = arith.mulf %div3A_17, %mul3A : vector<256x1024xf32>
    %get3A_22 = arith.constant 0 : index
    %get3A_23 = arith.constant 0 : index
    %get3A_24 = vector.load %arg4[%get3A_22, %get3A_23] : memref<1x1024xf32, #tpu.memory_space<vmem>>, vector<1x1024xf32>
    %add3A_25 = vector.broadcast %get3A_24 : vector<1x1024xf32> to vector<256x1024xf32>
    %add3A_26 = arith.addf %mul3A_21, %add3A_25 : vector<256x1024xf32>
    %convert_element_type3A = arith.truncf %add3A_26 : vector<256x1024xf32> to vector<256x1024xbf16>
    %get3A_27 = arith.constant 0 : index
    %get3A_28 = arith.constant 0 : index
    %get3A_29 = vector.load %arg2[%get3A_27, %get3A_28] : memref<3072x1024xbf16, #tpu.memory_space<vmem>>, vector<3072x1024xbf16>
    %dot_general3A = arith.constant dense<0.000000e+00> : vector<256x3072xf32>
    %dot_general3A_30 = tpu.matmul %convert_element_type3A, %get3A_29, %dot_general3A {dimension_numbers = #tpu.dot_dimension_numbers<[1], [1], [0], [0], [0, 0, 1, 0], [], []>, transpose_lhs_hint = false} : vector<256x1024xbf16>, vector<3072x1024xbf16>, vector<256x3072xf32> -> vector<256x3072xf32>
    %convert_element_type3A_31 = arith.truncf %dot_general3A_30 : vector<256x3072xf32> to vector<256x3072xbf16>
    %swap3A = arith.constant 0 : index
    %swap3A_32 = arith.constant 0 : index
    %swap3A_33 = vector.load %arg5[%swap3A, %swap3A_32] : memref<256x3072xbf16, #tpu.memory_space<vmem>>, vector<256x3072xbf16>
    tpu.vector_store %arg5[%swap3A, %swap3A_32], %convert_element_type3A_31 {strides = array<i32>} : memref<256x3072xbf16, #tpu.memory_space<vmem>>, vector<256x3072xbf16>,
    return
  }
  func.func @transform_0(%arg0: i32) -> (i32, i32) {
    %c0_i32 = arith.constant 0 : i32
    %c0_i32_0 = arith.constant 0 : i32
    return %arg0, %c0_i32 : i32, i32
  }
  func.func @transform_1(%arg0: i32) -> (i32, i32) {
    %c0_i32 = arith.constant 0 : i32
    %c0_i32_0 = arith.constant 0 : i32
    %c0_i32_1 = arith.constant 0 : i32
    return %c0_i32, %c0_i32_0 : i32, i32
  }
  func.func @transform_2(%arg0: i32) -> (i32, i32) {
    %c0_i32 = arith.constant 0 : i32
    %c0_i32_0 = arith.constant 0 : i32
    %c0_i32_1 = arith.constant 0 : i32
    return %c0_i32, %c0_i32_0 : i32, i32
  }
  func.func @transform_3(%arg0: i32) -> (i32, i32) {
    %c0_i32 = arith.constant 0 : i32
    %c0_i32_0 = arith.constant 0 : i32
    %c0_i32_1 = arith.constant 0 : i32
    return %c0_i32, %c0_i32_0 : i32, i32
  }
  func.func @transform_4(%arg0: i32) -> (i32, i32) {
    %c0_i32 = arith.constant 0 : i32
    %c0_i32_0 = arith.constant 0 : i32
    return %arg0, %c0_i32 : i32, i32
  }
}

module attributes {stable_mosaic.version = 14 : i64} {
  func.func @_attn_body(%arg0: i32, %arg1: i32, %arg2: memref<1024x384xbf16, #tpu.memory_space<vmem>>, %arg3: memref<2048x384xbf16, #tpu.memory_space<vmem>>, %arg4: memref<1024x128xbf16, #tpu.memory_space<vmem>>) attributes {dimension_semantics = [#tpu.dimension_semantics<arbitrary>, #tpu.dimension_semantics<arbitrary>], iteration_bounds = array<i64: 8, 2>, scalar_prefetch = 0 : i64, scratch_operands = 0 : i64, tpu.core_type = #tpu.core_type<tc>, window_params = [{transform_indices = @transform_0, window_bounds = array<i64: 1024, 384>}, {transform_indices = @transform_1, window_bounds = array<i64: 2048, 384>}, {transform_indices = @transform_2, window_bounds = array<i64: 1024, 128>}]} {
    %iota3A = tpu.iota {dimensions = array<i32: 0>} : vector<1024x512xi32>
    %iota3A_0 = tpu.iota {dimensions = array<i32: 1>} : vector<1024x512xi32>
    %get3A = arith.constant 0 : index
    %get3A_1 = arith.constant 0 : index
    %get3A_2 = vector.load %arg2[%get3A, %get3A_1] : memref<1024x384xbf16, #tpu.memory_space<vmem>>, vector<1024x64xbf16>
    %broadcast_in_dim3A = arith.constant 0.000000e+00 : f32
    %broadcast_in_dim3A_3 = vector.broadcast %broadcast_in_dim3A : f32 to vector<1024x64xf32>
    %broadcast_in_dim3A_4 = arith.constant 0.000000e+00 : f32
    %broadcast_in_dim3A_5 = vector.broadcast %broadcast_in_dim3A_4 : f32 to vector<1024x1xf32>
    %mul3A = arith.constant 2 : i32
    %mul3A_6 = arith.muli %mul3A, %arg1 : i32
    %while3A = arith.constant 0 : i32
    %while3A_7 = arith.subi %mul3A_6, %while3A : i32
    %while3A_8 = arith.addi %while3A, %while3A_7 : i32
    %while3A_9 = arith.constant 1 : i32
    %while3A_10 = arith.divsi %while3A_7, %while3A_9 : i32
    %while3A_11 = arith.muli %while3A_10, %while3A_9 : i32
    %while3A_12 = arith.addi %while3A, %while3A_11 : i32
    %while3A_13 = arith.constant 1 : i32
    %while3A_14:2 = scf.for %while3A_190 = %while3A to %while3A_12 step %while3A_13 iter_args(%while3A_191 = %broadcast_in_dim3A_3, %while3A_192 = %broadcast_in_dim3A_5) -> (vector<1024x64xf32>, vector<1024x1xf32>)  : i32 {
      %mul3A_193 = arith.constant 512 : i32
      %mul3A_194 = arith.muli %while3A_190, %mul3A_193 : i32
      %get3A_195 = arith.index_cast %mul3A_194 : i32 to index
      %get3A_196 = arith.constant 64 : index
      %get3A_197 = vector.load %arg3[%get3A_195, %get3A_196] : memref<2048x384xbf16, #tpu.memory_space<vmem>>, vector<512x64xbf16>
      %mul3A_198 = arith.constant 512 : i32
      %mul3A_199 = arith.muli %while3A_190, %mul3A_198 : i32
      %get3A_200 = arith.index_cast %mul3A_199 : i32 to index
      %get3A_201 = arith.constant 128 : index
      %get3A_202 = vector.load %arg3[%get3A_200, %get3A_201] : memref<2048x384xbf16, #tpu.memory_space<vmem>>, vector<512x64xbf16>
      %dot_general3A_203 = arith.constant dense<0.000000e+00> : vector<1024x512xf32>
      %dot_general3A_204 = tpu.matmul %get3A_2, %get3A_197, %dot_general3A_203 {dimension_numbers = #tpu.dot_dimension_numbers<[1], [1], [0], [0], [0, 0, 1, 0], [], []>, transpose_lhs_hint = false} : vector<1024x64xbf16>, vector<512x64xbf16>, vector<1024x512xf32> -> vector<1024x512xf32>
      %mul3A_205 = arith.constant 1.250000e-01 : f32
      %mul3A_206 = vector.broadcast %mul3A_205 : f32 to vector<1024x512xf32>
      %mul3A_207 = arith.mulf %dot_general3A_204, %mul3A_206 : vector<1024x512xf32>
      %sub3A_208 = arith.constant 8.000000e+00 : f32
      %sub3A_209 = vector.broadcast %sub3A_208 : f32 to vector<1024x512xf32>
      %sub3A_210 = arith.subf %mul3A_207, %sub3A_209 : vector<1024x512xf32>
      %exp3A_211 = math.exp %sub3A_210 : vector<1024x512xf32>
      %reduce_sum3A_212 = arith.constant dense<0.000000e+00> : vector<1024xf32>
      %reduce_sum3A_213 = vector.multi_reduction <add>, %exp3A_211, %reduce_sum3A_212 [1] : vector<1024x512xf32> to vector<1024xf32>
      %broadcast_in_dim3A_214 = vector.shape_cast %reduce_sum3A_213 : vector<1024xf32> to vector<1024x1xf32>
      %add3A_215 = arith.addf %while3A_192, %broadcast_in_dim3A_214 : vector<1024x1xf32>
      %convert_element_type3A_216 = arith.truncf %exp3A_211 : vector<1024x512xf32> to vector<1024x512xbf16>
      %dot_general3A_217 = arith.constant dense<0.000000e+00> : vector<1024x64xf32>
      %dot_general3A_218 = tpu.matmul %convert_element_type3A_216, %get3A_202, %dot_general3A_217 {dimension_numbers = #tpu.dot_dimension_numbers<[1], [0], [0], [1], [0, 0, 1, 1], [], []>, transpose_lhs_hint = false} : vector<1024x512xbf16>, vector<512x64xbf16>, vector<1024x64xf32> -> vector<1024x64xf32>
      %add3A_219 = arith.addf %while3A_191, %dot_general3A_218 : vector<1024x64xf32>
      scf.yield %add3A_219, %add3A_215 : vector<1024x64xf32>, vector<1024x1xf32>
    }
    %while3A_15 = arith.constant 1 : i32
    %while3A_16:2 = scf.for %while3A_190 = %while3A_12 to %while3A_8 step %while3A_15 iter_args(%while3A_191 = %while3A_14#0, %while3A_192 = %while3A_14#1) -> (vector<1024x64xf32>, vector<1024x1xf32>)  : i32 {
      %mul3A_193 = arith.constant 512 : i32
      %mul3A_194 = arith.muli %while3A_190, %mul3A_193 : i32
      %get3A_195 = arith.index_cast %mul3A_194 : i32 to index
      %get3A_196 = arith.constant 64 : index
      %get3A_197 = vector.load %arg3[%get3A_195, %get3A_196] : memref<2048x384xbf16, #tpu.memory_space<vmem>>, vector<512x64xbf16>
      %mul3A_198 = arith.constant 512 : i32
      %mul3A_199 = arith.muli %while3A_190, %mul3A_198 : i32
      %get3A_200 = arith.index_cast %mul3A_199 : i32 to index
      %get3A_201 = arith.constant 128 : index
      %get3A_202 = vector.load %arg3[%get3A_200, %get3A_201] : memref<2048x384xbf16, #tpu.memory_space<vmem>>, vector<512x64xbf16>
      %dot_general3A_203 = arith.constant dense<0.000000e+00> : vector<1024x512xf32>
      %dot_general3A_204 = tpu.matmul %get3A_2, %get3A_197, %dot_general3A_203 {dimension_numbers = #tpu.dot_dimension_numbers<[1], [1], [0], [0], [0, 0, 1, 0], [], []>, transpose_lhs_hint = false} : vector<1024x64xbf16>, vector<512x64xbf16>, vector<1024x512xf32> -> vector<1024x512xf32>
      %mul3A_205 = arith.constant 1.250000e-01 : f32
      %mul3A_206 = vector.broadcast %mul3A_205 : f32 to vector<1024x512xf32>
      %mul3A_207 = arith.mulf %dot_general3A_204, %mul3A_206 : vector<1024x512xf32>
      %sub3A_208 = arith.constant 8.000000e+00 : f32
      %sub3A_209 = vector.broadcast %sub3A_208 : f32 to vector<1024x512xf32>
      %sub3A_210 = arith.subf %mul3A_207, %sub3A_209 : vector<1024x512xf32>
      %exp3A_211 = math.exp %sub3A_210 : vector<1024x512xf32>
      %reduce_sum3A_212 = arith.constant dense<0.000000e+00> : vector<1024xf32>
      %reduce_sum3A_213 = vector.multi_reduction <add>, %exp3A_211, %reduce_sum3A_212 [1] : vector<1024x512xf32> to vector<1024xf32>
      %broadcast_in_dim3A_214 = vector.shape_cast %reduce_sum3A_213 : vector<1024xf32> to vector<1024x1xf32>
      %add3A_215 = arith.addf %while3A_192, %broadcast_in_dim3A_214 : vector<1024x1xf32>
      %convert_element_type3A_216 = arith.truncf %exp3A_211 : vector<1024x512xf32> to vector<1024x512xbf16>
      %dot_general3A_217 = arith.constant dense<0.000000e+00> : vector<1024x64xf32>
      %dot_general3A_218 = tpu.matmul %convert_element_type3A_216, %get3A_202, %dot_general3A_217 {dimension_numbers = #tpu.dot_dimension_numbers<[1], [0], [0], [1], [0, 0, 1, 1], [], []>, transpose_lhs_hint = false} : vector<1024x512xbf16>, vector<512x64xbf16>, vector<1024x64xf32> -> vector<1024x64xf32>
      %add3A_219 = arith.addf %while3A_191, %dot_general3A_218 : vector<1024x64xf32>
      scf.yield %add3A_219, %add3A_215 : vector<1024x64xf32>, vector<1024x1xf32>
    }
    %mul3A_17 = arith.constant 2 : i32
    %mul3A_18 = arith.muli %mul3A_17, %arg1 : i32
    %add3A = arith.constant 0 : i32
    %add3A_19 = arith.addi %mul3A_18, %add3A : i32
    %mul3A_20 = arith.constant 512 : i32
    %mul3A_21 = arith.muli %add3A_19, %mul3A_20 : i32
    %get3A_22 = arith.index_cast %mul3A_21 : i32 to index
    %get3A_23 = arith.constant 64 : index
    %get3A_24 = vector.load %arg3[%get3A_22, %get3A_23] : memref<2048x384xbf16, #tpu.memory_space<vmem>>, vector<512x64xbf16>
    %mul3A_25 = arith.constant 512 : i32
    %mul3A_26 = arith.muli %add3A_19, %mul3A_25 : i32
    %get3A_27 = arith.index_cast %mul3A_26 : i32 to index
    %get3A_28 = arith.constant 128 : index
    %get3A_29 = vector.load %arg3[%get3A_27, %get3A_28] : memref<2048x384xbf16, #tpu.memory_space<vmem>>, vector<512x64xbf16>
    %add3A_30 = arith.constant 0 : i32
    %add3A_31 = vector.broadcast %add3A_30 : i32 to vector<1024x512xi32>
    %add3A_32 = arith.addi %iota3A_0, %add3A_31 : vector<1024x512xi32>
    %gt3A = arith.cmpi sgt, %add3A_32, %iota3A : vector<1024x512xi32>
    %dot_general3A = arith.constant dense<0.000000e+00> : vector<1024x512xf32>
    %dot_general3A_33 = tpu.matmul %get3A_2, %get3A_24, %dot_general3A {dimension_numbers = #tpu.dot_dimension_numbers<[1], [1], [0], [0], [0, 0, 1, 0], [], []>, transpose_lhs_hint = false} : vector<1024x64xbf16>, vector<512x64xbf16>, vector<1024x512xf32> -> vector<1024x512xf32>
    %mul3A_34 = arith.constant 1.250000e-01 : f32
    %mul3A_35 = vector.broadcast %mul3A_34 : f32 to vector<1024x512xf32>
    %mul3A_36 = arith.mulf %dot_general3A_33, %mul3A_35 : vector<1024x512xf32>
    %sub3A = arith.constant 8.000000e+00 : f32
    %sub3A_37 = vector.broadcast %sub3A : f32 to vector<1024x512xf32>
    %sub3A_38 = arith.subf %mul3A_36, %sub3A_37 : vector<1024x512xf32>
    %jit3A = arith.constant -3.40282347E+38 : f32
    %broadcast_in_dim3A_39 = vector.broadcast %jit3A : f32 to vector<1024x512xf32>
    %select_n3A = arith.select %gt3A, %broadcast_in_dim3A_39, %sub3A_38 : vector<1024x512xi1>, vector<1024x512xf32>
    %exp3A = math.exp %select_n3A : vector<1024x512xf32>
    %reduce_sum3A = arith.constant dense<0.000000e+00> : vector<1024xf32>
    %reduce_sum3A_40 = vector.multi_reduction <add>, %exp3A, %reduce_sum3A [1] : vector<1024x512xf32> to vector<1024xf32>
    %broadcast_in_dim3A_41 = vector.shape_cast %reduce_sum3A_40 : vector<1024xf32> to vector<1024x1xf32>
    %add3A_42 = arith.addf %while3A_16#1, %broadcast_in_dim3A_41 : vector<1024x1xf32>
    %convert_element_type3A = arith.truncf %exp3A : vector<1024x512xf32> to vector<1024x512xbf16>
    %dot_general3A_43 = arith.constant dense<0.000000e+00> : vector<1024x64xf32>
    %dot_general3A_44 = tpu.matmul %convert_element_type3A, %get3A_29, %dot_general3A_43 {dimension_numbers = #tpu.dot_dimension_numbers<[1], [0], [0], [1], [0, 0, 1, 1], [], []>, transpose_lhs_hint = false} : vector<1024x512xbf16>, vector<512x64xbf16>, vector<1024x64xf32> -> vector<1024x64xf32>
    %add3A_45 = arith.addf %while3A_16#0, %dot_general3A_44 : vector<1024x64xf32>
    %mul3A_46 = arith.constant 2 : i32
    %mul3A_47 = arith.muli %mul3A_46, %arg1 : i32
    %add3A_48 = arith.constant 1 : i32
    %add3A_49 = arith.addi %mul3A_47, %add3A_48 : i32
    %mul3A_50 = arith.constant 512 : i32
    %mul3A_51 = arith.muli %add3A_49, %mul3A_50 : i32
    %get3A_52 = arith.index_cast %mul3A_51 : i32 to index
    %get3A_53 = arith.constant 64 : index
    %get3A_54 = vector.load %arg3[%get3A_52, %get3A_53] : memref<2048x384xbf16, #tpu.memory_space<vmem>>, vector<512x64xbf16>
    %mul3A_55 = arith.constant 512 : i32
    %mul3A_56 = arith.muli %add3A_49, %mul3A_55 : i32
    %get3A_57 = arith.index_cast %mul3A_56 : i32 to index
    %get3A_58 = arith.constant 128 : index
    %get3A_59 = vector.load %arg3[%get3A_57, %get3A_58] : memref<2048x384xbf16, #tpu.memory_space<vmem>>, vector<512x64xbf16>
    %add3A_60 = arith.constant 512 : i32
    %add3A_61 = vector.broadcast %add3A_60 : i32 to vector<1024x512xi32>
    %add3A_62 = arith.addi %iota3A_0, %add3A_61 : vector<1024x512xi32>
    %gt3A_63 = arith.cmpi sgt, %add3A_62, %iota3A : vector<1024x512xi32>
    %dot_general3A_64 = arith.constant dense<0.000000e+00> : vector<1024x512xf32>
    %dot_general3A_65 = tpu.matmul %get3A_2, %get3A_54, %dot_general3A_64 {dimension_numbers = #tpu.dot_dimension_numbers<[1], [1], [0], [0], [0, 0, 1, 0], [], []>, transpose_lhs_hint = false} : vector<1024x64xbf16>, vector<512x64xbf16>, vector<1024x512xf32> -> vector<1024x512xf32>
    %mul3A_66 = arith.constant 1.250000e-01 : f32
    %mul3A_67 = vector.broadcast %mul3A_66 : f32 to vector<1024x512xf32>
    %mul3A_68 = arith.mulf %dot_general3A_65, %mul3A_67 : vector<1024x512xf32>
    %sub3A_69 = arith.constant 8.000000e+00 : f32
    %sub3A_70 = vector.broadcast %sub3A_69 : f32 to vector<1024x512xf32>
    %sub3A_71 = arith.subf %mul3A_68, %sub3A_70 : vector<1024x512xf32>
    %jit3A_72 = arith.constant -3.40282347E+38 : f32
    %broadcast_in_dim3A_73 = vector.broadcast %jit3A_72 : f32 to vector<1024x512xf32>
    %select_n3A_74 = arith.select %gt3A_63, %broadcast_in_dim3A_73, %sub3A_71 : vector<1024x512xi1>, vector<1024x512xf32>
    %exp3A_75 = math.exp %select_n3A_74 : vector<1024x512xf32>
    %reduce_sum3A_76 = arith.constant dense<0.000000e+00> : vector<1024xf32>
    %reduce_sum3A_77 = vector.multi_reduction <add>, %exp3A_75, %reduce_sum3A_76 [1] : vector<1024x512xf32> to vector<1024xf32>
    %broadcast_in_dim3A_78 = vector.shape_cast %reduce_sum3A_77 : vector<1024xf32> to vector<1024x1xf32>
    %add3A_79 = arith.addf %add3A_42, %broadcast_in_dim3A_78 : vector<1024x1xf32>
    %convert_element_type3A_80 = arith.truncf %exp3A_75 : vector<1024x512xf32> to vector<1024x512xbf16>
    %dot_general3A_81 = arith.constant dense<0.000000e+00> : vector<1024x64xf32>
    %dot_general3A_82 = tpu.matmul %convert_element_type3A_80, %get3A_59, %dot_general3A_81 {dimension_numbers = #tpu.dot_dimension_numbers<[1], [0], [0], [1], [0, 0, 1, 1], [], []>, transpose_lhs_hint = false} : vector<1024x512xbf16>, vector<512x64xbf16>, vector<1024x64xf32> -> vector<1024x64xf32>
    %add3A_83 = arith.addf %add3A_45, %dot_general3A_82 : vector<1024x64xf32>
    %div3A = vector.broadcast %add3A_79 : vector<1024x1xf32> to vector<1024x64xf32>
    %div3A_84 = arith.divf %add3A_83, %div3A : vector<1024x64xf32>
    %convert_element_type3A_85 = arith.truncf %div3A_84 : vector<1024x64xf32> to vector<1024x64xbf16>
    %swap3A = arith.constant 0 : index
    %swap3A_86 = arith.constant 0 : index
    %swap3A_87 = vector.load %arg4[%swap3A, %swap3A_86] : memref<1024x128xbf16, #tpu.memory_space<vmem>>, vector<1024x64xbf16>
    tpu.vector_store %arg4[%swap3A, %swap3A_86], %convert_element_type3A_85 {strides = array<i32>} : memref<1024x128xbf16, #tpu.memory_space<vmem>>, vector<1024x64xbf16>,
    %get3A_88 = arith.constant 0 : index
    %get3A_89 = arith.constant 192 : index
    %get3A_90 = vector.load %arg2[%get3A_88, %get3A_89] : memref<1024x384xbf16, #tpu.memory_space<vmem>>, vector<1024x64xbf16>
    %broadcast_in_dim3A_91 = arith.constant 0.000000e+00 : f32
    %broadcast_in_dim3A_92 = vector.broadcast %broadcast_in_dim3A_91 : f32 to vector<1024x64xf32>
    %broadcast_in_dim3A_93 = arith.constant 0.000000e+00 : f32
    %broadcast_in_dim3A_94 = vector.broadcast %broadcast_in_dim3A_93 : f32 to vector<1024x1xf32>
    %mul3A_95 = arith.constant 2 : i32
    %mul3A_96 = arith.muli %mul3A_95, %arg1 : i32
    %while3A_97 = arith.constant 0 : i32
    %while3A_98 = arith.subi %mul3A_96, %while3A_97 : i32
    %while3A_99 = arith.addi %while3A_97, %while3A_98 : i32
    %while3A_100 = arith.constant 1 : i32
    %while3A_101 = arith.divsi %while3A_98, %while3A_100 : i32
    %while3A_102 = arith.muli %while3A_101, %while3A_100 : i32
    %while3A_103 = arith.addi %while3A_97, %while3A_102 : i32
    %while3A_104 = arith.constant 1 : i32
    %while3A_105:2 = scf.for %while3A_190 = %while3A_97 to %while3A_103 step %while3A_104 iter_args(%while3A_191 = %broadcast_in_dim3A_92, %while3A_192 = %broadcast_in_dim3A_94) -> (vector<1024x64xf32>, vector<1024x1xf32>)  : i32 {
      %mul3A_193 = arith.constant 512 : i32
      %mul3A_194 = arith.muli %while3A_190, %mul3A_193 : i32
      %get3A_195 = arith.index_cast %mul3A_194 : i32 to index
      %get3A_196 = arith.constant 256 : index
      %get3A_197 = vector.load %arg3[%get3A_195, %get3A_196] : memref<2048x384xbf16, #tpu.memory_space<vmem>>, vector<512x64xbf16>
      %mul3A_198 = arith.constant 512 : i32
      %mul3A_199 = arith.muli %while3A_190, %mul3A_198 : i32
      %get3A_200 = arith.index_cast %mul3A_199 : i32 to index
      %get3A_201 = arith.constant 320 : index
      %get3A_202 = vector.load %arg3[%get3A_200, %get3A_201] : memref<2048x384xbf16, #tpu.memory_space<vmem>>, vector<512x64xbf16>
      %dot_general3A_203 = arith.constant dense<0.000000e+00> : vector<1024x512xf32>
      %dot_general3A_204 = tpu.matmul %get3A_90, %get3A_197, %dot_general3A_203 {dimension_numbers = #tpu.dot_dimension_numbers<[1], [1], [0], [0], [0, 0, 1, 0], [], []>, transpose_lhs_hint = false} : vector<1024x64xbf16>, vector<512x64xbf16>, vector<1024x512xf32> -> vector<1024x512xf32>
      %mul3A_205 = arith.constant 1.250000e-01 : f32
      %mul3A_206 = vector.broadcast %mul3A_205 : f32 to vector<1024x512xf32>
      %mul3A_207 = arith.mulf %dot_general3A_204, %mul3A_206 : vector<1024x512xf32>
      %sub3A_208 = arith.constant 8.000000e+00 : f32
      %sub3A_209 = vector.broadcast %sub3A_208 : f32 to vector<1024x512xf32>
      %sub3A_210 = arith.subf %mul3A_207, %sub3A_209 : vector<1024x512xf32>
      %exp3A_211 = math.exp %sub3A_210 : vector<1024x512xf32>
      %reduce_sum3A_212 = arith.constant dense<0.000000e+00> : vector<1024xf32>
      %reduce_sum3A_213 = vector.multi_reduction <add>, %exp3A_211, %reduce_sum3A_212 [1] : vector<1024x512xf32> to vector<1024xf32>
      %broadcast_in_dim3A_214 = vector.shape_cast %reduce_sum3A_213 : vector<1024xf32> to vector<1024x1xf32>
      %add3A_215 = arith.addf %while3A_192, %broadcast_in_dim3A_214 : vector<1024x1xf32>
      %convert_element_type3A_216 = arith.truncf %exp3A_211 : vector<1024x512xf32> to vector<1024x512xbf16>
      %dot_general3A_217 = arith.constant dense<0.000000e+00> : vector<1024x64xf32>
      %dot_general3A_218 = tpu.matmul %convert_element_type3A_216, %get3A_202, %dot_general3A_217 {dimension_numbers = #tpu.dot_dimension_numbers<[1], [0], [0], [1], [0, 0, 1, 1], [], []>, transpose_lhs_hint = false} : vector<1024x512xbf16>, vector<512x64xbf16>, vector<1024x64xf32> -> vector<1024x64xf32>
      %add3A_219 = arith.addf %while3A_191, %dot_general3A_218 : vector<1024x64xf32>
      scf.yield %add3A_219, %add3A_215 : vector<1024x64xf32>, vector<1024x1xf32>
    }
    %while3A_106 = arith.constant 1 : i32
    %while3A_107:2 = scf.for %while3A_190 = %while3A_103 to %while3A_99 step %while3A_106 iter_args(%while3A_191 = %while3A_105#0, %while3A_192 = %while3A_105#1) -> (vector<1024x64xf32>, vector<1024x1xf32>)  : i32 {
      %mul3A_193 = arith.constant 512 : i32
      %mul3A_194 = arith.muli %while3A_190, %mul3A_193 : i32
      %get3A_195 = arith.index_cast %mul3A_194 : i32 to index
      %get3A_196 = arith.constant 256 : index
      %get3A_197 = vector.load %arg3[%get3A_195, %get3A_196] : memref<2048x384xbf16, #tpu.memory_space<vmem>>, vector<512x64xbf16>
      %mul3A_198 = arith.constant 512 : i32
      %mul3A_199 = arith.muli %while3A_190, %mul3A_198 : i32
      %get3A_200 = arith.index_cast %mul3A_199 : i32 to index
      %get3A_201 = arith.constant 320 : index
      %get3A_202 = vector.load %arg3[%get3A_200, %get3A_201] : memref<2048x384xbf16, #tpu.memory_space<vmem>>, vector<512x64xbf16>
      %dot_general3A_203 = arith.constant dense<0.000000e+00> : vector<1024x512xf32>
      %dot_general3A_204 = tpu.matmul %get3A_90, %get3A_197, %dot_general3A_203 {dimension_numbers = #tpu.dot_dimension_numbers<[1], [1], [0], [0], [0, 0, 1, 0], [], []>, transpose_lhs_hint = false} : vector<1024x64xbf16>, vector<512x64xbf16>, vector<1024x512xf32> -> vector<1024x512xf32>
      %mul3A_205 = arith.constant 1.250000e-01 : f32
      %mul3A_206 = vector.broadcast %mul3A_205 : f32 to vector<1024x512xf32>
      %mul3A_207 = arith.mulf %dot_general3A_204, %mul3A_206 : vector<1024x512xf32>
      %sub3A_208 = arith.constant 8.000000e+00 : f32
      %sub3A_209 = vector.broadcast %sub3A_208 : f32 to vector<1024x512xf32>
      %sub3A_210 = arith.subf %mul3A_207, %sub3A_209 : vector<1024x512xf32>
      %exp3A_211 = math.exp %sub3A_210 : vector<1024x512xf32>
      %reduce_sum3A_212 = arith.constant dense<0.000000e+00> : vector<1024xf32>
      %reduce_sum3A_213 = vector.multi_reduction <add>, %exp3A_211, %reduce_sum3A_212 [1] : vector<1024x512xf32> to vector<1024xf32>
      %broadcast_in_dim3A_214 = vector.shape_cast %reduce_sum3A_213 : vector<1024xf32> to vector<1024x1xf32>
      %add3A_215 = arith.addf %while3A_192, %broadcast_in_dim3A_214 : vector<1024x1xf32>
      %convert_element_type3A_216 = arith.truncf %exp3A_211 : vector<1024x512xf32> to vector<1024x512xbf16>
      %dot_general3A_217 = arith.constant dense<0.000000e+00> : vector<1024x64xf32>
      %dot_general3A_218 = tpu.matmul %convert_element_type3A_216, %get3A_202, %dot_general3A_217 {dimension_numbers = #tpu.dot_dimension_numbers<[1], [0], [0], [1], [0, 0, 1, 1], [], []>, transpose_lhs_hint = false} : vector<1024x512xbf16>, vector<512x64xbf16>, vector<1024x64xf32> -> vector<1024x64xf32>
      %add3A_219 = arith.addf %while3A_191, %dot_general3A_218 : vector<1024x64xf32>
      scf.yield %add3A_219, %add3A_215 : vector<1024x64xf32>, vector<1024x1xf32>
    }
    %mul3A_108 = arith.constant 2 : i32
    %mul3A_109 = arith.muli %mul3A_108, %arg1 : i32
    %add3A_110 = arith.constant 0 : i32
    %add3A_111 = arith.addi %mul3A_109, %add3A_110 : i32
    %mul3A_112 = arith.constant 512 : i32
    %mul3A_113 = arith.muli %add3A_111, %mul3A_112 : i32
    %get3A_114 = arith.index_cast %mul3A_113 : i32 to index
    %get3A_115 = arith.constant 256 : index
    %get3A_116 = vector.load %arg3[%get3A_114, %get3A_115] : memref<2048x384xbf16, #tpu.memory_space<vmem>>, vector<512x64xbf16>
    %mul3A_117 = arith.constant 512 : i32
    %mul3A_118 = arith.muli %add3A_111, %mul3A_117 : i32
    %get3A_119 = arith.index_cast %mul3A_118 : i32 to index
    %get3A_120 = arith.constant 320 : index
    %get3A_121 = vector.load %arg3[%get3A_119, %get3A_120] : memref<2048x384xbf16, #tpu.memory_space<vmem>>, vector<512x64xbf16>
    %add3A_122 = arith.constant 0 : i32
    %add3A_123 = vector.broadcast %add3A_122 : i32 to vector<1024x512xi32>
    %add3A_124 = arith.addi %iota3A_0, %add3A_123 : vector<1024x512xi32>
    %gt3A_125 = arith.cmpi sgt, %add3A_124, %iota3A : vector<1024x512xi32>
    %dot_general3A_126 = arith.constant dense<0.000000e+00> : vector<1024x512xf32>
    %dot_general3A_127 = tpu.matmul %get3A_90, %get3A_116, %dot_general3A_126 {dimension_numbers = #tpu.dot_dimension_numbers<[1], [1], [0], [0], [0, 0, 1, 0], [], []>, transpose_lhs_hint = false} : vector<1024x64xbf16>, vector<512x64xbf16>, vector<1024x512xf32> -> vector<1024x512xf32>
    %mul3A_128 = arith.constant 1.250000e-01 : f32
    %mul3A_129 = vector.broadcast %mul3A_128 : f32 to vector<1024x512xf32>
    %mul3A_130 = arith.mulf %dot_general3A_127, %mul3A_129 : vector<1024x512xf32>
    %sub3A_131 = arith.constant 8.000000e+00 : f32
    %sub3A_132 = vector.broadcast %sub3A_131 : f32 to vector<1024x512xf32>
    %sub3A_133 = arith.subf %mul3A_130, %sub3A_132 : vector<1024x512xf32>
    %jit3A_134 = arith.constant -3.40282347E+38 : f32
    %broadcast_in_dim3A_135 = vector.broadcast %jit3A_134 : f32 to vector<1024x512xf32>
    %select_n3A_136 = arith.select %gt3A_125, %broadcast_in_dim3A_135, %sub3A_133 : vector<1024x512xi1>, vector<1024x512xf32>
    %exp3A_137 = math.exp %select_n3A_136 : vector<1024x512xf32>
    %reduce_sum3A_138 = arith.constant dense<0.000000e+00> : vector<1024xf32>
    %reduce_sum3A_139 = vector.multi_reduction <add>, %exp3A_137, %reduce_sum3A_138 [1] : vector<1024x512xf32> to vector<1024xf32>
    %broadcast_in_dim3A_140 = vector.shape_cast %reduce_sum3A_139 : vector<1024xf32> to vector<1024x1xf32>
    %add3A_141 = arith.addf %while3A_107#1, %broadcast_in_dim3A_140 : vector<1024x1xf32>
    %convert_element_type3A_142 = arith.truncf %exp3A_137 : vector<1024x512xf32> to vector<1024x512xbf16>
    %dot_general3A_143 = arith.constant dense<0.000000e+00> : vector<1024x64xf32>
    %dot_general3A_144 = tpu.matmul %convert_element_type3A_142, %get3A_121, %dot_general3A_143 {dimension_numbers = #tpu.dot_dimension_numbers<[1], [0], [0], [1], [0, 0, 1, 1], [], []>, transpose_lhs_hint = false} : vector<1024x512xbf16>, vector<512x64xbf16>, vector<1024x64xf32> -> vector<1024x64xf32>
    %add3A_145 = arith.addf %while3A_107#0, %dot_general3A_144 : vector<1024x64xf32>
    %mul3A_146 = arith.constant 2 : i32
    %mul3A_147 = arith.muli %mul3A_146, %arg1 : i32
    %add3A_148 = arith.constant 1 : i32
    %add3A_149 = arith.addi %mul3A_147, %add3A_148 : i32
    %mul3A_150 = arith.constant 512 : i32
    %mul3A_151 = arith.muli %add3A_149, %mul3A_150 : i32
    %get3A_152 = arith.index_cast %mul3A_151 : i32 to index
    %get3A_153 = arith.constant 256 : index
    %get3A_154 = vector.load %arg3[%get3A_152, %get3A_153] : memref<2048x384xbf16, #tpu.memory_space<vmem>>, vector<512x64xbf16>
    %mul3A_155 = arith.constant 512 : i32
    %mul3A_156 = arith.muli %add3A_149, %mul3A_155 : i32
    %get3A_157 = arith.index_cast %mul3A_156 : i32 to index
    %get3A_158 = arith.constant 320 : index
    %get3A_159 = vector.load %arg3[%get3A_157, %get3A_158] : memref<2048x384xbf16, #tpu.memory_space<vmem>>, vector<512x64xbf16>
    %add3A_160 = arith.constant 512 : i32
    %add3A_161 = vector.broadcast %add3A_160 : i32 to vector<1024x512xi32>
    %add3A_162 = arith.addi %iota3A_0, %add3A_161 : vector<1024x512xi32>
    %gt3A_163 = arith.cmpi sgt, %add3A_162, %iota3A : vector<1024x512xi32>
    %dot_general3A_164 = arith.constant dense<0.000000e+00> : vector<1024x512xf32>
    %dot_general3A_165 = tpu.matmul %get3A_90, %get3A_154, %dot_general3A_164 {dimension_numbers = #tpu.dot_dimension_numbers<[1], [1], [0], [0], [0, 0, 1, 0], [], []>, transpose_lhs_hint = false} : vector<1024x64xbf16>, vector<512x64xbf16>, vector<1024x512xf32> -> vector<1024x512xf32>
    %mul3A_166 = arith.constant 1.250000e-01 : f32
    %mul3A_167 = vector.broadcast %mul3A_166 : f32 to vector<1024x512xf32>
    %mul3A_168 = arith.mulf %dot_general3A_165, %mul3A_167 : vector<1024x512xf32>
    %sub3A_169 = arith.constant 8.000000e+00 : f32
    %sub3A_170 = vector.broadcast %sub3A_169 : f32 to vector<1024x512xf32>
    %sub3A_171 = arith.subf %mul3A_168, %sub3A_170 : vector<1024x512xf32>
    %jit3A_172 = arith.constant -3.40282347E+38 : f32
    %broadcast_in_dim3A_173 = vector.broadcast %jit3A_172 : f32 to vector<1024x512xf32>
    %select_n3A_174 = arith.select %gt3A_163, %broadcast_in_dim3A_173, %sub3A_171 : vector<1024x512xi1>, vector<1024x512xf32>
    %exp3A_175 = math.exp %select_n3A_174 : vector<1024x512xf32>
    %reduce_sum3A_176 = arith.constant dense<0.000000e+00> : vector<1024xf32>
    %reduce_sum3A_177 = vector.multi_reduction <add>, %exp3A_175, %reduce_sum3A_176 [1] : vector<1024x512xf32> to vector<1024xf32>
    %broadcast_in_dim3A_178 = vector.shape_cast %reduce_sum3A_177 : vector<1024xf32> to vector<1024x1xf32>
    %add3A_179 = arith.addf %add3A_141, %broadcast_in_dim3A_178 : vector<1024x1xf32>
    %convert_element_type3A_180 = arith.truncf %exp3A_175 : vector<1024x512xf32> to vector<1024x512xbf16>
    %dot_general3A_181 = arith.constant dense<0.000000e+00> : vector<1024x64xf32>
    %dot_general3A_182 = tpu.matmul %convert_element_type3A_180, %get3A_159, %dot_general3A_181 {dimension_numbers = #tpu.dot_dimension_numbers<[1], [0], [0], [1], [0, 0, 1, 1], [], []>, transpose_lhs_hint = false} : vector<1024x512xbf16>, vector<512x64xbf16>, vector<1024x64xf32> -> vector<1024x64xf32>
    %add3A_183 = arith.addf %add3A_145, %dot_general3A_182 : vector<1024x64xf32>
    %div3A_184 = vector.broadcast %add3A_179 : vector<1024x1xf32> to vector<1024x64xf32>
    %div3A_185 = arith.divf %add3A_183, %div3A_184 : vector<1024x64xf32>
    %convert_element_type3A_186 = arith.truncf %div3A_185 : vector<1024x64xf32> to vector<1024x64xbf16>
    %swap3A_187 = arith.constant 0 : index
    %swap3A_188 = arith.constant 64 : index
    %swap3A_189 = vector.load %arg4[%swap3A_187, %swap3A_188] : memref<1024x128xbf16, #tpu.memory_space<vmem>>, vector<1024x64xbf16>
    tpu.vector_store %arg4[%swap3A_187, %swap3A_188], %convert_element_type3A_186 {strides = array<i32>} : memref<1024x128xbf16, #tpu.memory_space<vmem>>, vector<1024x64xbf16>,
    return
  }
  func.func @transform_0(%arg0: i32, %arg1: i32) -> (i32, i32) {
    %c0_i32 = arith.constant 0 : i32
    return %arg1, %arg0 : i32, i32
  }
  func.func @transform_1(%arg0: i32, %arg1: i32) -> (i32, i32) {
    %c0_i32 = arith.constant 0 : i32
    %c0_i32_0 = arith.constant 0 : i32
    return %c0_i32, %arg0 : i32, i32
  }
  func.func @transform_2(%arg0: i32, %arg1: i32) -> (i32, i32) {
    %c0_i32 = arith.constant 0 : i32
    return %arg1, %arg0 : i32, i32
  }
}

module attributes {stable_mosaic.version = 14 : i64} {
  func.func @_route_body(%arg0: i32, %arg1: memref<256x1024xbf16, #tpu.memory_space<vmem>>, %arg2: memref<256x1024xf32, #tpu.memory_space<vmem>>, %arg3: memref<1024x1024xbf16, #tpu.memory_space<vmem>>, %arg4: memref<1024x64xf32, #tpu.memory_space<vmem>>, %arg5: memref<1x1024xf32, #tpu.memory_space<vmem>>, %arg6: memref<1x1024xf32, #tpu.memory_space<vmem>>, %arg7: memref<256x1024xf32, #tpu.memory_space<vmem>>, %arg8: memref<256x1024xf32, #tpu.memory_space<vmem>>, %arg9: memref<256x8xf32, #tpu.memory_space<vmem>>, %arg10: memref<256x8xi32, #tpu.memory_space<vmem>>, %arg11: memref<256x8xi32, #tpu.memory_space<vmem>>, %arg12: memref<1x64xf32, #tpu.memory_space<vmem>>) attributes {dimension_semantics = [#tpu.dimension_semantics<arbitrary>], iteration_bounds = array<i64: 8>, scalar_prefetch = 0 : i64, scratch_operands = 1 : i64, tpu.core_type = #tpu.core_type<tc>, window_params = [{transform_indices = @transform_0, window_bounds = array<i64: 256, 1024>}, {transform_indices = @transform_1, window_bounds = array<i64: 256, 1024>}, {pipeline_mode = #tpu.pipeline_mode<synchronous>, transform_indices = @transform_2, window_bounds = array<i64: 1024, 1024>}, {pipeline_mode = #tpu.pipeline_mode<synchronous>, transform_indices = @transform_3, window_bounds = array<i64: 1024, 64>}, {pipeline_mode = #tpu.pipeline_mode<synchronous>, transform_indices = @transform_4, window_bounds = array<i64: 1, 1024>}, {pipeline_mode = #tpu.pipeline_mode<synchronous>, transform_indices = @transform_5, window_bounds = array<i64: 1, 1024>}, {transform_indices = @transform_6, window_bounds = array<i64: 256, 1024>}, {transform_indices = @transform_7, window_bounds = array<i64: 256, 1024>}, {transform_indices = @transform_8, window_bounds = array<i64: 256, 8>}, {transform_indices = @transform_9, window_bounds = array<i64: 256, 8>}, {transform_indices = @transform_10, window_bounds = array<i64: 256, 8>}]} {
    %eq3A = arith.constant 0 : i32
    %eq3A_0 = arith.cmpi eq, %arg0, %eq3A : i32
    %convert_element_type3A = arith.extui %eq3A_0 : i1 to i32
    %cond3A = arith.constant 0 : i32
    %cond3A_1 = arith.cmpi ne, %convert_element_type3A, %cond3A : i32
    scf.if %cond3A_1 {
      %broadcast_in_dim3A_465 = arith.constant 0.000000e+00 : f32
      %broadcast_in_dim3A_466 = vector.broadcast %broadcast_in_dim3A_465 : f32 to vector<1x64xf32>
      %swap3A_467 = arith.constant 0 : index
      %swap3A_468 = arith.constant 0 : index
      %swap3A_469 = vector.load %arg12[%swap3A_467, %swap3A_468] : memref<1x64xf32, #tpu.memory_space<vmem>>, vector<1x64xf32>
      tpu.vector_store %arg12[%swap3A_467, %swap3A_468], %broadcast_in_dim3A_466 {strides = array<i32>} : memref<1x64xf32, #tpu.memory_space<vmem>>, vector<1x64xf32>,
    } else {
    }
    %get3A = arith.constant 0 : index
    %get3A_2 = arith.constant 0 : index
    %get3A_3 = vector.load %arg1[%get3A, %get3A_2] : memref<256x1024xbf16, #tpu.memory_space<vmem>>, vector<256x1024xbf16>
    %get3A_4 = arith.constant 0 : index
    %get3A_5 = arith.constant 0 : index
    %get3A_6 = vector.load %arg3[%get3A_4, %get3A_5] : memref<1024x1024xbf16, #tpu.memory_space<vmem>>, vector<1024x1024xbf16>
    %dot_general3A = arith.constant dense<0.000000e+00> : vector<256x1024xf32>
    %dot_general3A_7 = tpu.matmul %get3A_3, %get3A_6, %dot_general3A {dimension_numbers = #tpu.dot_dimension_numbers<[1], [1], [0], [0], [0, 0, 1, 0], [], []>, transpose_lhs_hint = false} : vector<256x1024xbf16>, vector<1024x1024xbf16>, vector<256x1024xf32> -> vector<256x1024xf32>
    %get3A_8 = arith.constant 0 : index
    %get3A_9 = arith.constant 0 : index
    %get3A_10 = vector.load %arg2[%get3A_8, %get3A_9] : memref<256x1024xf32, #tpu.memory_space<vmem>>, vector<256x1024xf32>
    %add3A = arith.addf %get3A_10, %dot_general3A_7 : vector<256x1024xf32>
    %swap3A = arith.constant 0 : index
    %swap3A_11 = arith.constant 0 : index
    %swap3A_12 = vector.load %arg7[%swap3A, %swap3A_11] : memref<256x1024xf32, #tpu.memory_space<vmem>>, vector<256x1024xf32>
    tpu.vector_store %arg7[%swap3A, %swap3A_11], %add3A {strides = array<i32>} : memref<256x1024xf32, #tpu.memory_space<vmem>>, vector<256x1024xf32>,
    %reduce_sum3A = arith.constant dense<0.000000e+00> : vector<256xf32>
    %reduce_sum3A_13 = vector.multi_reduction <add>, %add3A, %reduce_sum3A [1] : vector<256x1024xf32> to vector<256xf32>
    %broadcast_in_dim3A = vector.shape_cast %reduce_sum3A_13 : vector<256xf32> to vector<256x1xf32>
    %div3A = arith.constant 1.024000e+03 : f32
    %div3A_14 = vector.broadcast %div3A : f32 to vector<256x1xf32>
    %div3A_15 = arith.divf %broadcast_in_dim3A, %div3A_14 : vector<256x1xf32>
    %sub3A = vector.broadcast %div3A_15 : vector<256x1xf32> to vector<256x1024xf32>
    %sub3A_16 = arith.subf %add3A, %sub3A : vector<256x1024xf32>
    %integer_pow3A = arith.mulf %sub3A_16, %sub3A_16 : vector<256x1024xf32>
    %reduce_sum3A_17 = arith.constant dense<0.000000e+00> : vector<256xf32>
    %reduce_sum3A_18 = vector.multi_reduction <add>, %integer_pow3A, %reduce_sum3A_17 [1] : vector<256x1024xf32> to vector<256xf32>
    %broadcast_in_dim3A_19 = vector.shape_cast %reduce_sum3A_18 : vector<256xf32> to vector<256x1xf32>
    %div3A_20 = arith.constant 1.024000e+03 : f32
    %div3A_21 = vector.broadcast %div3A_20 : f32 to vector<256x1xf32>
    %div3A_22 = arith.divf %broadcast_in_dim3A_19, %div3A_21 : vector<256x1xf32>
    %sub3A_23 = vector.broadcast %div3A_15 : vector<256x1xf32> to vector<256x1024xf32>
    %sub3A_24 = arith.subf %add3A, %sub3A_23 : vector<256x1024xf32>
    %add3A_25 = arith.constant 9.99999974E-6 : f32
    %add3A_26 = vector.broadcast %add3A_25 : f32 to vector<256x1xf32>
    %add3A_27 = arith.addf %div3A_22, %add3A_26 : vector<256x1xf32>
    %sqrt3A = math.sqrt %add3A_27 : vector<256x1xf32>
    %div3A_28 = vector.broadcast %sqrt3A : vector<256x1xf32> to vector<256x1024xf32>
    %div3A_29 = arith.divf %sub3A_24, %div3A_28 : vector<256x1024xf32>
    %get3A_30 = arith.constant 0 : index
    %get3A_31 = arith.constant 0 : index
    %get3A_32 = vector.load %arg5[%get3A_30, %get3A_31] : memref<1x1024xf32, #tpu.memory_space<vmem>>, vector<1x1024xf32>
    %mul3A = vector.broadcast %get3A_32 : vector<1x1024xf32> to vector<256x1024xf32>
    %mul3A_33 = arith.mulf %div3A_29, %mul3A : vector<256x1024xf32>
    %get3A_34 = arith.constant 0 : index
    %get3A_35 = arith.constant 0 : index
    %get3A_36 = vector.load %arg6[%get3A_34, %get3A_35] : memref<1x1024xf32, #tpu.memory_space<vmem>>, vector<1x1024xf32>
    %add3A_37 = vector.broadcast %get3A_36 : vector<1x1024xf32> to vector<256x1024xf32>
    %add3A_38 = arith.addf %mul3A_33, %add3A_37 : vector<256x1024xf32>
    %swap3A_39 = arith.constant 0 : index
    %swap3A_40 = arith.constant 0 : index
    %swap3A_41 = vector.load %arg8[%swap3A_39, %swap3A_40] : memref<256x1024xf32, #tpu.memory_space<vmem>>, vector<256x1024xf32>
    tpu.vector_store %arg8[%swap3A_39, %swap3A_40], %add3A_38 {strides = array<i32>} : memref<256x1024xf32, #tpu.memory_space<vmem>>, vector<256x1024xf32>,
    %get3A_42 = arith.constant 0 : index
    %get3A_43 = arith.constant 0 : index
    %get3A_44 = vector.load %arg4[%get3A_42, %get3A_43] : memref<1024x64xf32, #tpu.memory_space<vmem>>, vector<1024x64xf32>
    %dot_general3A_45 = arith.constant dense<0.000000e+00> : vector<256x64xf32>
    %dot_general3A_46 = tpu.matmul %add3A_38, %get3A_44, %dot_general3A_45 {dimension_numbers = #tpu.dot_dimension_numbers<[1], [0], [0], [1], [0, 0, 1, 1], [], []>, transpose_lhs_hint = false} : vector<256x1024xf32>, vector<1024x64xf32>, vector<256x64xf32> -> vector<256x64xf32>
    %reduce_max3A = arith.constant dense<0xFF800000> : vector<256xf32>
    %reduce_max3A_47 = vector.multi_reduction <maximumf>, %dot_general3A_46, %reduce_max3A [1] : vector<256x64xf32> to vector<256xf32>
    %broadcast_in_dim3A_48 = vector.shape_cast %reduce_max3A_47 : vector<256xf32> to vector<256x1xf32>
    %sub3A_49 = vector.broadcast %broadcast_in_dim3A_48 : vector<256x1xf32> to vector<256x64xf32>
    %sub3A_50 = arith.subf %dot_general3A_46, %sub3A_49 : vector<256x64xf32>
    %exp3A = math.exp %sub3A_50 : vector<256x64xf32>
    %reduce_sum3A_51 = arith.constant dense<0.000000e+00> : vector<256xf32>
    %reduce_sum3A_52 = vector.multi_reduction <add>, %exp3A, %reduce_sum3A_51 [1] : vector<256x64xf32> to vector<256xf32>
    %broadcast_in_dim3A_53 = vector.shape_cast %reduce_sum3A_52 : vector<256xf32> to vector<256x1xf32>
    %div3A_54 = vector.broadcast %broadcast_in_dim3A_53 : vector<256x1xf32> to vector<256x64xf32>
    %div3A_55 = arith.divf %exp3A, %div3A_54 : vector<256x64xf32>
    %iota3A = tpu.iota {dimensions = array<i32: 1>} : vector<256x64xi32>
    %reduce_max3A_56 = arith.constant dense<0xFF800000> : vector<256xf32>
    %reduce_max3A_57 = vector.multi_reduction <maximumf>, %div3A_55, %reduce_max3A_56 [1] : vector<256x64xf32> to vector<256xf32>
    %broadcast_in_dim3A_58 = vector.shape_cast %reduce_max3A_57 : vector<256xf32> to vector<256x1xf32>
    %eq3A_59 = vector.broadcast %broadcast_in_dim3A_58 : vector<256x1xf32> to vector<256x64xf32>
    %eq3A_60 = arith.cmpf oeq, %div3A_55, %eq3A_59 : vector<256x64xf32>
    %jit3A = arith.constant 64 : i32
    %broadcast_in_dim3A_61 = vector.broadcast %jit3A : i32 to vector<256x64xi32>
    %select_n3A = arith.select %eq3A_60, %iota3A, %broadcast_in_dim3A_61 : vector<256x64xi1>, vector<256x64xi32>
    %reduce_min3A = arith.constant dense<2147483647> : vector<256xi32>
    %reduce_min3A_62 = vector.multi_reduction <minsi>, %select_n3A, %reduce_min3A [1] : vector<256x64xi32> to vector<256xi32>
    %broadcast_in_dim3A_63 = vector.shape_cast %reduce_min3A_62 : vector<256xi32> to vector<256x1xi32>
    %eq3A_64 = vector.broadcast %broadcast_in_dim3A_63 : vector<256x1xi32> to vector<256x64xi32>
    %eq3A_65 = arith.cmpi eq, %iota3A, %eq3A_64 : vector<256x64xi32>
    %jit3A_66 = arith.constant -1.000000e+00 : f32
    %broadcast_in_dim3A_67 = vector.broadcast %jit3A_66 : f32 to vector<256x64xf32>
    %select_n3A_68 = arith.select %eq3A_65, %broadcast_in_dim3A_67, %div3A_55 : vector<256x64xi1>, vector<256x64xf32>
    %reduce_max3A_69 = arith.constant dense<0xFF800000> : vector<256xf32>
    %reduce_max3A_70 = vector.multi_reduction <maximumf>, %select_n3A_68, %reduce_max3A_69 [1] : vector<256x64xf32> to vector<256xf32>
    %broadcast_in_dim3A_71 = vector.shape_cast %reduce_max3A_70 : vector<256xf32> to vector<256x1xf32>
    %eq3A_72 = vector.broadcast %broadcast_in_dim3A_71 : vector<256x1xf32> to vector<256x64xf32>
    %eq3A_73 = arith.cmpf oeq, %select_n3A_68, %eq3A_72 : vector<256x64xf32>
    %jit3A_74 = arith.constant 64 : i32
    %broadcast_in_dim3A_75 = vector.broadcast %jit3A_74 : i32 to vector<256x64xi32>
    %select_n3A_76 = arith.select %eq3A_73, %iota3A, %broadcast_in_dim3A_75 : vector<256x64xi1>, vector<256x64xi32>
    %reduce_min3A_77 = arith.constant dense<2147483647> : vector<256xi32>
    %reduce_min3A_78 = vector.multi_reduction <minsi>, %select_n3A_76, %reduce_min3A_77 [1] : vector<256x64xi32> to vector<256xi32>
    %broadcast_in_dim3A_79 = vector.shape_cast %reduce_min3A_78 : vector<256xi32> to vector<256x1xi32>
    %eq3A_80 = vector.broadcast %broadcast_in_dim3A_79 : vector<256x1xi32> to vector<256x64xi32>
    %eq3A_81 = arith.cmpi eq, %iota3A, %eq3A_80 : vector<256x64xi32>
    %jit3A_82 = arith.constant -1.000000e+00 : f32
    %broadcast_in_dim3A_83 = vector.broadcast %jit3A_82 : f32 to vector<256x64xf32>
    %select_n3A_84 = arith.select %eq3A_81, %broadcast_in_dim3A_83, %select_n3A_68 : vector<256x64xi1>, vector<256x64xf32>
    %reduce_max3A_85 = arith.constant dense<0xFF800000> : vector<256xf32>
    %reduce_max3A_86 = vector.multi_reduction <maximumf>, %select_n3A_84, %reduce_max3A_85 [1] : vector<256x64xf32> to vector<256xf32>
    %broadcast_in_dim3A_87 = vector.shape_cast %reduce_max3A_86 : vector<256xf32> to vector<256x1xf32>
    %eq3A_88 = vector.broadcast %broadcast_in_dim3A_87 : vector<256x1xf32> to vector<256x64xf32>
    %eq3A_89 = arith.cmpf oeq, %select_n3A_84, %eq3A_88 : vector<256x64xf32>
    %jit3A_90 = arith.constant 64 : i32
    %broadcast_in_dim3A_91 = vector.broadcast %jit3A_90 : i32 to vector<256x64xi32>
    %select_n3A_92 = arith.select %eq3A_89, %iota3A, %broadcast_in_dim3A_91 : vector<256x64xi1>, vector<256x64xi32>
    %reduce_min3A_93 = arith.constant dense<2147483647> : vector<256xi32>
    %reduce_min3A_94 = vector.multi_reduction <minsi>, %select_n3A_92, %reduce_min3A_93 [1] : vector<256x64xi32> to vector<256xi32>
    %broadcast_in_dim3A_95 = vector.shape_cast %reduce_min3A_94 : vector<256xi32> to vector<256x1xi32>
    %eq3A_96 = vector.broadcast %broadcast_in_dim3A_95 : vector<256x1xi32> to vector<256x64xi32>
    %eq3A_97 = arith.cmpi eq, %iota3A, %eq3A_96 : vector<256x64xi32>
    %jit3A_98 = arith.constant -1.000000e+00 : f32
    %broadcast_in_dim3A_99 = vector.broadcast %jit3A_98 : f32 to vector<256x64xf32>
    %select_n3A_100 = arith.select %eq3A_97, %broadcast_in_dim3A_99, %select_n3A_84 : vector<256x64xi1>, vector<256x64xf32>
    %reduce_max3A_101 = arith.constant dense<0xFF800000> : vector<256xf32>
    %reduce_max3A_102 = vector.multi_reduction <maximumf>, %select_n3A_100, %reduce_max3A_101 [1] : vector<256x64xf32> to vector<256xf32>
    %broadcast_in_dim3A_103 = vector.shape_cast %reduce_max3A_102 : vector<256xf32> to vector<256x1xf32>
    %eq3A_104 = vector.broadcast %broadcast_in_dim3A_103 : vector<256x1xf32> to vector<256x64xf32>
    %eq3A_105 = arith.cmpf oeq, %select_n3A_100, %eq3A_104 : vector<256x64xf32>
    %jit3A_106 = arith.constant 64 : i32
    %broadcast_in_dim3A_107 = vector.broadcast %jit3A_106 : i32 to vector<256x64xi32>
    %select_n3A_108 = arith.select %eq3A_105, %iota3A, %broadcast_in_dim3A_107 : vector<256x64xi1>, vector<256x64xi32>
    %reduce_min3A_109 = arith.constant dense<2147483647> : vector<256xi32>
    %reduce_min3A_110 = vector.multi_reduction <minsi>, %select_n3A_108, %reduce_min3A_109 [1] : vector<256x64xi32> to vector<256xi32>
    %broadcast_in_dim3A_111 = vector.shape_cast %reduce_min3A_110 : vector<256xi32> to vector<256x1xi32>
    %eq3A_112 = vector.broadcast %broadcast_in_dim3A_111 : vector<256x1xi32> to vector<256x64xi32>
    %eq3A_113 = arith.cmpi eq, %iota3A, %eq3A_112 : vector<256x64xi32>
    %jit3A_114 = arith.constant -1.000000e+00 : f32
    %broadcast_in_dim3A_115 = vector.broadcast %jit3A_114 : f32 to vector<256x64xf32>
    %select_n3A_116 = arith.select %eq3A_113, %broadcast_in_dim3A_115, %select_n3A_100 : vector<256x64xi1>, vector<256x64xf32>
    %reduce_max3A_117 = arith.constant dense<0xFF800000> : vector<256xf32>
    %reduce_max3A_118 = vector.multi_reduction <maximumf>, %select_n3A_116, %reduce_max3A_117 [1] : vector<256x64xf32> to vector<256xf32>
    %broadcast_in_dim3A_119 = vector.shape_cast %reduce_max3A_118 : vector<256xf32> to vector<256x1xf32>
    %eq3A_120 = vector.broadcast %broadcast_in_dim3A_119 : vector<256x1xf32> to vector<256x64xf32>
    %eq3A_121 = arith.cmpf oeq, %select_n3A_116, %eq3A_120 : vector<256x64xf32>
    %jit3A_122 = arith.constant 64 : i32
    %broadcast_in_dim3A_123 = vector.broadcast %jit3A_122 : i32 to vector<256x64xi32>
    %select_n3A_124 = arith.select %eq3A_121, %iota3A, %broadcast_in_dim3A_123 : vector<256x64xi1>, vector<256x64xi32>
    %reduce_min3A_125 = arith.constant dense<2147483647> : vector<256xi32>
    %reduce_min3A_126 = vector.multi_reduction <minsi>, %select_n3A_124, %reduce_min3A_125 [1] : vector<256x64xi32> to vector<256xi32>
    %broadcast_in_dim3A_127 = vector.shape_cast %reduce_min3A_126 : vector<256xi32> to vector<256x1xi32>
    %eq3A_128 = vector.broadcast %broadcast_in_dim3A_127 : vector<256x1xi32> to vector<256x64xi32>
    %eq3A_129 = arith.cmpi eq, %iota3A, %eq3A_128 : vector<256x64xi32>
    %jit3A_130 = arith.constant -1.000000e+00 : f32
    %broadcast_in_dim3A_131 = vector.broadcast %jit3A_130 : f32 to vector<256x64xf32>
    %select_n3A_132 = arith.select %eq3A_129, %broadcast_in_dim3A_131, %select_n3A_116 : vector<256x64xi1>, vector<256x64xf32>
    %reduce_max3A_133 = arith.constant dense<0xFF800000> : vector<256xf32>
    %reduce_max3A_134 = vector.multi_reduction <maximumf>, %select_n3A_132, %reduce_max3A_133 [1] : vector<256x64xf32> to vector<256xf32>
    %broadcast_in_dim3A_135 = vector.shape_cast %reduce_max3A_134 : vector<256xf32> to vector<256x1xf32>
    %eq3A_136 = vector.broadcast %broadcast_in_dim3A_135 : vector<256x1xf32> to vector<256x64xf32>
    %eq3A_137 = arith.cmpf oeq, %select_n3A_132, %eq3A_136 : vector<256x64xf32>
    %jit3A_138 = arith.constant 64 : i32
    %broadcast_in_dim3A_139 = vector.broadcast %jit3A_138 : i32 to vector<256x64xi32>
    %select_n3A_140 = arith.select %eq3A_137, %iota3A, %broadcast_in_dim3A_139 : vector<256x64xi1>, vector<256x64xi32>
    %reduce_min3A_141 = arith.constant dense<2147483647> : vector<256xi32>
    %reduce_min3A_142 = vector.multi_reduction <minsi>, %select_n3A_140, %reduce_min3A_141 [1] : vector<256x64xi32> to vector<256xi32>
    %broadcast_in_dim3A_143 = vector.shape_cast %reduce_min3A_142 : vector<256xi32> to vector<256x1xi32>
    %eq3A_144 = vector.broadcast %broadcast_in_dim3A_143 : vector<256x1xi32> to vector<256x64xi32>
    %eq3A_145 = arith.cmpi eq, %iota3A, %eq3A_144 : vector<256x64xi32>
    %jit3A_146 = arith.constant -1.000000e+00 : f32
    %broadcast_in_dim3A_147 = vector.broadcast %jit3A_146 : f32 to vector<256x64xf32>
    %select_n3A_148 = arith.select %eq3A_145, %broadcast_in_dim3A_147, %select_n3A_132 : vector<256x64xi1>, vector<256x64xf32>
    %reduce_max3A_149 = arith.constant dense<0xFF800000> : vector<256xf32>
    %reduce_max3A_150 = vector.multi_reduction <maximumf>, %select_n3A_148, %reduce_max3A_149 [1] : vector<256x64xf32> to vector<256xf32>
    %broadcast_in_dim3A_151 = vector.shape_cast %reduce_max3A_150 : vector<256xf32> to vector<256x1xf32>
    %eq3A_152 = vector.broadcast %broadcast_in_dim3A_151 : vector<256x1xf32> to vector<256x64xf32>
    %eq3A_153 = arith.cmpf oeq, %select_n3A_148, %eq3A_152 : vector<256x64xf32>
    %jit3A_154 = arith.constant 64 : i32
    %broadcast_in_dim3A_155 = vector.broadcast %jit3A_154 : i32 to vector<256x64xi32>
    %select_n3A_156 = arith.select %eq3A_153, %iota3A, %broadcast_in_dim3A_155 : vector<256x64xi1>, vector<256x64xi32>
    %reduce_min3A_157 = arith.constant dense<2147483647> : vector<256xi32>
    %reduce_min3A_158 = vector.multi_reduction <minsi>, %select_n3A_156, %reduce_min3A_157 [1] : vector<256x64xi32> to vector<256xi32>
    %broadcast_in_dim3A_159 = vector.shape_cast %reduce_min3A_158 : vector<256xi32> to vector<256x1xi32>
    %eq3A_160 = vector.broadcast %broadcast_in_dim3A_159 : vector<256x1xi32> to vector<256x64xi32>
    %eq3A_161 = arith.cmpi eq, %iota3A, %eq3A_160 : vector<256x64xi32>
    %jit3A_162 = arith.constant -1.000000e+00 : f32
    %broadcast_in_dim3A_163 = vector.broadcast %jit3A_162 : f32 to vector<256x64xf32>
    %select_n3A_164 = arith.select %eq3A_161, %broadcast_in_dim3A_163, %select_n3A_148 : vector<256x64xi1>, vector<256x64xf32>
    %reduce_max3A_165 = arith.constant dense<0xFF800000> : vector<256xf32>
    %reduce_max3A_166 = vector.multi_reduction <maximumf>, %select_n3A_164, %reduce_max3A_165 [1] : vector<256x64xf32> to vector<256xf32>
    %broadcast_in_dim3A_167 = vector.shape_cast %reduce_max3A_166 : vector<256xf32> to vector<256x1xf32>
    %eq3A_168 = vector.broadcast %broadcast_in_dim3A_167 : vector<256x1xf32> to vector<256x64xf32>
    %eq3A_169 = arith.cmpf oeq, %select_n3A_164, %eq3A_168 : vector<256x64xf32>
    %jit3A_170 = arith.constant 64 : i32
    %broadcast_in_dim3A_171 = vector.broadcast %jit3A_170 : i32 to vector<256x64xi32>
    %select_n3A_172 = arith.select %eq3A_169, %iota3A, %broadcast_in_dim3A_171 : vector<256x64xi1>, vector<256x64xi32>
    %reduce_min3A_173 = arith.constant dense<2147483647> : vector<256xi32>
    %reduce_min3A_174 = vector.multi_reduction <minsi>, %select_n3A_172, %reduce_min3A_173 [1] : vector<256x64xi32> to vector<256xi32>
    %broadcast_in_dim3A_175 = vector.shape_cast %reduce_min3A_174 : vector<256xi32> to vector<256x1xi32>
    %add3A_176 = arith.addf %broadcast_in_dim3A_58, %broadcast_in_dim3A_71 : vector<256x1xf32>
    %add3A_177 = arith.addf %add3A_176, %broadcast_in_dim3A_87 : vector<256x1xf32>
    %add3A_178 = arith.addf %add3A_177, %broadcast_in_dim3A_103 : vector<256x1xf32>
    %add3A_179 = arith.addf %add3A_178, %broadcast_in_dim3A_119 : vector<256x1xf32>
    %add3A_180 = arith.addf %add3A_179, %broadcast_in_dim3A_135 : vector<256x1xf32>
    %add3A_181 = arith.addf %add3A_180, %broadcast_in_dim3A_151 : vector<256x1xf32>
    %add3A_182 = arith.addf %add3A_181, %broadcast_in_dim3A_167 : vector<256x1xf32>
    %broadcast_in_dim3A_183 = arith.constant 0.000000e+00 : f32
    %broadcast_in_dim3A_184 = vector.broadcast %broadcast_in_dim3A_183 : f32 to vector<256x64xf32>
    %eq3A_185 = vector.broadcast %broadcast_in_dim3A_63 : vector<256x1xi32> to vector<256x64xi32>
    %eq3A_186 = arith.cmpi eq, %iota3A, %eq3A_185 : vector<256x64xi32>
    %convert_element_type3A_187 = arith.extui %eq3A_186 : vector<256x64xi1> to vector<256x64xi32>
    %convert_element_type3A_188 = arith.sitofp %convert_element_type3A_187 : vector<256x64xi32> to vector<256x64xf32>
    %add3A_189 = arith.addf %broadcast_in_dim3A_184, %convert_element_type3A_188 : vector<256x64xf32>
    %eq3A_190 = vector.broadcast %broadcast_in_dim3A_79 : vector<256x1xi32> to vector<256x64xi32>
    %eq3A_191 = arith.cmpi eq, %iota3A, %eq3A_190 : vector<256x64xi32>
    %convert_element_type3A_192 = arith.extui %eq3A_191 : vector<256x64xi1> to vector<256x64xi32>
    %convert_element_type3A_193 = arith.sitofp %convert_element_type3A_192 : vector<256x64xi32> to vector<256x64xf32>
    %add3A_194 = arith.addf %add3A_189, %convert_element_type3A_193 : vector<256x64xf32>
    %eq3A_195 = vector.broadcast %broadcast_in_dim3A_95 : vector<256x1xi32> to vector<256x64xi32>
    %eq3A_196 = arith.cmpi eq, %iota3A, %eq3A_195 : vector<256x64xi32>
    %convert_element_type3A_197 = arith.extui %eq3A_196 : vector<256x64xi1> to vector<256x64xi32>
    %convert_element_type3A_198 = arith.sitofp %convert_element_type3A_197 : vector<256x64xi32> to vector<256x64xf32>
    %add3A_199 = arith.addf %add3A_194, %convert_element_type3A_198 : vector<256x64xf32>
    %eq3A_200 = vector.broadcast %broadcast_in_dim3A_111 : vector<256x1xi32> to vector<256x64xi32>
    %eq3A_201 = arith.cmpi eq, %iota3A, %eq3A_200 : vector<256x64xi32>
    %convert_element_type3A_202 = arith.extui %eq3A_201 : vector<256x64xi1> to vector<256x64xi32>
    %convert_element_type3A_203 = arith.sitofp %convert_element_type3A_202 : vector<256x64xi32> to vector<256x64xf32>
    %add3A_204 = arith.addf %add3A_199, %convert_element_type3A_203 : vector<256x64xf32>
    %eq3A_205 = vector.broadcast %broadcast_in_dim3A_127 : vector<256x1xi32> to vector<256x64xi32>
    %eq3A_206 = arith.cmpi eq, %iota3A, %eq3A_205 : vector<256x64xi32>
    %convert_element_type3A_207 = arith.extui %eq3A_206 : vector<256x64xi1> to vector<256x64xi32>
    %convert_element_type3A_208 = arith.sitofp %convert_element_type3A_207 : vector<256x64xi32> to vector<256x64xf32>
    %add3A_209 = arith.addf %add3A_204, %convert_element_type3A_208 : vector<256x64xf32>
    %eq3A_210 = vector.broadcast %broadcast_in_dim3A_143 : vector<256x1xi32> to vector<256x64xi32>
    %eq3A_211 = arith.cmpi eq, %iota3A, %eq3A_210 : vector<256x64xi32>
    %convert_element_type3A_212 = arith.extui %eq3A_211 : vector<256x64xi1> to vector<256x64xi32>
    %convert_element_type3A_213 = arith.sitofp %convert_element_type3A_212 : vector<256x64xi32> to vector<256x64xf32>
    %add3A_214 = arith.addf %add3A_209, %convert_element_type3A_213 : vector<256x64xf32>
    %eq3A_215 = vector.broadcast %broadcast_in_dim3A_159 : vector<256x1xi32> to vector<256x64xi32>
    %eq3A_216 = arith.cmpi eq, %iota3A, %eq3A_215 : vector<256x64xi32>
    %convert_element_type3A_217 = arith.extui %eq3A_216 : vector<256x64xi1> to vector<256x64xi32>
    %convert_element_type3A_218 = arith.sitofp %convert_element_type3A_217 : vector<256x64xi32> to vector<256x64xf32>
    %add3A_219 = arith.addf %add3A_214, %convert_element_type3A_218 : vector<256x64xf32>
    %eq3A_220 = vector.broadcast %broadcast_in_dim3A_175 : vector<256x1xi32> to vector<256x64xi32>
    %eq3A_221 = arith.cmpi eq, %iota3A, %eq3A_220 : vector<256x64xi32>
    %convert_element_type3A_222 = arith.extui %eq3A_221 : vector<256x64xi1> to vector<256x64xi32>
    %convert_element_type3A_223 = arith.sitofp %convert_element_type3A_222 : vector<256x64xi32> to vector<256x64xf32>
    %add3A_224 = arith.addf %add3A_219, %convert_element_type3A_223 : vector<256x64xf32>
    %iota3A_225 = tpu.iota {dimensions = array<i32: 0>} : vector<256x256xi32>
    %iota3A_226 = tpu.iota {dimensions = array<i32: 1>} : vector<256x256xi32>
    %lt3A = arith.cmpi slt, %iota3A_226, %iota3A_225 : vector<256x256xi32>
    %convert_element_type3A_227 = arith.extui %lt3A : vector<256x256xi1> to vector<256x256xi32>
    %convert_element_type3A_228 = arith.sitofp %convert_element_type3A_227 : vector<256x256xi32> to vector<256x256xf32>
    %dot_general3A_229 = arith.constant dense<0.000000e+00> : vector<256x64xf32>
    %dot_general3A_230 = tpu.matmul %convert_element_type3A_228, %add3A_224, %dot_general3A_229 {dimension_numbers = #tpu.dot_dimension_numbers<[1], [0], [0], [1], [0, 0, 1, 1], [], []>, transpose_lhs_hint = false} : vector<256x256xf32>, vector<256x64xf32>, vector<256x64xf32> -> vector<256x64xf32>
    %get3A_231 = arith.constant 0 : index
    %get3A_232 = arith.constant 0 : index
    %get3A_233 = vector.load %arg12[%get3A_231, %get3A_232] : memref<1x64xf32, #tpu.memory_space<vmem>>, vector<1x64xf32>
    %add3A_234 = vector.broadcast %get3A_233 : vector<1x64xf32> to vector<256x64xf32>
    %add3A_235 = arith.addf %dot_general3A_230, %add3A_234 : vector<256x64xf32>
    %get3A_236 = arith.constant 0 : index
    %get3A_237 = arith.constant 0 : index
    %get3A_238 = vector.load %arg12[%get3A_236, %get3A_237] : memref<1x64xf32, #tpu.memory_space<vmem>>, vector<1x64xf32>
    %reduce_sum3A_239 = arith.constant dense<0.000000e+00> : vector<64xf32>
    %reduce_sum3A_240 = vector.multi_reduction <add>, %add3A_224, %reduce_sum3A_239 [0] : vector<256x64xf32> to vector<64xf32>
    %broadcast_in_dim3A_241 = vector.shape_cast %reduce_sum3A_240 : vector<64xf32> to vector<1x64xf32>
    %add3A_242 = arith.addf %get3A_238, %broadcast_in_dim3A_241 : vector<1x64xf32>
    %swap3A_243 = arith.constant 0 : index
    %swap3A_244 = arith.constant 0 : index
    %swap3A_245 = vector.load %arg12[%swap3A_243, %swap3A_244] : memref<1x64xf32, #tpu.memory_space<vmem>>, vector<1x64xf32>
    tpu.vector_store %arg12[%swap3A_243, %swap3A_244], %add3A_242 {strides = array<i32>} : memref<1x64xf32, #tpu.memory_space<vmem>>, vector<1x64xf32>,
    %eq3A_246 = vector.broadcast %broadcast_in_dim3A_63 : vector<256x1xi32> to vector<256x64xi32>
    %eq3A_247 = arith.cmpi eq, %iota3A, %eq3A_246 : vector<256x64xi32>
    %jit3A_248 = arith.constant 0.000000e+00 : f32
    %broadcast_in_dim3A_249 = vector.broadcast %jit3A_248 : f32 to vector<256x64xf32>
    %select_n3A_250 = arith.select %eq3A_247, %add3A_235, %broadcast_in_dim3A_249 : vector<256x64xi1>, vector<256x64xf32>
    %reduce_sum3A_251 = arith.constant dense<0.000000e+00> : vector<256xf32>
    %reduce_sum3A_252 = vector.multi_reduction <add>, %select_n3A_250, %reduce_sum3A_251 [1] : vector<256x64xf32> to vector<256xf32>
    %broadcast_in_dim3A_253 = vector.shape_cast %reduce_sum3A_252 : vector<256xf32> to vector<256x1xf32>
    %convert_element_type3A_254 = arith.fptosi %broadcast_in_dim3A_253 : vector<256x1xf32> to vector<256x1xi32>
    %lt3A_255 = arith.constant 320 : i32
    %lt3A_256 = vector.broadcast %lt3A_255 : i32 to vector<256x1xi32>
    %lt3A_257 = arith.cmpi slt, %convert_element_type3A_254, %lt3A_256 : vector<256x1xi32>
    %mul3A_258 = arith.constant 320 : i32
    %mul3A_259 = vector.broadcast %mul3A_258 : i32 to vector<256x1xi32>
    %mul3A_260 = arith.muli %broadcast_in_dim3A_63, %mul3A_259 : vector<256x1xi32>
    %add3A_261 = arith.addi %mul3A_260, %convert_element_type3A_254 : vector<256x1xi32>
    %jit3A_262 = arith.constant 20479 : i32
    %broadcast_in_dim3A_263 = vector.broadcast %jit3A_262 : i32 to vector<256x1xi32>
    %select_n3A_264 = arith.select %lt3A_257, %add3A_261, %broadcast_in_dim3A_263 : vector<256x1xi1>, vector<256x1xi32>
    %jit3A_265 = arith.constant 20480 : i32
    %broadcast_in_dim3A_266 = vector.broadcast %jit3A_265 : i32 to vector<256x1xi32>
    %select_n3A_267 = arith.select %lt3A_257, %add3A_261, %broadcast_in_dim3A_266 : vector<256x1xi1>, vector<256x1xi32>
    %div3A_268 = arith.divf %broadcast_in_dim3A_58, %add3A_182 : vector<256x1xf32>
    %jit3A_269 = arith.constant 0.000000e+00 : f32
    %broadcast_in_dim3A_270 = vector.broadcast %jit3A_269 : f32 to vector<256x1xf32>
    %select_n3A_271 = arith.select %lt3A_257, %div3A_268, %broadcast_in_dim3A_270 : vector<256x1xi1>, vector<256x1xf32>
    %eq3A_272 = vector.broadcast %broadcast_in_dim3A_79 : vector<256x1xi32> to vector<256x64xi32>
    %eq3A_273 = arith.cmpi eq, %iota3A, %eq3A_272 : vector<256x64xi32>
    %jit3A_274 = arith.constant 0.000000e+00 : f32
    %broadcast_in_dim3A_275 = vector.broadcast %jit3A_274 : f32 to vector<256x64xf32>
    %select_n3A_276 = arith.select %eq3A_273, %add3A_235, %broadcast_in_dim3A_275 : vector<256x64xi1>, vector<256x64xf32>
    %reduce_sum3A_277 = arith.constant dense<0.000000e+00> : vector<256xf32>
    %reduce_sum3A_278 = vector.multi_reduction <add>, %select_n3A_276, %reduce_sum3A_277 [1] : vector<256x64xf32> to vector<256xf32>
    %broadcast_in_dim3A_279 = vector.shape_cast %reduce_sum3A_278 : vector<256xf32> to vector<256x1xf32>
    %convert_element_type3A_280 = arith.fptosi %broadcast_in_dim3A_279 : vector<256x1xf32> to vector<256x1xi32>
    %lt3A_281 = arith.constant 320 : i32
    %lt3A_282 = vector.broadcast %lt3A_281 : i32 to vector<256x1xi32>
    %lt3A_283 = arith.cmpi slt, %convert_element_type3A_280, %lt3A_282 : vector<256x1xi32>
    %mul3A_284 = arith.constant 320 : i32
    %mul3A_285 = vector.broadcast %mul3A_284 : i32 to vector<256x1xi32>
    %mul3A_286 = arith.muli %broadcast_in_dim3A_79, %mul3A_285 : vector<256x1xi32>
    %add3A_287 = arith.addi %mul3A_286, %convert_element_type3A_280 : vector<256x1xi32>
    %jit3A_288 = arith.constant 20479 : i32
    %broadcast_in_dim3A_289 = vector.broadcast %jit3A_288 : i32 to vector<256x1xi32>
    %select_n3A_290 = arith.select %lt3A_283, %add3A_287, %broadcast_in_dim3A_289 : vector<256x1xi1>, vector<256x1xi32>
    %jit3A_291 = arith.constant 20480 : i32
    %broadcast_in_dim3A_292 = vector.broadcast %jit3A_291 : i32 to vector<256x1xi32>
    %select_n3A_293 = arith.select %lt3A_283, %add3A_287, %broadcast_in_dim3A_292 : vector<256x1xi1>, vector<256x1xi32>
    %div3A_294 = arith.divf %broadcast_in_dim3A_71, %add3A_182 : vector<256x1xf32>
    %jit3A_295 = arith.constant 0.000000e+00 : f32
    %broadcast_in_dim3A_296 = vector.broadcast %jit3A_295 : f32 to vector<256x1xf32>
    %select_n3A_297 = arith.select %lt3A_283, %div3A_294, %broadcast_in_dim3A_296 : vector<256x1xi1>, vector<256x1xf32>
    %eq3A_298 = vector.broadcast %broadcast_in_dim3A_95 : vector<256x1xi32> to vector<256x64xi32>
    %eq3A_299 = arith.cmpi eq, %iota3A, %eq3A_298 : vector<256x64xi32>
    %jit3A_300 = arith.constant 0.000000e+00 : f32
    %broadcast_in_dim3A_301 = vector.broadcast %jit3A_300 : f32 to vector<256x64xf32>
    %select_n3A_302 = arith.select %eq3A_299, %add3A_235, %broadcast_in_dim3A_301 : vector<256x64xi1>, vector<256x64xf32>
    %reduce_sum3A_303 = arith.constant dense<0.000000e+00> : vector<256xf32>
    %reduce_sum3A_304 = vector.multi_reduction <add>, %select_n3A_302, %reduce_sum3A_303 [1] : vector<256x64xf32> to vector<256xf32>
    %broadcast_in_dim3A_305 = vector.shape_cast %reduce_sum3A_304 : vector<256xf32> to vector<256x1xf32>
    %convert_element_type3A_306 = arith.fptosi %broadcast_in_dim3A_305 : vector<256x1xf32> to vector<256x1xi32>
    %lt3A_307 = arith.constant 320 : i32
    %lt3A_308 = vector.broadcast %lt3A_307 : i32 to vector<256x1xi32>
    %lt3A_309 = arith.cmpi slt, %convert_element_type3A_306, %lt3A_308 : vector<256x1xi32>
    %mul3A_310 = arith.constant 320 : i32
    %mul3A_311 = vector.broadcast %mul3A_310 : i32 to vector<256x1xi32>
    %mul3A_312 = arith.muli %broadcast_in_dim3A_95, %mul3A_311 : vector<256x1xi32>
    %add3A_313 = arith.addi %mul3A_312, %convert_element_type3A_306 : vector<256x1xi32>
    %jit3A_314 = arith.constant 20479 : i32
    %broadcast_in_dim3A_315 = vector.broadcast %jit3A_314 : i32 to vector<256x1xi32>
    %select_n3A_316 = arith.select %lt3A_309, %add3A_313, %broadcast_in_dim3A_315 : vector<256x1xi1>, vector<256x1xi32>
    %jit3A_317 = arith.constant 20480 : i32
    %broadcast_in_dim3A_318 = vector.broadcast %jit3A_317 : i32 to vector<256x1xi32>
    %select_n3A_319 = arith.select %lt3A_309, %add3A_313, %broadcast_in_dim3A_318 : vector<256x1xi1>, vector<256x1xi32>
    %div3A_320 = arith.divf %broadcast_in_dim3A_87, %add3A_182 : vector<256x1xf32>
    %jit3A_321 = arith.constant 0.000000e+00 : f32
    %broadcast_in_dim3A_322 = vector.broadcast %jit3A_321 : f32 to vector<256x1xf32>
    %select_n3A_323 = arith.select %lt3A_309, %div3A_320, %broadcast_in_dim3A_322 : vector<256x1xi1>, vector<256x1xf32>
    %eq3A_324 = vector.broadcast %broadcast_in_dim3A_111 : vector<256x1xi32> to vector<256x64xi32>
    %eq3A_325 = arith.cmpi eq, %iota3A, %eq3A_324 : vector<256x64xi32>
    %jit3A_326 = arith.constant 0.000000e+00 : f32
    %broadcast_in_dim3A_327 = vector.broadcast %jit3A_326 : f32 to vector<256x64xf32>
    %select_n3A_328 = arith.select %eq3A_325, %add3A_235, %broadcast_in_dim3A_327 : vector<256x64xi1>, vector<256x64xf32>
    %reduce_sum3A_329 = arith.constant dense<0.000000e+00> : vector<256xf32>
    %reduce_sum3A_330 = vector.multi_reduction <add>, %select_n3A_328, %reduce_sum3A_329 [1] : vector<256x64xf32> to vector<256xf32>
    %broadcast_in_dim3A_331 = vector.shape_cast %reduce_sum3A_330 : vector<256xf32> to vector<256x1xf32>
    %convert_element_type3A_332 = arith.fptosi %broadcast_in_dim3A_331 : vector<256x1xf32> to vector<256x1xi32>
    %lt3A_333 = arith.constant 320 : i32
    %lt3A_334 = vector.broadcast %lt3A_333 : i32 to vector<256x1xi32>
    %lt3A_335 = arith.cmpi slt, %convert_element_type3A_332, %lt3A_334 : vector<256x1xi32>
    %mul3A_336 = arith.constant 320 : i32
    %mul3A_337 = vector.broadcast %mul3A_336 : i32 to vector<256x1xi32>
    %mul3A_338 = arith.muli %broadcast_in_dim3A_111, %mul3A_337 : vector<256x1xi32>
    %add3A_339 = arith.addi %mul3A_338, %convert_element_type3A_332 : vector<256x1xi32>
    %jit3A_340 = arith.constant 20479 : i32
    %broadcast_in_dim3A_341 = vector.broadcast %jit3A_340 : i32 to vector<256x1xi32>
    %select_n3A_342 = arith.select %lt3A_335, %add3A_339, %broadcast_in_dim3A_341 : vector<256x1xi1>, vector<256x1xi32>
    %jit3A_343 = arith.constant 20480 : i32
    %broadcast_in_dim3A_344 = vector.broadcast %jit3A_343 : i32 to vector<256x1xi32>
    %select_n3A_345 = arith.select %lt3A_335, %add3A_339, %broadcast_in_dim3A_344 : vector<256x1xi1>, vector<256x1xi32>
    %div3A_346 = arith.divf %broadcast_in_dim3A_103, %add3A_182 : vector<256x1xf32>
    %jit3A_347 = arith.constant 0.000000e+00 : f32
    %broadcast_in_dim3A_348 = vector.broadcast %jit3A_347 : f32 to vector<256x1xf32>
    %select_n3A_349 = arith.select %lt3A_335, %div3A_346, %broadcast_in_dim3A_348 : vector<256x1xi1>, vector<256x1xf32>
    %eq3A_350 = vector.broadcast %broadcast_in_dim3A_127 : vector<256x1xi32> to vector<256x64xi32>
    %eq3A_351 = arith.cmpi eq, %iota3A, %eq3A_350 : vector<256x64xi32>
    %jit3A_352 = arith.constant 0.000000e+00 : f32
    %broadcast_in_dim3A_353 = vector.broadcast %jit3A_352 : f32 to vector<256x64xf32>
    %select_n3A_354 = arith.select %eq3A_351, %add3A_235, %broadcast_in_dim3A_353 : vector<256x64xi1>, vector<256x64xf32>
    %reduce_sum3A_355 = arith.constant dense<0.000000e+00> : vector<256xf32>
    %reduce_sum3A_356 = vector.multi_reduction <add>, %select_n3A_354, %reduce_sum3A_355 [1] : vector<256x64xf32> to vector<256xf32>
    %broadcast_in_dim3A_357 = vector.shape_cast %reduce_sum3A_356 : vector<256xf32> to vector<256x1xf32>
    %convert_element_type3A_358 = arith.fptosi %broadcast_in_dim3A_357 : vector<256x1xf32> to vector<256x1xi32>
    %lt3A_359 = arith.constant 320 : i32
    %lt3A_360 = vector.broadcast %lt3A_359 : i32 to vector<256x1xi32>
    %lt3A_361 = arith.cmpi slt, %convert_element_type3A_358, %lt3A_360 : vector<256x1xi32>
    %mul3A_362 = arith.constant 320 : i32
    %mul3A_363 = vector.broadcast %mul3A_362 : i32 to vector<256x1xi32>
    %mul3A_364 = arith.muli %broadcast_in_dim3A_127, %mul3A_363 : vector<256x1xi32>
    %add3A_365 = arith.addi %mul3A_364, %convert_element_type3A_358 : vector<256x1xi32>
    %jit3A_366 = arith.constant 20479 : i32
    %broadcast_in_dim3A_367 = vector.broadcast %jit3A_366 : i32 to vector<256x1xi32>
    %select_n3A_368 = arith.select %lt3A_361, %add3A_365, %broadcast_in_dim3A_367 : vector<256x1xi1>, vector<256x1xi32>
    %jit3A_369 = arith.constant 20480 : i32
    %broadcast_in_dim3A_370 = vector.broadcast %jit3A_369 : i32 to vector<256x1xi32>
    %select_n3A_371 = arith.select %lt3A_361, %add3A_365, %broadcast_in_dim3A_370 : vector<256x1xi1>, vector<256x1xi32>
    %div3A_372 = arith.divf %broadcast_in_dim3A_119, %add3A_182 : vector<256x1xf32>
    %jit3A_373 = arith.constant 0.000000e+00 : f32
    %broadcast_in_dim3A_374 = vector.broadcast %jit3A_373 : f32 to vector<256x1xf32>
    %select_n3A_375 = arith.select %lt3A_361, %div3A_372, %broadcast_in_dim3A_374 : vector<256x1xi1>, vector<256x1xf32>
    %eq3A_376 = vector.broadcast %broadcast_in_dim3A_143 : vector<256x1xi32> to vector<256x64xi32>
    %eq3A_377 = arith.cmpi eq, %iota3A, %eq3A_376 : vector<256x64xi32>
    %jit3A_378 = arith.constant 0.000000e+00 : f32
    %broadcast_in_dim3A_379 = vector.broadcast %jit3A_378 : f32 to vector<256x64xf32>
    %select_n3A_380 = arith.select %eq3A_377, %add3A_235, %broadcast_in_dim3A_379 : vector<256x64xi1>, vector<256x64xf32>
    %reduce_sum3A_381 = arith.constant dense<0.000000e+00> : vector<256xf32>
    %reduce_sum3A_382 = vector.multi_reduction <add>, %select_n3A_380, %reduce_sum3A_381 [1] : vector<256x64xf32> to vector<256xf32>
    %broadcast_in_dim3A_383 = vector.shape_cast %reduce_sum3A_382 : vector<256xf32> to vector<256x1xf32>
    %convert_element_type3A_384 = arith.fptosi %broadcast_in_dim3A_383 : vector<256x1xf32> to vector<256x1xi32>
    %lt3A_385 = arith.constant 320 : i32
    %lt3A_386 = vector.broadcast %lt3A_385 : i32 to vector<256x1xi32>
    %lt3A_387 = arith.cmpi slt, %convert_element_type3A_384, %lt3A_386 : vector<256x1xi32>
    %mul3A_388 = arith.constant 320 : i32
    %mul3A_389 = vector.broadcast %mul3A_388 : i32 to vector<256x1xi32>
    %mul3A_390 = arith.muli %broadcast_in_dim3A_143, %mul3A_389 : vector<256x1xi32>
    %add3A_391 = arith.addi %mul3A_390, %convert_element_type3A_384 : vector<256x1xi32>
    %jit3A_392 = arith.constant 20479 : i32
    %broadcast_in_dim3A_393 = vector.broadcast %jit3A_392 : i32 to vector<256x1xi32>
    %select_n3A_394 = arith.select %lt3A_387, %add3A_391, %broadcast_in_dim3A_393 : vector<256x1xi1>, vector<256x1xi32>
    %jit3A_395 = arith.constant 20480 : i32
    %broadcast_in_dim3A_396 = vector.broadcast %jit3A_395 : i32 to vector<256x1xi32>
    %select_n3A_397 = arith.select %lt3A_387, %add3A_391, %broadcast_in_dim3A_396 : vector<256x1xi1>, vector<256x1xi32>
    %div3A_398 = arith.divf %broadcast_in_dim3A_135, %add3A_182 : vector<256x1xf32>
    %jit3A_399 = arith.constant 0.000000e+00 : f32
    %broadcast_in_dim3A_400 = vector.broadcast %jit3A_399 : f32 to vector<256x1xf32>
    %select_n3A_401 = arith.select %lt3A_387, %div3A_398, %broadcast_in_dim3A_400 : vector<256x1xi1>, vector<256x1xf32>
    %eq3A_402 = vector.broadcast %broadcast_in_dim3A_159 : vector<256x1xi32> to vector<256x64xi32>
    %eq3A_403 = arith.cmpi eq, %iota3A, %eq3A_402 : vector<256x64xi32>
    %jit3A_404 = arith.constant 0.000000e+00 : f32
    %broadcast_in_dim3A_405 = vector.broadcast %jit3A_404 : f32 to vector<256x64xf32>
    %select_n3A_406 = arith.select %eq3A_403, %add3A_235, %broadcast_in_dim3A_405 : vector<256x64xi1>, vector<256x64xf32>
    %reduce_sum3A_407 = arith.constant dense<0.000000e+00> : vector<256xf32>
    %reduce_sum3A_408 = vector.multi_reduction <add>, %select_n3A_406, %reduce_sum3A_407 [1] : vector<256x64xf32> to vector<256xf32>
    %broadcast_in_dim3A_409 = vector.shape_cast %reduce_sum3A_408 : vector<256xf32> to vector<256x1xf32>
    %convert_element_type3A_410 = arith.fptosi %broadcast_in_dim3A_409 : vector<256x1xf32> to vector<256x1xi32>
    %lt3A_411 = arith.constant 320 : i32
    %lt3A_412 = vector.broadcast %lt3A_411 : i32 to vector<256x1xi32>
    %lt3A_413 = arith.cmpi slt, %convert_element_type3A_410, %lt3A_412 : vector<256x1xi32>
    %mul3A_414 = arith.constant 320 : i32
    %mul3A_415 = vector.broadcast %mul3A_414 : i32 to vector<256x1xi32>
    %mul3A_416 = arith.muli %broadcast_in_dim3A_159, %mul3A_415 : vector<256x1xi32>
    %add3A_417 = arith.addi %mul3A_416, %convert_element_type3A_410 : vector<256x1xi32>
    %jit3A_418 = arith.constant 20479 : i32
    %broadcast_in_dim3A_419 = vector.broadcast %jit3A_418 : i32 to vector<256x1xi32>
    %select_n3A_420 = arith.select %lt3A_413, %add3A_417, %broadcast_in_dim3A_419 : vector<256x1xi1>, vector<256x1xi32>
    %jit3A_421 = arith.constant 20480 : i32
    %broadcast_in_dim3A_422 = vector.broadcast %jit3A_421 : i32 to vector<256x1xi32>
    %select_n3A_423 = arith.select %lt3A_413, %add3A_417, %broadcast_in_dim3A_422 : vector<256x1xi1>, vector<256x1xi32>
    %div3A_424 = arith.divf %broadcast_in_dim3A_151, %add3A_182 : vector<256x1xf32>
    %jit3A_425 = arith.constant 0.000000e+00 : f32
    %broadcast_in_dim3A_426 = vector.broadcast %jit3A_425 : f32 to vector<256x1xf32>
    %select_n3A_427 = arith.select %lt3A_413, %div3A_424, %broadcast_in_dim3A_426 : vector<256x1xi1>, vector<256x1xf32>
    %eq3A_428 = vector.broadcast %broadcast_in_dim3A_175 : vector<256x1xi32> to vector<256x64xi32>
    %eq3A_429 = arith.cmpi eq, %iota3A, %eq3A_428 : vector<256x64xi32>
    %jit3A_430 = arith.constant 0.000000e+00 : f32
    %broadcast_in_dim3A_431 = vector.broadcast %jit3A_430 : f32 to vector<256x64xf32>
    %select_n3A_432 = arith.select %eq3A_429, %add3A_235, %broadcast_in_dim3A_431 : vector<256x64xi1>, vector<256x64xf32>
    %reduce_sum3A_433 = arith.constant dense<0.000000e+00> : vector<256xf32>
    %reduce_sum3A_434 = vector.multi_reduction <add>, %select_n3A_432, %reduce_sum3A_433 [1] : vector<256x64xf32> to vector<256xf32>
    %broadcast_in_dim3A_435 = vector.shape_cast %reduce_sum3A_434 : vector<256xf32> to vector<256x1xf32>
    %convert_element_type3A_436 = arith.fptosi %broadcast_in_dim3A_435 : vector<256x1xf32> to vector<256x1xi32>
    %lt3A_437 = arith.constant 320 : i32
    %lt3A_438 = vector.broadcast %lt3A_437 : i32 to vector<256x1xi32>
    %lt3A_439 = arith.cmpi slt, %convert_element_type3A_436, %lt3A_438 : vector<256x1xi32>
    %mul3A_440 = arith.constant 320 : i32
    %mul3A_441 = vector.broadcast %mul3A_440 : i32 to vector<256x1xi32>
    %mul3A_442 = arith.muli %broadcast_in_dim3A_175, %mul3A_441 : vector<256x1xi32>
    %add3A_443 = arith.addi %mul3A_442, %convert_element_type3A_436 : vector<256x1xi32>
    %jit3A_444 = arith.constant 20479 : i32
    %broadcast_in_dim3A_445 = vector.broadcast %jit3A_444 : i32 to vector<256x1xi32>
    %select_n3A_446 = arith.select %lt3A_439, %add3A_443, %broadcast_in_dim3A_445 : vector<256x1xi1>, vector<256x1xi32>
    %jit3A_447 = arith.constant 20480 : i32
    %broadcast_in_dim3A_448 = vector.broadcast %jit3A_447 : i32 to vector<256x1xi32>
    %select_n3A_449 = arith.select %lt3A_439, %add3A_443, %broadcast_in_dim3A_448 : vector<256x1xi1>, vector<256x1xi32>
    %div3A_450 = arith.divf %broadcast_in_dim3A_167, %add3A_182 : vector<256x1xf32>
    %jit3A_451 = arith.constant 0.000000e+00 : f32
    %broadcast_in_dim3A_452 = vector.broadcast %jit3A_451 : f32 to vector<256x1xf32>
    %select_n3A_453 = arith.select %lt3A_439, %div3A_450, %broadcast_in_dim3A_452 : vector<256x1xi1>, vector<256x1xf32>
    %concatenate3A = tpu.concatenate %select_n3A_271, %select_n3A_297, %select_n3A_323, %select_n3A_349, %select_n3A_375, %select_n3A_401, %select_n3A_427, %select_n3A_453 in 1 : vector<256x1xf32>, vector<256x1xf32>, vector<256x1xf32>, vector<256x1xf32>, vector<256x1xf32>, vector<256x1xf32>, vector<256x1xf32>, vector<256x1xf32> -> vector<256x8xf32>
    %swap3A_454 = arith.constant 0 : index
    %swap3A_455 = arith.constant 0 : index
    %swap3A_456 = vector.load %arg9[%swap3A_454, %swap3A_455] : memref<256x8xf32, #tpu.memory_space<vmem>>, vector<256x8xf32>
    tpu.vector_store %arg9[%swap3A_454, %swap3A_455], %concatenate3A {strides = array<i32>} : memref<256x8xf32, #tpu.memory_space<vmem>>, vector<256x8xf32>,
    %concatenate3A_457 = tpu.concatenate %select_n3A_264, %select_n3A_290, %select_n3A_316, %select_n3A_342, %select_n3A_368, %select_n3A_394, %select_n3A_420, %select_n3A_446 in 1 : vector<256x1xi32>, vector<256x1xi32>, vector<256x1xi32>, vector<256x1xi32>, vector<256x1xi32>, vector<256x1xi32>, vector<256x1xi32>, vector<256x1xi32> -> vector<256x8xi32>
    %swap3A_458 = arith.constant 0 : index
    %swap3A_459 = arith.constant 0 : index
    %swap3A_460 = vector.load %arg10[%swap3A_458, %swap3A_459] : memref<256x8xi32, #tpu.memory_space<vmem>>, vector<256x8xi32>
    tpu.vector_store %arg10[%swap3A_458, %swap3A_459], %concatenate3A_457 {strides = array<i32>} : memref<256x8xi32, #tpu.memory_space<vmem>>, vector<256x8xi32>,
    %concatenate3A_461 = tpu.concatenate %select_n3A_267, %select_n3A_293, %select_n3A_319, %select_n3A_345, %select_n3A_371, %select_n3A_397, %select_n3A_423, %select_n3A_449 in 1 : vector<256x1xi32>, vector<256x1xi32>, vector<256x1xi32>, vector<256x1xi32>, vector<256x1xi32>, vector<256x1xi32>, vector<256x1xi32>, vector<256x1xi32> -> vector<256x8xi32>
    %swap3A_462 = arith.constant 0 : index
    %swap3A_463 = arith.constant 0 : index
    %swap3A_464 = vector.load %arg11[%swap3A_462, %swap3A_463] : memref<256x8xi32, #tpu.memory_space<vmem>>, vector<256x8xi32>
    tpu.vector_store %arg11[%swap3A_462, %swap3A_463], %concatenate3A_461 {strides = array<i32>} : memref<256x8xi32, #tpu.memory_space<vmem>>, vector<256x8xi32>,
    return
  }
  func.func @transform_0(%arg0: i32) -> (i32, i32) {
    %c0_i32 = arith.constant 0 : i32
    %c0_i32_0 = arith.constant 0 : i32
    return %arg0, %c0_i32 : i32, i32
  }
  func.func @transform_1(%arg0: i32) -> (i32, i32) {
    %c0_i32 = arith.constant 0 : i32
    %c0_i32_0 = arith.constant 0 : i32
    return %arg0, %c0_i32 : i32, i32
  }
  func.func @transform_2(%arg0: i32) -> (i32, i32) {
    %c0_i32 = arith.constant 0 : i32
    %c0_i32_0 = arith.constant 0 : i32
    %c0_i32_1 = arith.constant 0 : i32
    return %c0_i32, %c0_i32_0 : i32, i32
  }
  func.func @transform_3(%arg0: i32) -> (i32, i32) {
    %c0_i32 = arith.constant 0 : i32
    %c0_i32_0 = arith.constant 0 : i32
    %c0_i32_1 = arith.constant 0 : i32
    return %c0_i32, %c0_i32_0 : i32, i32
  }
  func.func @transform_4(%arg0: i32) -> (i32, i32) {
    %c0_i32 = arith.constant 0 : i32
    %c0_i32_0 = arith.constant 0 : i32
    %c0_i32_1 = arith.constant 0 : i32
    return %c0_i32, %c0_i32_0 : i32, i32
  }
  func.func @transform_5(%arg0: i32) -> (i32, i32) {
    %c0_i32 = arith.constant 0 : i32
    %c0_i32_0 = arith.constant 0 : i32
    %c0_i32_1 = arith.constant 0 : i32
    return %c0_i32, %c0_i32_0 : i32, i32
  }
  func.func @transform_6(%arg0: i32) -> (i32, i32) {
    %c0_i32 = arith.constant 0 : i32
    %c0_i32_0 = arith.constant 0 : i32
    return %arg0, %c0_i32 : i32, i32
  }
  func.func @transform_7(%arg0: i32) -> (i32, i32) {
    %c0_i32 = arith.constant 0 : i32
    %c0_i32_0 = arith.constant 0 : i32
    return %arg0, %c0_i32 : i32, i32
  }
  func.func @transform_8(%arg0: i32) -> (i32, i32) {
    %c0_i32 = arith.constant 0 : i32
    %c0_i32_0 = arith.constant 0 : i32
    return %arg0, %c0_i32 : i32, i32
  }
  func.func @transform_9(%arg0: i32) -> (i32, i32) {
    %c0_i32 = arith.constant 0 : i32
    %c0_i32_0 = arith.constant 0 : i32
    return %arg0, %c0_i32 : i32, i32
  }
  func.func @transform_10(%arg0: i32) -> (i32, i32) {
    %c0_i32 = arith.constant 0 : i32
    %c0_i32_0 = arith.constant 0 : i32
    return %arg0, %c0_i32 : i32, i32
  }
}

module attributes {stable_mosaic.version = 14 : i64} {
  func.func @_expert_body(%arg0: i32, %arg1: memref<320x1024xf32, #tpu.memory_space<vmem>>, %arg2: memref<1x512x1024xf32, #tpu.memory_space<vmem>>, %arg3: memref<1x1024x512xf32, #tpu.memory_space<vmem>>, %arg4: memref<320x1024xf32, #tpu.memory_space<vmem>>) attributes {dimension_semantics = [#tpu.dimension_semantics<arbitrary>], iteration_bounds = array<i64: 64>, scalar_prefetch = 0 : i64, scratch_operands = 0 : i64, tpu.core_type = #tpu.core_type<tc>, window_params = [{transform_indices = @transform_0, window_bounds = array<i64: 320, 1024>}, {transform_indices = @transform_1, window_bounds = array<i64: 1, 512, 1024>}, {transform_indices = @transform_2, window_bounds = array<i64: 1, 1024, 512>}, {transform_indices = @transform_3, window_bounds = array<i64: 320, 1024>}]} {
    %get3A = arith.constant 0 : index
    %get3A_0 = arith.constant 0 : index
    %get3A_1 = vector.load %arg1[%get3A, %get3A_0] : memref<320x1024xf32, #tpu.memory_space<vmem>>, vector<320x1024xf32>
    %convert_element_type3A = arith.truncf %get3A_1 : vector<320x1024xf32> to vector<320x1024xbf16>
    %get3A_2 = arith.constant 0 : index
    %get3A_3 = arith.constant 0 : index
    %get3A_4 = arith.constant 0 : index
    %get3A_5 = vector.load %arg2[%get3A_2, %get3A_3, %get3A_4] : memref<1x512x1024xf32, #tpu.memory_space<vmem>>, vector<1x512x1024xf32>
    %get3A_6 = vector.shape_cast %get3A_5 : vector<1x512x1024xf32> to vector<512x1024xf32>
    %convert_element_type3A_7 = arith.truncf %get3A_6 : vector<512x1024xf32> to vector<512x1024xbf16>
    %dot_general3A = arith.constant dense<0.000000e+00> : vector<320x512xf32>
    %dot_general3A_8 = tpu.matmul %convert_element_type3A, %convert_element_type3A_7, %dot_general3A {dimension_numbers = #tpu.dot_dimension_numbers<[1], [1], [0], [0], [0, 0, 1, 0], [], []>, transpose_lhs_hint = false} : vector<320x1024xbf16>, vector<512x1024xbf16>, vector<320x512xf32> -> vector<320x512xf32>
    %integer_pow3A = arith.mulf %dot_general3A_8, %dot_general3A_8 : vector<320x512xf32>
    %integer_pow3A_9 = arith.mulf %dot_general3A_8, %integer_pow3A : vector<320x512xf32>
    %mul3A = arith.constant 4.471500e-02 : f32
    %mul3A_10 = vector.broadcast %mul3A : f32 to vector<320x512xf32>
    %mul3A_11 = arith.mulf %mul3A_10, %integer_pow3A_9 : vector<320x512xf32>
    %add3A = arith.addf %dot_general3A_8, %mul3A_11 : vector<320x512xf32>
    %mul3A_12 = arith.constant 0.797884583 : f32
    %mul3A_13 = vector.broadcast %mul3A_12 : f32 to vector<320x512xf32>
    %mul3A_14 = arith.mulf %mul3A_13, %add3A : vector<320x512xf32>
    %tanh3A = math.tanh %mul3A_14 : vector<320x512xf32>
    %add3A_15 = arith.constant 1.000000e+00 : f32
    %add3A_16 = vector.broadcast %add3A_15 : f32 to vector<320x512xf32>
    %add3A_17 = arith.addf %add3A_16, %tanh3A : vector<320x512xf32>
    %mul3A_18 = arith.constant 5.000000e-01 : f32
    %mul3A_19 = vector.broadcast %mul3A_18 : f32 to vector<320x512xf32>
    %mul3A_20 = arith.mulf %mul3A_19, %add3A_17 : vector<320x512xf32>
    %mul3A_21 = arith.mulf %dot_general3A_8, %mul3A_20 : vector<320x512xf32>
    %convert_element_type3A_22 = arith.truncf %mul3A_21 : vector<320x512xf32> to vector<320x512xbf16>
    %get3A_23 = arith.constant 0 : index
    %get3A_24 = arith.constant 0 : index
    %get3A_25 = arith.constant 0 : index
    %get3A_26 = vector.load %arg3[%get3A_23, %get3A_24, %get3A_25] : memref<1x1024x512xf32, #tpu.memory_space<vmem>>, vector<1x1024x512xf32>
    %get3A_27 = vector.shape_cast %get3A_26 : vector<1x1024x512xf32> to vector<1024x512xf32>
    %convert_element_type3A_28 = arith.truncf %get3A_27 : vector<1024x512xf32> to vector<1024x512xbf16>
    %dot_general3A_29 = arith.constant dense<0.000000e+00> : vector<320x1024xf32>
    %dot_general3A_30 = tpu.matmul %convert_element_type3A_22, %convert_element_type3A_28, %dot_general3A_29 {dimension_numbers = #tpu.dot_dimension_numbers<[1], [1], [0], [0], [0, 0, 1, 0], [], []>, transpose_lhs_hint = false} : vector<320x512xbf16>, vector<1024x512xbf16>, vector<320x1024xf32> -> vector<320x1024xf32>
    %swap3A = arith.constant 0 : index
    %swap3A_31 = arith.constant 0 : index
    %swap3A_32 = vector.load %arg4[%swap3A, %swap3A_31] : memref<320x1024xf32, #tpu.memory_space<vmem>>, vector<320x1024xf32>
    tpu.vector_store %arg4[%swap3A, %swap3A_31], %dot_general3A_30 {strides = array<i32>} : memref<320x1024xf32, #tpu.memory_space<vmem>>, vector<320x1024xf32>,
    return
  }
  func.func @transform_0(%arg0: i32) -> (i32, i32) {
    %c0_i32 = arith.constant 0 : i32
    %c0_i32_0 = arith.constant 0 : i32
    return %arg0, %c0_i32 : i32, i32
  }
  func.func @transform_1(%arg0: i32) -> (i32, i32, i32) {
    %c0_i32 = arith.constant 0 : i32
    %c0_i32_0 = arith.constant 0 : i32
    %c0_i32_1 = arith.constant 0 : i32
    return %arg0, %c0_i32, %c0_i32_0 : i32, i32, i32
  }
  func.func @transform_2(%arg0: i32) -> (i32, i32, i32) {
    %c0_i32 = arith.constant 0 : i32
    %c0_i32_0 = arith.constant 0 : i32
    %c0_i32_1 = arith.constant 0 : i32
    return %arg0, %c0_i32, %c0_i32_0 : i32, i32, i32
  }
  func.func @transform_3(%arg0: i32) -> (i32, i32) {
    %c0_i32 = arith.constant 0 : i32
    %c0_i32_0 = arith.constant 0 : i32
    return %arg0, %c0_i32 : i32, i32
  }
}

module attributes {stable_mosaic.version = 14 : i64} {
  func.func @_comb_body(%arg0: i32, %arg1: memref<8x256x1024xf32, #tpu.memory_space<vmem>>, %arg2: memref<256x8xf32, #tpu.memory_space<vmem>>, %arg3: memref<256x1024xf32, #tpu.memory_space<vmem>>, %arg4: memref<256x1024xf32, #tpu.memory_space<vmem>>) attributes {dimension_semantics = [#tpu.dimension_semantics<arbitrary>], iteration_bounds = array<i64: 8>, scalar_prefetch = 0 : i64, scratch_operands = 0 : i64, tpu.core_type = #tpu.core_type<tc>, window_params = [{transform_indices = @transform_0, window_bounds = array<i64: 8, 256, 1024>}, {transform_indices = @transform_1, window_bounds = array<i64: 256, 8>}, {transform_indices = @transform_2, window_bounds = array<i64: 256, 1024>}, {transform_indices = @transform_3, window_bounds = array<i64: 256, 1024>}]} {
    %get3A = arith.constant 0 : index
    %get3A_0 = arith.constant 0 : index
    %get3A_1 = vector.load %arg3[%get3A, %get3A_0] : memref<256x1024xf32, #tpu.memory_space<vmem>>, vector<256x1024xf32>
    %get3A_2 = arith.constant 0 : index
    %get3A_3 = arith.constant 0 : index
    %get3A_4 = vector.load %arg2[%get3A_2, %get3A_3] : memref<256x8xf32, #tpu.memory_space<vmem>>, vector<256x1xf32>
    %eq3A = arith.constant 0.000000e+00 : f32
    %eq3A_5 = vector.broadcast %eq3A : f32 to vector<256x1xf32>
    %eq3A_6 = arith.cmpf oeq, %get3A_4, %eq3A_5 : vector<256x1xf32>
    %get3A_7 = arith.constant 0 : index
    %get3A_8 = arith.constant 0 : index
    %get3A_9 = arith.constant 0 : index
    %get3A_10 = vector.load %arg1[%get3A_7, %get3A_8, %get3A_9] : memref<8x256x1024xf32, #tpu.memory_space<vmem>>, vector<1x256x1024xf32>
    %get3A_11 = vector.shape_cast %get3A_10 : vector<1x256x1024xf32> to vector<256x1024xf32>
    %mul3A = vector.broadcast %get3A_4 : vector<256x1xf32> to vector<256x1024xf32>
    %mul3A_12 = arith.mulf %get3A_11, %mul3A : vector<256x1024xf32>
    %jit3A = arith.constant 0.000000e+00 : f32
    %broadcast_in_dim3A = vector.shape_cast %eq3A_6 : vector<256x1xi1> to vector<256x1xi1>
    %broadcast_in_dim3A_13 = vector.broadcast %broadcast_in_dim3A : vector<256x1xi1> to vector<256x1024xi1>
    %broadcast_in_dim3A_14 = vector.broadcast %jit3A : f32 to vector<256x1024xf32>
    %select_n3A = arith.select %broadcast_in_dim3A_13, %broadcast_in_dim3A_14, %mul3A_12 : vector<256x1024xi1>, vector<256x1024xf32>
    %add3A = arith.addf %get3A_1, %select_n3A : vector<256x1024xf32>
    %get3A_15 = arith.constant 0 : index
    %get3A_16 = arith.constant 1 : index
    %get3A_17 = vector.load %arg2[%get3A_15, %get3A_16] : memref<256x8xf32, #tpu.memory_space<vmem>>, vector<256x1xf32>
    %eq3A_18 = arith.constant 0.000000e+00 : f32
    %eq3A_19 = vector.broadcast %eq3A_18 : f32 to vector<256x1xf32>
    %eq3A_20 = arith.cmpf oeq, %get3A_17, %eq3A_19 : vector<256x1xf32>
    %get3A_21 = arith.constant 1 : index
    %get3A_22 = arith.constant 0 : index
    %get3A_23 = arith.constant 0 : index
    %get3A_24 = vector.load %arg1[%get3A_21, %get3A_22, %get3A_23] : memref<8x256x1024xf32, #tpu.memory_space<vmem>>, vector<1x256x1024xf32>
    %get3A_25 = vector.shape_cast %get3A_24 : vector<1x256x1024xf32> to vector<256x1024xf32>
    %mul3A_26 = vector.broadcast %get3A_17 : vector<256x1xf32> to vector<256x1024xf32>
    %mul3A_27 = arith.mulf %get3A_25, %mul3A_26 : vector<256x1024xf32>
    %jit3A_28 = arith.constant 0.000000e+00 : f32
    %broadcast_in_dim3A_29 = vector.shape_cast %eq3A_20 : vector<256x1xi1> to vector<256x1xi1>
    %broadcast_in_dim3A_30 = vector.broadcast %broadcast_in_dim3A_29 : vector<256x1xi1> to vector<256x1024xi1>
    %broadcast_in_dim3A_31 = vector.broadcast %jit3A_28 : f32 to vector<256x1024xf32>
    %select_n3A_32 = arith.select %broadcast_in_dim3A_30, %broadcast_in_dim3A_31, %mul3A_27 : vector<256x1024xi1>, vector<256x1024xf32>
    %add3A_33 = arith.addf %add3A, %select_n3A_32 : vector<256x1024xf32>
    %get3A_34 = arith.constant 0 : index
    %get3A_35 = arith.constant 2 : index
    %get3A_36 = vector.load %arg2[%get3A_34, %get3A_35] : memref<256x8xf32, #tpu.memory_space<vmem>>, vector<256x1xf32>
    %eq3A_37 = arith.constant 0.000000e+00 : f32
    %eq3A_38 = vector.broadcast %eq3A_37 : f32 to vector<256x1xf32>
    %eq3A_39 = arith.cmpf oeq, %get3A_36, %eq3A_38 : vector<256x1xf32>
    %get3A_40 = arith.constant 2 : index
    %get3A_41 = arith.constant 0 : index
    %get3A_42 = arith.constant 0 : index
    %get3A_43 = vector.load %arg1[%get3A_40, %get3A_41, %get3A_42] : memref<8x256x1024xf32, #tpu.memory_space<vmem>>, vector<1x256x1024xf32>
    %get3A_44 = vector.shape_cast %get3A_43 : vector<1x256x1024xf32> to vector<256x1024xf32>
    %mul3A_45 = vector.broadcast %get3A_36 : vector<256x1xf32> to vector<256x1024xf32>
    %mul3A_46 = arith.mulf %get3A_44, %mul3A_45 : vector<256x1024xf32>
    %jit3A_47 = arith.constant 0.000000e+00 : f32
    %broadcast_in_dim3A_48 = vector.shape_cast %eq3A_39 : vector<256x1xi1> to vector<256x1xi1>
    %broadcast_in_dim3A_49 = vector.broadcast %broadcast_in_dim3A_48 : vector<256x1xi1> to vector<256x1024xi1>
    %broadcast_in_dim3A_50 = vector.broadcast %jit3A_47 : f32 to vector<256x1024xf32>
    %select_n3A_51 = arith.select %broadcast_in_dim3A_49, %broadcast_in_dim3A_50, %mul3A_46 : vector<256x1024xi1>, vector<256x1024xf32>
    %add3A_52 = arith.addf %add3A_33, %select_n3A_51 : vector<256x1024xf32>
    %get3A_53 = arith.constant 0 : index
    %get3A_54 = arith.constant 3 : index
    %get3A_55 = vector.load %arg2[%get3A_53, %get3A_54] : memref<256x8xf32, #tpu.memory_space<vmem>>, vector<256x1xf32>
    %eq3A_56 = arith.constant 0.000000e+00 : f32
    %eq3A_57 = vector.broadcast %eq3A_56 : f32 to vector<256x1xf32>
    %eq3A_58 = arith.cmpf oeq, %get3A_55, %eq3A_57 : vector<256x1xf32>
    %get3A_59 = arith.constant 3 : index
    %get3A_60 = arith.constant 0 : index
    %get3A_61 = arith.constant 0 : index
    %get3A_62 = vector.load %arg1[%get3A_59, %get3A_60, %get3A_61] : memref<8x256x1024xf32, #tpu.memory_space<vmem>>, vector<1x256x1024xf32>
    %get3A_63 = vector.shape_cast %get3A_62 : vector<1x256x1024xf32> to vector<256x1024xf32>
    %mul3A_64 = vector.broadcast %get3A_55 : vector<256x1xf32> to vector<256x1024xf32>
    %mul3A_65 = arith.mulf %get3A_63, %mul3A_64 : vector<256x1024xf32>
    %jit3A_66 = arith.constant 0.000000e+00 : f32
    %broadcast_in_dim3A_67 = vector.shape_cast %eq3A_58 : vector<256x1xi1> to vector<256x1xi1>
    %broadcast_in_dim3A_68 = vector.broadcast %broadcast_in_dim3A_67 : vector<256x1xi1> to vector<256x1024xi1>
    %broadcast_in_dim3A_69 = vector.broadcast %jit3A_66 : f32 to vector<256x1024xf32>
    %select_n3A_70 = arith.select %broadcast_in_dim3A_68, %broadcast_in_dim3A_69, %mul3A_65 : vector<256x1024xi1>, vector<256x1024xf32>
    %add3A_71 = arith.addf %add3A_52, %select_n3A_70 : vector<256x1024xf32>
    %get3A_72 = arith.constant 0 : index
    %get3A_73 = arith.constant 4 : index
    %get3A_74 = vector.load %arg2[%get3A_72, %get3A_73] : memref<256x8xf32, #tpu.memory_space<vmem>>, vector<256x1xf32>
    %eq3A_75 = arith.constant 0.000000e+00 : f32
    %eq3A_76 = vector.broadcast %eq3A_75 : f32 to vector<256x1xf32>
    %eq3A_77 = arith.cmpf oeq, %get3A_74, %eq3A_76 : vector<256x1xf32>
    %get3A_78 = arith.constant 4 : index
    %get3A_79 = arith.constant 0 : index
    %get3A_80 = arith.constant 0 : index
    %get3A_81 = vector.load %arg1[%get3A_78, %get3A_79, %get3A_80] : memref<8x256x1024xf32, #tpu.memory_space<vmem>>, vector<1x256x1024xf32>
    %get3A_82 = vector.shape_cast %get3A_81 : vector<1x256x1024xf32> to vector<256x1024xf32>
    %mul3A_83 = vector.broadcast %get3A_74 : vector<256x1xf32> to vector<256x1024xf32>
    %mul3A_84 = arith.mulf %get3A_82, %mul3A_83 : vector<256x1024xf32>
    %jit3A_85 = arith.constant 0.000000e+00 : f32
    %broadcast_in_dim3A_86 = vector.shape_cast %eq3A_77 : vector<256x1xi1> to vector<256x1xi1>
    %broadcast_in_dim3A_87 = vector.broadcast %broadcast_in_dim3A_86 : vector<256x1xi1> to vector<256x1024xi1>
    %broadcast_in_dim3A_88 = vector.broadcast %jit3A_85 : f32 to vector<256x1024xf32>
    %select_n3A_89 = arith.select %broadcast_in_dim3A_87, %broadcast_in_dim3A_88, %mul3A_84 : vector<256x1024xi1>, vector<256x1024xf32>
    %add3A_90 = arith.addf %add3A_71, %select_n3A_89 : vector<256x1024xf32>
    %get3A_91 = arith.constant 0 : index
    %get3A_92 = arith.constant 5 : index
    %get3A_93 = vector.load %arg2[%get3A_91, %get3A_92] : memref<256x8xf32, #tpu.memory_space<vmem>>, vector<256x1xf32>
    %eq3A_94 = arith.constant 0.000000e+00 : f32
    %eq3A_95 = vector.broadcast %eq3A_94 : f32 to vector<256x1xf32>
    %eq3A_96 = arith.cmpf oeq, %get3A_93, %eq3A_95 : vector<256x1xf32>
    %get3A_97 = arith.constant 5 : index
    %get3A_98 = arith.constant 0 : index
    %get3A_99 = arith.constant 0 : index
    %get3A_100 = vector.load %arg1[%get3A_97, %get3A_98, %get3A_99] : memref<8x256x1024xf32, #tpu.memory_space<vmem>>, vector<1x256x1024xf32>
    %get3A_101 = vector.shape_cast %get3A_100 : vector<1x256x1024xf32> to vector<256x1024xf32>
    %mul3A_102 = vector.broadcast %get3A_93 : vector<256x1xf32> to vector<256x1024xf32>
    %mul3A_103 = arith.mulf %get3A_101, %mul3A_102 : vector<256x1024xf32>
    %jit3A_104 = arith.constant 0.000000e+00 : f32
    %broadcast_in_dim3A_105 = vector.shape_cast %eq3A_96 : vector<256x1xi1> to vector<256x1xi1>
    %broadcast_in_dim3A_106 = vector.broadcast %broadcast_in_dim3A_105 : vector<256x1xi1> to vector<256x1024xi1>
    %broadcast_in_dim3A_107 = vector.broadcast %jit3A_104 : f32 to vector<256x1024xf32>
    %select_n3A_108 = arith.select %broadcast_in_dim3A_106, %broadcast_in_dim3A_107, %mul3A_103 : vector<256x1024xi1>, vector<256x1024xf32>
    %add3A_109 = arith.addf %add3A_90, %select_n3A_108 : vector<256x1024xf32>
    %get3A_110 = arith.constant 0 : index
    %get3A_111 = arith.constant 6 : index
    %get3A_112 = vector.load %arg2[%get3A_110, %get3A_111] : memref<256x8xf32, #tpu.memory_space<vmem>>, vector<256x1xf32>
    %eq3A_113 = arith.constant 0.000000e+00 : f32
    %eq3A_114 = vector.broadcast %eq3A_113 : f32 to vector<256x1xf32>
    %eq3A_115 = arith.cmpf oeq, %get3A_112, %eq3A_114 : vector<256x1xf32>
    %get3A_116 = arith.constant 6 : index
    %get3A_117 = arith.constant 0 : index
    %get3A_118 = arith.constant 0 : index
    %get3A_119 = vector.load %arg1[%get3A_116, %get3A_117, %get3A_118] : memref<8x256x1024xf32, #tpu.memory_space<vmem>>, vector<1x256x1024xf32>
    %get3A_120 = vector.shape_cast %get3A_119 : vector<1x256x1024xf32> to vector<256x1024xf32>
    %mul3A_121 = vector.broadcast %get3A_112 : vector<256x1xf32> to vector<256x1024xf32>
    %mul3A_122 = arith.mulf %get3A_120, %mul3A_121 : vector<256x1024xf32>
    %jit3A_123 = arith.constant 0.000000e+00 : f32
    %broadcast_in_dim3A_124 = vector.shape_cast %eq3A_115 : vector<256x1xi1> to vector<256x1xi1>
    %broadcast_in_dim3A_125 = vector.broadcast %broadcast_in_dim3A_124 : vector<256x1xi1> to vector<256x1024xi1>
    %broadcast_in_dim3A_126 = vector.broadcast %jit3A_123 : f32 to vector<256x1024xf32>
    %select_n3A_127 = arith.select %broadcast_in_dim3A_125, %broadcast_in_dim3A_126, %mul3A_122 : vector<256x1024xi1>, vector<256x1024xf32>
    %add3A_128 = arith.addf %add3A_109, %select_n3A_127 : vector<256x1024xf32>
    %get3A_129 = arith.constant 0 : index
    %get3A_130 = arith.constant 7 : index
    %get3A_131 = vector.load %arg2[%get3A_129, %get3A_130] : memref<256x8xf32, #tpu.memory_space<vmem>>, vector<256x1xf32>
    %eq3A_132 = arith.constant 0.000000e+00 : f32
    %eq3A_133 = vector.broadcast %eq3A_132 : f32 to vector<256x1xf32>
    %eq3A_134 = arith.cmpf oeq, %get3A_131, %eq3A_133 : vector<256x1xf32>
    %get3A_135 = arith.constant 7 : index
    %get3A_136 = arith.constant 0 : index
    %get3A_137 = arith.constant 0 : index
    %get3A_138 = vector.load %arg1[%get3A_135, %get3A_136, %get3A_137] : memref<8x256x1024xf32, #tpu.memory_space<vmem>>, vector<1x256x1024xf32>
    %get3A_139 = vector.shape_cast %get3A_138 : vector<1x256x1024xf32> to vector<256x1024xf32>
    %mul3A_140 = vector.broadcast %get3A_131 : vector<256x1xf32> to vector<256x1024xf32>
    %mul3A_141 = arith.mulf %get3A_139, %mul3A_140 : vector<256x1024xf32>
    %jit3A_142 = arith.constant 0.000000e+00 : f32
    %broadcast_in_dim3A_143 = vector.shape_cast %eq3A_134 : vector<256x1xi1> to vector<256x1xi1>
    %broadcast_in_dim3A_144 = vector.broadcast %broadcast_in_dim3A_143 : vector<256x1xi1> to vector<256x1024xi1>
    %broadcast_in_dim3A_145 = vector.broadcast %jit3A_142 : f32 to vector<256x1024xf32>
    %select_n3A_146 = arith.select %broadcast_in_dim3A_144, %broadcast_in_dim3A_145, %mul3A_141 : vector<256x1024xi1>, vector<256x1024xf32>
    %add3A_147 = arith.addf %add3A_128, %select_n3A_146 : vector<256x1024xf32>
    %swap3A = arith.constant 0 : index
    %swap3A_148 = arith.constant 0 : index
    %swap3A_149 = vector.load %arg4[%swap3A, %swap3A_148] : memref<256x1024xf32, #tpu.memory_space<vmem>>, vector<256x1024xf32>
    tpu.vector_store %arg4[%swap3A, %swap3A_148], %add3A_147 {strides = array<i32>} : memref<256x1024xf32, #tpu.memory_space<vmem>>, vector<256x1024xf32>,
    return
  }
  func.func @transform_0(%arg0: i32) -> (i32, i32, i32) {
    %c0_i32 = arith.constant 0 : i32
    %c0_i32_0 = arith.constant 0 : i32
    %c0_i32_1 = arith.constant 0 : i32
    return %c0_i32, %arg0, %c0_i32_0 : i32, i32, i32
  }
  func.func @transform_1(%arg0: i32) -> (i32, i32) {
    %c0_i32 = arith.constant 0 : i32
    %c0_i32_0 = arith.constant 0 : i32
    return %arg0, %c0_i32 : i32, i32
  }
  func.func @transform_2(%arg0: i32) -> (i32, i32) {
    %c0_i32 = arith.constant 0 : i32
    %c0_i32_0 = arith.constant 0 : i32
    return %arg0, %c0_i32 : i32, i32
  }
  func.func @transform_3(%arg0: i32) -> (i32, i32) {
    %c0_i32 = arith.constant 0 : i32
    %c0_i32_0 = arith.constant 0 : i32
    return %arg0, %c0_i32 : i32, i32
  }
}

</mosaic_0001>

<sc_bundles>
// kernel: kernel.12.cloned.1.call-start
scs
__scs_entry_jumppad:
0x0: {  	(pc) =	sbr.rel $0x88, $3  }
0x1: {  	(tag) =	ssettag $0x0;
	lr =	simm.s32 $0x1  }
0x2: {  	[smem:$0x3F97] =	sst lr;
	_ =	strace $0xD0000000  }
0x3: {  	_ = 	snop  }
0x4: {  	_ = 	snop  }
0x5: {  	_ = 	snop  }
0x6: {  	_ = 	snop  }
0x7: {  	_ = 	snop  }
__scs_overlays_trampoline_lowered:
0x8: {  	[smem:$0x3FA6] =	sst s0  }
0x9: {  	[smem:$0x3FA7] =	sst s1  }
0xa: {  	[smem:$0x3FA8] =	sst s2  }
0xb: {  	[smem:$0x3FA9] =	sst s3  }
0xc: {  	[smem:$0x3FAA] =	sst s4  }
0xd: {  	[smem:$0x3FAB] =	sst s5  }
0xe: {  	[smem:$0x3FAC] =	sst s6  }
0xf: {  	[smem:$0x3FAD] =	sst s7  }
0x10: {  	[smem:$0x3FAE] =	sst s8  }
0x11: {  	[smem:$0x3FAF] =	sst s9;
	s0 =	simm.s32 @!p0 $0x0  }
0x12: {  	s1 =	sld [smem:$0x3F95];
	s0 =	simm.s32 @p0 $0x1  }
0x13: {  	[smem:$0x3FB0] =	sst s0;
	s0 =	simm.s32 @!p1 $0x0  }
0x14: {  	s2 =	sld [smem:$0x3F94];
	s0 =	simm.s32 @p1 $0x1  }
0x15: {  	[smem:$0x3FB1] =	sst s0;
	s0 =	simm.s32 @!p2 $0x0  }
0x16: {  	s3 =	sld [smem:$0x3FDB];
	s0 =	simm.s32 @p2 $0x1  }
0x17: {  	s4 =	simm.s32 $0x1BF5;
	[smem:$0x3FB3] =	sst s0  }
0x18: {  	s0 =	sld [smem:$0x3F96];
	_ =	swait.ge [sflag:s4], $0x0  }
0x19: {  	s7 =	sld [smem:$0x3F97]  }
0x1a: {  	s8 =	sadd.s32 $0xFFFFE003, lr  }
0x1b: {  	s9 =	sadd.s32 $0xFFFFFEF7, lr;
	s5 =	simm.s32 $0xFFFFFFFF;
	p2 =	slt.u32 s8, $0xFFFFF086  }
0x1c: {  	p1 =	slt.u32 s9, $0xF7A;
	s5 =	simm.s32 @!p2 $0x0  }
0x1d: {  	s5 =	simm.s32 @p1 $0x1;
	p0 =	seq.s32 s7, s2  }
0x1e: {  	s7 =	smul.u32 @!p0 $0xF7A, s2;
	p2 =	seq.s32 @!p0 s5, $0x0  }
0x1f: {  	s9 =	smul.u32 $0xF7A, s1;
	s8 =	simm.s32 @!p0 $0x1BF5;
	p2 =	por !p2, p0  }
0x20: {  	[sflag:s8] =	ssyncset.s32 @!p0 $0xFFFFF086;
	s6 =	sadd.s32 @!p0 s3, s7;
	s7 =	simm.s32 @!p0 $0x108  }
0x21: {  	s3 =	sadd.s32 s3, s9;
	s6 =	sadd.s32 @!p0 $0x88, s6;
	s7 =	simm.s32 @p2 $0x1082  }
0x22: {  	[simem:s7], [sflag:s8] =	dma.local @!p0 [hbm:s6], $0xF7A  }
0x23: {  	s9 =	sor.u32 $0xD0000000, s2;
	s6 =	simm.s32 $0x108;
	_ =	swait.ge @!p0 [sflag:s8], $0x0  }
0x24: {  	s3 =	sadd.s32 $0x88, s3;
	s6 =	simm.s32 @!p1 $0x1082;
	[sflag:s4] =	ssyncset.s32 $0xFFFFF086  }
0x25: {  	[simem:s6], [sflag:s4] =	dma.local [hbm:s3], $0xF7A  }
0x26: {  	[smem:$0x3F97] =	sst s1;
	(tag) =	ssettag s2;
	_ =	strace s9  }
0x27: {  	s1 =	sld [smem:$0x3FA7]  }
0x28: {  	s2 =	sld [smem:$0x3FA8]  }
0x29: {  	s4 =	sld [smem:$0x3FAA]  }
0x2a: {  	p0 =	seq.s32 s5, $0x0;
	s5 =	sld [smem:$0x3FAB]  }
0x2b: {  	s6 =	sld [smem:$0x3FAC]  }
0x2c: {  	s7 =	sld [smem:$0x3FAD]  }
0x2d: {  	s3 =	simm.s32 $0x108;
	s8 =	sld [smem:$0x3FAE]  }
0x2e: {  	s3 =	simm.s32 @!p0 $0x1082;
	s9 =	sld [smem:$0x3FAF]  }
0x2f: {  	lr =	sadd.s32 s0, s3;
	s0 =	sld [smem:$0x3FA6]  }
0x30: {  	s3 =	sld [smem:$0x3FA9]  }
0x31: {  	[smem:$0x3FB2] =	sst s10  }
0x32: {  	s10 =	sld [smem:$0x3FB0];
	_ =	sdelay $0x3  }
0x33: {  	p0 =	seq.s32 s10, $0x1;
	s10 =	sld [smem:$0x3FB2];
	_ =	sdelay $0x3  }
0x34: {  	[smem:$0x3FB2] =	sst s10  }
0x35: {  	s10 =	sld [smem:$0x3FB1];
	_ =	sdelay $0x3  }
0x36: {  	p1 =	seq.s32 s10, $0x1;
	s10 =	sld [smem:$0x3FB2];
	_ =	sdelay $0x3  }
0x37: {  	[smem:$0x3FB2] =	sst s10  }
0x38: {  	s10 =	sld [smem:$0x3FB3]  }
0x39: {  	_ = 	snop;
	(pc) =	sbr.ind lr, $3  }
0x3a: {  	_ = 	snop  }
0x3b: {  	_ = 	snop  }
0x3c: {  	p2 =	seq.s32 s10, $0x1;
	s10 =	sld [smem:$0x3FB2]  }
0x3d: {  	_ =	shalt  }
0x3e: {  	_ =	shalt  }
0x3f: {  	_ =	shalt  }
0x40: {  	_ =	shalt  }
0x41: {  	_ =	shalt  }
0x42: {  	_ =	shalt  }
0x43: {  	_ =	shalt  }
0x44: {  	_ =	shalt  }
0x45: {  	_ =	shalt  }
0x46: {  	_ =	shalt  }
0x47: {  	_ =	shalt  }
0x48: {  	_ =	shalt  }
0x49: {  	_ =	shalt  }
0x4a: {  	_ =	shalt  }
0x4b: {  	_ =	shalt  }
0x4c: {  	_ =	shalt  }
0x4d: {  	_ =	shalt  }
0x4e: {  	_ =	shalt  }
0x4f: {  	_ =	shalt  }
0x50: {  	_ =	shalt  }
0x51: {  	_ =	shalt  }
0x52: {  	_ =	shalt  }
0x53: {  	_ =	shalt  }
0x54: {  	_ =	shalt  }
0x55: {  	_ =	shalt  }
0x56: {  	_ =	shalt  }
0x57: {  	_ =	shalt  }
0x58: {  	_ =	shalt  }
0x59: {  	_ =	shalt  }
0x5a: {  	_ =	shalt  }
0x5b: {  	_ =	shalt  }
0x5c: {  	_ =	shalt  }
0x5d: {  	_ =	shalt  }
0x5e: {  	_ =	shalt  }
0x5f: {  	_ =	shalt  }
0x60: {  	_ =	shalt  }
0x61: {  	_ =	shalt  }
0x62: {  	_ =	shalt  }
0x63: {  	_ =	shalt  }
0x64: {  	_ =	shalt  }
0x65: {  	_ =	shalt  }
0x66: {  	_ =	shalt  }
0x67: {  	_ =	shalt  }
0x68: {  	_ =	shalt  }
0x69: {  	_ =	shalt  }
0x6a: {  	_ =	shalt  }
0x6b: {  	_ =	shalt  }
0x6c: {  	_ =	shalt  }
0x6d: {  	_ =	shalt  }
0x6e: {  	_ =	shalt  }
0x6f: {  	_ =	shalt  }
0x70: {  	_ =	shalt  }
0x71: {  	_ =	shalt  }
0x72: {  	_ =	shalt  }
0x73: {  	_ =	shalt  }
0x74: {  	_ =	shalt  }
0x75: {  	_ =	shalt  }
0x76: {  	_ =	shalt  }
0x77: {  	_ =	shalt  }
0x78: {  	_ =	shalt  }
0x79: {  	_ =	shalt  }
0x7a: {  	_ =	shalt  }
0x7b: {  	_ =	shalt  }
0x7c: {  	_ =	shalt  }
0x7d: {  	_ =	shalt  }
0x7e: {  	_ =	shalt  }
0x7f: {  	_ =	shalt  }
0x80: {  	_ =	shalt  }
0x81: {  	_ =	shalt  }
0x82: {  	_ =	shalt  }
0x83: {  	_ =	shalt  }
0x84: {  	_ =	shalt  }
0x85: {  	_ =	shalt  }
0x86: {  	_ =	shalt  }
0x87: {  	_ =	shalt  }
.Lfunc_end0:
.L_simem_size_0:
called_computation.1_lowered:
.L_overlay_start_0:
0x88: {  	s2 =	sld [smem:$0x3FD9]  }
0x89: {  	s3 =	sld [smem:$0x3FFE];
	_ =	sdelay $0x1  }
0x8a: {  	s1 =	srdreg.scid  }
0x8b: {  	s0 =	sand.u32 $0x1, s1  }
0x8c: {  	s16 =	sshll.u32 s0, $0xA;
	s2 =	sadd.s32 s3, s2  }
0x8d: {  	s2 =	sadd.s32 s2, s16  }
0x8e: {  	[smem:$0x3FBE] =	sst s2  }
0x8f: {  	_ = 	snop  }
0x90: {  	(tm) =	ssettm $0x1  }
0x91: {  	s17 =	sld [smem:$0x3FFB];
	_ =	sdelay $0x3  }
0x92: {  	_ =	strace s17  }
0x93: {  	s2 =	sld [smem:$0x3FFC];
	_ =	sdelay $0x3  }
0x94: {  	_ =	strace s2  }
0x95: {  	s2 =	sld [smem:$0x3FFD];
	_ =	sdelay $0x3  }
0x96: {  	_ =	strace s2  }
0x97: {  	_ =	strace $0x8FFFFFFF  }
0x98: {  	s18 =	sld [smem:$0x3FDB];
	_ =	sdelay $0x1  }
0x99: {  	s19 =	simm.s32 $_scs_section_size  }
0x9a: {  	s4 =	simm.s32 $_size__tile_overlayer_lowered;
	s5 =	simm.s32 $_tile_overlayer_lowered  }
0x9b: {  	s22 =	simm.s32 $0x1BFF;
	s21 =	sshll.u32 s5, $0x1;
	s2 =	sadd.s32 s19, s18  }
0x9c: {  	s6 =	simm.s32 $0x0;
	s20 =	sshll.u32 s4, $0x1;
	s4 =	sadd.s32 s21, s2  }
0x9d: {  	[timem:s6], [sflag:s22] =	dma.local [hbm:s4], s20  }
0x9e: {  	_ =	swait.ge [sflag:s22], s20  }
0x9f: {  	s3 =	ssub.s32 $0x0, s20;
	[sflag:s22] =	ssyncset.done $0x0  }
0xa0: {  	[sflag:s22] =	ssyncadd.s32 s3;
	_ =	sdelay $0x1  }
0xa1: {  	s23 =	simm.s32 $0x1B8B  }
0xa2: {  	_ =	swait.ge [sflag:s23], $0x1  }
0xa3: {  	[sflag:s23] =	ssyncset.done $0x0  }
0xa4: {  	s25 =	simm.s32 $0x1B8E;
	s24 =	sld [smem:$0x3FFE];
	[sflag:s23] =	ssyncadd.s32 $0xFFFFFFFF  }
0xa5: {  	s26 =	simm.s32 $execute0_lowered;
	[smem:$0x3FD2] =	sst s25  }
0xa6: {  	s4 =	sshll.u32 s26, $0x1;
	_ =	strace $0x80000049;
	[dreg:$0x1] =	wrdreg $0xFFFFFFFF  }
0xa7: {  	s28 =	simm.s32 $_size_execute0_lowered;
	s2 =	sadd.s32 s2, s4;
	[dreg:$0x0] =	wrdreg $0x0  }
0xa8: {  	s4 =	sshll.u32 s28, $0x1;
	[dreg:$0x2] =	wrdreg s2  }
0xa9: {  	[dreg:$0x3] =	wrdreg s4  }
0xaa: {  	[dreg:$0x4] =	wrdreg $0xC0  }
0xab: {  	_ =	task [dreg:s6], $0x5FFFF  }
0xac: {  	[dreg:$0x1] =	wrdreg $0xFFFFFFFF  }
0xad: {  	[dreg:$0x0] =	wrdreg $0x60  }
0xae: {  	[dreg:$0x2] =	wrdreg s24  }
0xaf: {  	[dreg:$0x3] =	wrdreg $0x9  }
0xb0: {  	_ =	task.clear_ibuf [dreg:s6], $0x4FFFF;
	_ =	strace $0x90000049  }
0xb1: {  	s29 =	simm.s32 $0x9;
	_ =	strace $0x8000004B  }
0xb2: {  	_ =	swait.ge [sflag:s29], $0x1  }
0xb3: {  	[sflag:s29] =	ssyncadd.s32 $0xFFFFFFFF  }
0xb4: {  	_ =	strace $0x9000004B  }
0xb5: {  	_ =	sfence  }
0xb6: {  	s30 =	sld [smem:$0x0];
	_ =	sdelay $0x2  }
0xb7: {  	s31 =	sshll.u32 s1, $0xD;
	s1 =	sshrl.u32 s1, $0x2  }
0xb8: {  	s3 =	sand.u32 $0x4000, s31;
	s1 =	sadd.s32 s1, s30  }
0xb9: {  	s0 =	sor.u32 s3, s0;
	s1 =	sshll.u32 s1, $0x11  }
0xba: {  	s0 =	sor.u32 s1, s0  }
0xbb: {  	s0 =	sadd.s32 $0x8F2B, s0  }
0xbc: {  	[sflag:s0] =	ssyncadd.remote.s32 $0x1  }
0xbd: {  	_ =	sfence.sel $0xFFFF  }
0xbe: {  	[dreg:$0x0] =	wrdreg $0xFFFFFFFF;
	(pc) =	sbr.abs _section_cstart, $3  }
0xbf: {  	[dreg:$0x1] =	wrdreg $0xFFFFFFFF  }
0xc0: {  	_ =	task.clear_ibuf [dreg:s6], $0x2FFFF;
	_ =	strace $0x9FFFFFFF  }
0xc1: {  	(tm) =	ssettm $0x7FFFFFFF  }
tec
execute0_lowered:
.L_overlay_start_1:
0x0: {  	(tag) =	ssettag $0x1  }
0x1: {  	s0 =	srdreg.scid;
	s1 =	stileid.u32  }
0x2: {  	s0 =	sand.u32 $0x1, s0;
	s1 =	sshll.u32 s1, $0x1  }
0x3: {  	s6 =	rddreg [dreg:$0x0];
	s2 =	simm.s32 $0x0;
	s1 =	sor.u32 s0, s1  }
0x4: {  	s31 =	simm.s32 $0x10000;
	[smem:$0x7FF] =	sst s2;
	s3 =	sshll.u32 s1, $0x7  }
0x5: {  	_ =	strace $0x8000004A;
	s1 =	sshll.u32 s1, $0xD;
	s3 =	sadd.s32 s3, s6  }
0x6: {  	[dreg:$0x13] =	wrdreg s31;
	s1 =	sadd.s32 s1, s6;
	s3 =	sadd.s32 $0x2CBC00, s3  }
0x7: {  	s17 =	sadd.s32 $0x4A800, s1;
	[dreg:$0x2] =	wrdreg s3  }
0x8: {  	s18 =	sadd.s32 $0x4B800, s1;
	[dreg:$0x3] =	wrdreg s17  }
0x9: {  	s19 =	sadd.s32 $0x8A800, s1;
	[dreg:$0x4] =	wrdreg s18  }
0xa: {  	s20 =	sadd.s32 $0x8B800, s1;
	[dreg:$0x5] =	wrdreg s19  }
0xb: {  	s21 =	sadd.s32 $0xCA800, s1;
	[dreg:$0x6] =	wrdreg s20  }
0xc: {  	s22 =	sadd.s32 $0xCB800, s1;
	[dreg:$0x7] =	wrdreg s21  }
0xd: {  	s23 =	sadd.s32 $0x10A800, s1;
	[dreg:$0x8] =	wrdreg s22  }
0xe: {  	s24 =	sadd.s32 $0x10B800, s1;
	[dreg:$0x9] =	wrdreg s23  }
0xf: {  	s25 =	sadd.s32 $0x14A800, s1;
	[dreg:$0xa] =	wrdreg s24  }
0x10: {  	s4 =	sadd.s32 $0x14B800, s1;
	[dreg:$0xb] =	wrdreg s25  }
0x11: {  	s16 =	simm.s32 $0x2;
	s26 =	sadd.s32 $0x18A800, s1;
	[dreg:$0xc] =	wrdreg s4  }
0x12: {  	s0 =	ssub.s32 $0x2, s0;
	s28 =	sadd.s32 $0x18B800, s1;
	[dreg:$0xd] =	wrdreg s26  }
0x13: {  	s5 =	sshrl.u32 s0, $0x1;
	s29 =	sadd.s32 $0x1CA800, s1;
	[dreg:$0xe] =	wrdreg s28  }
0x14: {  	s0 =	ssub.s32 s0, s5;
	s30 =	sadd.s32 $0x1CB800, s1;
	[dreg:$0xf] =	wrdreg s29  }
0x15: {  	s5 =	sadd.s32 $0x2CCE00, s6;
	s7 =	sadd.s32 $0x20A800, s1;
	[dreg:$0x10] =	wrdreg s30  }
0x16: {  	v2 =	vlaneseq.u32;
	s1 =	sadd.s32 $0x20B800, s1;
	s3 =	sadd.s32 $0x2CCC00, s6;
	[dreg:$0x11] =	wrdreg s7  }
0x17: {  	vm0 =	vmmov $0xffff;
	v1 =	vshrl.u32 v2, $0x3;
	s4 =	sadd.s32 $0x2CCD00, s6;
	s6 =	sadd.s32 $0x2CCF00, s6;
	[dreg:$0x12] =	wrdreg s1  }
0x18: {  	v0 =	vand.u32 $0x7, v2;
	v2 =	vor.u32 $0x8, v2;
	v1 =	vmul.u32 $0x8, v1;
	s22 =	smax.u32 s0, $0x1;
	s24 =	simm.s32 $0x1;
	s25 =	simm.s32 $0x8000  }
.LBB2_1:
0x19: {  	s17 =	rddreg [dreg:$0x2]  }
0x1a: {  	s18 =	rddreg [dreg:$0x13]  }
0x1b: {  	[tilespmem:s18], [sflag:$0x3] =	stream.linear.gather [hbm4b:s17+s2], $0x400, $0x38;
	[tilespmem:$0x10400] =	vst v63  }
0x1c: {  	s18 =	simm.s32 $0x3  }
0x1d: {  	_ =	swait.ge [sflag:s18], $0x400  }
0x1e: {  	[sflag:s18] =	ssyncset.done $0x0  }
0x1f: {  	[sflag:s18] =	ssyncadd.s32 $0xFFFFFC00  }
0x20: {  	v3 =	vld [tilespmem:$0x10000];
	_ =	sdelay $0x4  }
0x21: {  	v4 =	vshll.u32 v3, $0x3  }
0x22: {  	v3 =	vand.u32 $0x7, v3;
	v4 =	vand.u32 $0xFFFFFFC0, v4  }
0x23: {  	v3 =	vor.u32 v3, v4  }
0x24: {  	v4 =	vperm.xlane v3, v0;
	_ =	sdelay $0x1  }
0x25: {  	v4 =	vadd.s32 v1, v4;
	_ =	sdelay $0x4  }
0x26: {  	[tilespmem:s2], [sflag:$0x1] =	stream.indirect_vreg.gather [hbm4b:s3+s2], $0x80, v4, vm0, $0xb8;
	[tilespmem:$0x10400] =	vst v63  }
0x27: {  	s0 =	simm.s32 $0x800;
	v3 =	vperm.xlane v3, v2  }
0x28: {  	[tilespmem:s0], [sflag:$0x1] =	stream.indirect_vreg.gather [hbm4b:s4+s2], $0x80, v4, vm0, $0xb8;
	[tilespmem:$0x10400] =	vst v63  }
0x29: {  	s19 =	simm.s32 $0x1000;
	v3 =	vadd.s32 v1, v3  }
0x2a: {  	[tilespmem:s19], [sflag:$0x1] =	stream.indirect_vreg.gather [hbm4b:s5+s2], $0x80, v4, vm0, $0xb8;
	[tilespmem:$0x10400] =	vst v63  }
0x2b: {  	s20 =	simm.s32 $0x1800  }
0x2c: {  	[tilespmem:s20], [sflag:$0x1] =	stream.indirect_vreg.gather [hbm4b:s6+s2], $0x80, v4, vm0, $0xb8;
	[tilespmem:$0x10400] =	vst v63  }
0x2d: {  	s21 =	simm.s32 $0x2000  }
0x2e: {  	[tilespmem:s21], [sflag:$0x1] =	stream.indirect_vreg.gather [hbm4b:s3+s2], $0x80, v3, vm0, $0xb8;
	[tilespmem:$0x10400] =	vst v63  }
0x2f: {  	s23 =	simm.s32 $0x2800  }
0x30: {  	[tilespmem:s23], [sflag:$0x1] =	stream.indirect_vreg.gather [hbm4b:s4+s2], $0x80, v3, vm0, $0xb8;
	[tilespmem:$0x10400] =	vst v63  }
0x31: {  	s26 =	simm.s32 $0x3000  }
0x32: {  	[tilespmem:s26], [sflag:$0x1] =	stream.indirect_vreg.gather [hbm4b:s5+s2], $0x80, v3, vm0, $0xb8;
	[tilespmem:$0x10400] =	vst v63  }
0x33: {  	s28 =	simm.s32 $0x3800  }
0x34: {  	[tilespmem:s28], [sflag:$0x1] =	stream.indirect_vreg.gather [hbm4b:s6+s2], $0x80, v3, vm0, $0xb8;
	[tilespmem:$0x10400] =	vst v63  }
0x35: {  	v3 =	vld [tilespmem:$0x10010];
	_ =	sdelay $0x4  }
0x36: {  	v33 =	vshll.u32 v3, $0x3  }
0x37: {  	v3 =	vand.u32 $0x7, v3;
	v4 =	vand.u32 $0xFFFFFFC0, v33  }
0x38: {  	v3 =	vor.u32 v3, v4  }
0x39: {  	v4 =	vperm.xlane v3, v0;
	_ =	sdelay $0x1  }
0x3a: {  	v4 =	vadd.s32 v1, v4;
	_ =	sdelay $0x3  }
0x3b: {  	s29 =	simm.s32 $0x4000  }
0x3c: {  	[tilespmem:s29], [sflag:$0x1] =	stream.indirect_vreg.gather [hbm4b:s3+s2], $0x80, v4, vm0, $0xb8;
	[tilespmem:$0x10400] =	vst v63  }
0x3d: {  	s30 =	simm.s32 $0x4800;
	v3 =	vperm.xlane v3, v2  }
0x3e: {  	[tilespmem:s30], [sflag:$0x1] =	stream.indirect_vreg.gather [hbm4b:s4+s2], $0x80, v4, vm0, $0xb8;
	[tilespmem:$0x10400] =	vst v63  }
0x3f: {  	s31 =	simm.s32 $0x5000;
	v3 =	vadd.s32 v1, v3  }
0x40: {  	[tilespmem:s31], [sflag:$0x1] =	stream.indirect_vreg.gather [hbm4b:s5+s2], $0x80, v4, vm0, $0xb8;
	[tilespmem:$0x10400] =	vst v63  }
0x41: {  	s1 =	simm.s32 $0x5800  }
0x42: {  	[tilespmem:s1], [sflag:$0x1] =	stream.indirect_vreg.gather [hbm4b:s6+s2], $0x80, v4, vm0, $0xb8;
	[tilespmem:$0x10400] =	vst v63  }
0x43: {  	s13 =	simm.s32 $0x6000  }
0x44: {  	[tilespmem:s13], [sflag:$0x1] =	stream.indirect_vreg.gather [hbm4b:s3+s2], $0x80, v3, vm0, $0xb8;
	[tilespmem:$0x10400] =	vst v63  }
0x45: {  	s14 =	simm.s32 $0x6800  }
0x46: {  	[tilespmem:s14], [sflag:$0x1] =	stream.indirect_vreg.gather [hbm4b:s4+s2], $0x80, v3, vm0, $0xb8;
	[tilespmem:$0x10400] =	vst v63  }
0x47: {  	s17 =	simm.s32 $0x7000  }
0x48: {  	[tilespmem:s17], [sflag:$0x1] =	stream.indirect_vreg.gather [hbm4b:s5+s2], $0x80, v3, vm0, $0xb8;
	[tilespmem:$0x10400] =	vst v63  }
0x49: {  	s18 =	simm.s32 $0x7800  }
0x4a: {  	[tilespmem:s18], [sflag:$0x1] =	stream.indirect_vreg.gather [hbm4b:s6+s2], $0x80, v3, vm0, $0xb8;
	[tilespmem:$0x10400] =	vst v63  }
0x4b: {  	_ =	swait.ge [sflag:s24], $0x4000  }
0x4c: {  	[sflag:s24] =	ssyncset.done $0x0  }
0x4d: {  	[sflag:s24] =	ssyncadd.s32 $0xFFFFC000  }
0x4e: {  	_ =	swait.ge [sflag:s24], $0x4000  }
0x4f: {  	[sflag:s24] =	ssyncset.done $0x0  }
0x50: {  	s19 =	rddreg [dreg:$0x3];
	[sflag:s24] =	ssyncadd.s32 $0xFFFFC000  }
0x51: {  	[hbm4b:s19+s2] =	stream.linear.scatter [tilespmem:s2], [sflag:$0x2], $0x8000, $0x38;
	[tilespmem:$0x10400] =	vst v63  }
0x52: {  	v3 =	vld [tilespmem:$0x10020];
	_ =	sdelay $0x4  }
0x53: {  	v34 =	vshll.u32 v3, $0x3  }
0x54: {  	v3 =	vand.u32 $0x7, v3;
	v4 =	vand.u32 $0xFFFFFFC0, v34  }
0x55: {  	v3 =	vor.u32 v3, v4  }
0x56: {  	v4 =	vperm.xlane v3, v0;
	_ =	sdelay $0x1  }
0x57: {  	v4 =	vadd.s32 v1, v4;
	_ =	sdelay $0x4  }
0x58: {  	[tilespmem:s25], [sflag:$0x1] =	stream.indirect_vreg.gather [hbm4b:s3+s2], $0x80, v4, vm0, $0xb8;
	[tilespmem:$0x10400] =	vst v63  }
0x59: {  	s20 =	simm.s32 $0x8800;
	v3 =	vperm.xlane v3, v2  }
0x5a: {  	[tilespmem:s20], [sflag:$0x1] =	stream.indirect_vreg.gather [hbm4b:s4+s2], $0x80, v4, vm0, $0xb8;
	[tilespmem:$0x10400] =	vst v63  }
0x5b: {  	s21 =	simm.s32 $0x9000;
	v3 =	vadd.s32 v1, v3  }
0x5c: {  	[tilespmem:s21], [sflag:$0x1] =	stream.indirect_vreg.gather [hbm4b:s5+s2], $0x80, v4, vm0, $0xb8;
	[tilespmem:$0x10400] =	vst v63  }
0x5d: {  	s23 =	simm.s32 $0x9800  }
0x5e: {  	[tilespmem:s23], [sflag:$0x1] =	stream.indirect_vreg.gather [hbm4b:s6+s2], $0x80, v4, vm0, $0xb8;
	[tilespmem:$0x10400] =	vst v63  }
0x5f: {  	s26 =	simm.s32 $0xA000  }
0x60: {  	[tilespmem:s26], [sflag:$0x1] =	stream.indirect_vreg.gather [hbm4b:s3+s2], $0x80, v3, vm0, $0xb8;
	[tilespmem:$0x10400] =	vst v63  }
0x61: {  	s28 =	simm.s32 $0xA800  }
0x62: {  	[tilespmem:s28], [sflag:$0x1] =	stream.indirect_vreg.gather [hbm4b:s4+s2], $0x80, v3, vm0, $0xb8;
	[tilespmem:$0x10400] =	vst v63  }
0x63: {  	s29 =	simm.s32 $0xB000  }
0x64: {  	[tilespmem:s29], [sflag:$0x1] =	stream.indirect_vreg.gather [hbm4b:s5+s2], $0x80, v3, vm0, $0xb8;
	[tilespmem:$0x10400] =	vst v63  }
0x65: {  	s30 =	simm.s32 $0xB800  }
0x66: {  	[tilespmem:s30], [sflag:$0x1] =	stream.indirect_vreg.gather [hbm4b:s6+s2], $0x80, v3, vm0, $0xb8;
	[tilespmem:$0x10400] =	vst v63  }
0x67: {  	v3 =	vld [tilespmem:$0x10030];
	_ =	sdelay $0x4  }
0x68: {  	v35 =	vshll.u32 v3, $0x3  }
0x69: {  	v3 =	vand.u32 $0x7, v3;
	v4 =	vand.u32 $0xFFFFFFC0, v35  }
0x6a: {  	v3 =	vor.u32 v3, v4  }
0x6b: {  	v4 =	vperm.xlane v3, v0;
	_ =	sdelay $0x1  }
0x6c: {  	v4 =	vadd.s32 v1, v4;
	_ =	sdelay $0x3  }
0x6d: {  	s31 =	simm.s32 $0xC000  }
0x6e: {  	[tilespmem:s31], [sflag:$0x1] =	stream.indirect_vreg.gather [hbm4b:s3+s2], $0x80, v4, vm0, $0xb8;
	[tilespmem:$0x10400] =	vst v63  }
0x6f: {  	s0 =	simm.s32 $0xC800;
	v3 =	vperm.xlane v3, v2  }
0x70: {  	[tilespmem:s0], [sflag:$0x1] =	stream.indirect_vreg.gather [hbm4b:s4+s2], $0x80, v4, vm0, $0xb8;
	[tilespmem:$0x10400] =	vst v63  }
0x71: {  	s13 =	simm.s32 $0xD000;
	v3 =	vadd.s32 v1, v3  }
0x72: {  	[tilespmem:s13], [sflag:$0x1] =	stream.indirect_vreg.gather [hbm4b:s5+s2], $0x80, v4, vm0, $0xb8;
	[tilespmem:$0x10400] =	vst v63  }
0x73: {  	s14 =	simm.s32 $0xD800  }
0x74: {  	[tilespmem:s14], [sflag:$0x1] =	stream.indirect_vreg.gather [hbm4b:s6+s2], $0x80, v4, vm0, $0xb8;
	[tilespmem:$0x10400] =	vst v63  }
0x75: {  	s18 =	simm.s32 $0xE000  }
0x76: {  	[tilespmem:s18], [sflag:$0x1] =	stream.indirect_vreg.gather [hbm4b:s3+s2], $0x80, v3, vm0, $0xb8;
	[tilespmem:$0x10400] =	vst v63  }
0x77: {  	s19 =	simm.s32 $0xE800  }
0x78: {  	[tilespmem:s19], [sflag:$0x1] =	stream.indirect_vreg.gather [hbm4b:s4+s2], $0x80, v3, vm0, $0xb8;
	[tilespmem:$0x10400] =	vst v63  }
0x79: {  	s28 =	simm.s32 $0xF000  }
0x7a: {  	[tilespmem:s28], [sflag:$0x1] =	stream.indirect_vreg.gather [hbm4b:s5+s2], $0x80, v3, vm0, $0xb8;
	[tilespmem:$0x10400] =	vst v63  }
0x7b: {  	s31 =	simm.s32 $0xF800  }
0x7c: {  	[tilespmem:s31], [sflag:$0x1] =	stream.indirect_vreg.gather [hbm4b:s6+s2], $0x80, v3, vm0, $0xb8;
	[tilespmem:$0x10400] =	vst v63  }
0x7d: {  	_ =	swait.ge [sflag:s24], $0x4000  }
0x7e: {  	[sflag:s24] =	ssyncset.done $0x0  }
0x7f: {  	[sflag:s24] =	ssyncadd.s32 $0xFFFFC000  }
0x80: {  	_ =	swait.ge [sflag:s24], $0x4000  }
0x81: {  	[sflag:s24] =	ssyncset.done $0x0  }
0x82: {  	s0 =	rddreg [dreg:$0x4];
	[sflag:s24] =	ssyncadd.s32 $0xFFFFC000  }
0x83: {  	[hbm4b:s0+s2] =	stream.linear.scatter [tilespmem:s25], [sflag:$0x2], $0x8000, $0x38;
	[tilespmem:$0x10400] =	vst v63  }
0x84: {  	_ =	swait.ge [sflag:s16], $0x8000  }
0x85: {  	[sflag:s16] =	ssyncset.done $0x0  }
0x86: {  	[sflag:s16] =	ssyncadd.s32 $0xFFFF8000  }
0x87: {  	v3 =	vld [tilespmem:$0x10080];
	_ =	sdelay $0x4  }
0x88: {  	v36 =	vshll.u32 v3, $0x3  }
0x89: {  	v3 =	vand.u32 $0x7, v3;
	v4 =	vand.u32 $0xFFFFFFC0, v36  }
0x8a: {  	v3 =	vor.u32 v3, v4  }
0x8b: {  	v4 =	vperm.xlane v3, v0;
	_ =	sdelay $0x1  }
0x8c: {  	v4 =	vadd.s32 v1, v4;
	_ =	sdelay $0x4  }
0x8d: {  	[tilespmem:s2], [sflag:$0x1] =	stream.indirect_vreg.gather [hbm4b:s3+s2], $0x80, v4, vm0, $0xb8;
	[tilespmem:$0x10400] =	vst v63  }
0x8e: {  	s11 =	simm.s32 $0x800;
	v3 =	vperm.xlane v3, v2  }
0x8f: {  	[tilespmem:s11], [sflag:$0x1] =	stream.indirect_vreg.gather [hbm4b:s4+s2], $0x80, v4, vm0, $0xb8;
	[tilespmem:$0x10400] =	vst v63  }
0x90: {  	s7 =	simm.s32 $0x1000;
	v3 =	vadd.s32 v1, v3  }
0x91: {  	[tilespmem:s7], [sflag:$0x1] =	stream.indirect_vreg.gather [hbm4b:s5+s2], $0x80, v4, vm0, $0xb8;
	[tilespmem:$0x10400] =	vst v63  }
0x92: {  	s8 =	simm.s32 $0x1800  }
0x93: {  	[tilespmem:s8], [sflag:$0x1] =	stream.indirect_vreg.gather [hbm4b:s6+s2], $0x80, v4, vm0, $0xb8;
	[tilespmem:$0x10400] =	vst v63  }
0x94: {  	s13 =	simm.s32 $0x2000  }
0x95: {  	[tilespmem:s13], [sflag:$0x1] =	stream.indirect_vreg.gather [hbm4b:s3+s2], $0x80, v3, vm0, $0xb8;
	[tilespmem:$0x10400] =	vst v63  }
0x96: {  	s9 =	simm.s32 $0x2800  }
0x97: {  	[tilespmem:s9], [sflag:$0x1] =	stream.indirect_vreg.gather [hbm4b:s4+s2], $0x80, v3, vm0, $0xb8;
	[tilespmem:$0x10400] =	vst v63  }
0x98: {  	s10 =	simm.s32 $0x3000  }
0x99: {  	[tilespmem:s10], [sflag:$0x1] =	stream.indirect_vreg.gather [hbm4b:s5+s2], $0x80, v3, vm0, $0xb8;
	[tilespmem:$0x10400] =	vst v63  }
0x9a: {  	s12 =	simm.s32 $0x3800  }
0x9b: {  	[tilespmem:s12], [sflag:$0x1] =	stream.indirect_vreg.gather [hbm4b:s6+s2], $0x80, v3, vm0, $0xb8;
	[tilespmem:$0x10400] =	vst v63  }
0x9c: {  	v3 =	vld [tilespmem:$0x10090];
	_ =	sdelay $0x4  }
0x9d: {  	v37 =	vshll.u32 v3, $0x3  }
0x9e: {  	v3 =	vand.u32 $0x7, v3;
	v4 =	vand.u32 $0xFFFFFFC0, v37  }
0x9f: {  	v3 =	vor.u32 v3, v4  }
0xa0: {  	v4 =	vperm.xlane v3, v0;
	_ =	sdelay $0x1  }
0xa1: {  	v4 =	vadd.s32 v1, v4;
	_ =	sdelay $0x3  }
0xa2: {  	s14 =	simm.s32 $0x4000  }
0xa3: {  	[tilespmem:s14], [sflag:$0x1] =	stream.indirect_vreg.gather [hbm4b:s3+s2], $0x80, v4, vm0, $0xb8;
	[tilespmem:$0x10400] =	vst v63  }
0xa4: {  	s15 =	simm.s32 $0x4800;
	v3 =	vperm.xlane v3, v2  }
0xa5: {  	[tilespmem:s15], [sflag:$0x1] =	stream.indirect_vreg.gather [hbm4b:s4+s2], $0x80, v4, vm0, $0xb8;
	[tilespmem:$0x10400] =	vst v63  }
0xa6: {  	v3 =	vadd.s32 v1, v3;
	s15 =	simm.s32 $0x5000  }
0xa7: {  	[tilespmem:s15], [sflag:$0x1] =	stream.indirect_vreg.gather [hbm4b:s5+s2], $0x80, v4, vm0, $0xb8;
	[tilespmem:$0x10400] =	vst v63  }
0xa8: {  	s18 =	simm.s32 $0x5800  }
0xa9: {  	[tilespmem:s18], [sflag:$0x1] =	stream.indirect_vreg.gather [hbm4b:s6+s2], $0x80, v4, vm0, $0xb8;
	[tilespmem:$0x10400] =	vst v63  }
0xaa: {  	s9 =	simm.s32 $0x6000  }
0xab: {  	[tilespmem:s9], [sflag:$0x1] =	stream.indirect_vreg.gather [hbm4b:s3+s2], $0x80, v3, vm0, $0xb8;
	[tilespmem:$0x10400] =	vst v63  }
0xac: {  	s10 =	simm.s32 $0x6800  }
0xad: {  	[tilespmem:s10], [sflag:$0x1] =	stream.indirect_vreg.gather [hbm4b:s4+s2], $0x80, v3, vm0, $0xb8;
	[tilespmem:$0x10400] =	vst v63  }
0xae: {  	s11 =	simm.s32 $0x7000  }
0xaf: {  	[tilespmem:s11], [sflag:$0x1] =	stream.indirect_vreg.gather [hbm4b:s5+s2], $0x80, v3, vm0, $0xb8;
	[tilespmem:$0x10400] =	vst v63  }
0xb0: {  	s12 =	simm.s32 $0x7800  }
0xb1: {  	[tilespmem:s12], [sflag:$0x1] =	stream.indirect_vreg.gather [hbm4b:s6+s2], $0x80, v3, vm0, $0xb8;
	[tilespmem:$0x10400] =	vst v63  }
0xb2: {  	_ =	swait.ge [sflag:s24], $0x4000  }
0xb3: {  	[sflag:s24] =	ssyncset.done $0x0  }
0xb4: {  	[sflag:s24] =	ssyncadd.s32 $0xFFFFC000  }
0xb5: {  	_ =	swait.ge [sflag:s24], $0x4000  }
0xb6: {  	[sflag:s24] =	ssyncset.done $0x0  }
0xb7: {  	s8 =	rddreg [dreg:$0x5];
	[sflag:s24] =	ssyncadd.s32 $0xFFFFC000  }
0xb8: {  	[hbm4b:s8+s2] =	stream.linear.scatter [tilespmem:s2], [sflag:$0x2], $0x8000, $0x38;
	[tilespmem:$0x10400] =	vst v63  }
0xb9: {  	_ =	swait.ge [sflag:s16], $0x8000  }
0xba: {  	[sflag:s16] =	ssyncset.done $0x0  }
0xbb: {  	[sflag:s16] =	ssyncadd.s32 $0xFFFF8000  }
0xbc: {  	v3 =	vld [tilespmem:$0x100A0];
	_ =	sdelay $0x4  }
0xbd: {  	v38 =	vshll.u32 v3, $0x3  }
0xbe: {  	v3 =	vand.u32 $0x7, v3;
	v4 =	vand.u32 $0xFFFFFFC0, v38  }
0xbf: {  	v3 =	vor.u32 v3, v4  }
0xc0: {  	v4 =	vperm.xlane v3, v0;
	_ =	sdelay $0x1  }
0xc1: {  	v4 =	vadd.s32 v1, v4;
	_ =	sdelay $0x4  }
0xc2: {  	[tilespmem:s25], [sflag:$0x1] =	stream.indirect_vreg.gather [hbm4b:s3+s2], $0x80, v4, vm0, $0xb8;
	[tilespmem:$0x10400] =	vst v63  }
0xc3: {  	s1 =	simm.s32 $0x8800;
	v3 =	vperm.xlane v3, v2  }
0xc4: {  	[tilespmem:s1], [sflag:$0x1] =	stream.indirect_vreg.gather [hbm4b:s4+s2], $0x80, v4, vm0, $0xb8;
	[tilespmem:$0x10400] =	vst v63  }
0xc5: {  	s0 =	simm.s32 $0x9000;
	v3 =	vadd.s32 v1, v3  }
0xc6: {  	[tilespmem:s0], [sflag:$0x1] =	stream.indirect_vreg.gather [hbm4b:s5+s2], $0x80, v4, vm0, $0xb8;
	[tilespmem:$0x10400] =	vst v63  }
0xc7: {  	s1 =	simm.s32 $0x9800  }
0xc8: {  	[tilespmem:s1], [sflag:$0x1] =	stream.indirect_vreg.gather [hbm4b:s6+s2], $0x80, v4, vm0, $0xb8;
	[tilespmem:$0x10400] =	vst v63  }
0xc9: {  	s7 =	simm.s32 $0xA000  }
0xca: {  	[tilespmem:s7], [sflag:$0x1] =	stream.indirect_vreg.gather [hbm4b:s3+s2], $0x80, v3, vm0, $0xb8;
	[tilespmem:$0x10400] =	vst v63  }
0xcb: {  	s8 =	simm.s32 $0xA800  }
0xcc: {  	[tilespmem:s8], [sflag:$0x1] =	stream.indirect_vreg.gather [hbm4b:s4+s2], $0x80, v3, vm0, $0xb8;
	[tilespmem:$0x10400] =	vst v63  }
0xcd: {  	s26 =	simm.s32 $0xB000  }
0xce: {  	[tilespmem:s26], [sflag:$0x1] =	stream.indirect_vreg.gather [hbm4b:s5+s2], $0x80, v3, vm0, $0xb8;
	[tilespmem:$0x10400] =	vst v63  }
0xcf: {  	s20 =	simm.s32 $0xB800  }
0xd0: {  	[tilespmem:s20], [sflag:$0x1] =	stream.indirect_vreg.gather [hbm4b:s6+s2], $0x80, v3, vm0, $0xb8;
	[tilespmem:$0x10400] =	vst v63  }
0xd1: {  	v3 =	vld [tilespmem:$0x100B0];
	_ =	sdelay $0x4  }
0xd2: {  	v39 =	vshll.u32 v3, $0x3  }
0xd3: {  	v3 =	vand.u32 $0x7, v3;
	v4 =	vand.u32 $0xFFFFFFC0, v39  }
0xd4: {  	v3 =	vor.u32 v3, v4  }
0xd5: {  	v4 =	vperm.xlane v3, v0;
	_ =	sdelay $0x1  }
0xd6: {  	v4 =	vadd.s32 v1, v4;
	_ =	sdelay $0x3  }
0xd7: {  	s21 =	simm.s32 $0xC000  }
0xd8: {  	[tilespmem:s21], [sflag:$0x1] =	stream.indirect_vreg.gather [hbm4b:s3+s2], $0x80, v4, vm0, $0xb8;
	[tilespmem:$0x10400] =	vst v63  }
0xd9: {  	s23 =	simm.s32 $0xC800;
	v3 =	vperm.xlane v3, v2  }
0xda: {  	[tilespmem:s23], [sflag:$0x1] =	stream.indirect_vreg.gather [hbm4b:s4+s2], $0x80, v4, vm0, $0xb8;
	[tilespmem:$0x10400] =	vst v63  }
0xdb: {  	s30 =	simm.s32 $0xD000;
	v3 =	vadd.s32 v1, v3  }
0xdc: {  	[tilespmem:s30], [sflag:$0x1] =	stream.indirect_vreg.gather [hbm4b:s5+s2], $0x80, v4, vm0, $0xb8;
	[tilespmem:$0x10400] =	vst v63  }
0xdd: {  	s29 =	simm.s32 $0xD800  }
0xde: {  	[tilespmem:s29], [sflag:$0x1] =	stream.indirect_vreg.gather [hbm4b:s6+s2], $0x80, v4, vm0, $0xb8;
	[tilespmem:$0x10400] =	vst v63  }
0xdf: {  	s21 =	simm.s32 $0xE000  }
0xe0: {  	[tilespmem:s21], [sflag:$0x1] =	stream.indirect_vreg.gather [hbm4b:s3+s2], $0x80, v3, vm0, $0xb8;
	[tilespmem:$0x10400] =	vst v63  }
0xe1: {  	s29 =	simm.s32 $0xE800  }
0xe2: {  	[tilespmem:s29], [sflag:$0x1] =	stream.indirect_vreg.gather [hbm4b:s4+s2], $0x80, v3, vm0, $0xb8;
	[tilespmem:$0x10400] =	vst v63  }
0xe3: {  	s21 =	simm.s32 $0xF000  }
0xe4: {  	[tilespmem:s21], [sflag:$0x1] =	stream.indirect_vreg.gather [hbm4b:s5+s2], $0x80, v3, vm0, $0xb8;
	[tilespmem:$0x10400] =	vst v63  }
0xe5: {  	s19 =	simm.s32 $0xF800  }
0xe6: {  	[tilespmem:s19], [sflag:$0x1] =	stream.indirect_vreg.gather [hbm4b:s6+s2], $0x80, v3, vm0, $0xb8;
	[tilespmem:$0x10400] =	vst v63  }
0xe7: {  	_ =	swait.ge [sflag:s24], $0x4000  }
0xe8: {  	[sflag:s24] =	ssyncset.done $0x0  }
0xe9: {  	[sflag:s24] =	ssyncadd.s32 $0xFFFFC000  }
0xea: {  	_ =	swait.ge [sflag:s24], $0x4000  }
0xeb: {  	[sflag:s24] =	ssyncset.done $0x0  }
0xec: {  	s17 =	rddreg [dreg:$0x6];
	[sflag:s24] =	ssyncadd.s32 $0xFFFFC000  }
0xed: {  	[hbm4b:s17+s2] =	stream.linear.scatter [tilespmem:s25], [sflag:$0x2], $0x8000, $0x38;
	[tilespmem:$0x10400] =	vst v63  }
0xee: {  	_ =	swait.ge [sflag:s16], $0x8000  }
0xef: {  	[sflag:s16] =	ssyncset.done $0x0  }
0xf0: {  	[sflag:s16] =	ssyncadd.s32 $0xFFFF8000  }
0xf1: {  	v3 =	vld [tilespmem:$0x10100];
	_ =	sdelay $0x4  }
0xf2: {  	v40 =	vshll.u32 v3, $0x3  }
0xf3: {  	v3 =	vand.u32 $0x7, v3;
	v4 =	vand.u32 $0xFFFFFFC0, v40  }
0xf4: {  	v3 =	vor.u32 v3, v4  }
0xf5: {  	v4 =	vperm.xlane v3, v0;
	_ =	sdelay $0x1  }
0xf6: {  	v4 =	vadd.s32 v1, v4;
	_ =	sdelay $0x4  }
0xf7: {  	[tilespmem:s2], [sflag:$0x1] =	stream.indirect_vreg.gather [hbm4b:s3+s2], $0x80, v4, vm0, $0xb8;
	[tilespmem:$0x10400] =	vst v63  }
0xf8: {  	s17 =	simm.s32 $0x800;
	v3 =	vperm.xlane v3, v2  }
0xf9: {  	[tilespmem:s17], [sflag:$0x1] =	stream.indirect_vreg.gather [hbm4b:s4+s2], $0x80, v4, vm0, $0xb8;
	[tilespmem:$0x10400] =	vst v63  }
0xfa: {  	v3 =	vadd.s32 v1, v3;
	s17 =	simm.s32 $0x1000  }
0xfb: {  	[tilespmem:s17], [sflag:$0x1] =	stream.indirect_vreg.gather [hbm4b:s5+s2], $0x80, v4, vm0, $0xb8;
	[tilespmem:$0x10400] =	vst v63  }
0xfc: {  	s17 =	simm.s32 $0x1800  }
0xfd: {  	[tilespmem:s17], [sflag:$0x1] =	stream.indirect_vreg.gather [hbm4b:s6+s2], $0x80, v4, vm0, $0xb8;
	[tilespmem:$0x10400] =	vst v63  }
0xfe: {  	_ = 	snop  }
0xff: {  	[tilespmem:s13], [sflag:$0x1] =	stream.indirect_vreg.gather [hbm4b:s3+s2], $0x80, v3, vm0, $0xb8;
	[tilespmem:$0x10400] =	vst v63  }
0x100: {  	s17 =	simm.s32 $0x2800  }
0x101: {  	[tilespmem:s17], [sflag:$0x1] =	stream.indirect_vreg.gather [hbm4b:s4+s2], $0x80, v3, vm0, $0xb8;
	[tilespmem:$0x10400] =	vst v63  }
0x102: {  	s17 =	simm.s32 $0x3000  }
0x103: {  	[tilespmem:s17], [sflag:$0x1] =	stream.indirect_vreg.gather [hbm4b:s5+s2], $0x80, v3, vm0, $0xb8;
	[tilespmem:$0x10400] =	vst v63  }
0x104: {  	s17 =	simm.s32 $0x3800  }
0x105: {  	[tilespmem:s17], [sflag:$0x1] =	stream.indirect_vreg.gather [hbm4b:s6+s2], $0x80, v3, vm0, $0xb8;
	[tilespmem:$0x10400] =	vst v63  }
0x106: {  	v3 =	vld [tilespmem:$0x10110];
	_ =	sdelay $0x4  }
0x107: {  	v41 =	vshll.u32 v3, $0x3  }
0x108: {  	v3 =	vand.u32 $0x7, v3;
	v4 =	vand.u32 $0xFFFFFFC0, v41  }
0x109: {  	v3 =	vor.u32 v3, v4  }
0x10a: {  	v4 =	vperm.xlane v3, v0;
	_ =	sdelay $0x1  }
0x10b: {  	v4 =	vadd.s32 v1, v4;
	_ =	sdelay $0x4  }
0x10c: {  	[tilespmem:s14], [sflag:$0x1] =	stream.indirect_vreg.gather [hbm4b:s3+s2], $0x80, v4, vm0, $0xb8;
	[tilespmem:$0x10400] =	vst v63  }
0x10d: {  	s17 =	simm.s32 $0x4800;
	v3 =	vperm.xlane v3, v2  }
0x10e: {  	[tilespmem:s17], [sflag:$0x1] =	stream.indirect_vreg.gather [hbm4b:s4+s2], $0x80, v4, vm0, $0xb8;
	[tilespmem:$0x10400] =	vst v63  }
0x10f: {  	v3 =	vadd.s32 v1, v3  }
0x110: {  	[tilespmem:s15], [sflag:$0x1] =	stream.indirect_vreg.gather [hbm4b:s5+s2], $0x80, v4, vm0, $0xb8;
	[tilespmem:$0x10400] =	vst v63  }
0x111: {  	_ = 	snop  }
0x112: {  	[tilespmem:s18], [sflag:$0x1] =	stream.indirect_vreg.gather [hbm4b:s6+s2], $0x80, v4, vm0, $0xb8;
	[tilespmem:$0x10400] =	vst v63  }
0x113: {  	_ = 	snop  }
0x114: {  	[tilespmem:s9], [sflag:$0x1] =	stream.indirect_vreg.gather [hbm4b:s3+s2], $0x80, v3, vm0, $0xb8;
	[tilespmem:$0x10400] =	vst v63  }
0x115: {  	_ = 	snop  }
0x116: {  	[tilespmem:s10], [sflag:$0x1] =	stream.indirect_vreg.gather [hbm4b:s4+s2], $0x80, v3, vm0, $0xb8;
	[tilespmem:$0x10400] =	vst v63  }
0x117: {  	_ = 	snop  }
0x118: {  	[tilespmem:s11], [sflag:$0x1] =	stream.indirect_vreg.gather [hbm4b:s5+s2], $0x80, v3, vm0, $0xb8;
	[tilespmem:$0x10400] =	vst v63  }
0x119: {  	_ = 	snop  }
0x11a: {  	[tilespmem:s12], [sflag:$0x1] =	stream.indirect_vreg.gather [hbm4b:s6+s2], $0x80, v3, vm0, $0xb8;
	[tilespmem:$0x10400] =	vst v63  }
0x11b: {  	_ =	swait.ge [sflag:s24], $0x4000  }
0x11c: {  	[sflag:s24] =	ssyncset.done $0x0  }
0x11d: {  	[sflag:s24] =	ssyncadd.s32 $0xFFFFC000  }
0x11e: {  	_ =	swait.ge [sflag:s24], $0x4000  }
0x11f: {  	[sflag:s24] =	ssyncset.done $0x0  }
0x120: {  	s17 =	rddreg [dreg:$0x7];
	[sflag:s24] =	ssyncadd.s32 $0xFFFFC000  }
0x121: {  	[hbm4b:s17+s2] =	stream.linear.scatter [tilespmem:s2], [sflag:$0x2], $0x8000, $0x38;
	[tilespmem:$0x10400] =	vst v63  }
0x122: {  	_ =	swait.ge [sflag:s16], $0x8000  }
0x123: {  	[sflag:s16] =	ssyncset.done $0x0  }
0x124: {  	[sflag:s16] =	ssyncadd.s32 $0xFFFF8000  }
0x125: {  	v3 =	vld [tilespmem:$0x10120];
	_ =	sdelay $0x4  }
0x126: {  	v42 =	vshll.u32 v3, $0x3  }
0x127: {  	v3 =	vand.u32 $0x7, v3;
	v4 =	vand.u32 $0xFFFFFFC0, v42  }
0x128: {  	v3 =	vor.u32 v3, v4  }
0x129: {  	v4 =	vperm.xlane v3, v0;
	_ =	sdelay $0x1  }
0x12a: {  	v4 =	vadd.s32 v1, v4;
	_ =	sdelay $0x4  }
0x12b: {  	[tilespmem:s25], [sflag:$0x1] =	stream.indirect_vreg.gather [hbm4b:s3+s2], $0x80, v4, vm0, $0xb8;
	[tilespmem:$0x10400] =	vst v63  }
0x12c: {  	s17 =	simm.s32 $0x8800;
	v3 =	vperm.xlane v3, v2  }
0x12d: {  	[tilespmem:s17], [sflag:$0x1] =	stream.indirect_vreg.gather [hbm4b:s4+s2], $0x80, v4, vm0, $0xb8;
	[tilespmem:$0x10400] =	vst v63  }
0x12e: {  	v3 =	vadd.s32 v1, v3  }
0x12f: {  	[tilespmem:s0], [sflag:$0x1] =	stream.indirect_vreg.gather [hbm4b:s5+s2], $0x80, v4, vm0, $0xb8;
	[tilespmem:$0x10400] =	vst v63  }
0x130: {  	_ = 	snop  }
0x131: {  	[tilespmem:s1], [sflag:$0x1] =	stream.indirect_vreg.gather [hbm4b:s6+s2], $0x80, v4, vm0, $0xb8;
	[tilespmem:$0x10400] =	vst v63  }
0x132: {  	_ = 	snop  }
0x133: {  	[tilespmem:s7], [sflag:$0x1] =	stream.indirect_vreg.gather [hbm4b:s3+s2], $0x80, v3, vm0, $0xb8;
	[tilespmem:$0x10400] =	vst v63  }
0x134: {  	_ = 	snop  }
0x135: {  	[tilespmem:s8], [sflag:$0x1] =	stream.indirect_vreg.gather [hbm4b:s4+s2], $0x80, v3, vm0, $0xb8;
	[tilespmem:$0x10400] =	vst v63  }
0x136: {  	s26 =	simm.s32 $0xB000  }
0x137: {  	[tilespmem:s26], [sflag:$0x1] =	stream.indirect_vreg.gather [hbm4b:s5+s2], $0x80, v3, vm0, $0xb8;
	[tilespmem:$0x10400] =	vst v63  }
0x138: {  	s28 =	simm.s32 $0xB800  }
0x139: {  	[tilespmem:s28], [sflag:$0x1] =	stream.indirect_vreg.gather [hbm4b:s6+s2], $0x80, v3, vm0, $0xb8;
	[tilespmem:$0x10400] =	vst v63  }
0x13a: {  	v3 =	vld [tilespmem:$0x10130];
	_ =	sdelay $0x4  }
0x13b: {  	v43 =	vshll.u32 v3, $0x3  }
0x13c: {  	v3 =	vand.u32 $0x7, v3;
	v4 =	vand.u32 $0xFFFFFFC0, v43  }
0x13d: {  	v3 =	vor.u32 v3, v4  }
0x13e: {  	v4 =	vperm.xlane v3, v0;
	_ =	sdelay $0x1  }
0x13f: {  	v4 =	vadd.s32 v1, v4;
	_ =	sdelay $0x3  }
0x140: {  	s31 =	simm.s32 $0xC000  }
0x141: {  	[tilespmem:s31], [sflag:$0x1] =	stream.indirect_vreg.gather [hbm4b:s3+s2], $0x80, v4, vm0, $0xb8;
	[tilespmem:$0x10400] =	vst v63  }
0x142: {  	s17 =	simm.s32 $0xC800;
	v3 =	vperm.xlane v3, v2  }
0x143: {  	[tilespmem:s17], [sflag:$0x1] =	stream.indirect_vreg.gather [hbm4b:s4+s2], $0x80, v4, vm0, $0xb8;
	[tilespmem:$0x10400] =	vst v63  }
0x144: {  	s20 =	simm.s32 $0xD000;
	v3 =	vadd.s32 v1, v3  }
0x145: {  	[tilespmem:s20], [sflag:$0x1] =	stream.indirect_vreg.gather [hbm4b:s5+s2], $0x80, v4, vm0, $0xb8;
	[tilespmem:$0x10400] =	vst v63  }
0x146: {  	s23 =	simm.s32 $0xD800  }
0x147: {  	[tilespmem:s23], [sflag:$0x1] =	stream.indirect_vreg.gather [hbm4b:s6+s2], $0x80, v4, vm0, $0xb8;
	[tilespmem:$0x10400] =	vst v63  }
0x148: {  	s30 =	simm.s32 $0xE000  }
0x149: {  	[tilespmem:s30], [sflag:$0x1] =	stream.indirect_vreg.gather [hbm4b:s3+s2], $0x80, v3, vm0, $0xb8;
	[tilespmem:$0x10400] =	vst v63  }
0x14a: {  	s29 =	simm.s32 $0xE800  }
0x14b: {  	[tilespmem:s29], [sflag:$0x1] =	stream.indirect_vreg.gather [hbm4b:s4+s2], $0x80, v3, vm0, $0xb8;
	[tilespmem:$0x10400] =	vst v63  }
0x14c: {  	s21 =	simm.s32 $0xF000  }
0x14d: {  	[tilespmem:s21], [sflag:$0x1] =	stream.indirect_vreg.gather [hbm4b:s5+s2], $0x80, v3, vm0, $0xb8;
	[tilespmem:$0x10400] =	vst v63  }
0x14e: {  	s19 =	simm.s32 $0xF800  }
0x14f: {  	[tilespmem:s19], [sflag:$0x1] =	stream.indirect_vreg.gather [hbm4b:s6+s2], $0x80, v3, vm0, $0xb8;
	[tilespmem:$0x10400] =	vst v63  }
0x150: {  	_ =	swait.ge [sflag:s24], $0x4000  }
0x151: {  	[sflag:s24] =	ssyncset.done $0x0  }
0x152: {  	[sflag:s24] =	ssyncadd.s32 $0xFFFFC000  }
0x153: {  	_ =	swait.ge [sflag:s24], $0x4000  }
0x154: {  	[sflag:s24] =	ssyncset.done $0x0  }
0x155: {  	s17 =	rddreg [dreg:$0x8];
	[sflag:s24] =	ssyncadd.s32 $0xFFFFC000  }
0x156: {  	[hbm4b:s17+s2] =	stream.linear.scatter [tilespmem:s25], [sflag:$0x2], $0x8000, $0x38;
	[tilespmem:$0x10400] =	vst v63  }
0x157: {  	_ =	swait.ge [sflag:s16], $0x8000  }
0x158: {  	[sflag:s16] =	ssyncset.done $0x0  }
0x159: {  	[sflag:s16] =	ssyncadd.s32 $0xFFFF8000  }
0x15a: {  	v3 =	vld [tilespmem:$0x10180];
	_ =	sdelay $0x4  }
0x15b: {  	v44 =	vshll.u32 v3, $0x3  }
0x15c: {  	v3 =	vand.u32 $0x7, v3;
	v4 =	vand.u32 $0xFFFFFFC0, v44  }
0x15d: {  	v3 =	vor.u32 v3, v4  }
0x15e: {  	v4 =	vperm.xlane v3, v0;
	_ =	sdelay $0x1  }
0x15f: {  	v4 =	vadd.s32 v1, v4;
	_ =	sdelay $0x4  }
0x160: {  	[tilespmem:s2], [sflag:$0x1] =	stream.indirect_vreg.gather [hbm4b:s3+s2], $0x80, v4, vm0, $0xb8;
	[tilespmem:$0x10400] =	vst v63  }
0x161: {  	s17 =	simm.s32 $0x800;
	v3 =	vperm.xlane v3, v2  }
0x162: {  	[tilespmem:s17], [sflag:$0x1] =	stream.indirect_vreg.gather [hbm4b:s4+s2], $0x80, v4, vm0, $0xb8;
	[tilespmem:$0x10400] =	vst v63  }
0x163: {  	v3 =	vadd.s32 v1, v3;
	s17 =	simm.s32 $0x1000  }
0x164: {  	[tilespmem:s17], [sflag:$0x1] =	stream.indirect_vreg.gather [hbm4b:s5+s2], $0x80, v4, vm0, $0xb8;
	[tilespmem:$0x10400] =	vst v63  }
0x165: {  	s17 =	simm.s32 $0x1800  }
0x166: {  	[tilespmem:s17], [sflag:$0x1] =	stream.indirect_vreg.gather [hbm4b:s6+s2], $0x80, v4, vm0, $0xb8;
	[tilespmem:$0x10400] =	vst v63  }
0x167: {  	s13 =	simm.s32 $0x2000  }
0x168: {  	[tilespmem:s13], [sflag:$0x1] =	stream.indirect_vreg.gather [hbm4b:s3+s2], $0x80, v3, vm0, $0xb8;
	[tilespmem:$0x10400] =	vst v63  }
0x169: {  	s17 =	simm.s32 $0x2800  }
0x16a: {  	[tilespmem:s17], [sflag:$0x1] =	stream.indirect_vreg.gather [hbm4b:s4+s2], $0x80, v3, vm0, $0xb8;
	[tilespmem:$0x10400] =	vst v63  }
0x16b: {  	s17 =	simm.s32 $0x3000  }
0x16c: {  	[tilespmem:s17], [sflag:$0x1] =	stream.indirect_vreg.gather [hbm4b:s5+s2], $0x80, v3, vm0, $0xb8;
	[tilespmem:$0x10400] =	vst v63  }
0x16d: {  	s17 =	simm.s32 $0x3800  }
0x16e: {  	[tilespmem:s17], [sflag:$0x1] =	stream.indirect_vreg.gather [hbm4b:s6+s2], $0x80, v3, vm0, $0xb8;
	[tilespmem:$0x10400] =	vst v63  }
0x16f: {  	v3 =	vld [tilespmem:$0x10190];
	_ =	sdelay $0x4  }
0x170: {  	v45 =	vshll.u32 v3, $0x3  }
0x171: {  	v3 =	vand.u32 $0x7, v3;
	v4 =	vand.u32 $0xFFFFFFC0, v45  }
0x172: {  	v3 =	vor.u32 v3, v4  }
0x173: {  	v4 =	vperm.xlane v3, v0;
	_ =	sdelay $0x1  }
0x174: {  	v4 =	vadd.s32 v1, v4;
	_ =	sdelay $0x3  }
0x175: {  	s14 =	simm.s32 $0x4000  }
0x176: {  	[tilespmem:s14], [sflag:$0x1] =	stream.indirect_vreg.gather [hbm4b:s3+s2], $0x80, v4, vm0, $0xb8;
	[tilespmem:$0x10400] =	vst v63  }
0x177: {  	s17 =	simm.s32 $0x4800;
	v3 =	vperm.xlane v3, v2  }
0x178: {  	[tilespmem:s17], [sflag:$0x1] =	stream.indirect_vreg.gather [hbm4b:s4+s2], $0x80, v4, vm0, $0xb8;
	[tilespmem:$0x10400] =	vst v63  }
0x179: {  	s15 =	simm.s32 $0x5000;
	v3 =	vadd.s32 v1, v3  }
0x17a: {  	[tilespmem:s15], [sflag:$0x1] =	stream.indirect_vreg.gather [hbm4b:s5+s2], $0x80, v4, vm0, $0xb8;
	[tilespmem:$0x10400] =	vst v63  }
0x17b: {  	s18 =	simm.s32 $0x5800  }
0x17c: {  	[tilespmem:s18], [sflag:$0x1] =	stream.indirect_vreg.gather [hbm4b:s6+s2], $0x80, v4, vm0, $0xb8;
	[tilespmem:$0x10400] =	vst v63  }
0x17d: {  	s9 =	simm.s32 $0x6000  }
0x17e: {  	[tilespmem:s9], [sflag:$0x1] =	stream.indirect_vreg.gather [hbm4b:s3+s2], $0x80, v3, vm0, $0xb8;
	[tilespmem:$0x10400] =	vst v63  }
0x17f: {  	s10 =	simm.s32 $0x6800  }
0x180: {  	[tilespmem:s10], [sflag:$0x1] =	stream.indirect_vreg.gather [hbm4b:s4+s2], $0x80, v3, vm0, $0xb8;
	[tilespmem:$0x10400] =	vst v63  }
0x181: {  	s11 =	simm.s32 $0x7000  }
0x182: {  	[tilespmem:s11], [sflag:$0x1] =	stream.indirect_vreg.gather [hbm4b:s5+s2], $0x80, v3, vm0, $0xb8;
	[tilespmem:$0x10400] =	vst v63  }
0x183: {  	s12 =	simm.s32 $0x7800  }
0x184: {  	[tilespmem:s12], [sflag:$0x1] =	stream.indirect_vreg.gather [hbm4b:s6+s2], $0x80, v3, vm0, $0xb8;
	[tilespmem:$0x10400] =	vst v63  }
0x185: {  	_ =	swait.ge [sflag:s24], $0x4000  }
0x186: {  	[sflag:s24] =	ssyncset.done $0x0  }
0x187: {  	[sflag:s24] =	ssyncadd.s32 $0xFFFFC000  }
0x188: {  	_ =	swait.ge [sflag:s24], $0x4000  }
0x189: {  	[sflag:s24] =	ssyncset.done $0x0  }
0x18a: {  	s17 =	rddreg [dreg:$0x9];
	[sflag:s24] =	ssyncadd.s32 $0xFFFFC000  }
0x18b: {  	[hbm4b:s17+s2] =	stream.linear.scatter [tilespmem:s2], [sflag:$0x2], $0x8000, $0x38;
	[tilespmem:$0x10400] =	vst v63  }
0x18c: {  	_ =	swait.ge [sflag:s16], $0x8000  }
0x18d: {  	[sflag:s16] =	ssyncset.done $0x0  }
0x18e: {  	[sflag:s16] =	ssyncadd.s32 $0xFFFF8000  }
0x18f: {  	v3 =	vld [tilespmem:$0x101A0];
	_ =	sdelay $0x4  }
0x190: {  	v46 =	vshll.u32 v3, $0x3  }
0x191: {  	v3 =	vand.u32 $0x7, v3;
	v4 =	vand.u32 $0xFFFFFFC0, v46  }
0x192: {  	v3 =	vor.u32 v3, v4  }
0x193: {  	v4 =	vperm.xlane v3, v0;
	_ =	sdelay $0x1  }
0x194: {  	v4 =	vadd.s32 v1, v4;
	_ =	sdelay $0x4  }
0x195: {  	[tilespmem:s25], [sflag:$0x1] =	stream.indirect_vreg.gather [hbm4b:s3+s2], $0x80, v4, vm0, $0xb8;
	[tilespmem:$0x10400] =	vst v63  }
0x196: {  	s17 =	simm.s32 $0x8800;
	v3 =	vperm.xlane v3, v2  }
0x197: {  	[tilespmem:s17], [sflag:$0x1] =	stream.indirect_vreg.gather [hbm4b:s4+s2], $0x80, v4, vm0, $0xb8;
	[tilespmem:$0x10400] =	vst v63  }
0x198: {  	s0 =	simm.s32 $0x9000;
	v3 =	vadd.s32 v1, v3  }
0x199: {  	[tilespmem:s0], [sflag:$0x1] =	stream.indirect_vreg.gather [hbm4b:s5+s2], $0x80, v4, vm0, $0xb8;
	[tilespmem:$0x10400] =	vst v63  }
0x19a: {  	s1 =	simm.s32 $0x9800  }
0x19b: {  	[tilespmem:s1], [sflag:$0x1] =	stream.indirect_vreg.gather [hbm4b:s6+s2], $0x80, v4, vm0, $0xb8;
	[tilespmem:$0x10400] =	vst v63  }
0x19c: {  	s7 =	simm.s32 $0xA000  }
0x19d: {  	[tilespmem:s7], [sflag:$0x1] =	stream.indirect_vreg.gather [hbm4b:s3+s2], $0x80, v3, vm0, $0xb8;
	[tilespmem:$0x10400] =	vst v63  }
0x19e: {  	s8 =	simm.s32 $0xA800  }
0x19f: {  	[tilespmem:s8], [sflag:$0x1] =	stream.indirect_vreg.gather [hbm4b:s4+s2], $0x80, v3, vm0, $0xb8;
	[tilespmem:$0x10400] =	vst v63  }
0x1a0: {  	s26 =	simm.s32 $0xB000  }
0x1a1: {  	[tilespmem:s26], [sflag:$0x1] =	stream.indirect_vreg.gather [hbm4b:s5+s2], $0x80, v3, vm0, $0xb8;
	[tilespmem:$0x10400] =	vst v63  }
0x1a2: {  	s28 =	simm.s32 $0xB800  }
0x1a3: {  	[tilespmem:s28], [sflag:$0x1] =	stream.indirect_vreg.gather [hbm4b:s6+s2], $0x80, v3, vm0, $0xb8;
	[tilespmem:$0x10400] =	vst v63  }
0x1a4: {  	v3 =	vld [tilespmem:$0x101B0];
	_ =	sdelay $0x4  }
0x1a5: {  	v47 =	vshll.u32 v3, $0x3  }
0x1a6: {  	v3 =	vand.u32 $0x7, v3;
	v4 =	vand.u32 $0xFFFFFFC0, v47  }
0x1a7: {  	v3 =	vor.u32 v3, v4  }
0x1a8: {  	v4 =	vperm.xlane v3, v0;
	_ =	sdelay $0x1  }
0x1a9: {  	v4 =	vadd.s32 v1, v4;
	_ =	sdelay $0x3  }
0x1aa: {  	s31 =	simm.s32 $0xC000  }
0x1ab: {  	[tilespmem:s31], [sflag:$0x1] =	stream.indirect_vreg.gather [hbm4b:s3+s2], $0x80, v4, vm0, $0xb8;
	[tilespmem:$0x10400] =	vst v63  }
0x1ac: {  	s17 =	simm.s32 $0xC800;
	v3 =	vperm.xlane v3, v2  }
0x1ad: {  	[tilespmem:s17], [sflag:$0x1] =	stream.indirect_vreg.gather [hbm4b:s4+s2], $0x80, v4, vm0, $0xb8;
	[tilespmem:$0x10400] =	vst v63  }
0x1ae: {  	s20 =	simm.s32 $0xD000;
	v3 =	vadd.s32 v1, v3  }
0x1af: {  	[tilespmem:s20], [sflag:$0x1] =	stream.indirect_vreg.gather [hbm4b:s5+s2], $0x80, v4, vm0, $0xb8;
	[tilespmem:$0x10400] =	vst v63  }
0x1b0: {  	s23 =	simm.s32 $0xD800  }
0x1b1: {  	[tilespmem:s23], [sflag:$0x1] =	stream.indirect_vreg.gather [hbm4b:s6+s2], $0x80, v4, vm0, $0xb8;
	[tilespmem:$0x10400] =	vst v63  }
0x1b2: {  	s30 =	simm.s32 $0xE000  }
0x1b3: {  	[tilespmem:s30], [sflag:$0x1] =	stream.indirect_vreg.gather [hbm4b:s3+s2], $0x80, v3, vm0, $0xb8;
	[tilespmem:$0x10400] =	vst v63  }
0x1b4: {  	s29 =	simm.s32 $0xE800  }
0x1b5: {  	[tilespmem:s29], [sflag:$0x1] =	stream.indirect_vreg.gather [hbm4b:s4+s2], $0x80, v3, vm0, $0xb8;
	[tilespmem:$0x10400] =	vst v63  }
0x1b6: {  	s21 =	simm.s32 $0xF000  }
0x1b7: {  	[tilespmem:s21], [sflag:$0x1] =	stream.indirect_vreg.gather [hbm4b:s5+s2], $0x80, v3, vm0, $0xb8;
	[tilespmem:$0x10400] =	vst v63  }
0x1b8: {  	s19 =	simm.s32 $0xF800  }
0x1b9: {  	[tilespmem:s19], [sflag:$0x1] =	stream.indirect_vreg.gather [hbm4b:s6+s2], $0x80, v3, vm0, $0xb8;
	[tilespmem:$0x10400] =	vst v63  }
0x1ba: {  	_ =	swait.ge [sflag:s24], $0x4000  }
0x1bb: {  	[sflag:s24] =	ssyncset.done $0x0  }
0x1bc: {  	[sflag:s24] =	ssyncadd.s32 $0xFFFFC000  }
0x1bd: {  	_ =	swait.ge [sflag:s24], $0x4000  }
0x1be: {  	[sflag:s24] =	ssyncset.done $0x0  }
0x1bf: {  	s17 =	rddreg [dreg:$0xa];
	[sflag:s24] =	ssyncadd.s32 $0xFFFFC000  }
0x1c0: {  	[hbm4b:s17+s2] =	stream.linear.scatter [tilespmem:s25], [sflag:$0x2], $0x8000, $0x38;
	[tilespmem:$0x10400] =	vst v63  }
0x1c1: {  	_ =	swait.ge [sflag:s16], $0x8000  }
0x1c2: {  	[sflag:s16] =	ssyncset.done $0x0  }
0x1c3: {  	[sflag:s16] =	ssyncadd.s32 $0xFFFF8000  }
0x1c4: {  	v3 =	vld [tilespmem:$0x10200];
	_ =	sdelay $0x4  }
0x1c5: {  	v48 =	vshll.u32 v3, $0x3  }
0x1c6: {  	v3 =	vand.u32 $0x7, v3;
	v4 =	vand.u32 $0xFFFFFFC0, v48  }
0x1c7: {  	v3 =	vor.u32 v3, v4  }
0x1c8: {  	v4 =	vperm.xlane v3, v0;
	_ =	sdelay $0x1  }
0x1c9: {  	v4 =	vadd.s32 v1, v4;
	_ =	sdelay $0x4  }
0x1ca: {  	[tilespmem:s2], [sflag:$0x1] =	stream.indirect_vreg.gather [hbm4b:s3+s2], $0x80, v4, vm0, $0xb8;
	[tilespmem:$0x10400] =	vst v63  }
0x1cb: {  	s17 =	simm.s32 $0x800;
	v3 =	vperm.xlane v3, v2  }
0x1cc: {  	[tilespmem:s17], [sflag:$0x1] =	stream.indirect_vreg.gather [hbm4b:s4+s2], $0x80, v4, vm0, $0xb8;
	[tilespmem:$0x10400] =	vst v63  }
0x1cd: {  	v3 =	vadd.s32 v1, v3;
	s17 =	simm.s32 $0x1000  }
0x1ce: {  	[tilespmem:s17], [sflag:$0x1] =	stream.indirect_vreg.gather [hbm4b:s5+s2], $0x80, v4, vm0, $0xb8;
	[tilespmem:$0x10400] =	vst v63  }
0x1cf: {  	s17 =	simm.s32 $0x1800  }
0x1d0: {  	[tilespmem:s17], [sflag:$0x1] =	stream.indirect_vreg.gather [hbm4b:s6+s2], $0x80, v4, vm0, $0xb8;
	[tilespmem:$0x10400] =	vst v63  }
0x1d1: {  	s13 =	simm.s32 $0x2000  }
0x1d2: {  	[tilespmem:s13], [sflag:$0x1] =	stream.indirect_vreg.gather [hbm4b:s3+s2], $0x80, v3, vm0, $0xb8;
	[tilespmem:$0x10400] =	vst v63  }
0x1d3: {  	s17 =	simm.s32 $0x2800  }
0x1d4: {  	[tilespmem:s17], [sflag:$0x1] =	stream.indirect_vreg.gather [hbm4b:s4+s2], $0x80, v3, vm0, $0xb8;
	[tilespmem:$0x10400] =	vst v63  }
0x1d5: {  	s17 =	simm.s32 $0x3000  }
0x1d6: {  	[tilespmem:s17], [sflag:$0x1] =	stream.indirect_vreg.gather [hbm4b:s5+s2], $0x80, v3, vm0, $0xb8;
	[tilespmem:$0x10400] =	vst v63  }
0x1d7: {  	s17 =	simm.s32 $0x3800  }
0x1d8: {  	[tilespmem:s17], [sflag:$0x1] =	stream.indirect_vreg.gather [hbm4b:s6+s2], $0x80, v3, vm0, $0xb8;
	[tilespmem:$0x10400] =	vst v63  }
0x1d9: {  	v3 =	vld [tilespmem:$0x10210];
	_ =	sdelay $0x4  }
0x1da: {  	v49 =	vshll.u32 v3, $0x3  }
0x1db: {  	v3 =	vand.u32 $0x7, v3;
	v4 =	vand.u32 $0xFFFFFFC0, v49  }
0x1dc: {  	v3 =	vor.u32 v3, v4  }
0x1dd: {  	v4 =	vperm.xlane v3, v0;
	_ =	sdelay $0x1  }
0x1de: {  	v4 =	vadd.s32 v1, v4;
	_ =	sdelay $0x3  }
0x1df: {  	s14 =	simm.s32 $0x4000  }
0x1e0: {  	[tilespmem:s14], [sflag:$0x1] =	stream.indirect_vreg.gather [hbm4b:s3+s2], $0x80, v4, vm0, $0xb8;
	[tilespmem:$0x10400] =	vst v63  }
0x1e1: {  	s17 =	simm.s32 $0x4800;
	v3 =	vperm.xlane v3, v2  }
0x1e2: {  	[tilespmem:s17], [sflag:$0x1] =	stream.indirect_vreg.gather [hbm4b:s4+s2], $0x80, v4, vm0, $0xb8;
	[tilespmem:$0x10400] =	vst v63  }
0x1e3: {  	s15 =	simm.s32 $0x5000;
	v3 =	vadd.s32 v1, v3  }
0x1e4: {  	[tilespmem:s15], [sflag:$0x1] =	stream.indirect_vreg.gather [hbm4b:s5+s2], $0x80, v4, vm0, $0xb8;
	[tilespmem:$0x10400] =	vst v63  }
0x1e5: {  	s18 =	simm.s32 $0x5800  }
0x1e6: {  	[tilespmem:s18], [sflag:$0x1] =	stream.indirect_vreg.gather [hbm4b:s6+s2], $0x80, v4, vm0, $0xb8;
	[tilespmem:$0x10400] =	vst v63  }
0x1e7: {  	s9 =	simm.s32 $0x6000  }
0x1e8: {  	[tilespmem:s9], [sflag:$0x1] =	stream.indirect_vreg.gather [hbm4b:s3+s2], $0x80, v3, vm0, $0xb8;
	[tilespmem:$0x10400] =	vst v63  }
0x1e9: {  	s10 =	simm.s32 $0x6800  }
0x1ea: {  	[tilespmem:s10], [sflag:$0x1] =	stream.indirect_vreg.gather [hbm4b:s4+s2], $0x80, v3, vm0, $0xb8;
	[tilespmem:$0x10400] =	vst v63  }
0x1eb: {  	s11 =	simm.s32 $0x7000  }
0x1ec: {  	[tilespmem:s11], [sflag:$0x1] =	stream.indirect_vreg.gather [hbm4b:s5+s2], $0x80, v3, vm0, $0xb8;
	[tilespmem:$0x10400] =	vst v63  }
0x1ed: {  	s12 =	simm.s32 $0x7800  }
0x1ee: {  	[tilespmem:s12], [sflag:$0x1] =	stream.indirect_vreg.gather [hbm4b:s6+s2], $0x80, v3, vm0, $0xb8;
	[tilespmem:$0x10400] =	vst v63  }
0x1ef: {  	_ =	swait.ge [sflag:s24], $0x4000  }
0x1f0: {  	[sflag:s24] =	ssyncset.done $0x0  }
0x1f1: {  	[sflag:s24] =	ssyncadd.s32 $0xFFFFC000  }
0x1f2: {  	_ =	swait.ge [sflag:s24], $0x4000  }
0x1f3: {  	[sflag:s24] =	ssyncset.done $0x0  }
0x1f4: {  	s17 =	rddreg [dreg:$0xb];
	[sflag:s24] =	ssyncadd.s32 $0xFFFFC000  }
0x1f5: {  	[hbm4b:s17+s2] =	stream.linear.scatter [tilespmem:s2], [sflag:$0x2], $0x8000, $0x38;
	[tilespmem:$0x10400] =	vst v63  }
0x1f6: {  	_ =	swait.ge [sflag:s16], $0x8000  }
0x1f7: {  	[sflag:s16] =	ssyncset.done $0x0  }
0x1f8: {  	[sflag:s16] =	ssyncadd.s32 $0xFFFF8000  }
0x1f9: {  	v3 =	vld [tilespmem:$0x10220];
	_ =	sdelay $0x4  }
0x1fa: {  	v50 =	vshll.u32 v3, $0x3  }
0x1fb: {  	v3 =	vand.u32 $0x7, v3;
	v4 =	vand.u32 $0xFFFFFFC0, v50  }
0x1fc: {  	v3 =	vor.u32 v3, v4  }
0x1fd: {  	v4 =	vperm.xlane v3, v0;
	_ =	sdelay $0x1  }
0x1fe: {  	v4 =	vadd.s32 v1, v4;
	_ =	sdelay $0x4  }
0x1ff: {  	[tilespmem:s25], [sflag:$0x1] =	stream.indirect_vreg.gather [hbm4b:s3+s2], $0x80, v4, vm0, $0xb8;
	[tilespmem:$0x10400] =	vst v63  }
0x200: {  	s17 =	simm.s32 $0x8800;
	v3 =	vperm.xlane v3, v2  }
0x201: {  	[tilespmem:s17], [sflag:$0x1] =	stream.indirect_vreg.gather [hbm4b:s4+s2], $0x80, v4, vm0, $0xb8;
	[tilespmem:$0x10400] =	vst v63  }
0x202: {  	s0 =	simm.s32 $0x9000;
	v3 =	vadd.s32 v1, v3  }
0x203: {  	[tilespmem:s0], [sflag:$0x1] =	stream.indirect_vreg.gather [hbm4b:s5+s2], $0x80, v4, vm0, $0xb8;
	[tilespmem:$0x10400] =	vst v63  }
0x204: {  	s1 =	simm.s32 $0x9800  }
0x205: {  	[tilespmem:s1], [sflag:$0x1] =	stream.indirect_vreg.gather [hbm4b:s6+s2], $0x80, v4, vm0, $0xb8;
	[tilespmem:$0x10400] =	vst v63  }
0x206: {  	s7 =	simm.s32 $0xA000  }
0x207: {  	[tilespmem:s7], [sflag:$0x1] =	stream.indirect_vreg.gather [hbm4b:s3+s2], $0x80, v3, vm0, $0xb8;
	[tilespmem:$0x10400] =	vst v63  }
0x208: {  	s8 =	simm.s32 $0xA800  }
0x209: {  	[tilespmem:s8], [sflag:$0x1] =	stream.indirect_vreg.gather [hbm4b:s4+s2], $0x80, v3, vm0, $0xb8;
	[tilespmem:$0x10400] =	vst v63  }
0x20a: {  	s26 =	simm.s32 $0xB000  }
0x20b: {  	[tilespmem:s26], [sflag:$0x1] =	stream.indirect_vreg.gather [hbm4b:s5+s2], $0x80, v3, vm0, $0xb8;
	[tilespmem:$0x10400] =	vst v63  }
0x20c: {  	s28 =	simm.s32 $0xB800  }
0x20d: {  	[tilespmem:s28], [sflag:$0x1] =	stream.indirect_vreg.gather [hbm4b:s6+s2], $0x80, v3, vm0, $0xb8;
	[tilespmem:$0x10400] =	vst v63  }
0x20e: {  	v3 =	vld [tilespmem:$0x10230];
	_ =	sdelay $0x4  }
0x20f: {  	v51 =	vshll.u32 v3, $0x3  }
0x210: {  	v3 =	vand.u32 $0x7, v3;
	v4 =	vand.u32 $0xFFFFFFC0, v51  }
0x211: {  	v3 =	vor.u32 v3, v4  }
0x212: {  	v4 =	vperm.xlane v3, v0;
	_ =	sdelay $0x1  }
0x213: {  	v4 =	vadd.s32 v1, v4;
	_ =	sdelay $0x3  }
0x214: {  	s31 =	simm.s32 $0xC000  }
0x215: {  	[tilespmem:s31], [sflag:$0x1] =	stream.indirect_vreg.gather [hbm4b:s3+s2], $0x80, v4, vm0, $0xb8;
	[tilespmem:$0x10400] =	vst v63  }
0x216: {  	s17 =	simm.s32 $0xC800;
	v3 =	vperm.xlane v3, v2  }
0x217: {  	[tilespmem:s17], [sflag:$0x1] =	stream.indirect_vreg.gather [hbm4b:s4+s2], $0x80, v4, vm0, $0xb8;
	[tilespmem:$0x10400] =	vst v63  }
0x218: {  	s20 =	simm.s32 $0xD000;
	v3 =	vadd.s32 v1, v3  }
0x219: {  	[tilespmem:s20], [sflag:$0x1] =	stream.indirect_vreg.gather [hbm4b:s5+s2], $0x80, v4, vm0, $0xb8;
	[tilespmem:$0x10400] =	vst v63  }
0x21a: {  	s23 =	simm.s32 $0xD800  }
0x21b: {  	[tilespmem:s23], [sflag:$0x1] =	stream.indirect_vreg.gather [hbm4b:s6+s2], $0x80, v4, vm0, $0xb8;
	[tilespmem:$0x10400] =	vst v63  }
0x21c: {  	s30 =	simm.s32 $0xE000  }
0x21d: {  	[tilespmem:s30], [sflag:$0x1] =	stream.indirect_vreg.gather [hbm4b:s3+s2], $0x80, v3, vm0, $0xb8;
	[tilespmem:$0x10400] =	vst v63  }
0x21e: {  	s29 =	simm.s32 $0xE800  }
0x21f: {  	[tilespmem:s29], [sflag:$0x1] =	stream.indirect_vreg.gather [hbm4b:s4+s2], $0x80, v3, vm0, $0xb8;
	[tilespmem:$0x10400] =	vst v63  }
0x220: {  	s21 =	simm.s32 $0xF000  }
0x221: {  	[tilespmem:s21], [sflag:$0x1] =	stream.indirect_vreg.gather [hbm4b:s5+s2], $0x80, v3, vm0, $0xb8;
	[tilespmem:$0x10400] =	vst v63  }
0x222: {  	s19 =	simm.s32 $0xF800  }
0x223: {  	[tilespmem:s19], [sflag:$0x1] =	stream.indirect_vreg.gather [hbm4b:s6+s2], $0x80, v3, vm0, $0xb8;
	[tilespmem:$0x10400] =	vst v63  }
0x224: {  	_ =	swait.ge [sflag:s24], $0x4000  }
0x225: {  	[sflag:s24] =	ssyncset.done $0x0  }
0x226: {  	[sflag:s24] =	ssyncadd.s32 $0xFFFFC000  }
0x227: {  	_ =	swait.ge [sflag:s24], $0x4000  }
0x228: {  	[sflag:s24] =	ssyncset.done $0x0  }
0x229: {  	s17 =	rddreg [dreg:$0xc];
	[sflag:s24] =	ssyncadd.s32 $0xFFFFC000  }
0x22a: {  	[hbm4b:s17+s2] =	stream.linear.scatter [tilespmem:s25], [sflag:$0x2], $0x8000, $0x38;
	[tilespmem:$0x10400] =	vst v63  }
0x22b: {  	_ =	swait.ge [sflag:s16], $0x8000  }
0x22c: {  	[sflag:s16] =	ssyncset.done $0x0  }
0x22d: {  	[sflag:s16] =	ssyncadd.s32 $0xFFFF8000  }
0x22e: {  	v3 =	vld [tilespmem:$0x10280];
	_ =	sdelay $0x4  }
0x22f: {  	v52 =	vshll.u32 v3, $0x3  }
0x230: {  	v3 =	vand.u32 $0x7, v3;
	v4 =	vand.u32 $0xFFFFFFC0, v52  }
0x231: {  	v3 =	vor.u32 v3, v4  }
0x232: {  	v4 =	vperm.xlane v3, v0;
	_ =	sdelay $0x1  }
0x233: {  	v4 =	vadd.s32 v1, v4;
	_ =	sdelay $0x4  }
0x234: {  	[tilespmem:s2], [sflag:$0x1] =	stream.indirect_vreg.gather [hbm4b:s3+s2], $0x80, v4, vm0, $0xb8;
	[tilespmem:$0x10400] =	vst v63  }
0x235: {  	s17 =	simm.s32 $0x800;
	v3 =	vperm.xlane v3, v2  }
0x236: {  	[tilespmem:s17], [sflag:$0x1] =	stream.indirect_vreg.gather [hbm4b:s4+s2], $0x80, v4, vm0, $0xb8;
	[tilespmem:$0x10400] =	vst v63  }
0x237: {  	v3 =	vadd.s32 v1, v3;
	s17 =	simm.s32 $0x1000  }
0x238: {  	[tilespmem:s17], [sflag:$0x1] =	stream.indirect_vreg.gather [hbm4b:s5+s2], $0x80, v4, vm0, $0xb8;
	[tilespmem:$0x10400] =	vst v63  }
0x239: {  	s17 =	simm.s32 $0x1800  }
0x23a: {  	[tilespmem:s17], [sflag:$0x1] =	stream.indirect_vreg.gather [hbm4b:s6+s2], $0x80, v4, vm0, $0xb8;
	[tilespmem:$0x10400] =	vst v63  }
0x23b: {  	s13 =	simm.s32 $0x2000  }
0x23c: {  	[tilespmem:s13], [sflag:$0x1] =	stream.indirect_vreg.gather [hbm4b:s3+s2], $0x80, v3, vm0, $0xb8;
	[tilespmem:$0x10400] =	vst v63  }
0x23d: {  	s17 =	simm.s32 $0x2800  }
0x23e: {  	[tilespmem:s17], [sflag:$0x1] =	stream.indirect_vreg.gather [hbm4b:s4+s2], $0x80, v3, vm0, $0xb8;
	[tilespmem:$0x10400] =	vst v63  }
0x23f: {  	s17 =	simm.s32 $0x3000  }
0x240: {  	[tilespmem:s17], [sflag:$0x1] =	stream.indirect_vreg.gather [hbm4b:s5+s2], $0x80, v3, vm0, $0xb8;
	[tilespmem:$0x10400] =	vst v63  }
0x241: {  	s17 =	simm.s32 $0x3800  }
0x242: {  	[tilespmem:s17], [sflag:$0x1] =	stream.indirect_vreg.gather [hbm4b:s6+s2], $0x80, v3, vm0, $0xb8;
	[tilespmem:$0x10400] =	vst v63  }
0x243: {  	v3 =	vld [tilespmem:$0x10290];
	_ =	sdelay $0x4  }
0x244: {  	v53 =	vshll.u32 v3, $0x3  }
0x245: {  	v3 =	vand.u32 $0x7, v3;
	v4 =	vand.u32 $0xFFFFFFC0, v53  }
0x246: {  	v3 =	vor.u32 v3, v4  }
0x247: {  	v4 =	vperm.xlane v3, v0;
	_ =	sdelay $0x1  }
0x248: {  	v4 =	vadd.s32 v1, v4;
	_ =	sdelay $0x3  }
0x249: {  	s14 =	simm.s32 $0x4000  }
0x24a: {  	[tilespmem:s14], [sflag:$0x1] =	stream.indirect_vreg.gather [hbm4b:s3+s2], $0x80, v4, vm0, $0xb8;
	[tilespmem:$0x10400] =	vst v63  }
0x24b: {  	s17 =	simm.s32 $0x4800;
	v3 =	vperm.xlane v3, v2  }
0x24c: {  	[tilespmem:s17], [sflag:$0x1] =	stream.indirect_vreg.gather [hbm4b:s4+s2], $0x80, v4, vm0, $0xb8;
	[tilespmem:$0x10400] =	vst v63  }
0x24d: {  	s15 =	simm.s32 $0x5000;
	v3 =	vadd.s32 v1, v3  }
0x24e: {  	[tilespmem:s15], [sflag:$0x1] =	stream.indirect_vreg.gather [hbm4b:s5+s2], $0x80, v4, vm0, $0xb8;
	[tilespmem:$0x10400] =	vst v63  }
0x24f: {  	s18 =	simm.s32 $0x5800  }
0x250: {  	[tilespmem:s18], [sflag:$0x1] =	stream.indirect_vreg.gather [hbm4b:s6+s2], $0x80, v4, vm0, $0xb8;
	[tilespmem:$0x10400] =	vst v63  }
0x251: {  	s9 =	simm.s32 $0x6000  }
0x252: {  	[tilespmem:s9], [sflag:$0x1] =	stream.indirect_vreg.gather [hbm4b:s3+s2], $0x80, v3, vm0, $0xb8;
	[tilespmem:$0x10400] =	vst v63  }
0x253: {  	s10 =	simm.s32 $0x6800  }
0x254: {  	[tilespmem:s10], [sflag:$0x1] =	stream.indirect_vreg.gather [hbm4b:s4+s2], $0x80, v3, vm0, $0xb8;
	[tilespmem:$0x10400] =	vst v63  }
0x255: {  	s11 =	simm.s32 $0x7000  }
0x256: {  	[tilespmem:s11], [sflag:$0x1] =	stream.indirect_vreg.gather [hbm4b:s5+s2], $0x80, v3, vm0, $0xb8;
	[tilespmem:$0x10400] =	vst v63  }
0x257: {  	s12 =	simm.s32 $0x7800  }
0x258: {  	[tilespmem:s12], [sflag:$0x1] =	stream.indirect_vreg.gather [hbm4b:s6+s2], $0x80, v3, vm0, $0xb8;
	[tilespmem:$0x10400] =	vst v63  }
0x259: {  	_ =	swait.ge [sflag:s24], $0x4000  }
0x25a: {  	[sflag:s24] =	ssyncset.done $0x0  }
0x25b: {  	[sflag:s24] =	ssyncadd.s32 $0xFFFFC000  }
0x25c: {  	_ =	swait.ge [sflag:s24], $0x4000  }
0x25d: {  	[sflag:s24] =	ssyncset.done $0x0  }
0x25e: {  	s17 =	rddreg [dreg:$0xd];
	[sflag:s24] =	ssyncadd.s32 $0xFFFFC000  }
0x25f: {  	[hbm4b:s17+s2] =	stream.linear.scatter [tilespmem:s2], [sflag:$0x2], $0x8000, $0x38;
	[tilespmem:$0x10400] =	vst v63  }
0x260: {  	_ =	swait.ge [sflag:s16], $0x8000  }
0x261: {  	[sflag:s16] =	ssyncset.done $0x0  }
0x262: {  	[sflag:s16] =	ssyncadd.s32 $0xFFFF8000  }
0x263: {  	v3 =	vld [tilespmem:$0x102A0];
	_ =	sdelay $0x4  }
0x264: {  	v54 =	vshll.u32 v3, $0x3  }
0x265: {  	v3 =	vand.u32 $0x7, v3;
	v4 =	vand.u32 $0xFFFFFFC0, v54  }
0x266: {  	v3 =	vor.u32 v3, v4  }
0x267: {  	v4 =	vperm.xlane v3, v0;
	_ =	sdelay $0x1  }
0x268: {  	v4 =	vadd.s32 v1, v4;
	_ =	sdelay $0x4  }
0x269: {  	[tilespmem:s25], [sflag:$0x1] =	stream.indirect_vreg.gather [hbm4b:s3+s2], $0x80, v4, vm0, $0xb8;
	[tilespmem:$0x10400] =	vst v63  }
0x26a: {  	s17 =	simm.s32 $0x8800;
	v3 =	vperm.xlane v3, v2  }
0x26b: {  	[tilespmem:s17], [sflag:$0x1] =	stream.indirect_vreg.gather [hbm4b:s4+s2], $0x80, v4, vm0, $0xb8;
	[tilespmem:$0x10400] =	vst v63  }
0x26c: {  	s0 =	simm.s32 $0x9000;
	v3 =	vadd.s32 v1, v3  }
0x26d: {  	[tilespmem:s0], [sflag:$0x1] =	stream.indirect_vreg.gather [hbm4b:s5+s2], $0x80, v4, vm0, $0xb8;
	[tilespmem:$0x10400] =	vst v63  }
0x26e: {  	s1 =	simm.s32 $0x9800  }
0x26f: {  	[tilespmem:s1], [sflag:$0x1] =	stream.indirect_vreg.gather [hbm4b:s6+s2], $0x80, v4, vm0, $0xb8;
	[tilespmem:$0x10400] =	vst v63  }
0x270: {  	s7 =	simm.s32 $0xA000  }
0x271: {  	[tilespmem:s7], [sflag:$0x1] =	stream.indirect_vreg.gather [hbm4b:s3+s2], $0x80, v3, vm0, $0xb8;
	[tilespmem:$0x10400] =	vst v63  }
0x272: {  	s8 =	simm.s32 $0xA800  }
0x273: {  	[tilespmem:s8], [sflag:$0x1] =	stream.indirect_vreg.gather [hbm4b:s4+s2], $0x80, v3, vm0, $0xb8;
	[tilespmem:$0x10400] =	vst v63  }
0x274: {  	s26 =	simm.s32 $0xB000  }
0x275: {  	[tilespmem:s26], [sflag:$0x1] =	stream.indirect_vreg.gather [hbm4b:s5+s2], $0x80, v3, vm0, $0xb8;
	[tilespmem:$0x10400] =	vst v63  }
0x276: {  	s28 =	simm.s32 $0xB800  }
0x277: {  	[tilespmem:s28], [sflag:$0x1] =	stream.indirect_vreg.gather [hbm4b:s6+s2], $0x80, v3, vm0, $0xb8;
	[tilespmem:$0x10400] =	vst v63  }
0x278: {  	v3 =	vld [tilespmem:$0x102B0];
	_ =	sdelay $0x4  }
0x279: {  	v55 =	vshll.u32 v3, $0x3  }
0x27a: {  	v3 =	vand.u32 $0x7, v3;
	v4 =	vand.u32 $0xFFFFFFC0, v55  }
0x27b: {  	v3 =	vor.u32 v3, v4  }
0x27c: {  	v4 =	vperm.xlane v3, v0;
	_ =	sdelay $0x1  }
0x27d: {  	v4 =	vadd.s32 v1, v4;
	_ =	sdelay $0x3  }
0x27e: {  	s31 =	simm.s32 $0xC000  }
0x27f: {  	[tilespmem:s31], [sflag:$0x1] =	stream.indirect_vreg.gather [hbm4b:s3+s2], $0x80, v4, vm0, $0xb8;
	[tilespmem:$0x10400] =	vst v63  }
0x280: {  	v3 =	vperm.xlane v3, v2;
	s31 =	simm.s32 $0xC800  }
0x281: {  	[tilespmem:s31], [sflag:$0x1] =	stream.indirect_vreg.gather [hbm4b:s4+s2], $0x80, v4, vm0, $0xb8;
	[tilespmem:$0x10400] =	vst v63  }
0x282: {  	s20 =	simm.s32 $0xD000;
	v3 =	vadd.s32 v1, v3  }
0x283: {  	[tilespmem:s20], [sflag:$0x1] =	stream.indirect_vreg.gather [hbm4b:s5+s2], $0x80, v4, vm0, $0xb8;
	[tilespmem:$0x10400] =	vst v63  }
0x284: {  	s23 =	simm.s32 $0xD800  }
0x285: {  	[tilespmem:s23], [sflag:$0x1] =	stream.indirect_vreg.gather [hbm4b:s6+s2], $0x80, v4, vm0, $0xb8;
	[tilespmem:$0x10400] =	vst v63  }
0x286: {  	s30 =	simm.s32 $0xE000  }
0x287: {  	[tilespmem:s30], [sflag:$0x1] =	stream.indirect_vreg.gather [hbm4b:s3+s2], $0x80, v3, vm0, $0xb8;
	[tilespmem:$0x10400] =	vst v63  }
0x288: {  	s29 =	simm.s32 $0xE800  }
0x289: {  	[tilespmem:s29], [sflag:$0x1] =	stream.indirect_vreg.gather [hbm4b:s4+s2], $0x80, v3, vm0, $0xb8;
	[tilespmem:$0x10400] =	vst v63  }
0x28a: {  	s21 =	simm.s32 $0xF000  }
0x28b: {  	[tilespmem:s21], [sflag:$0x1] =	stream.indirect_vreg.gather [hbm4b:s5+s2], $0x80, v3, vm0, $0xb8;
	[tilespmem:$0x10400] =	vst v63  }
0x28c: {  	s19 =	simm.s32 $0xF800  }
0x28d: {  	[tilespmem:s19], [sflag:$0x1] =	stream.indirect_vreg.gather [hbm4b:s6+s2], $0x80, v3, vm0, $0xb8;
	[tilespmem:$0x10400] =	vst v63  }
0x28e: {  	_ =	swait.ge [sflag:s24], $0x4000  }
0x28f: {  	[sflag:s24] =	ssyncset.done $0x0  }
0x290: {  	[sflag:s24] =	ssyncadd.s32 $0xFFFFC000  }
0x291: {  	_ =	swait.ge [sflag:s24], $0x4000  }
0x292: {  	[sflag:s24] =	ssyncset.done $0x0  }
0x293: {  	s29 =	rddreg [dreg:$0xe];
	[sflag:s24] =	ssyncadd.s32 $0xFFFFC000  }
0x294: {  	[hbm4b:s29+s2] =	stream.linear.scatter [tilespmem:s25], [sflag:$0x2], $0x8000, $0x38;
	[tilespmem:$0x10400] =	vst v63  }
0x295: {  	_ =	swait.ge [sflag:s16], $0x8000  }
0x296: {  	[sflag:s16] =	ssyncset.done $0x0  }
0x297: {  	[sflag:s16] =	ssyncadd.s32 $0xFFFF8000  }
0x298: {  	v3 =	vld [tilespmem:$0x10300];
	_ =	sdelay $0x4  }
0x299: {  	v56 =	vshll.u32 v3, $0x3  }
0x29a: {  	v3 =	vand.u32 $0x7, v3;
	v4 =	vand.u32 $0xFFFFFFC0, v56  }
0x29b: {  	v3 =	vor.u32 v3, v4  }
0x29c: {  	v4 =	vperm.xlane v3, v0;
	_ =	sdelay $0x1  }
0x29d: {  	v4 =	vadd.s32 v1, v4;
	_ =	sdelay $0x4  }
0x29e: {  	[tilespmem:s2], [sflag:$0x1] =	stream.indirect_vreg.gather [hbm4b:s3+s2], $0x80, v4, vm0, $0xb8;
	[tilespmem:$0x10400] =	vst v63  }
0x29f: {  	s30 =	simm.s32 $0x800;
	v3 =	vperm.xlane v3, v2  }
0x2a0: {  	[tilespmem:s30], [sflag:$0x1] =	stream.indirect_vreg.gather [hbm4b:s4+s2], $0x80, v4, vm0, $0xb8;
	[tilespmem:$0x10400] =	vst v63  }
0x2a1: {  	s19 =	simm.s32 $0x1000;
	v3 =	vadd.s32 v1, v3  }
0x2a2: {  	[tilespmem:s19], [sflag:$0x1] =	stream.indirect_vreg.gather [hbm4b:s5+s2], $0x80, v4, vm0, $0xb8;
	[tilespmem:$0x10400] =	vst v63  }
0x2a3: {  	s29 =	simm.s32 $0x1800  }
0x2a4: {  	[tilespmem:s29], [sflag:$0x1] =	stream.indirect_vreg.gather [hbm4b:s6+s2], $0x80, v4, vm0, $0xb8;
	[tilespmem:$0x10400] =	vst v63  }
0x2a5: {  	s13 =	simm.s32 $0x2000  }
0x2a6: {  	[tilespmem:s13], [sflag:$0x1] =	stream.indirect_vreg.gather [hbm4b:s3+s2], $0x80, v3, vm0, $0xb8;
	[tilespmem:$0x10400] =	vst v63  }
0x2a7: {  	s30 =	simm.s32 $0x2800  }
0x2a8: {  	[tilespmem:s30], [sflag:$0x1] =	stream.indirect_vreg.gather [hbm4b:s4+s2], $0x80, v3, vm0, $0xb8;
	[tilespmem:$0x10400] =	vst v63  }
0x2a9: {  	s17 =	simm.s32 $0x3000  }
0x2aa: {  	[tilespmem:s17], [sflag:$0x1] =	stream.indirect_vreg.gather [hbm4b:s5+s2], $0x80, v3, vm0, $0xb8;
	[tilespmem:$0x10400] =	vst v63  }
0x2ab: {  	s29 =	simm.s32 $0x3800  }
0x2ac: {  	[tilespmem:s29], [sflag:$0x1] =	stream.indirect_vreg.gather [hbm4b:s6+s2], $0x80, v3, vm0, $0xb8;
	[tilespmem:$0x10400] =	vst v63  }
0x2ad: {  	v3 =	vld [tilespmem:$0x10310];
	_ =	sdelay $0x4  }
0x2ae: {  	v57 =	vshll.u32 v3, $0x3  }
0x2af: {  	v3 =	vand.u32 $0x7, v3;
	v4 =	vand.u32 $0xFFFFFFC0, v57  }
0x2b0: {  	v3 =	vor.u32 v3, v4  }
0x2b1: {  	v4 =	vperm.xlane v3, v0;
	_ =	sdelay $0x1  }
0x2b2: {  	v4 =	vadd.s32 v1, v4;
	_ =	sdelay $0x3  }
0x2b3: {  	s14 =	simm.s32 $0x4000  }
0x2b4: {  	[tilespmem:s14], [sflag:$0x1] =	stream.indirect_vreg.gather [hbm4b:s3+s2], $0x80, v4, vm0, $0xb8;
	[tilespmem:$0x10400] =	vst v63  }
0x2b5: {  	s30 =	simm.s32 $0x4800;
	v3 =	vperm.xlane v3, v2  }
0x2b6: {  	[tilespmem:s30], [sflag:$0x1] =	stream.indirect_vreg.gather [hbm4b:s4+s2], $0x80, v4, vm0, $0xb8;
	[tilespmem:$0x10400] =	vst v63  }
0x2b7: {  	s15 =	simm.s32 $0x5000;
	v3 =	vadd.s32 v1, v3  }
0x2b8: {  	[tilespmem:s15], [sflag:$0x1] =	stream.indirect_vreg.gather [hbm4b:s5+s2], $0x80, v4, vm0, $0xb8;
	[tilespmem:$0x10400] =	vst v63  }
0x2b9: {  	s18 =	simm.s32 $0x5800  }
0x2ba: {  	[tilespmem:s18], [sflag:$0x1] =	stream.indirect_vreg.gather [hbm4b:s6+s2], $0x80, v4, vm0, $0xb8;
	[tilespmem:$0x10400] =	vst v63  }
0x2bb: {  	s9 =	simm.s32 $0x6000  }
0x2bc: {  	[tilespmem:s9], [sflag:$0x1] =	stream.indirect_vreg.gather [hbm4b:s3+s2], $0x80, v3, vm0, $0xb8;
	[tilespmem:$0x10400] =	vst v63  }
0x2bd: {  	s10 =	simm.s32 $0x6800  }
0x2be: {  	[tilespmem:s10], [sflag:$0x1] =	stream.indirect_vreg.gather [hbm4b:s4+s2], $0x80, v3, vm0, $0xb8;
	[tilespmem:$0x10400] =	vst v63  }
0x2bf: {  	s11 =	simm.s32 $0x7000  }
0x2c0: {  	[tilespmem:s11], [sflag:$0x1] =	stream.indirect_vreg.gather [hbm4b:s5+s2], $0x80, v3, vm0, $0xb8;
	[tilespmem:$0x10400] =	vst v63  }
0x2c1: {  	s12 =	simm.s32 $0x7800  }
0x2c2: {  	[tilespmem:s12], [sflag:$0x1] =	stream.indirect_vreg.gather [hbm4b:s6+s2], $0x80, v3, vm0, $0xb8;
	[tilespmem:$0x10400] =	vst v63  }
0x2c3: {  	_ =	swait.ge [sflag:s24], $0x4000  }
0x2c4: {  	[sflag:s24] =	ssyncset.done $0x0  }
0x2c5: {  	[sflag:s24] =	ssyncadd.s32 $0xFFFFC000  }
0x2c6: {  	_ =	swait.ge [sflag:s24], $0x4000  }
0x2c7: {  	[sflag:s24] =	ssyncset.done $0x0  }
0x2c8: {  	s12 =	rddreg [dreg:$0xf];
	[sflag:s24] =	ssyncadd.s32 $0xFFFFC000  }
0x2c9: {  	[hbm4b:s12+s2] =	stream.linear.scatter [tilespmem:s2], [sflag:$0x2], $0x8000, $0x38;
	[tilespmem:$0x10400] =	vst v63  }
0x2ca: {  	_ =	swait.ge [sflag:s16], $0x8000  }
0x2cb: {  	[sflag:s16] =	ssyncset.done $0x0  }
0x2cc: {  	[sflag:s16] =	ssyncadd.s32 $0xFFFF8000  }
0x2cd: {  	v3 =	vld [tilespmem:$0x10320];
	_ =	sdelay $0x4  }
0x2ce: {  	v58 =	vshll.u32 v3, $0x3  }
0x2cf: {  	v3 =	vand.u32 $0x7, v3;
	v4 =	vand.u32 $0xFFFFFFC0, v58  }
0x2d0: {  	v3 =	vor.u32 v3, v4  }
0x2d1: {  	v4 =	vperm.xlane v3, v0;
	_ =	sdelay $0x1  }
0x2d2: {  	v4 =	vadd.s32 v1, v4;
	_ =	sdelay $0x4  }
0x2d3: {  	[tilespmem:s25], [sflag:$0x1] =	stream.indirect_vreg.gather [hbm4b:s3+s2], $0x80, v4, vm0, $0xb8;
	[tilespmem:$0x10400] =	vst v63  }
0x2d4: {  	s18 =	simm.s32 $0x8800;
	v3 =	vperm.xlane v3, v2  }
0x2d5: {  	[tilespmem:s18], [sflag:$0x1] =	stream.indirect_vreg.gather [hbm4b:s4+s2], $0x80, v4, vm0, $0xb8;
	[tilespmem:$0x10400] =	vst v63  }
0x2d6: {  	s0 =	simm.s32 $0x9000;
	v3 =	vadd.s32 v1, v3  }
0x2d7: {  	[tilespmem:s0], [sflag:$0x1] =	stream.indirect_vreg.gather [hbm4b:s5+s2], $0x80, v4, vm0, $0xb8;
	[tilespmem:$0x10400] =	vst v63  }
0x2d8: {  	s1 =	simm.s32 $0x9800  }
0x2d9: {  	[tilespmem:s1], [sflag:$0x1] =	stream.indirect_vreg.gather [hbm4b:s6+s2], $0x80, v4, vm0, $0xb8;
	[tilespmem:$0x10400] =	vst v63  }
0x2da: {  	s7 =	simm.s32 $0xA000  }
0x2db: {  	[tilespmem:s7], [sflag:$0x1] =	stream.indirect_vreg.gather [hbm4b:s3+s2], $0x80, v3, vm0, $0xb8;
	[tilespmem:$0x10400] =	vst v63  }
0x2dc: {  	s8 =	simm.s32 $0xA800  }
0x2dd: {  	[tilespmem:s8], [sflag:$0x1] =	stream.indirect_vreg.gather [hbm4b:s4+s2], $0x80, v3, vm0, $0xb8;
	[tilespmem:$0x10400] =	vst v63  }
0x2de: {  	s26 =	simm.s32 $0xB000  }
0x2df: {  	[tilespmem:s26], [sflag:$0x1] =	stream.indirect_vreg.gather [hbm4b:s5+s2], $0x80, v3, vm0, $0xb8;
	[tilespmem:$0x10400] =	vst v63  }
0x2e0: {  	s28 =	simm.s32 $0xB800  }
0x2e1: {  	[tilespmem:s28], [sflag:$0x1] =	stream.indirect_vreg.gather [hbm4b:s6+s2], $0x80, v3, vm0, $0xb8;
	[tilespmem:$0x10400] =	vst v63  }
0x2e2: {  	v3 =	vld [tilespmem:$0x10330];
	_ =	sdelay $0x4  }
0x2e3: {  	v59 =	vshll.u32 v3, $0x3  }
0x2e4: {  	v3 =	vand.u32 $0x7, v3;
	v4 =	vand.u32 $0xFFFFFFC0, v59  }
0x2e5: {  	v3 =	vor.u32 v3, v4  }
0x2e6: {  	v4 =	vperm.xlane v3, v0;
	_ =	sdelay $0x1  }
0x2e7: {  	v4 =	vadd.s32 v1, v4;
	_ =	sdelay $0x3  }
0x2e8: {  	s12 =	simm.s32 $0xC000  }
0x2e9: {  	[tilespmem:s12], [sflag:$0x1] =	stream.indirect_vreg.gather [hbm4b:s3+s2], $0x80, v4, vm0, $0xb8;
	[tilespmem:$0x10400] =	vst v63  }
0x2ea: {  	s17 =	simm.s32 $0xC800;
	v3 =	vperm.xlane v3, v2  }
0x2eb: {  	[tilespmem:s17], [sflag:$0x1] =	stream.indirect_vreg.gather [hbm4b:s4+s2], $0x80, v4, vm0, $0xb8;
	[tilespmem:$0x10400] =	vst v63  }
0x2ec: {  	s20 =	simm.s32 $0xD000;
	v3 =	vadd.s32 v1, v3  }
0x2ed: {  	[tilespmem:s20], [sflag:$0x1] =	stream.indirect_vreg.gather [hbm4b:s5+s2], $0x80, v4, vm0, $0xb8;
	[tilespmem:$0x10400] =	vst v63  }
0x2ee: {  	s23 =	simm.s32 $0xD800  }
0x2ef: {  	[tilespmem:s23], [sflag:$0x1] =	stream.indirect_vreg.gather [hbm4b:s6+s2], $0x80, v4, vm0, $0xb8;
	[tilespmem:$0x10400] =	vst v63  }
0x2f0: {  	s20 =	simm.s32 $0xE000  }
0x2f1: {  	[tilespmem:s20], [sflag:$0x1] =	stream.indirect_vreg.gather [hbm4b:s3+s2], $0x80, v3, vm0, $0xb8;
	[tilespmem:$0x10400] =	vst v63  }
0x2f2: {  	s31 =	simm.s32 $0xE800  }
0x2f3: {  	[tilespmem:s31], [sflag:$0x1] =	stream.indirect_vreg.gather [hbm4b:s4+s2], $0x80, v3, vm0, $0xb8;
	[tilespmem:$0x10400] =	vst v63  }
0x2f4: {  	s21 =	simm.s32 $0xF000  }
0x2f5: {  	[tilespmem:s21], [sflag:$0x1] =	stream.indirect_vreg.gather [hbm4b:s5+s2], $0x80, v3, vm0, $0xb8;
	[tilespmem:$0x10400] =	vst v63  }
0x2f6: {  	s21 =	simm.s32 $0xF800  }
0x2f7: {  	[tilespmem:s21], [sflag:$0x1] =	stream.indirect_vreg.gather [hbm4b:s6+s2], $0x80, v3, vm0, $0xb8;
	[tilespmem:$0x10400] =	vst v63  }
0x2f8: {  	_ =	swait.ge [sflag:s24], $0x4000  }
0x2f9: {  	[sflag:s24] =	ssyncset.done $0x0  }
0x2fa: {  	[sflag:s24] =	ssyncadd.s32 $0xFFFFC000  }
0x2fb: {  	_ =	swait.ge [sflag:s24], $0x4000  }
0x2fc: {  	[sflag:s24] =	ssyncset.done $0x0  }
0x2fd: {  	s31 =	rddreg [dreg:$0x10];
	[sflag:s24] =	ssyncadd.s32 $0xFFFFC000  }
0x2fe: {  	[hbm4b:s31+s2] =	stream.linear.scatter [tilespmem:s25], [sflag:$0x2], $0x8000, $0x38;
	[tilespmem:$0x10400] =	vst v63  }
0x2ff: {  	_ =	swait.ge [sflag:s16], $0x8000  }
0x300: {  	[sflag:s16] =	ssyncset.done $0x0  }
0x301: {  	[sflag:s16] =	ssyncadd.s32 $0xFFFF8000  }
0x302: {  	v3 =	vld [tilespmem:$0x10380];
	_ =	sdelay $0x4  }
0x303: {  	v60 =	vshll.u32 v3, $0x3  }
0x304: {  	v3 =	vand.u32 $0x7, v3;
	v4 =	vand.u32 $0xFFFFFFC0, v60  }
0x305: {  	v3 =	vor.u32 v3, v4  }
0x306: {  	v4 =	vperm.xlane v3, v0;
	_ =	sdelay $0x1  }
0x307: {  	v4 =	vadd.s32 v1, v4;
	_ =	sdelay $0x4  }
0x308: {  	[tilespmem:s2], [sflag:$0x1] =	stream.indirect_vreg.gather [hbm4b:s3+s2], $0x80, v4, vm0, $0xb8;
	[tilespmem:$0x10400] =	vst v63  }
0x309: {  	s31 =	simm.s32 $0x800;
	v3 =	vperm.xlane v3, v2  }
0x30a: {  	[tilespmem:s31], [sflag:$0x1] =	stream.indirect_vreg.gather [hbm4b:s4+s2], $0x80, v4, vm0, $0xb8;
	[tilespmem:$0x10400] =	vst v63  }
0x30b: {  	v3 =	vadd.s32 v1, v3;
	s31 =	simm.s32 $0x1000  }
0x30c: {  	[tilespmem:s31], [sflag:$0x1] =	stream.indirect_vreg.gather [hbm4b:s5+s2], $0x80, v4, vm0, $0xb8;
	[tilespmem:$0x10400] =	vst v63  }
0x30d: {  	s31 =	simm.s32 $0x1800  }
0x30e: {  	[tilespmem:s31], [sflag:$0x1] =	stream.indirect_vreg.gather [hbm4b:s6+s2], $0x80, v4, vm0, $0xb8;
	[tilespmem:$0x10400] =	vst v63  }
0x30f: {  	s19 =	simm.s32 $0x2000  }
0x310: {  	[tilespmem:s19], [sflag:$0x1] =	stream.indirect_vreg.gather [hbm4b:s3+s2], $0x80, v3, vm0, $0xb8;
	[tilespmem:$0x10400] =	vst v63  }
0x311: {  	s19 =	simm.s32 $0x2800  }
0x312: {  	[tilespmem:s19], [sflag:$0x1] =	stream.indirect_vreg.gather [hbm4b:s4+s2], $0x80, v3, vm0, $0xb8;
	[tilespmem:$0x10400] =	vst v63  }
0x313: {  	s31 =	simm.s32 $0x3000  }
0x314: {  	[tilespmem:s31], [sflag:$0x1] =	stream.indirect_vreg.gather [hbm4b:s5+s2], $0x80, v3, vm0, $0xb8;
	[tilespmem:$0x10400] =	vst v63  }
0x315: {  	s19 =	simm.s32 $0x3800  }
0x316: {  	[tilespmem:s19], [sflag:$0x1] =	stream.indirect_vreg.gather [hbm4b:s6+s2], $0x80, v3, vm0, $0xb8;
	[tilespmem:$0x10400] =	vst v63  }
0x317: {  	v3 =	vld [tilespmem:$0x10390];
	_ =	sdelay $0x4  }
0x318: {  	v61 =	vshll.u32 v3, $0x3  }
0x319: {  	v3 =	vand.u32 $0x7, v3;
	v4 =	vand.u32 $0xFFFFFFC0, v61  }
0x31a: {  	v3 =	vor.u32 v3, v4  }
0x31b: {  	v4 =	vperm.xlane v3, v0;
	_ =	sdelay $0x1  }
0x31c: {  	v4 =	vadd.s32 v1, v4;
	_ =	sdelay $0x3  }
0x31d: {  	s29 =	simm.s32 $0x4000  }
0x31e: {  	[tilespmem:s29], [sflag:$0x1] =	stream.indirect_vreg.gather [hbm4b:s3+s2], $0x80, v4, vm0, $0xb8;
	[tilespmem:$0x10400] =	vst v63  }
0x31f: {  	s31 =	simm.s32 $0x4800;
	v3 =	vperm.xlane v3, v2  }
0x320: {  	[tilespmem:s31], [sflag:$0x1] =	stream.indirect_vreg.gather [hbm4b:s4+s2], $0x80, v4, vm0, $0xb8;
	[tilespmem:$0x10400] =	vst v63  }
0x321: {  	s14 =	simm.s32 $0x5000;
	v3 =	vadd.s32 v1, v3  }
0x322: {  	[tilespmem:s14], [sflag:$0x1] =	stream.indirect_vreg.gather [hbm4b:s5+s2], $0x80, v4, vm0, $0xb8;
	[tilespmem:$0x10400] =	vst v63  }
0x323: {  	s30 =	simm.s32 $0x5800  }
0x324: {  	[tilespmem:s30], [sflag:$0x1] =	stream.indirect_vreg.gather [hbm4b:s6+s2], $0x80, v4, vm0, $0xb8;
	[tilespmem:$0x10400] =	vst v63  }
0x325: {  	s13 =	simm.s32 $0x6000  }
0x326: {  	[tilespmem:s13], [sflag:$0x1] =	stream.indirect_vreg.gather [hbm4b:s3+s2], $0x80, v3, vm0, $0xb8;
	[tilespmem:$0x10400] =	vst v63  }
0x327: {  	s9 =	simm.s32 $0x6800  }
0x328: {  	[tilespmem:s9], [sflag:$0x1] =	stream.indirect_vreg.gather [hbm4b:s4+s2], $0x80, v3, vm0, $0xb8;
	[tilespmem:$0x10400] =	vst v63  }
0x329: {  	s15 =	simm.s32 $0x7000  }
0x32a: {  	[tilespmem:s15], [sflag:$0x1] =	stream.indirect_vreg.gather [hbm4b:s5+s2], $0x80, v3, vm0, $0xb8;
	[tilespmem:$0x10400] =	vst v63  }
0x32b: {  	s11 =	simm.s32 $0x7800  }
0x32c: {  	[tilespmem:s11], [sflag:$0x1] =	stream.indirect_vreg.gather [hbm4b:s6+s2], $0x80, v3, vm0, $0xb8;
	[tilespmem:$0x10400] =	vst v63  }
0x32d: {  	_ =	swait.ge [sflag:s24], $0x4000  }
0x32e: {  	[sflag:s24] =	ssyncset.done $0x0  }
0x32f: {  	[sflag:s24] =	ssyncadd.s32 $0xFFFFC000  }
0x330: {  	_ =	swait.ge [sflag:s24], $0x4000  }
0x331: {  	[sflag:s24] =	ssyncset.done $0x0  }
0x332: {  	s15 =	rddreg [dreg:$0x11];
	[sflag:s24] =	ssyncadd.s32 $0xFFFFC000  }
0x333: {  	[hbm4b:s15+s2] =	stream.linear.scatter [tilespmem:s2], [sflag:$0x2], $0x8000, $0x38;
	[tilespmem:$0x10400] =	vst v63  }
0x334: {  	_ =	swait.ge [sflag:s16], $0x8000  }
0x335: {  	[sflag:s16] =	ssyncset.done $0x0  }
0x336: {  	[sflag:s16] =	ssyncadd.s32 $0xFFFF8000  }
0x337: {  	v3 =	vld [tilespmem:$0x103A0];
	_ =	sdelay $0x4  }
0x338: {  	v62 =	vshll.u32 v3, $0x3  }
0x339: {  	v3 =	vand.u32 $0x7, v3;
	v4 =	vand.u32 $0xFFFFFFC0, v62  }
0x33a: {  	v3 =	vor.u32 v3, v4  }
0x33b: {  	v4 =	vperm.xlane v3, v0;
	_ =	sdelay $0x1  }
0x33c: {  	v4 =	vadd.s32 v1, v4;
	_ =	sdelay $0x4  }
0x33d: {  	[tilespmem:s25], [sflag:$0x1] =	stream.indirect_vreg.gather [hbm4b:s3+s2], $0x80, v4, vm0, $0xb8;
	[tilespmem:$0x10400] =	vst v63  }
0x33e: {  	s19 =	simm.s32 $0x8800;
	v3 =	vperm.xlane v3, v2  }
0x33f: {  	[tilespmem:s19], [sflag:$0x1] =	stream.indirect_vreg.gather [hbm4b:s4+s2], $0x80, v4, vm0, $0xb8;
	[tilespmem:$0x10400] =	vst v63  }
0x340: {  	s10 =	simm.s32 $0x9000;
	v3 =	vadd.s32 v1, v3  }
0x341: {  	[tilespmem:s10], [sflag:$0x1] =	stream.indirect_vreg.gather [hbm4b:s5+s2], $0x80, v4, vm0, $0xb8;
	[tilespmem:$0x10400] =	vst v63  }
0x342: {  	s0 =	simm.s32 $0x9800  }
0x343: {  	[tilespmem:s0], [sflag:$0x1] =	stream.indirect_vreg.gather [hbm4b:s6+s2], $0x80, v4, vm0, $0xb8;
	[tilespmem:$0x10400] =	vst v63  }
0x344: {  	s1 =	simm.s32 $0xA000  }
0x345: {  	[tilespmem:s1], [sflag:$0x1] =	stream.indirect_vreg.gather [hbm4b:s3+s2], $0x80, v3, vm0, $0xb8;
	[tilespmem:$0x10400] =	vst v63  }
0x346: {  	s7 =	simm.s32 $0xA800  }
0x347: {  	[tilespmem:s7], [sflag:$0x1] =	stream.indirect_vreg.gather [hbm4b:s4+s2], $0x80, v3, vm0, $0xb8;
	[tilespmem:$0x10400] =	vst v63  }
0x348: {  	s18 =	simm.s32 $0xB000  }
0x349: {  	[tilespmem:s18], [sflag:$0x1] =	stream.indirect_vreg.gather [hbm4b:s5+s2], $0x80, v3, vm0, $0xb8;
	[tilespmem:$0x10400] =	vst v63  }
0x34a: {  	s26 =	simm.s32 $0xB800  }
0x34b: {  	[tilespmem:s26], [sflag:$0x1] =	stream.indirect_vreg.gather [hbm4b:s6+s2], $0x80, v3, vm0, $0xb8;
	[tilespmem:$0x10400] =	vst v63  }
0x34c: {  	v3 =	vld [tilespmem:$0x103B0];
	_ =	sdelay $0x4  }
0x34d: {  	v63 =	vshll.u32 v3, $0x3  }
0x34e: {  	v3 =	vand.u32 $0x7, v3;
	v4 =	vand.u32 $0xFFFFFFC0, v63  }
0x34f: {  	v3 =	vor.u32 v3, v4  }
0x350: {  	v4 =	vperm.xlane v3, v0;
	_ =	sdelay $0x1  }
0x351: {  	v4 =	vadd.s32 v1, v4;
	_ =	sdelay $0x3  }
0x352: {  	s29 =	simm.s32 $0xC000  }
0x353: {  	[tilespmem:s29], [sflag:$0x1] =	stream.indirect_vreg.gather [hbm4b:s3+s2], $0x80, v4, vm0, $0xb8;
	[tilespmem:$0x10400] =	vst v63  }
0x354: {  	s30 =	simm.s32 $0xC800;
	v3 =	vperm.xlane v3, v2  }
0x355: {  	[tilespmem:s30], [sflag:$0x1] =	stream.indirect_vreg.gather [hbm4b:s4+s2], $0x80, v4, vm0, $0xb8;
	[tilespmem:$0x10400] =	vst v63  }
0x356: {  	s8 =	simm.s32 $0xD000;
	v3 =	vadd.s32 v1, v3  }
0x357: {  	[tilespmem:s8], [sflag:$0x1] =	stream.indirect_vreg.gather [hbm4b:s5+s2], $0x80, v4, vm0, $0xb8;
	[tilespmem:$0x10400] =	vst v63  }
0x358: {  	s12 =	simm.s32 $0xD800  }
0x359: {  	[tilespmem:s12], [sflag:$0x1] =	stream.indirect_vreg.gather [hbm4b:s6+s2], $0x80, v4, vm0, $0xb8;
	[tilespmem:$0x10400] =	vst v63  }
0x35a: {  	s28 =	simm.s32 $0xE000  }
0x35b: {  	[tilespmem:s28], [sflag:$0x1] =	stream.indirect_vreg.gather [hbm4b:s3+s2], $0x80, v3, vm0, $0xb8;
	[tilespmem:$0x10400] =	vst v63  }
0x35c: {  	s23 =	simm.s32 $0xE800  }
0x35d: {  	[tilespmem:s23], [sflag:$0x1] =	stream.indirect_vreg.gather [hbm4b:s4+s2], $0x80, v3, vm0, $0xb8;
	[tilespmem:$0x10400] =	vst v63  }
0x35e: {  	s20 =	simm.s32 $0xF000  }
0x35f: {  	[tilespmem:s20], [sflag:$0x1] =	stream.indirect_vreg.gather [hbm4b:s5+s2], $0x80, v3, vm0, $0xb8;
	[tilespmem:$0x10400] =	vst v63  }
0x360: {  	s21 =	simm.s32 $0xF800  }
0x361: {  	[tilespmem:s21], [sflag:$0x1] =	stream.indirect_vreg.gather [hbm4b:s6+s2], $0x80, v3, vm0, $0xb8;
	[tilespmem:$0x10400] =	vst v63  }
0x362: {  	_ =	swait.ge [sflag:s24], $0x4000  }
0x363: {  	[sflag:s24] =	ssyncset.done $0x0  }
0x364: {  	[sflag:s24] =	ssyncadd.s32 $0xFFFFC000  }
0x365: {  	_ =	swait.ge [sflag:s24], $0x4000  }
0x366: {  	[sflag:s24] =	ssyncset.done $0x0  }
0x367: {  	s31 =	rddreg [dreg:$0x12];
	[sflag:s24] =	ssyncadd.s32 $0xFFFFC000  }
0x368: {  	[hbm4b:s31+s2] =	stream.linear.scatter [tilespmem:s25], [sflag:$0x2], $0x8000, $0x38;
	[tilespmem:$0x10400] =	vst v63  }
0x369: {  	p0 =	sne.s32 s22, $0x1;
	_ =	swait.ge [sflag:s16], $0x8000  }
.Ltmp0:
0x36a: {  	[sflag:s16] =	ssyncset.done $0x0;
	(pc) =	sbr.rel @p0 .LBB2_1-.Ltmp0, $4  }
0x36b: {  	[sflag:s16] =	ssyncadd.s32 $0xFFFF8000  }
0x36c: {  	_ =	swait.ge [sflag:s16], $0x8000  }
0x36d: {  	[sflag:s16] =	ssyncset.done $0x0  }
0x36e: {  	s22 =	sadd.s32 $0xFFFFFFFF, s22;
	[sflag:s16] =	ssyncadd.s32 $0xFFFF8000  }
0x36f: {  	_ =	sfence.sel $0x180000  }
0x370: {  	[bflag:$0x0] =	sbarrier.arrive $0xFFFF  }
0x371: {  	_ =	strace $0x9000004A  }
0x372: {  	s0 =	stileid.u32;
	[bflag:$0x2] =	sbarrier.arrive $0xFFFF  }
0x373: {  	p0 =	sne.s32 s0, $0x0;
	s0 =	rddreg [dreg:$0x1]  }
0x374: {  	s0 =	sadd.s32 @!p0 $0x100000, s0  }
0x375: {  	[sflag:s0] =	ssyncadd.tile.s32 @!p0 $0x1;
	_ =	shalt  }
.Lfunc_end2:
_tile_overlayer_lowered:
.L_overlay_start_2:
0x376: {  	(tag) =	ssettag $0x2  }
0x377: {  	s0 =	rddreg [dreg:$0x0];
	s2 =	stileid.u32  }
0x378: {  	s1 =	rddreg [dreg:$0x1];
	p0 =	sne.s32 s2, $0x0  }
0x379: {  	s3 =	rddreg [dreg:$0x2];
	[bflag:$0x3] =	sbarrier.arrive $0xFFFF;
	s2 =	simm.s32 @!p0 $0x1C03  }
0x37a: {  	[timem:s3], [sflag:s2] =	dma.local @!p0 [hbm:s0], s1  }
0x37b: {  	s0 =	simm.s32 @!p0 $0x3  }
0x37c: {  	_ =	swait.ge @!p0 [sflag:s0], s1  }
0x37d: {  	s1 =	ssub.s32 @!p0 $0x0, s1;
	[sflag:s0] =	ssyncset.done @!p0 $0x0  }
0x37e: {  	[sflag:s0] =	ssyncadd.s32 @!p0 s1  }
0x37f: {  	[bflag:$0x3] =	sbarrier.arrive $0xFFFF  }
0x380: {  	_ =	shalt  }

// kernel: kernel.9.cloned.1.call-start
scs
__scs_entry_jumppad:
0x0: {  	(pc) =	sbr.rel $0x88, $3  }
0x1: {  	(tag) =	ssettag $0x0;
	lr =	simm.s32 $0x1  }
0x2: {  	[smem:$0x3F97] =	sst lr;
	_ =	strace $0xD0000000  }
0x3: {  	_ = 	snop  }
0x4: {  	_ = 	snop  }
0x5: {  	_ = 	snop  }
0x6: {  	_ = 	snop  }
0x7: {  	_ = 	snop  }
__scs_overlays_trampoline_lowered:
0x8: {  	[smem:$0x3FA6] =	sst s0  }
0x9: {  	[smem:$0x3FA7] =	sst s1  }
0xa: {  	[smem:$0x3FA8] =	sst s2  }
0xb: {  	[smem:$0x3FA9] =	sst s3  }
0xc: {  	[smem:$0x3FAA] =	sst s4  }
0xd: {  	[smem:$0x3FAB] =	sst s5  }
0xe: {  	[smem:$0x3FAC] =	sst s6  }
0xf: {  	[smem:$0x3FAD] =	sst s7  }
0x10: {  	[smem:$0x3FAE] =	sst s8  }
0x11: {  	[smem:$0x3FAF] =	sst s9;
	s0 =	simm.s32 @!p0 $0x0  }
0x12: {  	s1 =	sld [smem:$0x3F95];
	s0 =	simm.s32 @p0 $0x1  }
0x13: {  	[smem:$0x3FB0] =	sst s0;
	s0 =	simm.s32 @!p1 $0x0  }
0x14: {  	s2 =	sld [smem:$0x3F94];
	s0 =	simm.s32 @p1 $0x1  }
0x15: {  	[smem:$0x3FB1] =	sst s0;
	s0 =	simm.s32 @!p2 $0x0  }
0x16: {  	s3 =	sld [smem:$0x3FDB];
	s0 =	simm.s32 @p2 $0x1  }
0x17: {  	s4 =	simm.s32 $0x1BF5;
	[smem:$0x3FB3] =	sst s0  }
0x18: {  	s0 =	sld [smem:$0x3F96];
	_ =	swait.ge [sflag:s4], $0x0  }
0x19: {  	s7 =	sld [smem:$0x3F97]  }
0x1a: {  	s8 =	sadd.s32 $0xFFFFE003, lr  }
0x1b: {  	s9 =	sadd.s32 $0xFFFFFEF7, lr;
	s5 =	simm.s32 $0xFFFFFFFF;
	p2 =	slt.u32 s8, $0xFFFFF086  }
0x1c: {  	p1 =	slt.u32 s9, $0xF7A;
	s5 =	simm.s32 @!p2 $0x0  }
0x1d: {  	s5 =	simm.s32 @p1 $0x1;
	p0 =	seq.s32 s7, s2  }
0x1e: {  	s7 =	smul.u32 @!p0 $0xF7A, s2;
	p2 =	seq.s32 @!p0 s5, $0x0  }
0x1f: {  	s9 =	smul.u32 $0xF7A, s1;
	s8 =	simm.s32 @!p0 $0x1BF5;
	p2 =	por !p2, p0  }
0x20: {  	[sflag:s8] =	ssyncset.s32 @!p0 $0xFFFFF086;
	s6 =	sadd.s32 @!p0 s3, s7;
	s7 =	simm.s32 @!p0 $0x108  }
0x21: {  	s3 =	sadd.s32 s3, s9;
	s6 =	sadd.s32 @!p0 $0x88, s6;
	s7 =	simm.s32 @p2 $0x1082  }
0x22: {  	[simem:s7], [sflag:s8] =	dma.local @!p0 [hbm:s6], $0xF7A  }
0x23: {  	s9 =	sor.u32 $0xD0000000, s2;
	s6 =	simm.s32 $0x108;
	_ =	swait.ge @!p0 [sflag:s8], $0x0  }
0x24: {  	s3 =	sadd.s32 $0x88, s3;
	s6 =	simm.s32 @!p1 $0x1082;
	[sflag:s4] =	ssyncset.s32 $0xFFFFF086  }
0x25: {  	[simem:s6], [sflag:s4] =	dma.local [hbm:s3], $0xF7A  }
0x26: {  	[smem:$0x3F97] =	sst s1;
	(tag) =	ssettag s2;
	_ =	strace s9  }
0x27: {  	s1 =	sld [smem:$0x3FA7]  }
0x28: {  	s2 =	sld [smem:$0x3FA8]  }
0x29: {  	s4 =	sld [smem:$0x3FAA]  }
0x2a: {  	p0 =	seq.s32 s5, $0x0;
	s5 =	sld [smem:$0x3FAB]  }
0x2b: {  	s6 =	sld [smem:$0x3FAC]  }
0x2c: {  	s7 =	sld [smem:$0x3FAD]  }
0x2d: {  	s3 =	simm.s32 $0x108;
	s8 =	sld [smem:$0x3FAE]  }
0x2e: {  	s3 =	simm.s32 @!p0 $0x1082;
	s9 =	sld [smem:$0x3FAF]  }
0x2f: {  	lr =	sadd.s32 s0, s3;
	s0 =	sld [smem:$0x3FA6]  }
0x30: {  	s3 =	sld [smem:$0x3FA9]  }
0x31: {  	[smem:$0x3FB2] =	sst s10  }
0x32: {  	s10 =	sld [smem:$0x3FB0];
	_ =	sdelay $0x3  }
0x33: {  	p0 =	seq.s32 s10, $0x1;
	s10 =	sld [smem:$0x3FB2];
	_ =	sdelay $0x3  }
0x34: {  	[smem:$0x3FB2] =	sst s10  }
0x35: {  	s10 =	sld [smem:$0x3FB1];
	_ =	sdelay $0x3  }
0x36: {  	p1 =	seq.s32 s10, $0x1;
	s10 =	sld [smem:$0x3FB2];
	_ =	sdelay $0x3  }
0x37: {  	[smem:$0x3FB2] =	sst s10  }
0x38: {  	s10 =	sld [smem:$0x3FB3]  }
0x39: {  	_ = 	snop;
	(pc) =	sbr.ind lr, $3  }
0x3a: {  	_ = 	snop  }
0x3b: {  	_ = 	snop  }
0x3c: {  	p2 =	seq.s32 s10, $0x1;
	s10 =	sld [smem:$0x3FB2]  }
0x3d: {  	_ =	shalt  }
0x3e: {  	_ =	shalt  }
0x3f: {  	_ =	shalt  }
0x40: {  	_ =	shalt  }
0x41: {  	_ =	shalt  }
0x42: {  	_ =	shalt  }
0x43: {  	_ =	shalt  }
0x44: {  	_ =	shalt  }
0x45: {  	_ =	shalt  }
0x46: {  	_ =	shalt  }
0x47: {  	_ =	shalt  }
0x48: {  	_ =	shalt  }
0x49: {  	_ =	shalt  }
0x4a: {  	_ =	shalt  }
0x4b: {  	_ =	shalt  }
0x4c: {  	_ =	shalt  }
0x4d: {  	_ =	shalt  }
0x4e: {  	_ =	shalt  }
0x4f: {  	_ =	shalt  }
0x50: {  	_ =	shalt  }
0x51: {  	_ =	shalt  }
0x52: {  	_ =	shalt  }
0x53: {  	_ =	shalt  }
0x54: {  	_ =	shalt  }
0x55: {  	_ =	shalt  }
0x56: {  	_ =	shalt  }
0x57: {  	_ =	shalt  }
0x58: {  	_ =	shalt  }
0x59: {  	_ =	shalt  }
0x5a: {  	_ =	shalt  }
0x5b: {  	_ =	shalt  }
0x5c: {  	_ =	shalt  }
0x5d: {  	_ =	shalt  }
0x5e: {  	_ =	shalt  }
0x5f: {  	_ =	shalt  }
0x60: {  	_ =	shalt  }
0x61: {  	_ =	shalt  }
0x62: {  	_ =	shalt  }
0x63: {  	_ =	shalt  }
0x64: {  	_ =	shalt  }
0x65: {  	_ =	shalt  }
0x66: {  	_ =	shalt  }
0x67: {  	_ =	shalt  }
0x68: {  	_ =	shalt  }
0x69: {  	_ =	shalt  }
0x6a: {  	_ =	shalt  }
0x6b: {  	_ =	shalt  }
0x6c: {  	_ =	shalt  }
0x6d: {  	_ =	shalt  }
0x6e: {  	_ =	shalt  }
0x6f: {  	_ =	shalt  }
0x70: {  	_ =	shalt  }
0x71: {  	_ =	shalt  }
0x72: {  	_ =	shalt  }
0x73: {  	_ =	shalt  }
0x74: {  	_ =	shalt  }
0x75: {  	_ =	shalt  }
0x76: {  	_ =	shalt  }
0x77: {  	_ =	shalt  }
0x78: {  	_ =	shalt  }
0x79: {  	_ =	shalt  }
0x7a: {  	_ =	shalt  }
0x7b: {  	_ =	shalt  }
0x7c: {  	_ =	shalt  }
0x7d: {  	_ =	shalt  }
0x7e: {  	_ =	shalt  }
0x7f: {  	_ =	shalt  }
0x80: {  	_ =	shalt  }
0x81: {  	_ =	shalt  }
0x82: {  	_ =	shalt  }
0x83: {  	_ =	shalt  }
0x84: {  	_ =	shalt  }
0x85: {  	_ =	shalt  }
0x86: {  	_ =	shalt  }
0x87: {  	_ =	shalt  }
.Lfunc_end0:
.L_simem_size_0:
called_computation_lowered:
.L_overlay_start_0:
0x88: {  	s2 =	sld [smem:$0x3FD9]  }
0x89: {  	s3 =	sld [smem:$0x3FFE];
	_ =	sdelay $0x1  }
0x8a: {  	s1 =	srdreg.scid  }
0x8b: {  	s0 =	sand.u32 $0x1, s1  }
0x8c: {  	s16 =	sshll.u32 s0, $0xA;
	s2 =	sadd.s32 s3, s2  }
0x8d: {  	s2 =	sadd.s32 s2, s16  }
0x8e: {  	[smem:$0x3FBE] =	sst s2  }
0x8f: {  	_ = 	snop  }
0x90: {  	(tm) =	ssettm $0x1  }
0x91: {  	s17 =	sld [smem:$0x3FFB];
	_ =	sdelay $0x3  }
0x92: {  	_ =	strace s17  }
0x93: {  	s2 =	sld [smem:$0x3FFC];
	_ =	sdelay $0x3  }
0x94: {  	_ =	strace s2  }
0x95: {  	s2 =	sld [smem:$0x3FFD];
	_ =	sdelay $0x3  }
0x96: {  	_ =	strace s2  }
0x97: {  	_ =	strace $0x8FFFFFFF  }
0x98: {  	s18 =	sld [smem:$0x3FDB];
	_ =	sdelay $0x1  }
0x99: {  	s19 =	simm.s32 $_scs_section_size  }
0x9a: {  	s4 =	simm.s32 $_size__tile_overlayer_lowered;
	s5 =	simm.s32 $_tile_overlayer_lowered  }
0x9b: {  	s22 =	simm.s32 $0x1BFF;
	s21 =	sshll.u32 s5, $0x1;
	s2 =	sadd.s32 s19, s18  }
0x9c: {  	s6 =	simm.s32 $0x0;
	s20 =	sshll.u32 s4, $0x1;
	s4 =	sadd.s32 s21, s2  }
0x9d: {  	[timem:s6], [sflag:s22] =	dma.local [hbm:s4], s20  }
0x9e: {  	_ =	swait.ge [sflag:s22], s20  }
0x9f: {  	s3 =	ssub.s32 $0x0, s20;
	[sflag:s22] =	ssyncset.done $0x0  }
0xa0: {  	[sflag:s22] =	ssyncadd.s32 s3;
	_ =	sdelay $0x1  }
0xa1: {  	s23 =	simm.s32 $0x1B8B  }
0xa2: {  	_ =	swait.ge [sflag:s23], $0x1  }
0xa3: {  	[sflag:s23] =	ssyncset.done $0x0  }
0xa4: {  	s25 =	simm.s32 $0x1B8E;
	s24 =	sld [smem:$0x3FFE];
	[sflag:s23] =	ssyncadd.s32 $0xFFFFFFFF  }
0xa5: {  	s26 =	simm.s32 $execute0_lowered;
	[smem:$0x3FD2] =	sst s25  }
0xa6: {  	s4 =	sshll.u32 s26, $0x1;
	_ =	strace $0x80000046;
	[dreg:$0x1] =	wrdreg $0xFFFFFFFF  }
0xa7: {  	s28 =	simm.s32 $_size_execute0_lowered;
	s2 =	sadd.s32 s2, s4;
	[dreg:$0x0] =	wrdreg $0x0  }
0xa8: {  	s4 =	sshll.u32 s28, $0x1;
	[dreg:$0x2] =	wrdreg s2  }
0xa9: {  	[dreg:$0x3] =	wrdreg s4  }
0xaa: {  	[dreg:$0x4] =	wrdreg $0xC0  }
0xab: {  	_ =	task [dreg:s6], $0x5FFFF  }
0xac: {  	[dreg:$0x1] =	wrdreg $0xFFFFFFFF  }
0xad: {  	[dreg:$0x0] =	wrdreg $0x60  }
0xae: {  	[dreg:$0x2] =	wrdreg s24  }
0xaf: {  	[dreg:$0x3] =	wrdreg $0x9  }
0xb0: {  	_ =	task.clear_ibuf [dreg:s6], $0x4FFFF;
	_ =	strace $0x90000046  }
0xb1: {  	s29 =	simm.s32 $0x9;
	_ =	strace $0x80000048  }
0xb2: {  	_ =	swait.ge [sflag:s29], $0x1  }
0xb3: {  	[sflag:s29] =	ssyncadd.s32 $0xFFFFFFFF  }
0xb4: {  	_ =	strace $0x90000048  }
0xb5: {  	_ =	sfence  }
0xb6: {  	s30 =	sld [smem:$0x0];
	_ =	sdelay $0x2  }
0xb7: {  	s31 =	sshll.u32 s1, $0xD;
	s1 =	sshrl.u32 s1, $0x2  }
0xb8: {  	s3 =	sand.u32 $0x4000, s31;
	s1 =	sadd.s32 s1, s30  }
0xb9: {  	s0 =	sor.u32 s3, s0;
	s1 =	sshll.u32 s1, $0x11  }
0xba: {  	s0 =	sor.u32 s1, s0  }
0xbb: {  	s0 =	sadd.s32 $0x8F2B, s0  }
0xbc: {  	[sflag:s0] =	ssyncadd.remote.s32 $0x1  }
0xbd: {  	_ =	sfence.sel $0xFFFF  }
0xbe: {  	[dreg:$0x0] =	wrdreg $0xFFFFFFFF;
	(pc) =	sbr.abs _section_cstart, $3  }
0xbf: {  	[dreg:$0x1] =	wrdreg $0xFFFFFFFF  }
0xc0: {  	_ =	task.clear_ibuf [dreg:s6], $0x2FFFF;
	_ =	strace $0x9FFFFFFF  }
0xc1: {  	(tm) =	ssettm $0x7FFFFFFF  }
tec
execute0_lowered:
.L_overlay_start_1:
0x0: {  	(tag) =	ssettag $0x1  }
0x1: {  	s0 =	srdreg.scid  }
0x2: {  	s2 =	stileid.u32;
	s1 =	rddreg [dreg:$0x0];
	s31 =	simm.s32 $0x10000  }
0x3: {  	s15 =	simm.s32 $0x1;
	s0 =	sand.u32 $0x1, s0;
	s3 =	sshll.u32 s2, $0x1  }
0x4: {  	s2 =	simm.s32 $0x0;
	s6 =	sadd.s32 $0x4BB00, s1;
	s3 =	sor.u32 s0, s3  }
0x5: {  	[smem:$0x7FF] =	sst s2;
	s0 =	ssub.s32 $0x2, s0;
	s4 =	sshll.u32 s3, $0xD  }
0x6: {  	_ =	strace $0x80000047;
	s3 =	sshll.u32 s3, $0x7;
	s5 =	sshrl.u32 s0, $0x1  }
0x7: {  	[dreg:$0x4] =	wrdreg s31;
	s4 =	sadd.s32 s4, s1;
	s3 =	sadd.s32 s3, s1  }
0x8: {  	v2 =	vlaneseq.u32;
	s0 =	ssub.s32 s0, s5;
	s5 =	sadd.s32 $0x4BA00, s1;
	s4 =	sadd.s32 $0x2800, s4  }
0x9: {  	vm0 =	vmmov $0xffff;
	v1 =	vshrl.u32 v2, $0x3;
	s30 =	sadd.s32 $0x4A800, s3;
	s3 =	sadd.s32 $0x4B800, s1;
	[dreg:$0x2] =	wrdreg s4  }
0xa: {  	v0 =	vand.u32 $0x7, v2;
	v2 =	vor.u32 $0x8, v2;
	v1 =	vmul.u32 $0x8, v1;
	[dreg:$0x3] =	wrdreg s30;
	s4 =	sadd.s32 $0x4B900, s1;
	s1 =	smax.u32 s0, $0x1  }
.LBB2_1:
0xb: {  	[dreg:$0x5] =	wrdreg s1  }
0xc: {  	s16 =	rddreg [dreg:$0x2];
	s18 =	simm.s32 $0x2  }
0xd: {  	[tilespmem:s2], [sflag:$0x2] =	stream.linear.gather [hbm4b:s16+s2], $0x10000, $0x38;
	[tilespmem:$0x10400] =	vst v63  }
0xe: {  	_ =	swait.ge [sflag:s18], $0x10000  }
0xf: {  	s23 =	rddreg [dreg:$0x3];
	[sflag:s18] =	ssyncset.done $0x0  }
0x10: {  	s17 =	rddreg [dreg:$0x4];
	[sflag:s18] =	ssyncadd.s32 $0xFFFF0000  }
0x11: {  	[tilespmem:s17], [sflag:$0x2] =	stream.linear.gather [hbm4b:s23+s2], $0x400, $0x38;
	[tilespmem:$0x10400] =	vst v63  }
0x12: {  	_ =	swait.ge [sflag:s18], $0x400  }
0x13: {  	[sflag:s18] =	ssyncset.done $0x0  }
0x14: {  	[sflag:s18] =	ssyncadd.s32 $0xFFFFFC00  }
0x15: {  	v3 =	vld [tilespmem:$0x10000];
	_ =	sdelay $0x4  }
0x16: {  	v4 =	vshll.u32 v3, $0x3  }
0x17: {  	v3 =	vand.u32 $0x7, v3;
	v4 =	vand.u32 $0xFFFFFFC0, v4  }
0x18: {  	v3 =	vor.u32 v3, v4  }
0x19: {  	v4 =	vperm.xlane v3, v0;
	_ =	sdelay $0x1  }
0x1a: {  	v4 =	vadd.s32 v1, v4;
	_ =	sdelay $0x4  }
0x1b: {  	[hbm4b:s3+s2] =	stream.indirect_vreg.scatter [tilespmem:s2], [sflag:$0x1], $0x80, v4, vm0, $0xb8;
	[tilespmem:$0x10400] =	vst v63  }
0x1c: {  	s0 =	simm.s32 $0x800;
	v3 =	vperm.xlane v3, v2  }
0x1d: {  	[hbm4b:s4+s2] =	stream.indirect_vreg.scatter [tilespmem:s0], [sflag:$0x1], $0x80, v4, vm0, $0xb8;
	[tilespmem:$0x10400] =	vst v63  }
0x1e: {  	s24 =	simm.s32 $0x1000;
	v3 =	vadd.s32 v1, v3  }
0x1f: {  	[hbm4b:s5+s2] =	stream.indirect_vreg.scatter [tilespmem:s24], [sflag:$0x1], $0x80, v4, vm0, $0xb8;
	[tilespmem:$0x10400] =	vst v63  }
0x20: {  	s25 =	simm.s32 $0x1800  }
0x21: {  	[hbm4b:s6+s2] =	stream.indirect_vreg.scatter [tilespmem:s25], [sflag:$0x1], $0x80, v4, vm0, $0xb8;
	[tilespmem:$0x10400] =	vst v63  }
0x22: {  	s26 =	simm.s32 $0x2000  }
0x23: {  	[hbm4b:s3+s2] =	stream.indirect_vreg.scatter [tilespmem:s26], [sflag:$0x1], $0x80, v3, vm0, $0xb8;
	[tilespmem:$0x10400] =	vst v63  }
0x24: {  	s28 =	simm.s32 $0x2800  }
0x25: {  	[hbm4b:s4+s2] =	stream.indirect_vreg.scatter [tilespmem:s28], [sflag:$0x1], $0x80, v3, vm0, $0xb8;
	[tilespmem:$0x10400] =	vst v63  }
0x26: {  	s29 =	simm.s32 $0x3000  }
0x27: {  	[hbm4b:s5+s2] =	stream.indirect_vreg.scatter [tilespmem:s29], [sflag:$0x1], $0x80, v3, vm0, $0xb8;
	[tilespmem:$0x10400] =	vst v63  }
0x28: {  	s30 =	simm.s32 $0x3800  }
0x29: {  	[hbm4b:s6+s2] =	stream.indirect_vreg.scatter [tilespmem:s30], [sflag:$0x1], $0x80, v3, vm0, $0xb8;
	[tilespmem:$0x10400] =	vst v63  }
0x2a: {  	v3 =	vld [tilespmem:$0x10010];
	_ =	sdelay $0x4  }
0x2b: {  	v33 =	vshll.u32 v3, $0x3  }
0x2c: {  	v3 =	vand.u32 $0x7, v3;
	v4 =	vand.u32 $0xFFFFFFC0, v33  }
0x2d: {  	v3 =	vor.u32 v3, v4  }
0x2e: {  	v4 =	vperm.xlane v3, v0;
	_ =	sdelay $0x1  }
0x2f: {  	v4 =	vadd.s32 v1, v4;
	_ =	sdelay $0x3  }
0x30: {  	s31 =	simm.s32 $0x4000  }
0x31: {  	[hbm4b:s3+s2] =	stream.indirect_vreg.scatter [tilespmem:s31], [sflag:$0x1], $0x80, v4, vm0, $0xb8;
	[tilespmem:$0x10400] =	vst v63  }
0x32: {  	s1 =	simm.s32 $0x4800;
	v3 =	vperm.xlane v3, v2  }
0x33: {  	[hbm4b:s4+s2] =	stream.indirect_vreg.scatter [tilespmem:s1], [sflag:$0x1], $0x80, v4, vm0, $0xb8;
	[tilespmem:$0x10400] =	vst v63  }
0x34: {  	s7 =	simm.s32 $0x5000;
	v3 =	vadd.s32 v1, v3  }
0x35: {  	[hbm4b:s5+s2] =	stream.indirect_vreg.scatter [tilespmem:s7], [sflag:$0x1], $0x80, v4, vm0, $0xb8;
	[tilespmem:$0x10400] =	vst v63  }
0x36: {  	s8 =	simm.s32 $0x5800  }
0x37: {  	[hbm4b:s6+s2] =	stream.indirect_vreg.scatter [tilespmem:s8], [sflag:$0x1], $0x80, v4, vm0, $0xb8;
	[tilespmem:$0x10400] =	vst v63  }
0x38: {  	s9 =	simm.s32 $0x6000  }
0x39: {  	[hbm4b:s3+s2] =	stream.indirect_vreg.scatter [tilespmem:s9], [sflag:$0x1], $0x80, v3, vm0, $0xb8;
	[tilespmem:$0x10400] =	vst v63  }
0x3a: {  	s10 =	simm.s32 $0x6800  }
0x3b: {  	[hbm4b:s4+s2] =	stream.indirect_vreg.scatter [tilespmem:s10], [sflag:$0x1], $0x80, v3, vm0, $0xb8;
	[tilespmem:$0x10400] =	vst v63  }
0x3c: {  	s13 =	simm.s32 $0x7000  }
0x3d: {  	[hbm4b:s5+s2] =	stream.indirect_vreg.scatter [tilespmem:s13], [sflag:$0x1], $0x80, v3, vm0, $0xb8;
	[tilespmem:$0x10400] =	vst v63  }
0x3e: {  	s24 =	simm.s32 $0x7800  }
0x3f: {  	[hbm4b:s6+s2] =	stream.indirect_vreg.scatter [tilespmem:s24], [sflag:$0x1], $0x80, v3, vm0, $0xb8;
	[tilespmem:$0x10400] =	vst v63  }
0x40: {  	v3 =	vld [tilespmem:$0x10020];
	_ =	sdelay $0x4  }
0x41: {  	v34 =	vshll.u32 v3, $0x3  }
0x42: {  	v3 =	vand.u32 $0x7, v3;
	v4 =	vand.u32 $0xFFFFFFC0, v34  }
0x43: {  	v3 =	vor.u32 v3, v4  }
0x44: {  	v4 =	vperm.xlane v3, v0;
	_ =	sdelay $0x1  }
0x45: {  	v4 =	vadd.s32 v1, v4;
	_ =	sdelay $0x3  }
0x46: {  	s25 =	simm.s32 $0x8000  }
0x47: {  	[hbm4b:s3+s2] =	stream.indirect_vreg.scatter [tilespmem:s25], [sflag:$0x1], $0x80, v4, vm0, $0xb8;
	[tilespmem:$0x10400] =	vst v63  }
0x48: {  	s26 =	simm.s32 $0x8800;
	v3 =	vperm.xlane v3, v2  }
0x49: {  	[hbm4b:s4+s2] =	stream.indirect_vreg.scatter [tilespmem:s26], [sflag:$0x1], $0x80, v4, vm0, $0xb8;
	[tilespmem:$0x10400] =	vst v63  }
0x4a: {  	s28 =	simm.s32 $0x9000;
	v3 =	vadd.s32 v1, v3  }
0x4b: {  	[hbm4b:s5+s2] =	stream.indirect_vreg.scatter [tilespmem:s28], [sflag:$0x1], $0x80, v4, vm0, $0xb8;
	[tilespmem:$0x10400] =	vst v63  }
0x4c: {  	s29 =	simm.s32 $0x9800  }
0x4d: {  	[hbm4b:s6+s2] =	stream.indirect_vreg.scatter [tilespmem:s29], [sflag:$0x1], $0x80, v4, vm0, $0xb8;
	[tilespmem:$0x10400] =	vst v63  }
0x4e: {  	s30 =	simm.s32 $0xA000  }
0x4f: {  	[hbm4b:s3+s2] =	stream.indirect_vreg.scatter [tilespmem:s30], [sflag:$0x1], $0x80, v3, vm0, $0xb8;
	[tilespmem:$0x10400] =	vst v63  }
0x50: {  	s31 =	simm.s32 $0xA800  }
0x51: {  	[hbm4b:s4+s2] =	stream.indirect_vreg.scatter [tilespmem:s31], [sflag:$0x1], $0x80, v3, vm0, $0xb8;
	[tilespmem:$0x10400] =	vst v63  }
0x52: {  	s7 =	simm.s32 $0xB000  }
0x53: {  	[hbm4b:s5+s2] =	stream.indirect_vreg.scatter [tilespmem:s7], [sflag:$0x1], $0x80, v3, vm0, $0xb8;
	[tilespmem:$0x10400] =	vst v63  }
0x54: {  	s13 =	simm.s32 $0xB800  }
0x55: {  	[hbm4b:s6+s2] =	stream.indirect_vreg.scatter [tilespmem:s13], [sflag:$0x1], $0x80, v3, vm0, $0xb8;
	[tilespmem:$0x10400] =	vst v63  }
0x56: {  	v3 =	vld [tilespmem:$0x10030];
	_ =	sdelay $0x4  }
0x57: {  	v35 =	vshll.u32 v3, $0x3  }
0x58: {  	v3 =	vand.u32 $0x7, v3;
	v4 =	vand.u32 $0xFFFFFFC0, v35  }
0x59: {  	v3 =	vor.u32 v3, v4  }
0x5a: {  	v4 =	vperm.xlane v3, v0;
	_ =	sdelay $0x1  }
0x5b: {  	v4 =	vadd.s32 v1, v4;
	_ =	sdelay $0x3  }
0x5c: {  	s24 =	simm.s32 $0xC000  }
0x5d: {  	[hbm4b:s3+s2] =	stream.indirect_vreg.scatter [tilespmem:s24], [sflag:$0x1], $0x80, v4, vm0, $0xb8;
	[tilespmem:$0x10400] =	vst v63  }
0x5e: {  	s25 =	simm.s32 $0xC800;
	v3 =	vperm.xlane v3, v2  }
0x5f: {  	[hbm4b:s4+s2] =	stream.indirect_vreg.scatter [tilespmem:s25], [sflag:$0x1], $0x80, v4, vm0, $0xb8;
	[tilespmem:$0x10400] =	vst v63  }
0x60: {  	s26 =	simm.s32 $0xD000;
	v3 =	vadd.s32 v1, v3  }
0x61: {  	[hbm4b:s5+s2] =	stream.indirect_vreg.scatter [tilespmem:s26], [sflag:$0x1], $0x80, v4, vm0, $0xb8;
	[tilespmem:$0x10400] =	vst v63  }
0x62: {  	s28 =	simm.s32 $0xD800  }
0x63: {  	[hbm4b:s6+s2] =	stream.indirect_vreg.scatter [tilespmem:s28], [sflag:$0x1], $0x80, v4, vm0, $0xb8;
	[tilespmem:$0x10400] =	vst v63  }
0x64: {  	s29 =	simm.s32 $0xE000  }
0x65: {  	[hbm4b:s3+s2] =	stream.indirect_vreg.scatter [tilespmem:s29], [sflag:$0x1], $0x80, v3, vm0, $0xb8;
	[tilespmem:$0x10400] =	vst v63  }
0x66: {  	s30 =	simm.s32 $0xE800  }
0x67: {  	[hbm4b:s4+s2] =	stream.indirect_vreg.scatter [tilespmem:s30], [sflag:$0x1], $0x80, v3, vm0, $0xb8;
	[tilespmem:$0x10400] =	vst v63  }
0x68: {  	s31 =	simm.s32 $0xF000  }
0x69: {  	[hbm4b:s5+s2] =	stream.indirect_vreg.scatter [tilespmem:s31], [sflag:$0x1], $0x80, v3, vm0, $0xb8;
	[tilespmem:$0x10400] =	vst v63  }
0x6a: {  	s13 =	simm.s32 $0xF800  }
0x6b: {  	[hbm4b:s6+s2] =	stream.indirect_vreg.scatter [tilespmem:s13], [sflag:$0x1], $0x80, v3, vm0, $0xb8;
	[tilespmem:$0x10400] =	vst v63  }
0x6c: {  	v3 =	vld [tilespmem:$0x10080];
	_ =	sdelay $0x4  }
0x6d: {  	v36 =	vshll.u32 v3, $0x3  }
0x6e: {  	v3 =	vand.u32 $0x7, v3;
	v4 =	vand.u32 $0xFFFFFFC0, v36  }
0x6f: {  	v3 =	vor.u32 v3, v4  }
0x70: {  	v4 =	vperm.xlane v3, v0;
	_ =	sdelay $0x1  }
0x71: {  	v4 =	vadd.s32 v1, v4;
	_ =	sdelay $0x4  }
0x72: {  	[hbm4b:s3+s2] =	stream.indirect_vreg.scatter [tilespmem:s2], [sflag:$0x1], $0x80, v4, vm0, $0xb8;
	[tilespmem:$0x10400] =	vst v63  }
0x73: {  	s14 =	simm.s32 $0x800;
	v3 =	vperm.xlane v3, v2  }
0x74: {  	[hbm4b:s4+s2] =	stream.indirect_vreg.scatter [tilespmem:s14], [sflag:$0x1], $0x80, v4, vm0, $0xb8;
	[tilespmem:$0x10400] =	vst v63  }
0x75: {  	s17 =	simm.s32 $0x1000;
	v3 =	vadd.s32 v1, v3  }
0x76: {  	[hbm4b:s5+s2] =	stream.indirect_vreg.scatter [tilespmem:s17], [sflag:$0x1], $0x80, v4, vm0, $0xb8;
	[tilespmem:$0x10400] =	vst v63  }
0x77: {  	s18 =	simm.s32 $0x1800  }
0x78: {  	[hbm4b:s6+s2] =	stream.indirect_vreg.scatter [tilespmem:s18], [sflag:$0x1], $0x80, v4, vm0, $0xb8;
	[tilespmem:$0x10400] =	vst v63  }
0x79: {  	s11 =	simm.s32 $0x2000  }
0x7a: {  	[hbm4b:s3+s2] =	stream.indirect_vreg.scatter [tilespmem:s11], [sflag:$0x1], $0x80, v3, vm0, $0xb8;
	[tilespmem:$0x10400] =	vst v63  }
0x7b: {  	s12 =	simm.s32 $0x2800  }
0x7c: {  	[hbm4b:s4+s2] =	stream.indirect_vreg.scatter [tilespmem:s12], [sflag:$0x1], $0x80, v3, vm0, $0xb8;
	[tilespmem:$0x10400] =	vst v63  }
0x7d: {  	s16 =	simm.s32 $0x3000  }
0x7e: {  	[hbm4b:s5+s2] =	stream.indirect_vreg.scatter [tilespmem:s16], [sflag:$0x1], $0x80, v3, vm0, $0xb8;
	[tilespmem:$0x10400] =	vst v63  }
0x7f: {  	s19 =	simm.s32 $0x3800  }
0x80: {  	[hbm4b:s6+s2] =	stream.indirect_vreg.scatter [tilespmem:s19], [sflag:$0x1], $0x80, v3, vm0, $0xb8;
	[tilespmem:$0x10400] =	vst v63  }
0x81: {  	v3 =	vld [tilespmem:$0x10090];
	_ =	sdelay $0x4  }
0x82: {  	v37 =	vshll.u32 v3, $0x3  }
0x83: {  	v3 =	vand.u32 $0x7, v3;
	v4 =	vand.u32 $0xFFFFFFC0, v37  }
0x84: {  	v3 =	vor.u32 v3, v4  }
0x85: {  	v4 =	vperm.xlane v3, v0;
	_ =	sdelay $0x1  }
0x86: {  	v4 =	vadd.s32 v1, v4;
	_ =	sdelay $0x3  }
0x87: {  	s20 =	simm.s32 $0x4000  }
0x88: {  	[hbm4b:s3+s2] =	stream.indirect_vreg.scatter [tilespmem:s20], [sflag:$0x1], $0x80, v4, vm0, $0xb8;
	[tilespmem:$0x10400] =	vst v63  }
0x89: {  	s21 =	simm.s32 $0x4800;
	v3 =	vperm.xlane v3, v2  }
0x8a: {  	[hbm4b:s4+s2] =	stream.indirect_vreg.scatter [tilespmem:s21], [sflag:$0x1], $0x80, v4, vm0, $0xb8;
	[tilespmem:$0x10400] =	vst v63  }
0x8b: {  	s22 =	simm.s32 $0x5000;
	v3 =	vadd.s32 v1, v3  }
0x8c: {  	[hbm4b:s5+s2] =	stream.indirect_vreg.scatter [tilespmem:s22], [sflag:$0x1], $0x80, v4, vm0, $0xb8;
	[tilespmem:$0x10400] =	vst v63  }
0x8d: {  	s23 =	simm.s32 $0x5800  }
0x8e: {  	[hbm4b:s6+s2] =	stream.indirect_vreg.scatter [tilespmem:s23], [sflag:$0x1], $0x80, v4, vm0, $0xb8;
	[tilespmem:$0x10400] =	vst v63  }
0x8f: {  	s28 =	simm.s32 $0x6000  }
0x90: {  	[hbm4b:s3+s2] =	stream.indirect_vreg.scatter [tilespmem:s28], [sflag:$0x1], $0x80, v3, vm0, $0xb8;
	[tilespmem:$0x10400] =	vst v63  }
0x91: {  	s29 =	simm.s32 $0x6800  }
0x92: {  	[hbm4b:s4+s2] =	stream.indirect_vreg.scatter [tilespmem:s29], [sflag:$0x1], $0x80, v3, vm0, $0xb8;
	[tilespmem:$0x10400] =	vst v63  }
0x93: {  	s30 =	simm.s32 $0x7000  }
0x94: {  	[hbm4b:s5+s2] =	stream.indirect_vreg.scatter [tilespmem:s30], [sflag:$0x1], $0x80, v3, vm0, $0xb8;
	[tilespmem:$0x10400] =	vst v63  }
0x95: {  	s31 =	simm.s32 $0x7800  }
0x96: {  	[hbm4b:s6+s2] =	stream.indirect_vreg.scatter [tilespmem:s31], [sflag:$0x1], $0x80, v3, vm0, $0xb8;
	[tilespmem:$0x10400] =	vst v63  }
0x97: {  	v3 =	vld [tilespmem:$0x100A0];
	_ =	sdelay $0x4  }
0x98: {  	v38 =	vshll.u32 v3, $0x3  }
0x99: {  	v3 =	vand.u32 $0x7, v3;
	v4 =	vand.u32 $0xFFFFFFC0, v38  }
0x9a: {  	v3 =	vor.u32 v3, v4  }
0x9b: {  	v4 =	vperm.xlane v3, v0;
	_ =	sdelay $0x1  }
0x9c: {  	v4 =	vadd.s32 v1, v4;
	_ =	sdelay $0x3  }
0x9d: {  	s10 =	simm.s32 $0x8000  }
0x9e: {  	[hbm4b:s3+s2] =	stream.indirect_vreg.scatter [tilespmem:s10], [sflag:$0x1], $0x80, v4, vm0, $0xb8;
	[tilespmem:$0x10400] =	vst v63  }
0x9f: {  	v3 =	vperm.xlane v3, v2;
	s10 =	simm.s32 $0x8800  }
0xa0: {  	[hbm4b:s4+s2] =	stream.indirect_vreg.scatter [tilespmem:s10], [sflag:$0x1], $0x80, v4, vm0, $0xb8;
	[tilespmem:$0x10400] =	vst v63  }
0xa1: {  	s1 =	simm.s32 $0x9000;
	v3 =	vadd.s32 v1, v3  }
0xa2: {  	[hbm4b:s5+s2] =	stream.indirect_vreg.scatter [tilespmem:s1], [sflag:$0x1], $0x80, v4, vm0, $0xb8;
	[tilespmem:$0x10400] =	vst v63  }
0xa3: {  	s8 =	simm.s32 $0x9800  }
0xa4: {  	[hbm4b:s6+s2] =	stream.indirect_vreg.scatter [tilespmem:s8], [sflag:$0x1], $0x80, v4, vm0, $0xb8;
	[tilespmem:$0x10400] =	vst v63  }
0xa5: {  	s9 =	simm.s32 $0xA000  }
0xa6: {  	[hbm4b:s3+s2] =	stream.indirect_vreg.scatter [tilespmem:s9], [sflag:$0x1], $0x80, v3, vm0, $0xb8;
	[tilespmem:$0x10400] =	vst v63  }
0xa7: {  	s11 =	simm.s32 $0xA800  }
0xa8: {  	[hbm4b:s4+s2] =	stream.indirect_vreg.scatter [tilespmem:s11], [sflag:$0x1], $0x80, v3, vm0, $0xb8;
	[tilespmem:$0x10400] =	vst v63  }
0xa9: {  	s12 =	simm.s32 $0xB000  }
0xaa: {  	[hbm4b:s5+s2] =	stream.indirect_vreg.scatter [tilespmem:s12], [sflag:$0x1], $0x80, v3, vm0, $0xb8;
	[tilespmem:$0x10400] =	vst v63  }
0xab: {  	s14 =	simm.s32 $0xB800  }
0xac: {  	[hbm4b:s6+s2] =	stream.indirect_vreg.scatter [tilespmem:s14], [sflag:$0x1], $0x80, v3, vm0, $0xb8;
	[tilespmem:$0x10400] =	vst v63  }
0xad: {  	v3 =	vld [tilespmem:$0x100B0];
	_ =	sdelay $0x4  }
0xae: {  	v39 =	vshll.u32 v3, $0x3  }
0xaf: {  	v3 =	vand.u32 $0x7, v3;
	v4 =	vand.u32 $0xFFFFFFC0, v39  }
0xb0: {  	v3 =	vor.u32 v3, v4  }
0xb1: {  	v4 =	vperm.xlane v3, v0;
	_ =	sdelay $0x1  }
0xb2: {  	v4 =	vadd.s32 v1, v4;
	_ =	sdelay $0x3  }
0xb3: {  	s19 =	simm.s32 $0xC000  }
0xb4: {  	[hbm4b:s3+s2] =	stream.indirect_vreg.scatter [tilespmem:s19], [sflag:$0x1], $0x80, v4, vm0, $0xb8;
	[tilespmem:$0x10400] =	vst v63  }
0xb5: {  	s9 =	simm.s32 $0xC800;
	v3 =	vperm.xlane v3, v2  }
0xb6: {  	[hbm4b:s4+s2] =	stream.indirect_vreg.scatter [tilespmem:s9], [sflag:$0x1], $0x80, v4, vm0, $0xb8;
	[tilespmem:$0x10400] =	vst v63  }
0xb7: {  	s1 =	simm.s32 $0xD000;
	v3 =	vadd.s32 v1, v3  }
0xb8: {  	[hbm4b:s5+s2] =	stream.indirect_vreg.scatter [tilespmem:s1], [sflag:$0x1], $0x80, v4, vm0, $0xb8;
	[tilespmem:$0x10400] =	vst v63  }
0xb9: {  	s0 =	simm.s32 $0xD800  }
0xba: {  	[hbm4b:s6+s2] =	stream.indirect_vreg.scatter [tilespmem:s0], [sflag:$0x1], $0x80, v4, vm0, $0xb8;
	[tilespmem:$0x10400] =	vst v63  }
0xbb: {  	s7 =	simm.s32 $0xE000  }
0xbc: {  	[hbm4b:s3+s2] =	stream.indirect_vreg.scatter [tilespmem:s7], [sflag:$0x1], $0x80, v3, vm0, $0xb8;
	[tilespmem:$0x10400] =	vst v63  }
0xbd: {  	s7 =	simm.s32 $0xE800  }
0xbe: {  	[hbm4b:s4+s2] =	stream.indirect_vreg.scatter [tilespmem:s7], [sflag:$0x1], $0x80, v3, vm0, $0xb8;
	[tilespmem:$0x10400] =	vst v63  }
0xbf: {  	s8 =	simm.s32 $0xF000  }
0xc0: {  	[hbm4b:s5+s2] =	stream.indirect_vreg.scatter [tilespmem:s8], [sflag:$0x1], $0x80, v3, vm0, $0xb8;
	[tilespmem:$0x10400] =	vst v63  }
0xc1: {  	s13 =	simm.s32 $0xF800  }
0xc2: {  	[hbm4b:s6+s2] =	stream.indirect_vreg.scatter [tilespmem:s13], [sflag:$0x1], $0x80, v3, vm0, $0xb8;
	[tilespmem:$0x10400] =	vst v63  }
0xc3: {  	v3 =	vld [tilespmem:$0x10100];
	_ =	sdelay $0x4  }
0xc4: {  	v40 =	vshll.u32 v3, $0x3  }
0xc5: {  	v3 =	vand.u32 $0x7, v3;
	v4 =	vand.u32 $0xFFFFFFC0, v40  }
0xc6: {  	v3 =	vor.u32 v3, v4  }
0xc7: {  	v4 =	vperm.xlane v3, v0;
	_ =	sdelay $0x1  }
0xc8: {  	v4 =	vadd.s32 v1, v4;
	_ =	sdelay $0x4  }
0xc9: {  	[hbm4b:s3+s2] =	stream.indirect_vreg.scatter [tilespmem:s2], [sflag:$0x1], $0x80, v4, vm0, $0xb8;
	[tilespmem:$0x10400] =	vst v63  }
0xca: {  	s26 =	simm.s32 $0x800;
	v3 =	vperm.xlane v3, v2  }
0xcb: {  	[hbm4b:s4+s2] =	stream.indirect_vreg.scatter [tilespmem:s26], [sflag:$0x1], $0x80, v4, vm0, $0xb8;
	[tilespmem:$0x10400] =	vst v63  }
0xcc: {  	s13 =	simm.s32 $0x1000;
	v3 =	vadd.s32 v1, v3  }
0xcd: {  	[hbm4b:s5+s2] =	stream.indirect_vreg.scatter [tilespmem:s13], [sflag:$0x1], $0x80, v4, vm0, $0xb8;
	[tilespmem:$0x10400] =	vst v63  }
0xce: {  	s13 =	simm.s32 $0x1800  }
0xcf: {  	[hbm4b:s6+s2] =	stream.indirect_vreg.scatter [tilespmem:s13], [sflag:$0x1], $0x80, v4, vm0, $0xb8;
	[tilespmem:$0x10400] =	vst v63  }
0xd0: {  	s24 =	simm.s32 $0x2000  }
0xd1: {  	[hbm4b:s3+s2] =	stream.indirect_vreg.scatter [tilespmem:s24], [sflag:$0x1], $0x80, v3, vm0, $0xb8;
	[tilespmem:$0x10400] =	vst v63  }
0xd2: {  	s25 =	simm.s32 $0x2800  }
0xd3: {  	[hbm4b:s4+s2] =	stream.indirect_vreg.scatter [tilespmem:s25], [sflag:$0x1], $0x80, v3, vm0, $0xb8;
	[tilespmem:$0x10400] =	vst v63  }
0xd4: {  	s16 =	simm.s32 $0x3000  }
0xd5: {  	[hbm4b:s5+s2] =	stream.indirect_vreg.scatter [tilespmem:s16], [sflag:$0x1], $0x80, v3, vm0, $0xb8;
	[tilespmem:$0x10400] =	vst v63  }
0xd6: {  	s17 =	simm.s32 $0x3800  }
0xd7: {  	[hbm4b:s6+s2] =	stream.indirect_vreg.scatter [tilespmem:s17], [sflag:$0x1], $0x80, v3, vm0, $0xb8;
	[tilespmem:$0x10400] =	vst v63  }
0xd8: {  	v3 =	vld [tilespmem:$0x10110];
	_ =	sdelay $0x4  }
0xd9: {  	v41 =	vshll.u32 v3, $0x3  }
0xda: {  	v3 =	vand.u32 $0x7, v3;
	v4 =	vand.u32 $0xFFFFFFC0, v41  }
0xdb: {  	v3 =	vor.u32 v3, v4  }
0xdc: {  	v4 =	vperm.xlane v3, v0;
	_ =	sdelay $0x1  }
0xdd: {  	v4 =	vadd.s32 v1, v4;
	_ =	sdelay $0x3  }
0xde: {  	s18 =	simm.s32 $0x4000  }
0xdf: {  	[hbm4b:s3+s2] =	stream.indirect_vreg.scatter [tilespmem:s18], [sflag:$0x1], $0x80, v4, vm0, $0xb8;
	[tilespmem:$0x10400] =	vst v63  }
0xe0: {  	v3 =	vperm.xlane v3, v2;
	s18 =	simm.s32 $0x4800  }
0xe1: {  	[hbm4b:s4+s2] =	stream.indirect_vreg.scatter [tilespmem:s18], [sflag:$0x1], $0x80, v4, vm0, $0xb8;
	[tilespmem:$0x10400] =	vst v63  }
0xe2: {  	s17 =	simm.s32 $0x5000;
	v3 =	vadd.s32 v1, v3  }
0xe3: {  	[hbm4b:s5+s2] =	stream.indirect_vreg.scatter [tilespmem:s17], [sflag:$0x1], $0x80, v4, vm0, $0xb8;
	[tilespmem:$0x10400] =	vst v63  }
0xe4: {  	s18 =	simm.s32 $0x5800  }
0xe5: {  	[hbm4b:s6+s2] =	stream.indirect_vreg.scatter [tilespmem:s18], [sflag:$0x1], $0x80, v4, vm0, $0xb8;
	[tilespmem:$0x10400] =	vst v63  }
0xe6: {  	_ = 	snop  }
0xe7: {  	[hbm4b:s3+s2] =	stream.indirect_vreg.scatter [tilespmem:s28], [sflag:$0x1], $0x80, v3, vm0, $0xb8;
	[tilespmem:$0x10400] =	vst v63  }
0xe8: {  	_ = 	snop  }
0xe9: {  	[hbm4b:s4+s2] =	stream.indirect_vreg.scatter [tilespmem:s29], [sflag:$0x1], $0x80, v3, vm0, $0xb8;
	[tilespmem:$0x10400] =	vst v63  }
0xea: {  	_ = 	snop  }
0xeb: {  	[hbm4b:s5+s2] =	stream.indirect_vreg.scatter [tilespmem:s30], [sflag:$0x1], $0x80, v3, vm0, $0xb8;
	[tilespmem:$0x10400] =	vst v63  }
0xec: {  	_ = 	snop  }
0xed: {  	[hbm4b:s6+s2] =	stream.indirect_vreg.scatter [tilespmem:s31], [sflag:$0x1], $0x80, v3, vm0, $0xb8;
	[tilespmem:$0x10400] =	vst v63  }
0xee: {  	v3 =	vld [tilespmem:$0x10120];
	_ =	sdelay $0x4  }
0xef: {  	v42 =	vshll.u32 v3, $0x3  }
0xf0: {  	v3 =	vand.u32 $0x7, v3;
	v4 =	vand.u32 $0xFFFFFFC0, v42  }
0xf1: {  	v3 =	vor.u32 v3, v4  }
0xf2: {  	v4 =	vperm.xlane v3, v0;
	_ =	sdelay $0x1  }
0xf3: {  	v4 =	vadd.s32 v1, v4;
	_ =	sdelay $0x3  }
0xf4: {  	s23 =	simm.s32 $0x8000  }
0xf5: {  	[hbm4b:s3+s2] =	stream.indirect_vreg.scatter [tilespmem:s23], [sflag:$0x1], $0x80, v4, vm0, $0xb8;
	[tilespmem:$0x10400] =	vst v63  }
0xf6: {  	v3 =	vperm.xlane v3, v2  }
0xf7: {  	[hbm4b:s4+s2] =	stream.indirect_vreg.scatter [tilespmem:s10], [sflag:$0x1], $0x80, v4, vm0, $0xb8;
	[tilespmem:$0x10400] =	vst v63  }
0xf8: {  	s20 =	simm.s32 $0x9000;
	v3 =	vadd.s32 v1, v3  }
0xf9: {  	[hbm4b:s5+s2] =	stream.indirect_vreg.scatter [tilespmem:s20], [sflag:$0x1], $0x80, v4, vm0, $0xb8;
	[tilespmem:$0x10400] =	vst v63  }
0xfa: {  	s21 =	simm.s32 $0x9800  }
0xfb: {  	[hbm4b:s6+s2] =	stream.indirect_vreg.scatter [tilespmem:s21], [sflag:$0x1], $0x80, v4, vm0, $0xb8;
	[tilespmem:$0x10400] =	vst v63  }
0xfc: {  	s22 =	simm.s32 $0xA000  }
0xfd: {  	[hbm4b:s3+s2] =	stream.indirect_vreg.scatter [tilespmem:s22], [sflag:$0x1], $0x80, v3, vm0, $0xb8;
	[tilespmem:$0x10400] =	vst v63  }
0xfe: {  	_ = 	snop  }
0xff: {  	[hbm4b:s4+s2] =	stream.indirect_vreg.scatter [tilespmem:s11], [sflag:$0x1], $0x80, v3, vm0, $0xb8;
	[tilespmem:$0x10400] =	vst v63  }
0x100: {  	_ = 	snop  }
0x101: {  	[hbm4b:s5+s2] =	stream.indirect_vreg.scatter [tilespmem:s12], [sflag:$0x1], $0x80, v3, vm0, $0xb8;
	[tilespmem:$0x10400] =	vst v63  }
0x102: {  	_ = 	snop  }
0x103: {  	[hbm4b:s6+s2] =	stream.indirect_vreg.scatter [tilespmem:s14], [sflag:$0x1], $0x80, v3, vm0, $0xb8;
	[tilespmem:$0x10400] =	vst v63  }
0x104: {  	v3 =	vld [tilespmem:$0x10130];
	_ =	sdelay $0x4  }
0x105: {  	v43 =	vshll.u32 v3, $0x3  }
0x106: {  	v3 =	vand.u32 $0x7, v3;
	v4 =	vand.u32 $0xFFFFFFC0, v43  }
0x107: {  	v3 =	vor.u32 v3, v4  }
0x108: {  	v4 =	vperm.xlane v3, v0;
	_ =	sdelay $0x1  }
0x109: {  	v4 =	vadd.s32 v1, v4;
	_ =	sdelay $0x4  }
0x10a: {  	[hbm4b:s3+s2] =	stream.indirect_vreg.scatter [tilespmem:s19], [sflag:$0x1], $0x80, v4, vm0, $0xb8;
	[tilespmem:$0x10400] =	vst v63  }
0x10b: {  	v3 =	vperm.xlane v3, v2  }
0x10c: {  	[hbm4b:s4+s2] =	stream.indirect_vreg.scatter [tilespmem:s9], [sflag:$0x1], $0x80, v4, vm0, $0xb8;
	[tilespmem:$0x10400] =	vst v63  }
0x10d: {  	v3 =	vadd.s32 v1, v3  }
0x10e: {  	[hbm4b:s5+s2] =	stream.indirect_vreg.scatter [tilespmem:s1], [sflag:$0x1], $0x80, v4, vm0, $0xb8;
	[tilespmem:$0x10400] =	vst v63  }
0x10f: {  	_ = 	snop  }
0x110: {  	[hbm4b:s6+s2] =	stream.indirect_vreg.scatter [tilespmem:s0], [sflag:$0x1], $0x80, v4, vm0, $0xb8;
	[tilespmem:$0x10400] =	vst v63  }
0x111: {  	s19 =	simm.s32 $0xE000  }
0x112: {  	[hbm4b:s3+s2] =	stream.indirect_vreg.scatter [tilespmem:s19], [sflag:$0x1], $0x80, v3, vm0, $0xb8;
	[tilespmem:$0x10400] =	vst v63  }
0x113: {  	_ = 	snop  }
0x114: {  	[hbm4b:s4+s2] =	stream.indirect_vreg.scatter [tilespmem:s7], [sflag:$0x1], $0x80, v3, vm0, $0xb8;
	[tilespmem:$0x10400] =	vst v63  }
0x115: {  	_ = 	snop  }
0x116: {  	[hbm4b:s5+s2] =	stream.indirect_vreg.scatter [tilespmem:s8], [sflag:$0x1], $0x80, v3, vm0, $0xb8;
	[tilespmem:$0x10400] =	vst v63  }
0x117: {  	s9 =	simm.s32 $0xF800  }
0x118: {  	[hbm4b:s6+s2] =	stream.indirect_vreg.scatter [tilespmem:s9], [sflag:$0x1], $0x80, v3, vm0, $0xb8;
	[tilespmem:$0x10400] =	vst v63  }
0x119: {  	v3 =	vld [tilespmem:$0x10180];
	_ =	sdelay $0x4  }
0x11a: {  	v44 =	vshll.u32 v3, $0x3  }
0x11b: {  	v3 =	vand.u32 $0x7, v3;
	v4 =	vand.u32 $0xFFFFFFC0, v44  }
0x11c: {  	v3 =	vor.u32 v3, v4  }
0x11d: {  	v4 =	vperm.xlane v3, v0;
	_ =	sdelay $0x1  }
0x11e: {  	v4 =	vadd.s32 v1, v4;
	_ =	sdelay $0x4  }
0x11f: {  	[hbm4b:s3+s2] =	stream.indirect_vreg.scatter [tilespmem:s2], [sflag:$0x1], $0x80, v4, vm0, $0xb8;
	[tilespmem:$0x10400] =	vst v63  }
0x120: {  	s26 =	simm.s32 $0x800;
	v3 =	vperm.xlane v3, v2  }
0x121: {  	[hbm4b:s4+s2] =	stream.indirect_vreg.scatter [tilespmem:s26], [sflag:$0x1], $0x80, v4, vm0, $0xb8;
	[tilespmem:$0x10400] =	vst v63  }
0x122: {  	s19 =	simm.s32 $0x1000;
	v3 =	vadd.s32 v1, v3  }
0x123: {  	[hbm4b:s5+s2] =	stream.indirect_vreg.scatter [tilespmem:s19], [sflag:$0x1], $0x80, v4, vm0, $0xb8;
	[tilespmem:$0x10400] =	vst v63  }
0x124: {  	s26 =	simm.s32 $0x1800  }
0x125: {  	[hbm4b:s6+s2] =	stream.indirect_vreg.scatter [tilespmem:s26], [sflag:$0x1], $0x80, v4, vm0, $0xb8;
	[tilespmem:$0x10400] =	vst v63  }
0x126: {  	s24 =	simm.s32 $0x2000  }
0x127: {  	[hbm4b:s3+s2] =	stream.indirect_vreg.scatter [tilespmem:s24], [sflag:$0x1], $0x80, v3, vm0, $0xb8;
	[tilespmem:$0x10400] =	vst v63  }
0x128: {  	s25 =	simm.s32 $0x2800  }
0x129: {  	[hbm4b:s4+s2] =	stream.indirect_vreg.scatter [tilespmem:s25], [sflag:$0x1], $0x80, v3, vm0, $0xb8;
	[tilespmem:$0x10400] =	vst v63  }
0x12a: {  	s13 =	simm.s32 $0x3000  }
0x12b: {  	[hbm4b:s5+s2] =	stream.indirect_vreg.scatter [tilespmem:s13], [sflag:$0x1], $0x80, v3, vm0, $0xb8;
	[tilespmem:$0x10400] =	vst v63  }
0x12c: {  	s13 =	simm.s32 $0x3800  }
0x12d: {  	[hbm4b:s6+s2] =	stream.indirect_vreg.scatter [tilespmem:s13], [sflag:$0x1], $0x80, v3, vm0, $0xb8;
	[tilespmem:$0x10400] =	vst v63  }
0x12e: {  	v3 =	vld [tilespmem:$0x10190];
	_ =	sdelay $0x4  }
0x12f: {  	v45 =	vshll.u32 v3, $0x3  }
0x130: {  	v3 =	vand.u32 $0x7, v3;
	v4 =	vand.u32 $0xFFFFFFC0, v45  }
0x131: {  	v3 =	vor.u32 v3, v4  }
0x132: {  	v4 =	vperm.xlane v3, v0;
	_ =	sdelay $0x1  }
0x133: {  	v4 =	vadd.s32 v1, v4;
	_ =	sdelay $0x3  }
0x134: {  	s26 =	simm.s32 $0x4000  }
0x135: {  	[hbm4b:s3+s2] =	stream.indirect_vreg.scatter [tilespmem:s26], [sflag:$0x1], $0x80, v4, vm0, $0xb8;
	[tilespmem:$0x10400] =	vst v63  }
0x136: {  	s13 =	simm.s32 $0x4800;
	v3 =	vperm.xlane v3, v2  }
0x137: {  	[hbm4b:s4+s2] =	stream.indirect_vreg.scatter [tilespmem:s13], [sflag:$0x1], $0x80, v4, vm0, $0xb8;
	[tilespmem:$0x10400] =	vst v63  }
0x138: {  	v3 =	vadd.s32 v1, v3;
	s26 =	simm.s32 $0x5000  }
0x139: {  	[hbm4b:s5+s2] =	stream.indirect_vreg.scatter [tilespmem:s26], [sflag:$0x1], $0x80, v4, vm0, $0xb8;
	[tilespmem:$0x10400] =	vst v63  }
0x13a: {  	s13 =	simm.s32 $0x5800  }
0x13b: {  	[hbm4b:s6+s2] =	stream.indirect_vreg.scatter [tilespmem:s13], [sflag:$0x1], $0x80, v4, vm0, $0xb8;
	[tilespmem:$0x10400] =	vst v63  }
0x13c: {  	s16 =	simm.s32 $0x6000  }
0x13d: {  	[hbm4b:s3+s2] =	stream.indirect_vreg.scatter [tilespmem:s16], [sflag:$0x1], $0x80, v3, vm0, $0xb8;
	[tilespmem:$0x10400] =	vst v63  }
0x13e: {  	s17 =	simm.s32 $0x6800  }
0x13f: {  	[hbm4b:s4+s2] =	stream.indirect_vreg.scatter [tilespmem:s17], [sflag:$0x1], $0x80, v3, vm0, $0xb8;
	[tilespmem:$0x10400] =	vst v63  }
0x140: {  	s29 =	simm.s32 $0x7000  }
0x141: {  	[hbm4b:s5+s2] =	stream.indirect_vreg.scatter [tilespmem:s29], [sflag:$0x1], $0x80, v3, vm0, $0xb8;
	[tilespmem:$0x10400] =	vst v63  }
0x142: {  	s30 =	simm.s32 $0x7800  }
0x143: {  	[hbm4b:s6+s2] =	stream.indirect_vreg.scatter [tilespmem:s30], [sflag:$0x1], $0x80, v3, vm0, $0xb8;
	[tilespmem:$0x10400] =	vst v63  }
0x144: {  	v3 =	vld [tilespmem:$0x101A0];
	_ =	sdelay $0x4  }
0x145: {  	v46 =	vshll.u32 v3, $0x3  }
0x146: {  	v3 =	vand.u32 $0x7, v3;
	v4 =	vand.u32 $0xFFFFFFC0, v46  }
0x147: {  	v3 =	vor.u32 v3, v4  }
0x148: {  	v4 =	vperm.xlane v3, v0;
	_ =	sdelay $0x1  }
0x149: {  	v4 =	vadd.s32 v1, v4;
	_ =	sdelay $0x3  }
0x14a: {  	s17 =	simm.s32 $0x8000  }
0x14b: {  	[hbm4b:s3+s2] =	stream.indirect_vreg.scatter [tilespmem:s17], [sflag:$0x1], $0x80, v4, vm0, $0xb8;
	[tilespmem:$0x10400] =	vst v63  }
0x14c: {  	s28 =	simm.s32 $0x8800;
	v3 =	vperm.xlane v3, v2  }
0x14d: {  	[hbm4b:s4+s2] =	stream.indirect_vreg.scatter [tilespmem:s28], [sflag:$0x1], $0x80, v4, vm0, $0xb8;
	[tilespmem:$0x10400] =	vst v63  }
0x14e: {  	s31 =	simm.s32 $0x9000;
	v3 =	vadd.s32 v1, v3  }
0x14f: {  	[hbm4b:s5+s2] =	stream.indirect_vreg.scatter [tilespmem:s31], [sflag:$0x1], $0x80, v4, vm0, $0xb8;
	[tilespmem:$0x10400] =	vst v63  }
0x150: {  	s21 =	simm.s32 $0x9800  }
0x151: {  	[hbm4b:s6+s2] =	stream.indirect_vreg.scatter [tilespmem:s21], [sflag:$0x1], $0x80, v4, vm0, $0xb8;
	[tilespmem:$0x10400] =	vst v63  }
0x152: {  	s22 =	simm.s32 $0xA000  }
0x153: {  	[hbm4b:s3+s2] =	stream.indirect_vreg.scatter [tilespmem:s22], [sflag:$0x1], $0x80, v3, vm0, $0xb8;
	[tilespmem:$0x10400] =	vst v63  }
0x154: {  	s11 =	simm.s32 $0xA800  }
0x155: {  	[hbm4b:s4+s2] =	stream.indirect_vreg.scatter [tilespmem:s11], [sflag:$0x1], $0x80, v3, vm0, $0xb8;
	[tilespmem:$0x10400] =	vst v63  }
0x156: {  	s12 =	simm.s32 $0xB000  }
0x157: {  	[hbm4b:s5+s2] =	stream.indirect_vreg.scatter [tilespmem:s12], [sflag:$0x1], $0x80, v3, vm0, $0xb8;
	[tilespmem:$0x10400] =	vst v63  }
0x158: {  	s14 =	simm.s32 $0xB800  }
0x159: {  	[hbm4b:s6+s2] =	stream.indirect_vreg.scatter [tilespmem:s14], [sflag:$0x1], $0x80, v3, vm0, $0xb8;
	[tilespmem:$0x10400] =	vst v63  }
0x15a: {  	v3 =	vld [tilespmem:$0x101B0];
	_ =	sdelay $0x4  }
0x15b: {  	v47 =	vshll.u32 v3, $0x3  }
0x15c: {  	v3 =	vand.u32 $0x7, v3;
	v4 =	vand.u32 $0xFFFFFFC0, v47  }
0x15d: {  	v3 =	vor.u32 v3, v4  }
0x15e: {  	v4 =	vperm.xlane v3, v0;
	_ =	sdelay $0x1  }
0x15f: {  	v4 =	vadd.s32 v1, v4;
	_ =	sdelay $0x3  }
0x160: {  	s18 =	simm.s32 $0xC000  }
0x161: {  	[hbm4b:s3+s2] =	stream.indirect_vreg.scatter [tilespmem:s18], [sflag:$0x1], $0x80, v4, vm0, $0xb8;
	[tilespmem:$0x10400] =	vst v63  }
0x162: {  	s23 =	simm.s32 $0xC800;
	v3 =	vperm.xlane v3, v2  }
0x163: {  	[hbm4b:s4+s2] =	stream.indirect_vreg.scatter [tilespmem:s23], [sflag:$0x1], $0x80, v4, vm0, $0xb8;
	[tilespmem:$0x10400] =	vst v63  }
0x164: {  	s20 =	simm.s32 $0xD000;
	v3 =	vadd.s32 v1, v3  }
0x165: {  	[hbm4b:s5+s2] =	stream.indirect_vreg.scatter [tilespmem:s20], [sflag:$0x1], $0x80, v4, vm0, $0xb8;
	[tilespmem:$0x10400] =	vst v63  }
0x166: {  	s0 =	simm.s32 $0xD800  }
0x167: {  	[hbm4b:s6+s2] =	stream.indirect_vreg.scatter [tilespmem:s0], [sflag:$0x1], $0x80, v4, vm0, $0xb8;
	[tilespmem:$0x10400] =	vst v63  }
0x168: {  	s10 =	simm.s32 $0xE000  }
0x169: {  	[hbm4b:s3+s2] =	stream.indirect_vreg.scatter [tilespmem:s10], [sflag:$0x1], $0x80, v3, vm0, $0xb8;
	[tilespmem:$0x10400] =	vst v63  }
0x16a: {  	s1 =	simm.s32 $0xE800  }
0x16b: {  	[hbm4b:s4+s2] =	stream.indirect_vreg.scatter [tilespmem:s1], [sflag:$0x1], $0x80, v3, vm0, $0xb8;
	[tilespmem:$0x10400] =	vst v63  }
0x16c: {  	s7 =	simm.s32 $0xF000  }
0x16d: {  	[hbm4b:s5+s2] =	stream.indirect_vreg.scatter [tilespmem:s7], [sflag:$0x1], $0x80, v3, vm0, $0xb8;
	[tilespmem:$0x10400] =	vst v63  }
0x16e: {  	s8 =	simm.s32 $0xF800  }
0x16f: {  	[hbm4b:s6+s2] =	stream.indirect_vreg.scatter [tilespmem:s8], [sflag:$0x1], $0x80, v3, vm0, $0xb8;
	[tilespmem:$0x10400] =	vst v63  }
0x170: {  	v3 =	vld [tilespmem:$0x10200];
	_ =	sdelay $0x4  }
0x171: {  	v48 =	vshll.u32 v3, $0x3  }
0x172: {  	v3 =	vand.u32 $0x7, v3;
	v4 =	vand.u32 $0xFFFFFFC0, v48  }
0x173: {  	v3 =	vor.u32 v3, v4  }
0x174: {  	v4 =	vperm.xlane v3, v0;
	_ =	sdelay $0x1  }
0x175: {  	v4 =	vadd.s32 v1, v4;
	_ =	sdelay $0x4  }
0x176: {  	[hbm4b:s3+s2] =	stream.indirect_vreg.scatter [tilespmem:s2], [sflag:$0x1], $0x80, v4, vm0, $0xb8;
	[tilespmem:$0x10400] =	vst v63  }
0x177: {  	s20 =	simm.s32 $0x800;
	v3 =	vperm.xlane v3, v2  }
0x178: {  	[hbm4b:s4+s2] =	stream.indirect_vreg.scatter [tilespmem:s20], [sflag:$0x1], $0x80, v4, vm0, $0xb8;
	[tilespmem:$0x10400] =	vst v63  }
0x179: {  	s31 =	simm.s32 $0x1000;
	v3 =	vadd.s32 v1, v3  }
0x17a: {  	[hbm4b:s5+s2] =	stream.indirect_vreg.scatter [tilespmem:s31], [sflag:$0x1], $0x80, v4, vm0, $0xb8;
	[tilespmem:$0x10400] =	vst v63  }
0x17b: {  	s31 =	simm.s32 $0x1800  }
0x17c: {  	[hbm4b:s6+s2] =	stream.indirect_vreg.scatter [tilespmem:s31], [sflag:$0x1], $0x80, v4, vm0, $0xb8;
	[tilespmem:$0x10400] =	vst v63  }
0x17d: {  	s19 =	simm.s32 $0x2000  }
0x17e: {  	[hbm4b:s3+s2] =	stream.indirect_vreg.scatter [tilespmem:s19], [sflag:$0x1], $0x80, v3, vm0, $0xb8;
	[tilespmem:$0x10400] =	vst v63  }
0x17f: {  	s25 =	simm.s32 $0x2800  }
0x180: {  	[hbm4b:s4+s2] =	stream.indirect_vreg.scatter [tilespmem:s25], [sflag:$0x1], $0x80, v3, vm0, $0xb8;
	[tilespmem:$0x10400] =	vst v63  }
0x181: {  	s24 =	simm.s32 $0x3000  }
0x182: {  	[hbm4b:s5+s2] =	stream.indirect_vreg.scatter [tilespmem:s24], [sflag:$0x1], $0x80, v3, vm0, $0xb8;
	[tilespmem:$0x10400] =	vst v63  }
0x183: {  	s25 =	simm.s32 $0x3800  }
0x184: {  	[hbm4b:s6+s2] =	stream.indirect_vreg.scatter [tilespmem:s25], [sflag:$0x1], $0x80, v3, vm0, $0xb8;
	[tilespmem:$0x10400] =	vst v63  }
0x185: {  	v3 =	vld [tilespmem:$0x10210];
	_ =	sdelay $0x4  }
0x186: {  	v49 =	vshll.u32 v3, $0x3  }
0x187: {  	v3 =	vand.u32 $0x7, v3;
	v4 =	vand.u32 $0xFFFFFFC0, v49  }
0x188: {  	v3 =	vor.u32 v3, v4  }
0x189: {  	v4 =	vperm.xlane v3, v0;
	_ =	sdelay $0x1  }
0x18a: {  	v4 =	vadd.s32 v1, v4;
	_ =	sdelay $0x3  }
0x18b: {  	s24 =	simm.s32 $0x4000  }
0x18c: {  	[hbm4b:s3+s2] =	stream.indirect_vreg.scatter [tilespmem:s24], [sflag:$0x1], $0x80, v4, vm0, $0xb8;
	[tilespmem:$0x10400] =	vst v63  }
0x18d: {  	s25 =	simm.s32 $0x4800;
	v3 =	vperm.xlane v3, v2  }
0x18e: {  	[hbm4b:s4+s2] =	stream.indirect_vreg.scatter [tilespmem:s25], [sflag:$0x1], $0x80, v4, vm0, $0xb8;
	[tilespmem:$0x10400] =	vst v63  }
0x18f: {  	v3 =	vadd.s32 v1, v3;
	s24 =	simm.s32 $0x5000  }
0x190: {  	[hbm4b:s5+s2] =	stream.indirect_vreg.scatter [tilespmem:s24], [sflag:$0x1], $0x80, v4, vm0, $0xb8;
	[tilespmem:$0x10400] =	vst v63  }
0x191: {  	s25 =	simm.s32 $0x5800  }
0x192: {  	[hbm4b:s6+s2] =	stream.indirect_vreg.scatter [tilespmem:s25], [sflag:$0x1], $0x80, v4, vm0, $0xb8;
	[tilespmem:$0x10400] =	vst v63  }
0x193: {  	s26 =	simm.s32 $0x6000  }
0x194: {  	[hbm4b:s3+s2] =	stream.indirect_vreg.scatter [tilespmem:s26], [sflag:$0x1], $0x80, v3, vm0, $0xb8;
	[tilespmem:$0x10400] =	vst v63  }
0x195: {  	s13 =	simm.s32 $0x6800  }
0x196: {  	[hbm4b:s4+s2] =	stream.indirect_vreg.scatter [tilespmem:s13], [sflag:$0x1], $0x80, v3, vm0, $0xb8;
	[tilespmem:$0x10400] =	vst v63  }
0x197: {  	s29 =	simm.s32 $0x7000  }
0x198: {  	[hbm4b:s5+s2] =	stream.indirect_vreg.scatter [tilespmem:s29], [sflag:$0x1], $0x80, v3, vm0, $0xb8;
	[tilespmem:$0x10400] =	vst v63  }
0x199: {  	s29 =	simm.s32 $0x7800  }
0x19a: {  	[hbm4b:s6+s2] =	stream.indirect_vreg.scatter [tilespmem:s29], [sflag:$0x1], $0x80, v3, vm0, $0xb8;
	[tilespmem:$0x10400] =	vst v63  }
0x19b: {  	v3 =	vld [tilespmem:$0x10220];
	_ =	sdelay $0x4  }
0x19c: {  	v50 =	vshll.u32 v3, $0x3  }
0x19d: {  	v3 =	vand.u32 $0x7, v3;
	v4 =	vand.u32 $0xFFFFFFC0, v50  }
0x19e: {  	v3 =	vor.u32 v3, v4  }
0x19f: {  	v4 =	vperm.xlane v3, v0;
	_ =	sdelay $0x1  }
0x1a0: {  	v4 =	vadd.s32 v1, v4;
	_ =	sdelay $0x3  }
0x1a1: {  	s9 =	simm.s32 $0x8000  }
0x1a2: {  	[hbm4b:s3+s2] =	stream.indirect_vreg.scatter [tilespmem:s9], [sflag:$0x1], $0x80, v4, vm0, $0xb8;
	[tilespmem:$0x10400] =	vst v63  }
0x1a3: {  	s30 =	simm.s32 $0x8800;
	v3 =	vperm.xlane v3, v2  }
0x1a4: {  	[hbm4b:s4+s2] =	stream.indirect_vreg.scatter [tilespmem:s30], [sflag:$0x1], $0x80, v4, vm0, $0xb8;
	[tilespmem:$0x10400] =	vst v63  }
0x1a5: {  	s28 =	simm.s32 $0x9000;
	v3 =	vadd.s32 v1, v3  }
0x1a6: {  	[hbm4b:s5+s2] =	stream.indirect_vreg.scatter [tilespmem:s28], [sflag:$0x1], $0x80, v4, vm0, $0xb8;
	[tilespmem:$0x10400] =	vst v63  }
0x1a7: {  	s21 =	simm.s32 $0x9800  }
0x1a8: {  	[hbm4b:s6+s2] =	stream.indirect_vreg.scatter [tilespmem:s21], [sflag:$0x1], $0x80, v4, vm0, $0xb8;
	[tilespmem:$0x10400] =	vst v63  }
0x1a9: {  	s22 =	simm.s32 $0xA000  }
0x1aa: {  	[hbm4b:s3+s2] =	stream.indirect_vreg.scatter [tilespmem:s22], [sflag:$0x1], $0x80, v3, vm0, $0xb8;
	[tilespmem:$0x10400] =	vst v63  }
0x1ab: {  	s16 =	simm.s32 $0xA800  }
0x1ac: {  	[hbm4b:s4+s2] =	stream.indirect_vreg.scatter [tilespmem:s16], [sflag:$0x1], $0x80, v3, vm0, $0xb8;
	[tilespmem:$0x10400] =	vst v63  }
0x1ad: {  	s12 =	simm.s32 $0xB000  }
0x1ae: {  	[hbm4b:s5+s2] =	stream.indirect_vreg.scatter [tilespmem:s12], [sflag:$0x1], $0x80, v3, vm0, $0xb8;
	[tilespmem:$0x10400] =	vst v63  }
0x1af: {  	s14 =	simm.s32 $0xB800  }
0x1b0: {  	[hbm4b:s6+s2] =	stream.indirect_vreg.scatter [tilespmem:s14], [sflag:$0x1], $0x80, v3, vm0, $0xb8;
	[tilespmem:$0x10400] =	vst v63  }
0x1b1: {  	v3 =	vld [tilespmem:$0x10230];
	_ =	sdelay $0x4  }
0x1b2: {  	v51 =	vshll.u32 v3, $0x3  }
0x1b3: {  	v3 =	vand.u32 $0x7, v3;
	v4 =	vand.u32 $0xFFFFFFC0, v51  }
0x1b4: {  	v3 =	vor.u32 v3, v4  }
0x1b5: {  	v4 =	vperm.xlane v3, v0;
	_ =	sdelay $0x1  }
0x1b6: {  	v4 =	vadd.s32 v1, v4;
	_ =	sdelay $0x3  }
0x1b7: {  	s17 =	simm.s32 $0xC000  }
0x1b8: {  	[hbm4b:s3+s2] =	stream.indirect_vreg.scatter [tilespmem:s17], [sflag:$0x1], $0x80, v4, vm0, $0xb8;
	[tilespmem:$0x10400] =	vst v63  }
0x1b9: {  	s23 =	simm.s32 $0xC800;
	v3 =	vperm.xlane v3, v2  }
0x1ba: {  	[hbm4b:s4+s2] =	stream.indirect_vreg.scatter [tilespmem:s23], [sflag:$0x1], $0x80, v4, vm0, $0xb8;
	[tilespmem:$0x10400] =	vst v63  }
0x1bb: {  	s18 =	simm.s32 $0xD000;
	v3 =	vadd.s32 v1, v3  }
0x1bc: {  	[hbm4b:s5+s2] =	stream.indirect_vreg.scatter [tilespmem:s18], [sflag:$0x1], $0x80, v4, vm0, $0xb8;
	[tilespmem:$0x10400] =	vst v63  }
0x1bd: {  	s11 =	simm.s32 $0xD800  }
0x1be: {  	[hbm4b:s6+s2] =	stream.indirect_vreg.scatter [tilespmem:s11], [sflag:$0x1], $0x80, v4, vm0, $0xb8;
	[tilespmem:$0x10400] =	vst v63  }
0x1bf: {  	s10 =	simm.s32 $0xE000  }
0x1c0: {  	[hbm4b:s3+s2] =	stream.indirect_vreg.scatter [tilespmem:s10], [sflag:$0x1], $0x80, v3, vm0, $0xb8;
	[tilespmem:$0x10400] =	vst v63  }
0x1c1: {  	s0 =	simm.s32 $0xE800  }
0x1c2: {  	[hbm4b:s4+s2] =	stream.indirect_vreg.scatter [tilespmem:s0], [sflag:$0x1], $0x80, v3, vm0, $0xb8;
	[tilespmem:$0x10400] =	vst v63  }
0x1c3: {  	s7 =	simm.s32 $0xF000  }
0x1c4: {  	[hbm4b:s5+s2] =	stream.indirect_vreg.scatter [tilespmem:s7], [sflag:$0x1], $0x80, v3, vm0, $0xb8;
	[tilespmem:$0x10400] =	vst v63  }
0x1c5: {  	s1 =	simm.s32 $0xF800  }
0x1c6: {  	[hbm4b:s6+s2] =	stream.indirect_vreg.scatter [tilespmem:s1], [sflag:$0x1], $0x80, v3, vm0, $0xb8;
	[tilespmem:$0x10400] =	vst v63  }
0x1c7: {  	v3 =	vld [tilespmem:$0x10280];
	_ =	sdelay $0x4  }
0x1c8: {  	v52 =	vshll.u32 v3, $0x3  }
0x1c9: {  	v3 =	vand.u32 $0x7, v3;
	v4 =	vand.u32 $0xFFFFFFC0, v52  }
0x1ca: {  	v3 =	vor.u32 v3, v4  }
0x1cb: {  	v4 =	vperm.xlane v3, v0;
	_ =	sdelay $0x1  }
0x1cc: {  	v4 =	vadd.s32 v1, v4;
	_ =	sdelay $0x4  }
0x1cd: {  	[hbm4b:s3+s2] =	stream.indirect_vreg.scatter [tilespmem:s2], [sflag:$0x1], $0x80, v4, vm0, $0xb8;
	[tilespmem:$0x10400] =	vst v63  }
0x1ce: {  	s20 =	simm.s32 $0x800;
	v3 =	vperm.xlane v3, v2  }
0x1cf: {  	[hbm4b:s4+s2] =	stream.indirect_vreg.scatter [tilespmem:s20], [sflag:$0x1], $0x80, v4, vm0, $0xb8;
	[tilespmem:$0x10400] =	vst v63  }
0x1d0: {  	s30 =	simm.s32 $0x1000;
	v3 =	vadd.s32 v1, v3  }
0x1d1: {  	[hbm4b:s5+s2] =	stream.indirect_vreg.scatter [tilespmem:s30], [sflag:$0x1], $0x80, v4, vm0, $0xb8;
	[tilespmem:$0x10400] =	vst v63  }
0x1d2: {  	s30 =	simm.s32 $0x1800  }
0x1d3: {  	[hbm4b:s6+s2] =	stream.indirect_vreg.scatter [tilespmem:s30], [sflag:$0x1], $0x80, v4, vm0, $0xb8;
	[tilespmem:$0x10400] =	vst v63  }
0x1d4: {  	s31 =	simm.s32 $0x2000  }
0x1d5: {  	[hbm4b:s3+s2] =	stream.indirect_vreg.scatter [tilespmem:s31], [sflag:$0x1], $0x80, v3, vm0, $0xb8;
	[tilespmem:$0x10400] =	vst v63  }
0x1d6: {  	s31 =	simm.s32 $0x2800  }
0x1d7: {  	[hbm4b:s4+s2] =	stream.indirect_vreg.scatter [tilespmem:s31], [sflag:$0x1], $0x80, v3, vm0, $0xb8;
	[tilespmem:$0x10400] =	vst v63  }
0x1d8: {  	s8 =	simm.s32 $0x3000  }
0x1d9: {  	[hbm4b:s5+s2] =	stream.indirect_vreg.scatter [tilespmem:s8], [sflag:$0x1], $0x80, v3, vm0, $0xb8;
	[tilespmem:$0x10400] =	vst v63  }
0x1da: {  	s31 =	simm.s32 $0x3800  }
0x1db: {  	[hbm4b:s6+s2] =	stream.indirect_vreg.scatter [tilespmem:s31], [sflag:$0x1], $0x80, v3, vm0, $0xb8;
	[tilespmem:$0x10400] =	vst v63  }
0x1dc: {  	v3 =	vld [tilespmem:$0x10290];
	_ =	sdelay $0x4  }
0x1dd: {  	v53 =	vshll.u32 v3, $0x3  }
0x1de: {  	v3 =	vand.u32 $0x7, v3;
	v4 =	vand.u32 $0xFFFFFFC0, v53  }
0x1df: {  	v3 =	vor.u32 v3, v4  }
0x1e0: {  	v4 =	vperm.xlane v3, v0;
	_ =	sdelay $0x1  }
0x1e1: {  	v4 =	vadd.s32 v1, v4;
	_ =	sdelay $0x3  }
0x1e2: {  	s31 =	simm.s32 $0x4000  }
0x1e3: {  	[hbm4b:s3+s2] =	stream.indirect_vreg.scatter [tilespmem:s31], [sflag:$0x1], $0x80, v4, vm0, $0xb8;
	[tilespmem:$0x10400] =	vst v63  }
0x1e4: {  	v3 =	vperm.xlane v3, v2;
	s31 =	simm.s32 $0x4800  }
0x1e5: {  	[hbm4b:s4+s2] =	stream.indirect_vreg.scatter [tilespmem:s31], [sflag:$0x1], $0x80, v4, vm0, $0xb8;
	[tilespmem:$0x10400] =	vst v63  }
0x1e6: {  	v3 =	vadd.s32 v1, v3;
	s31 =	simm.s32 $0x5000  }
0x1e7: {  	[hbm4b:s5+s2] =	stream.indirect_vreg.scatter [tilespmem:s31], [sflag:$0x1], $0x80, v4, vm0, $0xb8;
	[tilespmem:$0x10400] =	vst v63  }
0x1e8: {  	s31 =	simm.s32 $0x5800  }
0x1e9: {  	[hbm4b:s6+s2] =	stream.indirect_vreg.scatter [tilespmem:s31], [sflag:$0x1], $0x80, v4, vm0, $0xb8;
	[tilespmem:$0x10400] =	vst v63  }
0x1ea: {  	s19 =	simm.s32 $0x6000  }
0x1eb: {  	[hbm4b:s3+s2] =	stream.indirect_vreg.scatter [tilespmem:s19], [sflag:$0x1], $0x80, v3, vm0, $0xb8;
	[tilespmem:$0x10400] =	vst v63  }
0x1ec: {  	s13 =	simm.s32 $0x6800  }
0x1ed: {  	[hbm4b:s4+s2] =	stream.indirect_vreg.scatter [tilespmem:s13], [sflag:$0x1], $0x80, v3, vm0, $0xb8;
	[tilespmem:$0x10400] =	vst v63  }
0x1ee: {  	s24 =	simm.s32 $0x7000  }
0x1ef: {  	[hbm4b:s5+s2] =	stream.indirect_vreg.scatter [tilespmem:s24], [sflag:$0x1], $0x80, v3, vm0, $0xb8;
	[tilespmem:$0x10400] =	vst v63  }
0x1f0: {  	s29 =	simm.s32 $0x7800  }
0x1f1: {  	[hbm4b:s6+s2] =	stream.indirect_vreg.scatter [tilespmem:s29], [sflag:$0x1], $0x80, v3, vm0, $0xb8;
	[tilespmem:$0x10400] =	vst v63  }
0x1f2: {  	v3 =	vld [tilespmem:$0x102A0];
	_ =	sdelay $0x4  }
0x1f3: {  	v54 =	vshll.u32 v3, $0x3  }
0x1f4: {  	v3 =	vand.u32 $0x7, v3;
	v4 =	vand.u32 $0xFFFFFFC0, v54  }
0x1f5: {  	v3 =	vor.u32 v3, v4  }
0x1f6: {  	v4 =	vperm.xlane v3, v0;
	_ =	sdelay $0x1  }
0x1f7: {  	v4 =	vadd.s32 v1, v4;
	_ =	sdelay $0x3  }
0x1f8: {  	s25 =	simm.s32 $0x8000  }
0x1f9: {  	[hbm4b:s3+s2] =	stream.indirect_vreg.scatter [tilespmem:s25], [sflag:$0x1], $0x80, v4, vm0, $0xb8;
	[tilespmem:$0x10400] =	vst v63  }
0x1fa: {  	s9 =	simm.s32 $0x8800;
	v3 =	vperm.xlane v3, v2  }
0x1fb: {  	[hbm4b:s4+s2] =	stream.indirect_vreg.scatter [tilespmem:s9], [sflag:$0x1], $0x80, v4, vm0, $0xb8;
	[tilespmem:$0x10400] =	vst v63  }
0x1fc: {  	s26 =	simm.s32 $0x9000;
	v3 =	vadd.s32 v1, v3  }
0x1fd: {  	[hbm4b:s5+s2] =	stream.indirect_vreg.scatter [tilespmem:s26], [sflag:$0x1], $0x80, v4, vm0, $0xb8;
	[tilespmem:$0x10400] =	vst v63  }
0x1fe: {  	s28 =	simm.s32 $0x9800  }
0x1ff: {  	[hbm4b:s6+s2] =	stream.indirect_vreg.scatter [tilespmem:s28], [sflag:$0x1], $0x80, v4, vm0, $0xb8;
	[tilespmem:$0x10400] =	vst v63  }
0x200: {  	s21 =	simm.s32 $0xA000  }
0x201: {  	[hbm4b:s3+s2] =	stream.indirect_vreg.scatter [tilespmem:s21], [sflag:$0x1], $0x80, v3, vm0, $0xb8;
	[tilespmem:$0x10400] =	vst v63  }
0x202: {  	s16 =	simm.s32 $0xA800  }
0x203: {  	[hbm4b:s4+s2] =	stream.indirect_vreg.scatter [tilespmem:s16], [sflag:$0x1], $0x80, v3, vm0, $0xb8;
	[tilespmem:$0x10400] =	vst v63  }
0x204: {  	s12 =	simm.s32 $0xB000  }
0x205: {  	[hbm4b:s5+s2] =	stream.indirect_vreg.scatter [tilespmem:s12], [sflag:$0x1], $0x80, v3, vm0, $0xb8;
	[tilespmem:$0x10400] =	vst v63  }
0x206: {  	s14 =	simm.s32 $0xB800  }
0x207: {  	[hbm4b:s6+s2] =	stream.indirect_vreg.scatter [tilespmem:s14], [sflag:$0x1], $0x80, v3, vm0, $0xb8;
	[tilespmem:$0x10400] =	vst v63  }
0x208: {  	v3 =	vld [tilespmem:$0x102B0];
	_ =	sdelay $0x4  }
0x209: {  	v55 =	vshll.u32 v3, $0x3  }
0x20a: {  	v3 =	vand.u32 $0x7, v3;
	v4 =	vand.u32 $0xFFFFFFC0, v55  }
0x20b: {  	v3 =	vor.u32 v3, v4  }
0x20c: {  	v4 =	vperm.xlane v3, v0;
	_ =	sdelay $0x1  }
0x20d: {  	v4 =	vadd.s32 v1, v4;
	_ =	sdelay $0x3  }
0x20e: {  	s17 =	simm.s32 $0xC000  }
0x20f: {  	[hbm4b:s3+s2] =	stream.indirect_vreg.scatter [tilespmem:s17], [sflag:$0x1], $0x80, v4, vm0, $0xb8;
	[tilespmem:$0x10400] =	vst v63  }
0x210: {  	s22 =	simm.s32 $0xC800;
	v3 =	vperm.xlane v3, v2  }
0x211: {  	[hbm4b:s4+s2] =	stream.indirect_vreg.scatter [tilespmem:s22], [sflag:$0x1], $0x80, v4, vm0, $0xb8;
	[tilespmem:$0x10400] =	vst v63  }
0x212: {  	s18 =	simm.s32 $0xD000;
	v3 =	vadd.s32 v1, v3  }
0x213: {  	[hbm4b:s5+s2] =	stream.indirect_vreg.scatter [tilespmem:s18], [sflag:$0x1], $0x80, v4, vm0, $0xb8;
	[tilespmem:$0x10400] =	vst v63  }
0x214: {  	s11 =	simm.s32 $0xD800  }
0x215: {  	[hbm4b:s6+s2] =	stream.indirect_vreg.scatter [tilespmem:s11], [sflag:$0x1], $0x80, v4, vm0, $0xb8;
	[tilespmem:$0x10400] =	vst v63  }
0x216: {  	s10 =	simm.s32 $0xE000  }
0x217: {  	[hbm4b:s3+s2] =	stream.indirect_vreg.scatter [tilespmem:s10], [sflag:$0x1], $0x80, v3, vm0, $0xb8;
	[tilespmem:$0x10400] =	vst v63  }
0x218: {  	s23 =	simm.s32 $0xE800  }
0x219: {  	[hbm4b:s4+s2] =	stream.indirect_vreg.scatter [tilespmem:s23], [sflag:$0x1], $0x80, v3, vm0, $0xb8;
	[tilespmem:$0x10400] =	vst v63  }
0x21a: {  	s0 =	simm.s32 $0xF000  }
0x21b: {  	[hbm4b:s5+s2] =	stream.indirect_vreg.scatter [tilespmem:s0], [sflag:$0x1], $0x80, v3, vm0, $0xb8;
	[tilespmem:$0x10400] =	vst v63  }
0x21c: {  	s1 =	simm.s32 $0xF800  }
0x21d: {  	[hbm4b:s6+s2] =	stream.indirect_vreg.scatter [tilespmem:s1], [sflag:$0x1], $0x80, v3, vm0, $0xb8;
	[tilespmem:$0x10400] =	vst v63  }
0x21e: {  	v3 =	vld [tilespmem:$0x10300];
	_ =	sdelay $0x4  }
0x21f: {  	v56 =	vshll.u32 v3, $0x3  }
0x220: {  	v3 =	vand.u32 $0x7, v3;
	v4 =	vand.u32 $0xFFFFFFC0, v56  }
0x221: {  	v3 =	vor.u32 v3, v4  }
0x222: {  	v4 =	vperm.xlane v3, v0;
	_ =	sdelay $0x1  }
0x223: {  	v4 =	vadd.s32 v1, v4;
	_ =	sdelay $0x4  }
0x224: {  	[hbm4b:s3+s2] =	stream.indirect_vreg.scatter [tilespmem:s2], [sflag:$0x1], $0x80, v4, vm0, $0xb8;
	[tilespmem:$0x10400] =	vst v63  }
0x225: {  	s20 =	simm.s32 $0x800;
	v3 =	vperm.xlane v3, v2  }
0x226: {  	[hbm4b:s4+s2] =	stream.indirect_vreg.scatter [tilespmem:s20], [sflag:$0x1], $0x80, v4, vm0, $0xb8;
	[tilespmem:$0x10400] =	vst v63  }
0x227: {  	v3 =	vadd.s32 v1, v3;
	s20 =	simm.s32 $0x1000  }
0x228: {  	[hbm4b:s5+s2] =	stream.indirect_vreg.scatter [tilespmem:s20], [sflag:$0x1], $0x80, v4, vm0, $0xb8;
	[tilespmem:$0x10400] =	vst v63  }
0x229: {  	s28 =	simm.s32 $0x1800  }
0x22a: {  	[hbm4b:s6+s2] =	stream.indirect_vreg.scatter [tilespmem:s28], [sflag:$0x1], $0x80, v4, vm0, $0xb8;
	[tilespmem:$0x10400] =	vst v63  }
0x22b: {  	s30 =	simm.s32 $0x2000  }
0x22c: {  	[hbm4b:s3+s2] =	stream.indirect_vreg.scatter [tilespmem:s30], [sflag:$0x1], $0x80, v3, vm0, $0xb8;
	[tilespmem:$0x10400] =	vst v63  }
0x22d: {  	s30 =	simm.s32 $0x2800  }
0x22e: {  	[hbm4b:s4+s2] =	stream.indirect_vreg.scatter [tilespmem:s30], [sflag:$0x1], $0x80, v3, vm0, $0xb8;
	[tilespmem:$0x10400] =	vst v63  }
0x22f: {  	s7 =	simm.s32 $0x3000  }
0x230: {  	[hbm4b:s5+s2] =	stream.indirect_vreg.scatter [tilespmem:s7], [sflag:$0x1], $0x80, v3, vm0, $0xb8;
	[tilespmem:$0x10400] =	vst v63  }
0x231: {  	s20 =	simm.s32 $0x3800  }
0x232: {  	[hbm4b:s6+s2] =	stream.indirect_vreg.scatter [tilespmem:s20], [sflag:$0x1], $0x80, v3, vm0, $0xb8;
	[tilespmem:$0x10400] =	vst v63  }
0x233: {  	v3 =	vld [tilespmem:$0x10310];
	_ =	sdelay $0x4  }
0x234: {  	v57 =	vshll.u32 v3, $0x3  }
0x235: {  	v3 =	vand.u32 $0x7, v3;
	v4 =	vand.u32 $0xFFFFFFC0, v57  }
0x236: {  	v3 =	vor.u32 v3, v4  }
0x237: {  	v4 =	vperm.xlane v3, v0;
	_ =	sdelay $0x1  }
0x238: {  	v4 =	vadd.s32 v1, v4;
	_ =	sdelay $0x3  }
0x239: {  	s30 =	simm.s32 $0x4000  }
0x23a: {  	[hbm4b:s3+s2] =	stream.indirect_vreg.scatter [tilespmem:s30], [sflag:$0x1], $0x80, v4, vm0, $0xb8;
	[tilespmem:$0x10400] =	vst v63  }
0x23b: {  	s20 =	simm.s32 $0x4800;
	v3 =	vperm.xlane v3, v2  }
0x23c: {  	[hbm4b:s4+s2] =	stream.indirect_vreg.scatter [tilespmem:s20], [sflag:$0x1], $0x80, v4, vm0, $0xb8;
	[tilespmem:$0x10400] =	vst v63  }
0x23d: {  	v3 =	vadd.s32 v1, v3;
	s30 =	simm.s32 $0x5000  }
0x23e: {  	[hbm4b:s5+s2] =	stream.indirect_vreg.scatter [tilespmem:s30], [sflag:$0x1], $0x80, v4, vm0, $0xb8;
	[tilespmem:$0x10400] =	vst v63  }
0x23f: {  	s20 =	simm.s32 $0x5800  }
0x240: {  	[hbm4b:s6+s2] =	stream.indirect_vreg.scatter [tilespmem:s20], [sflag:$0x1], $0x80, v4, vm0, $0xb8;
	[tilespmem:$0x10400] =	vst v63  }
0x241: {  	s19 =	simm.s32 $0x6000  }
0x242: {  	[hbm4b:s3+s2] =	stream.indirect_vreg.scatter [tilespmem:s19], [sflag:$0x1], $0x80, v3, vm0, $0xb8;
	[tilespmem:$0x10400] =	vst v63  }
0x243: {  	s8 =	simm.s32 $0x6800  }
0x244: {  	[hbm4b:s4+s2] =	stream.indirect_vreg.scatter [tilespmem:s8], [sflag:$0x1], $0x80, v3, vm0, $0xb8;
	[tilespmem:$0x10400] =	vst v63  }
0x245: {  	s13 =	simm.s32 $0x7000  }
0x246: {  	[hbm4b:s5+s2] =	stream.indirect_vreg.scatter [tilespmem:s13], [sflag:$0x1], $0x80, v3, vm0, $0xb8;
	[tilespmem:$0x10400] =	vst v63  }
0x247: {  	s31 =	simm.s32 $0x7800  }
0x248: {  	[hbm4b:s6+s2] =	stream.indirect_vreg.scatter [tilespmem:s31], [sflag:$0x1], $0x80, v3, vm0, $0xb8;
	[tilespmem:$0x10400] =	vst v63  }
0x249: {  	v3 =	vld [tilespmem:$0x10320];
	_ =	sdelay $0x4  }
0x24a: {  	v58 =	vshll.u32 v3, $0x3  }
0x24b: {  	v3 =	vand.u32 $0x7, v3;
	v4 =	vand.u32 $0xFFFFFFC0, v58  }
0x24c: {  	v3 =	vor.u32 v3, v4  }
0x24d: {  	v4 =	vperm.xlane v3, v0;
	_ =	sdelay $0x1  }
0x24e: {  	v4 =	vadd.s32 v1, v4;
	_ =	sdelay $0x3  }
0x24f: {  	s25 =	simm.s32 $0x8000  }
0x250: {  	[hbm4b:s3+s2] =	stream.indirect_vreg.scatter [tilespmem:s25], [sflag:$0x1], $0x80, v4, vm0, $0xb8;
	[tilespmem:$0x10400] =	vst v63  }
0x251: {  	s9 =	simm.s32 $0x8800;
	v3 =	vperm.xlane v3, v2  }
0x252: {  	[hbm4b:s4+s2] =	stream.indirect_vreg.scatter [tilespmem:s9], [sflag:$0x1], $0x80, v4, vm0, $0xb8;
	[tilespmem:$0x10400] =	vst v63  }
0x253: {  	s24 =	simm.s32 $0x9000;
	v3 =	vadd.s32 v1, v3  }
0x254: {  	[hbm4b:s5+s2] =	stream.indirect_vreg.scatter [tilespmem:s24], [sflag:$0x1], $0x80, v4, vm0, $0xb8;
	[tilespmem:$0x10400] =	vst v63  }
0x255: {  	s30 =	simm.s32 $0x9800  }
0x256: {  	[hbm4b:s6+s2] =	stream.indirect_vreg.scatter [tilespmem:s30], [sflag:$0x1], $0x80, v4, vm0, $0xb8;
	[tilespmem:$0x10400] =	vst v63  }
0x257: {  	s29 =	simm.s32 $0xA000  }
0x258: {  	[hbm4b:s3+s2] =	stream.indirect_vreg.scatter [tilespmem:s29], [sflag:$0x1], $0x80, v3, vm0, $0xb8;
	[tilespmem:$0x10400] =	vst v63  }
0x259: {  	s16 =	simm.s32 $0xA800  }
0x25a: {  	[hbm4b:s4+s2] =	stream.indirect_vreg.scatter [tilespmem:s16], [sflag:$0x1], $0x80, v3, vm0, $0xb8;
	[tilespmem:$0x10400] =	vst v63  }
0x25b: {  	s12 =	simm.s32 $0xB000  }
0x25c: {  	[hbm4b:s5+s2] =	stream.indirect_vreg.scatter [tilespmem:s12], [sflag:$0x1], $0x80, v3, vm0, $0xb8;
	[tilespmem:$0x10400] =	vst v63  }
0x25d: {  	s14 =	simm.s32 $0xB800  }
0x25e: {  	[hbm4b:s6+s2] =	stream.indirect_vreg.scatter [tilespmem:s14], [sflag:$0x1], $0x80, v3, vm0, $0xb8;
	[tilespmem:$0x10400] =	vst v63  }
0x25f: {  	v3 =	vld [tilespmem:$0x10330];
	_ =	sdelay $0x4  }
0x260: {  	v59 =	vshll.u32 v3, $0x3  }
0x261: {  	v3 =	vand.u32 $0x7, v3;
	v4 =	vand.u32 $0xFFFFFFC0, v59  }
0x262: {  	v3 =	vor.u32 v3, v4  }
0x263: {  	v4 =	vperm.xlane v3, v0;
	_ =	sdelay $0x1  }
0x264: {  	v4 =	vadd.s32 v1, v4;
	_ =	sdelay $0x3  }
0x265: {  	s17 =	simm.s32 $0xC000  }
0x266: {  	[hbm4b:s3+s2] =	stream.indirect_vreg.scatter [tilespmem:s17], [sflag:$0x1], $0x80, v4, vm0, $0xb8;
	[tilespmem:$0x10400] =	vst v63  }
0x267: {  	s22 =	simm.s32 $0xC800;
	v3 =	vperm.xlane v3, v2  }
0x268: {  	[hbm4b:s4+s2] =	stream.indirect_vreg.scatter [tilespmem:s22], [sflag:$0x1], $0x80, v4, vm0, $0xb8;
	[tilespmem:$0x10400] =	vst v63  }
0x269: {  	s18 =	simm.s32 $0xD000;
	v3 =	vadd.s32 v1, v3  }
0x26a: {  	[hbm4b:s5+s2] =	stream.indirect_vreg.scatter [tilespmem:s18], [sflag:$0x1], $0x80, v4, vm0, $0xb8;
	[tilespmem:$0x10400] =	vst v63  }
0x26b: {  	s11 =	simm.s32 $0xD800  }
0x26c: {  	[hbm4b:s6+s2] =	stream.indirect_vreg.scatter [tilespmem:s11], [sflag:$0x1], $0x80, v4, vm0, $0xb8;
	[tilespmem:$0x10400] =	vst v63  }
0x26d: {  	s10 =	simm.s32 $0xE000  }
0x26e: {  	[hbm4b:s3+s2] =	stream.indirect_vreg.scatter [tilespmem:s10], [sflag:$0x1], $0x80, v3, vm0, $0xb8;
	[tilespmem:$0x10400] =	vst v63  }
0x26f: {  	s26 =	simm.s32 $0xE800  }
0x270: {  	[hbm4b:s4+s2] =	stream.indirect_vreg.scatter [tilespmem:s26], [sflag:$0x1], $0x80, v3, vm0, $0xb8;
	[tilespmem:$0x10400] =	vst v63  }
0x271: {  	s0 =	simm.s32 $0xF000  }
0x272: {  	[hbm4b:s5+s2] =	stream.indirect_vreg.scatter [tilespmem:s0], [sflag:$0x1], $0x80, v3, vm0, $0xb8;
	[tilespmem:$0x10400] =	vst v63  }
0x273: {  	s21 =	simm.s32 $0xF800  }
0x274: {  	[hbm4b:s6+s2] =	stream.indirect_vreg.scatter [tilespmem:s21], [sflag:$0x1], $0x80, v3, vm0, $0xb8;
	[tilespmem:$0x10400] =	vst v63  }
0x275: {  	v3 =	vld [tilespmem:$0x10380];
	_ =	sdelay $0x4  }
0x276: {  	v60 =	vshll.u32 v3, $0x3  }
0x277: {  	v3 =	vand.u32 $0x7, v3;
	v4 =	vand.u32 $0xFFFFFFC0, v60  }
0x278: {  	v3 =	vor.u32 v3, v4  }
0x279: {  	v4 =	vperm.xlane v3, v0;
	_ =	sdelay $0x1  }
0x27a: {  	v4 =	vadd.s32 v1, v4;
	_ =	sdelay $0x4  }
0x27b: {  	[hbm4b:s3+s2] =	stream.indirect_vreg.scatter [tilespmem:s2], [sflag:$0x1], $0x80, v4, vm0, $0xb8;
	[tilespmem:$0x10400] =	vst v63  }
0x27c: {  	s23 =	simm.s32 $0x800;
	v3 =	vperm.xlane v3, v2  }
0x27d: {  	[hbm4b:s4+s2] =	stream.indirect_vreg.scatter [tilespmem:s23], [sflag:$0x1], $0x80, v4, vm0, $0xb8;
	[tilespmem:$0x10400] =	vst v63  }
0x27e: {  	v3 =	vadd.s32 v1, v3;
	s23 =	simm.s32 $0x1000  }
0x27f: {  	[hbm4b:s5+s2] =	stream.indirect_vreg.scatter [tilespmem:s23], [sflag:$0x1], $0x80, v4, vm0, $0xb8;
	[tilespmem:$0x10400] =	vst v63  }
0x280: {  	s26 =	simm.s32 $0x1800  }
0x281: {  	[hbm4b:s6+s2] =	stream.indirect_vreg.scatter [tilespmem:s26], [sflag:$0x1], $0x80, v4, vm0, $0xb8;
	[tilespmem:$0x10400] =	vst v63  }
0x282: {  	s28 =	simm.s32 $0x2000  }
0x283: {  	[hbm4b:s3+s2] =	stream.indirect_vreg.scatter [tilespmem:s28], [sflag:$0x1], $0x80, v3, vm0, $0xb8;
	[tilespmem:$0x10400] =	vst v63  }
0x284: {  	s28 =	simm.s32 $0x2800  }
0x285: {  	[hbm4b:s4+s2] =	stream.indirect_vreg.scatter [tilespmem:s28], [sflag:$0x1], $0x80, v3, vm0, $0xb8;
	[tilespmem:$0x10400] =	vst v63  }
0x286: {  	s1 =	simm.s32 $0x3000  }
0x287: {  	[hbm4b:s5+s2] =	stream.indirect_vreg.scatter [tilespmem:s1], [sflag:$0x1], $0x80, v3, vm0, $0xb8;
	[tilespmem:$0x10400] =	vst v63  }
0x288: {  	s29 =	simm.s32 $0x3800  }
0x289: {  	[hbm4b:s6+s2] =	stream.indirect_vreg.scatter [tilespmem:s29], [sflag:$0x1], $0x80, v3, vm0, $0xb8;
	[tilespmem:$0x10400] =	vst v63  }
0x28a: {  	v3 =	vld [tilespmem:$0x10390];
	_ =	sdelay $0x4  }
0x28b: {  	v61 =	vshll.u32 v3, $0x3  }
0x28c: {  	v3 =	vand.u32 $0x7, v3;
	v4 =	vand.u32 $0xFFFFFFC0, v61  }
0x28d: {  	v3 =	vor.u32 v3, v4  }
0x28e: {  	v4 =	vperm.xlane v3, v0;
	_ =	sdelay $0x1  }
0x28f: {  	v4 =	vadd.s32 v1, v4;
	_ =	sdelay $0x3  }
0x290: {  	s21 =	simm.s32 $0x4000  }
0x291: {  	[hbm4b:s3+s2] =	stream.indirect_vreg.scatter [tilespmem:s21], [sflag:$0x1], $0x80, v4, vm0, $0xb8;
	[tilespmem:$0x10400] =	vst v63  }
0x292: {  	s23 =	simm.s32 $0x4800;
	v3 =	vperm.xlane v3, v2  }
0x293: {  	[hbm4b:s4+s2] =	stream.indirect_vreg.scatter [tilespmem:s23], [sflag:$0x1], $0x80, v4, vm0, $0xb8;
	[tilespmem:$0x10400] =	vst v63  }
0x294: {  	s26 =	simm.s32 $0x5000;
	v3 =	vadd.s32 v1, v3  }
0x295: {  	[hbm4b:s5+s2] =	stream.indirect_vreg.scatter [tilespmem:s26], [sflag:$0x1], $0x80, v4, vm0, $0xb8;
	[tilespmem:$0x10400] =	vst v63  }
0x296: {  	s28 =	simm.s32 $0x5800  }
0x297: {  	[hbm4b:s6+s2] =	stream.indirect_vreg.scatter [tilespmem:s28], [sflag:$0x1], $0x80, v4, vm0, $0xb8;
	[tilespmem:$0x10400] =	vst v63  }
0x298: {  	s20 =	simm.s32 $0x6000  }
0x299: {  	[hbm4b:s3+s2] =	stream.indirect_vreg.scatter [tilespmem:s20], [sflag:$0x1], $0x80, v3, vm0, $0xb8;
	[tilespmem:$0x10400] =	vst v63  }
0x29a: {  	s7 =	simm.s32 $0x6800  }
0x29b: {  	[hbm4b:s4+s2] =	stream.indirect_vreg.scatter [tilespmem:s7], [sflag:$0x1], $0x80, v3, vm0, $0xb8;
	[tilespmem:$0x10400] =	vst v63  }
0x29c: {  	s8 =	simm.s32 $0x7000  }
0x29d: {  	[hbm4b:s5+s2] =	stream.indirect_vreg.scatter [tilespmem:s8], [sflag:$0x1], $0x80, v3, vm0, $0xb8;
	[tilespmem:$0x10400] =	vst v63  }
0x29e: {  	s31 =	simm.s32 $0x7800  }
0x29f: {  	[hbm4b:s6+s2] =	stream.indirect_vreg.scatter [tilespmem:s31], [sflag:$0x1], $0x80, v3, vm0, $0xb8;
	[tilespmem:$0x10400] =	vst v63  }
0x2a0: {  	v3 =	vld [tilespmem:$0x103A0];
	_ =	sdelay $0x4  }
0x2a1: {  	v62 =	vshll.u32 v3, $0x3  }
0x2a2: {  	v3 =	vand.u32 $0x7, v3;
	v4 =	vand.u32 $0xFFFFFFC0, v62  }
0x2a3: {  	v3 =	vor.u32 v3, v4  }
0x2a4: {  	v4 =	vperm.xlane v3, v0;
	_ =	sdelay $0x1  }
0x2a5: {  	v4 =	vadd.s32 v1, v4;
	_ =	sdelay $0x3  }
0x2a6: {  	s19 =	simm.s32 $0x8000  }
0x2a7: {  	[hbm4b:s3+s2] =	stream.indirect_vreg.scatter [tilespmem:s19], [sflag:$0x1], $0x80, v4, vm0, $0xb8;
	[tilespmem:$0x10400] =	vst v63  }
0x2a8: {  	s13 =	simm.s32 $0x8800;
	v3 =	vperm.xlane v3, v2  }
0x2a9: {  	[hbm4b:s4+s2] =	stream.indirect_vreg.scatter [tilespmem:s13], [sflag:$0x1], $0x80, v4, vm0, $0xb8;
	[tilespmem:$0x10400] =	vst v63  }
0x2aa: {  	s9 =	simm.s32 $0x9000;
	v3 =	vadd.s32 v1, v3  }
0x2ab: {  	[hbm4b:s5+s2] =	stream.indirect_vreg.scatter [tilespmem:s9], [sflag:$0x1], $0x80, v4, vm0, $0xb8;
	[tilespmem:$0x10400] =	vst v63  }
0x2ac: {  	s29 =	simm.s32 $0x9800  }
0x2ad: {  	[hbm4b:s6+s2] =	stream.indirect_vreg.scatter [tilespmem:s29], [sflag:$0x1], $0x80, v4, vm0, $0xb8;
	[tilespmem:$0x10400] =	vst v63  }
0x2ae: {  	s30 =	simm.s32 $0xA000  }
0x2af: {  	[hbm4b:s3+s2] =	stream.indirect_vreg.scatter [tilespmem:s30], [sflag:$0x1], $0x80, v3, vm0, $0xb8;
	[tilespmem:$0x10400] =	vst v63  }
0x2b0: {  	s24 =	simm.s32 $0xA800  }
0x2b1: {  	[hbm4b:s4+s2] =	stream.indirect_vreg.scatter [tilespmem:s24], [sflag:$0x1], $0x80, v3, vm0, $0xb8;
	[tilespmem:$0x10400] =	vst v63  }
0x2b2: {  	s16 =	simm.s32 $0xB000  }
0x2b3: {  	[hbm4b:s5+s2] =	stream.indirect_vreg.scatter [tilespmem:s16], [sflag:$0x1], $0x80, v3, vm0, $0xb8;
	[tilespmem:$0x10400] =	vst v63  }
0x2b4: {  	s12 =	simm.s32 $0xB800  }
0x2b5: {  	[hbm4b:s6+s2] =	stream.indirect_vreg.scatter [tilespmem:s12], [sflag:$0x1], $0x80, v3, vm0, $0xb8;
	[tilespmem:$0x10400] =	vst v63  }
0x2b6: {  	v3 =	vld [tilespmem:$0x103B0];
	_ =	sdelay $0x4  }
0x2b7: {  	v63 =	vshll.u32 v3, $0x3  }
0x2b8: {  	v3 =	vand.u32 $0x7, v3;
	v4 =	vand.u32 $0xFFFFFFC0, v63  }
0x2b9: {  	v3 =	vor.u32 v3, v4  }
0x2ba: {  	v4 =	vperm.xlane v3, v0;
	_ =	sdelay $0x1  }
0x2bb: {  	v4 =	vadd.s32 v1, v4;
	_ =	sdelay $0x3  }
0x2bc: {  	s14 =	simm.s32 $0xC000  }
0x2bd: {  	[hbm4b:s3+s2] =	stream.indirect_vreg.scatter [tilespmem:s14], [sflag:$0x1], $0x80, v4, vm0, $0xb8;
	[tilespmem:$0x10400] =	vst v63  }
0x2be: {  	s25 =	simm.s32 $0xC800;
	v3 =	vperm.xlane v3, v2  }
0x2bf: {  	[hbm4b:s4+s2] =	stream.indirect_vreg.scatter [tilespmem:s25], [sflag:$0x1], $0x80, v4, vm0, $0xb8;
	[tilespmem:$0x10400] =	vst v63  }
0x2c0: {  	s17 =	simm.s32 $0xD000;
	v3 =	vadd.s32 v1, v3  }
0x2c1: {  	[hbm4b:s5+s2] =	stream.indirect_vreg.scatter [tilespmem:s17], [sflag:$0x1], $0x80, v4, vm0, $0xb8;
	[tilespmem:$0x10400] =	vst v63  }
0x2c2: {  	s18 =	simm.s32 $0xD800  }
0x2c3: {  	[hbm4b:s6+s2] =	stream.indirect_vreg.scatter [tilespmem:s18], [sflag:$0x1], $0x80, v4, vm0, $0xb8;
	[tilespmem:$0x10400] =	vst v63  }
0x2c4: {  	s11 =	simm.s32 $0xE000  }
0x2c5: {  	[hbm4b:s3+s2] =	stream.indirect_vreg.scatter [tilespmem:s11], [sflag:$0x1], $0x80, v3, vm0, $0xb8;
	[tilespmem:$0x10400] =	vst v63  }
0x2c6: {  	s22 =	simm.s32 $0xE800  }
0x2c7: {  	[hbm4b:s4+s2] =	stream.indirect_vreg.scatter [tilespmem:s22], [sflag:$0x1], $0x80, v3, vm0, $0xb8;
	[tilespmem:$0x10400] =	vst v63  }
0x2c8: {  	s10 =	simm.s32 $0xF000  }
0x2c9: {  	[hbm4b:s5+s2] =	stream.indirect_vreg.scatter [tilespmem:s10], [sflag:$0x1], $0x80, v3, vm0, $0xb8;
	[tilespmem:$0x10400] =	vst v63  }
0x2ca: {  	s0 =	simm.s32 $0xF800  }
0x2cb: {  	[hbm4b:s6+s2] =	stream.indirect_vreg.scatter [tilespmem:s0], [sflag:$0x1], $0x80, v3, vm0, $0xb8;
	[tilespmem:$0x10400] =	vst v63  }
0x2cc: {  	s31 =	rddreg [dreg:$0x5];
	_ =	swait.ge [sflag:s15], $0x4000  }
0x2cd: {  	[sflag:s15] =	ssyncset.done $0x0  }
0x2ce: {  	[sflag:s15] =	ssyncadd.s32 $0xFFFFC000  }
0x2cf: {  	_ =	swait.ge [sflag:s15], $0x4000  }
0x2d0: {  	[sflag:s15] =	ssyncset.done $0x0  }
0x2d1: {  	[sflag:s15] =	ssyncadd.s32 $0xFFFFC000  }
0x2d2: {  	_ =	swait.ge [sflag:s15], $0x4000  }
0x2d3: {  	[sflag:s15] =	ssyncset.done $0x0  }
0x2d4: {  	[sflag:s15] =	ssyncadd.s32 $0xFFFFC000  }
0x2d5: {  	_ =	swait.ge [sflag:s15], $0x4000  }
0x2d6: {  	[sflag:s15] =	ssyncset.done $0x0  }
0x2d7: {  	[sflag:s15] =	ssyncadd.s32 $0xFFFFC000  }
0x2d8: {  	_ =	swait.ge [sflag:s15], $0x4000  }
0x2d9: {  	[sflag:s15] =	ssyncset.done $0x0  }
0x2da: {  	[sflag:s15] =	ssyncadd.s32 $0xFFFFC000  }
0x2db: {  	_ =	swait.ge [sflag:s15], $0x4000  }
0x2dc: {  	[sflag:s15] =	ssyncset.done $0x0  }
0x2dd: {  	[sflag:s15] =	ssyncadd.s32 $0xFFFFC000  }
0x2de: {  	_ =	swait.ge [sflag:s15], $0x4000  }
0x2df: {  	[sflag:s15] =	ssyncset.done $0x0  }
0x2e0: {  	[sflag:s15] =	ssyncadd.s32 $0xFFFFC000  }
0x2e1: {  	_ =	swait.ge [sflag:s15], $0x4000  }
0x2e2: {  	[sflag:s15] =	ssyncset.done $0x0  }
0x2e3: {  	[sflag:s15] =	ssyncadd.s32 $0xFFFFC000  }
0x2e4: {  	_ =	swait.ge [sflag:s15], $0x4000  }
0x2e5: {  	[sflag:s15] =	ssyncset.done $0x0  }
0x2e6: {  	[sflag:s15] =	ssyncadd.s32 $0xFFFFC000  }
0x2e7: {  	_ =	swait.ge [sflag:s15], $0x4000  }
0x2e8: {  	[sflag:s15] =	ssyncset.done $0x0  }
0x2e9: {  	[sflag:s15] =	ssyncadd.s32 $0xFFFFC000  }
0x2ea: {  	_ =	swait.ge [sflag:s15], $0x4000  }
0x2eb: {  	[sflag:s15] =	ssyncset.done $0x0  }
0x2ec: {  	[sflag:s15] =	ssyncadd.s32 $0xFFFFC000  }
0x2ed: {  	_ =	swait.ge [sflag:s15], $0x4000  }
0x2ee: {  	[sflag:s15] =	ssyncset.done $0x0  }
0x2ef: {  	[sflag:s15] =	ssyncadd.s32 $0xFFFFC000  }
0x2f0: {  	_ =	swait.ge [sflag:s15], $0x4000  }
0x2f1: {  	[sflag:s15] =	ssyncset.done $0x0  }
0x2f2: {  	[sflag:s15] =	ssyncadd.s32 $0xFFFFC000  }
0x2f3: {  	_ =	swait.ge [sflag:s15], $0x4000  }
0x2f4: {  	[sflag:s15] =	ssyncset.done $0x0  }
0x2f5: {  	[sflag:s15] =	ssyncadd.s32 $0xFFFFC000  }
0x2f6: {  	_ =	swait.ge [sflag:s15], $0x4000  }
0x2f7: {  	[sflag:s15] =	ssyncset.done $0x0  }
0x2f8: {  	[sflag:s15] =	ssyncadd.s32 $0xFFFFC000  }
0x2f9: {  	_ =	swait.ge [sflag:s15], $0x4000  }
0x2fa: {  	[sflag:s15] =	ssyncset.done $0x0  }
0x2fb: {  	[sflag:s15] =	ssyncadd.s32 $0xFFFFC000  }
0x2fc: {  	_ =	swait.ge [sflag:s15], $0x4000  }
0x2fd: {  	[sflag:s15] =	ssyncset.done $0x0  }
0x2fe: {  	[sflag:s15] =	ssyncadd.s32 $0xFFFFC000  }
0x2ff: {  	_ =	swait.ge [sflag:s15], $0x4000  }
0x300: {  	[sflag:s15] =	ssyncset.done $0x0  }
0x301: {  	[sflag:s15] =	ssyncadd.s32 $0xFFFFC000  }
0x302: {  	_ =	swait.ge [sflag:s15], $0x4000  }
0x303: {  	[sflag:s15] =	ssyncset.done $0x0  }
0x304: {  	[sflag:s15] =	ssyncadd.s32 $0xFFFFC000  }
0x305: {  	_ =	swait.ge [sflag:s15], $0x4000  }
0x306: {  	[sflag:s15] =	ssyncset.done $0x0  }
0x307: {  	[sflag:s15] =	ssyncadd.s32 $0xFFFFC000  }
0x308: {  	_ =	swait.ge [sflag:s15], $0x4000  }
0x309: {  	[sflag:s15] =	ssyncset.done $0x0  }
0x30a: {  	[sflag:s15] =	ssyncadd.s32 $0xFFFFC000  }
0x30b: {  	_ =	swait.ge [sflag:s15], $0x4000  }
0x30c: {  	[sflag:s15] =	ssyncset.done $0x0  }
0x30d: {  	[sflag:s15] =	ssyncadd.s32 $0xFFFFC000  }
0x30e: {  	_ =	swait.ge [sflag:s15], $0x4000  }
0x30f: {  	[sflag:s15] =	ssyncset.done $0x0  }
0x310: {  	[sflag:s15] =	ssyncadd.s32 $0xFFFFC000  }
0x311: {  	_ =	swait.ge [sflag:s15], $0x4000  }
0x312: {  	[sflag:s15] =	ssyncset.done $0x0  }
0x313: {  	[sflag:s15] =	ssyncadd.s32 $0xFFFFC000  }
0x314: {  	_ =	swait.ge [sflag:s15], $0x4000  }
0x315: {  	[sflag:s15] =	ssyncset.done $0x0  }
0x316: {  	[sflag:s15] =	ssyncadd.s32 $0xFFFFC000  }
0x317: {  	_ =	swait.ge [sflag:s15], $0x4000  }
0x318: {  	[sflag:s15] =	ssyncset.done $0x0  }
0x319: {  	[sflag:s15] =	ssyncadd.s32 $0xFFFFC000  }
0x31a: {  	_ =	swait.ge [sflag:s15], $0x4000  }
0x31b: {  	[sflag:s15] =	ssyncset.done $0x0  }
0x31c: {  	[sflag:s15] =	ssyncadd.s32 $0xFFFFC000  }
0x31d: {  	_ =	swait.ge [sflag:s15], $0x4000  }
0x31e: {  	[sflag:s15] =	ssyncset.done $0x0  }
0x31f: {  	[sflag:s15] =	ssyncadd.s32 $0xFFFFC000  }
0x320: {  	_ =	swait.ge [sflag:s15], $0x4000  }
0x321: {  	[sflag:s15] =	ssyncset.done $0x0  }
0x322: {  	[sflag:s15] =	ssyncadd.s32 $0xFFFFC000  }
0x323: {  	_ =	swait.ge [sflag:s15], $0x4000  }
0x324: {  	[sflag:s15] =	ssyncset.done $0x0  }
0x325: {  	[sflag:s15] =	ssyncadd.s32 $0xFFFFC000  }
0x326: {  	p0 =	sne.s32 s31, $0x1;
	_ =	swait.ge [sflag:s15], $0x4000  }
.Ltmp0:
0x327: {  	[sflag:s15] =	ssyncset.done $0x0;
	(pc) =	sbr.rel @p0 .LBB2_1-.Ltmp0, $4  }
0x328: {  	[sflag:s15] =	ssyncadd.s32 $0xFFFFC000  }
0x329: {  	_ =	swait.ge [sflag:s15], $0x4000  }
0x32a: {  	[sflag:s15] =	ssyncset.done $0x0  }
0x32b: {  	s1 =	sadd.s32 $0xFFFFFFFF, s31;
	[sflag:s15] =	ssyncadd.s32 $0xFFFFC000  }
0x32c: {  	_ =	sfence.sel $0x180000  }
0x32d: {  	[bflag:$0x0] =	sbarrier.arrive $0xFFFF  }
0x32e: {  	_ =	strace $0x90000047  }
0x32f: {  	s0 =	stileid.u32;
	[bflag:$0x2] =	sbarrier.arrive $0xFFFF  }
0x330: {  	p0 =	sne.s32 s0, $0x0;
	s0 =	rddreg [dreg:$0x1]  }
0x331: {  	s0 =	sadd.s32 @!p0 $0x100000, s0  }
0x332: {  	[sflag:s0] =	ssyncadd.tile.s32 @!p0 $0x1;
	_ =	shalt  }
.Lfunc_end2:
_tile_overlayer_lowered:
.L_overlay_start_2:
0x333: {  	(tag) =	ssettag $0x2  }
0x334: {  	s0 =	rddreg [dreg:$0x0];
	s2 =	stileid.u32  }
0x335: {  	s1 =	rddreg [dreg:$0x1];
	p0 =	sne.s32 s2, $0x0  }
0x336: {  	s3 =	rddreg [dreg:$0x2];
	[bflag:$0x3] =	sbarrier.arrive $0xFFFF;
	s2 =	simm.s32 @!p0 $0x1C02  }
0x337: {  	[timem:s3], [sflag:s2] =	dma.local @!p0 [hbm:s0], s1  }
0x338: {  	s0 =	simm.s32 @!p0 $0x2  }
0x339: {  	_ =	swait.ge @!p0 [sflag:s0], s1  }
0x33a: {  	s1 =	ssub.s32 @!p0 $0x0, s1;
	[sflag:s0] =	ssyncset.done @!p0 $0x0  }
0x33b: {  	[sflag:s0] =	ssyncadd.s32 @!p0 s1  }
0x33c: {  	[bflag:$0x3] =	sbarrier.arrive $0xFFFF  }
0x33d: {  	_ =	shalt  }

</sc_bundles>
